<compile_context>
chip_gen: v7x
topology: tpu7x:2x2x1
jax: 0.10.2.dev20260603
libtpu: 0.0.44.dev20260713+nightly
codegen_flags: <defaults>
</compile_context>

<pallas_src>
import functools

import jax
import jax.numpy as jnp
from jax import lax
from jax.experimental import pallas as pl
from jax.experimental.pallas import tpu as pltpu
from jax.experimental.pallas import tpu_sc as plsc

CONV_BLK = 625
CONV_UNROLL = 5
GPB = 16


@functools.lru_cache(maxsize=None)
def _make_lookup(b, h, v, dim, num_cores, num_subcores):
    words = dim // 2
    nw = num_cores * num_subcores
    rows_pw = b // nw
    gblocks = rows_pw // GPB
    blk_out = GPB * h
    rows_pt = v // num_subcores
    cblocks = rows_pt // CONV_BLK
    mesh = plsc.VectorSubcoreMesh(core_axis_name="c", subcore_axis_name="s")

    @functools.partial(
        pl.kernel,
        mesh=mesh,
        out_type=(
            jax.ShapeDtypeStruct((b, h, dim), jnp.bfloat16),
            jax.ShapeDtypeStruct((v, words), jnp.int32),
            jax.ShapeDtypeStruct((v, words), jnp.int32),
        ),
        scratch_types=[
            pltpu.VMEM((CONV_BLK, dim), jnp.bfloat16),
            pltpu.VMEM((CONV_BLK, dim), jnp.bfloat16),
            pltpu.VMEM((CONV_BLK, words), jnp.int32),
            pltpu.VMEM((CONV_BLK, words), jnp.int32),
            pltpu.VMEM((rows_pw, h), jnp.int32),
            pltpu.VMEM((blk_out, words), jnp.int32),
            pltpu.VMEM((blk_out, words), jnp.int32),
            pltpu.VMEM((GPB, h, dim), jnp.bfloat16),
            pltpu.VMEM((GPB, h, dim), jnp.bfloat16),
            pltpu.SemaphoreType.DMA,
            pltpu.SemaphoreType.DMA,
            pltpu.SemaphoreType.DMA,
            pltpu.SemaphoreType.DMA,
            pltpu.SemaphoreType.DMA,
            pltpu.SemaphoreType.DMA,
            pltpu.SemaphoreType.DMA,
            pltpu.SemaphoreType.DMA,
        ],
        compiler_params=pltpu.CompilerParams(
            use_tc_tiling_on_sc=False, needs_layout_passes=False
        ),
    )
    def lookup(w_hbm, idx_hbm, out_hbm, tab0_hbm, tab1_hbm,
               vb0, vb1, vi0, vi1, idxv, rows_v0, rows_v1, vbf0, vbf1,
               cin0, cin1, cout0, cout1, gsem0, gsem1, osem0, osem1):
        c = lax.axis_index("c")
        s = lax.axis_index("s")
        wid = s * num_cores + c
        vbs = [vb0, vb1]
        vis = [vi0, vi1]
        cins = [cin0, cin1]
        couts = [cout0, cout1]

        def convert_phase(tab_hbm):
            base = s * rows_pt

            def w_slice(blkno):
                return w_hbm.at[pl.ds(base + blkno * CONV_BLK, CONV_BLK)]

            def t_slice(blkno):
                return tab_hbm.at[pl.ds(base + blkno * CONV_BLK, CONV_BLK)]

            pltpu.async_copy(w_slice(0), vb0, cin0)
            pltpu.async_copy(w_slice(1), vb1, cin1)

            def cbody(g, carry):
                for k in (0, 1):
                    blkno = 2 * g + k
                    pltpu.make_async_copy(w_slice(0), vbs[k], cins[k]).wait()

                    @pl.when(g >= 1)
                    def _():
                        pltpu.make_async_copy(vis[k], t_slice(0), couts[k]).wait()

                    def rbody(r, carry2):
                        base_r = r * CONV_UNROLL
                        for u in range(CONV_UNROLL):
                            vis[k][base_r + u] = plsc.bitcast(
                                vbs[k][base_r + u], jnp.int32
                            )
                        return carry2

                    lax.fori_loop(0, CONV_BLK // CONV_UNROLL, rbody, 0)
                    pltpu.async_copy(vis[k], t_slice(blkno), couts[k])

                    @pl.when(blkno + 2 < cblocks)
                    def _():
                        pltpu.async_copy(w_slice(blkno + 2), vbs[k], cins[k])

                return carry

            lax.fori_loop(0, cblocks // 2, cbody, 0)
            pltpu.make_async_copy(vi0, t_slice(0), cout0).wait()
            pltpu.make_async_copy(vi1, t_slice(0), cout1).wait()

        def gather_phase(tab_hbm):
            def fire(gb, rows, gsem):
                handles = []
                for j in range(GPB):
                    handles.append(
                        pltpu.async_copy(
                            tab_hbm.at[idxv.at[gb * GPB + j]],
                            rows.at[pl.ds(j * h, h)],
                            gsem,
                        )
                    )
                return handles

            def convert_out(rows, vbuf):
                def obody(i, carry2):
                    base_r = i * h

                    def jbody(j5, carry3):
                        base_j = j5 * 5
                        for u in range(5):
                            vbuf[i, base_j + u] = plsc.bitcast(
                                rows[base_r + base_j + u], jnp.bfloat16
                            )
                        return carry3

                    lax.fori_loop(0, h // 5, jbody, 0)
                    return carry2

                lax.fori_loop(0, GPB, obody, 0)

            rows_bufs = [rows_v0, rows_v1]
            vbf_bufs = [vbf0, vbf1]
            osems = [osem0, osem1]
            gsems = [gsem0, gsem1]

            def gbody(g, carry):
                handles = [fire(2 * g + k, rows_bufs[k], gsems[k]) for k in (0, 1)]
                for k in (0, 1):
                    gb = 2 * g + k
                    for w in handles[k]:
                        w.wait()

                    @pl.when(g >= 1)
                    def _():
                        pltpu.make_async_copy(
                            vbf_bufs[k], out_hbm.at[pl.ds(0, GPB)], osems[k]
                        ).wait()

                    convert_out(rows_bufs[k], vbf_bufs[k])
                    pltpu.async_copy(
                        vbf_bufs[k],
                        out_hbm.at[pl.ds((wid * gblocks + gb) * GPB, GPB)],
                        osems[k],
                    )
                return carry

            lax.fori_loop(0, gblocks // 2, gbody, 0)
            pltpu.make_async_copy(
                vbf0, out_hbm.at[pl.ds(0, GPB)], osem0
            ).wait()
            pltpu.make_async_copy(
                vbf1, out_hbm.at[pl.ds(0, GPB)], osem1
            ).wait()

        @pl.when(c == 0)
        def _():
            convert_phase(tab0_hbm)

        @pl.when(c == 1)
        def _():
            convert_phase(tab1_hbm)

        pltpu.sync_copy(idx_hbm.at[pl.ds(wid * rows_pw, rows_pw)], idxv)
        plsc.subcore_barrier()

        @pl.when(c == 0)
        def _():
            gather_phase(tab0_hbm)

        @pl.when(c == 1)
        def _():
            gather_phase(tab1_hbm)

    return lookup


def kernel(input, weight):
    b, h = input.shape
    v, dim = weight.shape
    info = plsc.get_sparse_core_info()
    out, _, _ = _make_lookup(b, h, v, dim, info.num_cores, info.num_subcores)(
        weight, input.astype(jnp.int32)
    )
    return out

# --- scband reference (transcript-rebuilt; emitter-appended) ---
"""Pipeline reference for scband-embedding-9758165696809 (READ-ONLY COPY).

The authoritative reference and input builder live on the scoring server;
editing this copy changes nothing except your own understanding.
"""

import jax, jax.numpy as jnp
import numpy as np

NUM_EMBEDDINGS = 1000000
EMBEDDING_DIM = 32
BATCH = 16384
HIST_LEN = 50


def setup_inputs(seed: int = 0) -> dict:
    key = jax.random.key(seed)
    k1, k2 = jax.random.split(key)
    inp = jax.random.randint(k1, (BATCH, HIST_LEN), 0, NUM_EMBEDDINGS, dtype=jnp.int64 if jax.config.jax_enable_x64 else jnp.int32)
    weight = (jax.random.normal(k2, (NUM_EMBEDDINGS, EMBEDDING_DIM), dtype=jnp.float32) * 0.02).astype(jnp.bfloat16)
    return {"input": inp, "weight": weight}


def reference(input, weight):
    # F.embedding(input, weight) == gather rows of weight by input indices
    y = jnp.take(weight, input, axis=0)
    return y

if __name__ == "__main__":
    import jax
    _d = setup_inputs()
    print(jax.jit(kernel)(*tuple(_d.values())))

</pallas_src>

<mosaic_0001>
#map = affine_map<(d0, d1) -> (0, 0)>
#map1 = affine_map<(d0, d1) -> (0, 0, 0)>
module attributes {stable_mosaic.version = 14 : i64} {
  func.func @lookup(%arg0: i32, %arg1: i32, %arg2: memref<1000000x32xbf16, #tpu.memory_space<hbm>>, %arg3: memref<16384x50xi32, #tpu.memory_space<hbm>>, %arg4: memref<16384x50x32xbf16, #tpu.memory_space<hbm>>, %arg5: memref<1000000x16xi32, #tpu.memory_space<hbm>>, %arg6: memref<1000000x16xi32, #tpu.memory_space<hbm>>, %arg7: memref<625x32xbf16, #tpu.memory_space<vmem>>, %arg8: memref<625x32xbf16, #tpu.memory_space<vmem>>, %arg9: memref<625x16xi32, #tpu.memory_space<vmem>>, %arg10: memref<625x16xi32, #tpu.memory_space<vmem>>, %arg11: memref<512x50xi32, #tpu.memory_space<vmem>>, %arg12: memref<800x16xi32, #tpu.memory_space<vmem>>, %arg13: memref<800x16xi32, #tpu.memory_space<vmem>>, %arg14: memref<16x50x32xbf16, #tpu.memory_space<vmem>>, %arg15: memref<16x50x32xbf16, #tpu.memory_space<vmem>>, %arg16: memref<!tpu.dma_semaphore, #tpu.memory_space<semaphore_mem>>, %arg17: memref<!tpu.dma_semaphore, #tpu.memory_space<semaphore_mem>>, %arg18: memref<!tpu.dma_semaphore, #tpu.memory_space<semaphore_mem>>, %arg19: memref<!tpu.dma_semaphore, #tpu.memory_space<semaphore_mem>>, %arg20: memref<!tpu.dma_semaphore, #tpu.memory_space<semaphore_mem>>, %arg21: memref<!tpu.dma_semaphore, #tpu.memory_space<semaphore_mem>>, %arg22: memref<!tpu.dma_semaphore, #tpu.memory_space<semaphore_mem>>, %arg23: memref<!tpu.dma_semaphore, #tpu.memory_space<semaphore_mem>>) attributes {dimension_semantics = [#tpu.dimension_semantics<core_parallel>, #tpu.dimension_semantics<subcore_parallel>], iteration_bounds = array<i64: 2, 16>, scalar_prefetch = 0 : i64, scratch_operands = 17 : i64, tpu.core_type = #tpu.core_type<sc_vector_subcore>, window_params = [{transform_indices = #map}, {transform_indices = #map}, {transform_indices = #map1}, {transform_indices = #map}, {transform_indices = #map}]} {
    %mul3A = arith.constant 2 : i32
    %mul3A_0 = arith.muli %arg1, %mul3A : i32
    %add3A = arith.addi %mul3A_0, %arg0 : i32
    %eq3A = arith.constant 0 : i32
    %eq3A_1 = arith.cmpi eq, %arg0, %eq3A : i32
    %convert_element_type3A = arith.extui %eq3A_1 : i1 to i32
    %cond3A = arith.constant 0 : i32
    %cond3A_2 = arith.cmpi ne, %convert_element_type3A, %cond3A : i32
    scf.if %cond3A_2 {
      %mul3A_20 = arith.constant 62500 : i32
      %mul3A_21 = arith.muli %arg1, %mul3A_20 : i32
      %add3A_22 = arith.constant 0 : i32
      %add3A_23 = arith.addi %mul3A_21, %add3A_22 : i32
      %dma_start3A = arith.constant 0 : i32
      %dma_start3A_24 = tpu.memref_slice %arg2[%add3A_23, %dma_start3A] : memref<1000000x32xbf16, #tpu.memory_space<hbm>> -> memref<625x32xbf16, #tpu.memory_space<hbm>>
      %dma_start3A_25 = arith.constant 0 : i32
      %dma_start3A_26 = tpu.memref_slice %arg2[%add3A_23, %dma_start3A_25] : memref<1000000x32xbf16, #tpu.memory_space<hbm>> -> memref<625x32xbf16, #tpu.memory_space<hbm>>
      tpu.enqueue_dma source(%dma_start3A_26 : memref<625x32xbf16, #tpu.memory_space<hbm>>) target(%arg7 : memref<625x32xbf16, #tpu.memory_space<vmem>>) target_semaphore(%arg16 : memref<!tpu.dma_semaphore, #tpu.memory_space<semaphore_mem>>)
      %add3A_27 = arith.constant 625 : i32
      %add3A_28 = arith.addi %mul3A_21, %add3A_27 : i32
      %dma_start3A_29 = arith.constant 0 : i32
      %dma_start3A_30 = tpu.memref_slice %arg2[%add3A_28, %dma_start3A_29] : memref<1000000x32xbf16, #tpu.memory_space<hbm>> -> memref<625x32xbf16, #tpu.memory_space<hbm>>
      %dma_start3A_31 = arith.constant 0 : i32
      %dma_start3A_32 = tpu.memref_slice %arg2[%add3A_28, %dma_start3A_31] : memref<1000000x32xbf16, #tpu.memory_space<hbm>> -> memref<625x32xbf16, #tpu.memory_space<hbm>>
      tpu.enqueue_dma source(%dma_start3A_32 : memref<625x32xbf16, #tpu.memory_space<hbm>>) target(%arg8 : memref<625x32xbf16, #tpu.memory_space<vmem>>) target_semaphore(%arg17 : memref<!tpu.dma_semaphore, #tpu.memory_space<semaphore_mem>>)
      %scan3A = arith.constant 0 : i32
      %scan3A_33 = arith.constant 0 : i32
      %scan3A_34 = arith.constant 50 : i32
      %scan3A_35 = arith.addi %scan3A_33, %scan3A_34 : i32
      %scan3A_36 = arith.constant 1 : i32
      scf.for %scan3A_49 = %scan3A_33 to %scan3A_35 step %scan3A_36  : i32 {
        %mul3A_50 = arith.constant 2 : i32
        %mul3A_51 = arith.muli %mul3A_50, %scan3A_49 : i32
        %add3A_52 = arith.constant 0 : i32
        %add3A_53 = arith.addi %mul3A_51, %add3A_52 : i32
        %add3A_54 = arith.constant 0 : i32
        %add3A_55 = arith.addi %mul3A_21, %add3A_54 : i32
        %dma_wait3A_56 = arith.constant 0 : i32
        %dma_wait3A_57 = tpu.memref_slice %arg2[%add3A_55, %dma_wait3A_56] : memref<1000000x32xbf16, #tpu.memory_space<hbm>> -> memref<625x32xbf16, #tpu.memory_space<hbm>>
        %dma_wait3A_58 = arith.constant 0 : i32
        %dma_wait3A_59 = tpu.memref_slice %arg2[%add3A_55, %dma_wait3A_58] : memref<1000000x32xbf16, #tpu.memory_space<hbm>> -> memref<625x32xbf16, #tpu.memory_space<hbm>>
        tpu.wait_dma2 semaphore(%arg16 : memref<!tpu.dma_semaphore, #tpu.memory_space<semaphore_mem>>) src(%dma_wait3A_59 : memref<625x32xbf16, #tpu.memory_space<hbm>>) dst(%arg7 : memref<625x32xbf16, #tpu.memory_space<vmem>>)
        %ge3A = arith.constant 1 : i32
        %ge3A_60 = arith.cmpi sge, %scan3A_49, %ge3A : i32
        %convert_element_type3A_61 = arith.extui %ge3A_60 : i1 to i32
        %cond3A_62 = arith.constant 0 : i32
        %cond3A_63 = arith.cmpi ne, %convert_element_type3A_61, %cond3A_62 : i32
        scf.if %cond3A_63 {
          %add3A_118 = arith.constant 0 : i32
          %add3A_119 = arith.addi %mul3A_21, %add3A_118 : i32
          %dma_wait3A_120 = arith.constant 0 : i32
          %dma_wait3A_121 = tpu.memref_slice %arg5[%add3A_119, %dma_wait3A_120] : memref<1000000x16xi32, #tpu.memory_space<hbm>> -> memref<625x16xi32, #tpu.memory_space<hbm>>
          %dma_wait3A_122 = arith.constant 0 : i32
          %dma_wait3A_123 = tpu.memref_slice %arg5[%add3A_119, %dma_wait3A_122] : memref<1000000x16xi32, #tpu.memory_space<hbm>> -> memref<625x16xi32, #tpu.memory_space<hbm>>
          tpu.wait_dma2 semaphore(%arg18 : memref<!tpu.dma_semaphore, #tpu.memory_space<semaphore_mem>>) src(%arg9 : memref<625x16xi32, #tpu.memory_space<vmem>>) dst(%dma_wait3A_123 : memref<625x16xi32, #tpu.memory_space<hbm>>)
        } else {
        }
        %scan3A_64 = arith.constant 0 : i32
        %scan3A_65 = arith.constant 0 : i32
        %scan3A_66 = arith.constant 125 : i32
        %scan3A_67 = arith.addi %scan3A_65, %scan3A_66 : i32
        %scan3A_68 = arith.constant 1 : i32
        scf.for %scan3A_118 = %scan3A_65 to %scan3A_67 step %scan3A_68  : i32 {
          %mul3A_119 = arith.constant 5 : i32
          %mul3A_120 = arith.muli %scan3A_118, %mul3A_119 : i32
          %add3A_121 = arith.constant 0 : i32
          %add3A_122 = arith.addi %mul3A_120, %add3A_121 : i32
          %get3A = arith.index_cast %add3A_122 : i32 to index
          %get3A_123 = arith.constant 0 : index
          %get3A_124 = tpu.vector_load %arg7[%get3A, %get3A_123] {strides = array<i32>} : memref<625x32xbf16, #tpu.memory_space<vmem>>, vector<32xbf16>,
          %bitcast3A = vector.bitcast %get3A_124 : vector<32xbf16> to vector<16xi32>
          %add3A_125 = arith.constant 0 : i32
          %add3A_126 = arith.addi %mul3A_120, %add3A_125 : i32
          %swap3A = arith.index_cast %add3A_126 : i32 to index
          %swap3A_127 = arith.constant 0 : index
          %swap3A_128 = tpu.vector_load %arg9[%swap3A, %swap3A_127] {strides = array<i32>} : memref<625x16xi32, #tpu.memory_space<vmem>>, vector<16xi32>,
          tpu.vector_store %arg9[%swap3A, %swap3A_127], %bitcast3A {strides = array<i32>} : memref<625x16xi32, #tpu.memory_space<vmem>>, vector<16xi32>,
          %add3A_129 = arith.constant 1 : i32
          %add3A_130 = arith.addi %mul3A_120, %add3A_129 : i32
          %get3A_131 = arith.index_cast %add3A_130 : i32 to index
          %get3A_132 = arith.constant 0 : index
          %get3A_133 = tpu.vector_load %arg7[%get3A_131, %get3A_132] {strides = array<i32>} : memref<625x32xbf16, #tpu.memory_space<vmem>>, vector<32xbf16>,
          %bitcast3A_134 = vector.bitcast %get3A_133 : vector<32xbf16> to vector<16xi32>
          %add3A_135 = arith.constant 1 : i32
          %add3A_136 = arith.addi %mul3A_120, %add3A_135 : i32
          %swap3A_137 = arith.index_cast %add3A_136 : i32 to index
          %swap3A_138 = arith.constant 0 : index
          %swap3A_139 = tpu.vector_load %arg9[%swap3A_137, %swap3A_138] {strides = array<i32>} : memref<625x16xi32, #tpu.memory_space<vmem>>, vector<16xi32>,
          tpu.vector_store %arg9[%swap3A_137, %swap3A_138], %bitcast3A_134 {strides = array<i32>} : memref<625x16xi32, #tpu.memory_space<vmem>>, vector<16xi32>,
          %add3A_140 = arith.constant 2 : i32
          %add3A_141 = arith.addi %mul3A_120, %add3A_140 : i32
          %get3A_142 = arith.index_cast %add3A_141 : i32 to index
          %get3A_143 = arith.constant 0 : index
          %get3A_144 = tpu.vector_load %arg7[%get3A_142, %get3A_143] {strides = array<i32>} : memref<625x32xbf16, #tpu.memory_space<vmem>>, vector<32xbf16>,
          %bitcast3A_145 = vector.bitcast %get3A_144 : vector<32xbf16> to vector<16xi32>
          %add3A_146 = arith.constant 2 : i32
          %add3A_147 = arith.addi %mul3A_120, %add3A_146 : i32
          %swap3A_148 = arith.index_cast %add3A_147 : i32 to index
          %swap3A_149 = arith.constant 0 : index
          %swap3A_150 = tpu.vector_load %arg9[%swap3A_148, %swap3A_149] {strides = array<i32>} : memref<625x16xi32, #tpu.memory_space<vmem>>, vector<16xi32>,
          tpu.vector_store %arg9[%swap3A_148, %swap3A_149], %bitcast3A_145 {strides = array<i32>} : memref<625x16xi32, #tpu.memory_space<vmem>>, vector<16xi32>,
          %add3A_151 = arith.constant 3 : i32
          %add3A_152 = arith.addi %mul3A_120, %add3A_151 : i32
          %get3A_153 = arith.index_cast %add3A_152 : i32 to index
          %get3A_154 = arith.constant 0 : index
          %get3A_155 = tpu.vector_load %arg7[%get3A_153, %get3A_154] {strides = array<i32>} : memref<625x32xbf16, #tpu.memory_space<vmem>>, vector<32xbf16>,
          %bitcast3A_156 = vector.bitcast %get3A_155 : vector<32xbf16> to vector<16xi32>
          %add3A_157 = arith.constant 3 : i32
          %add3A_158 = arith.addi %mul3A_120, %add3A_157 : i32
          %swap3A_159 = arith.index_cast %add3A_158 : i32 to index
          %swap3A_160 = arith.constant 0 : index
          %swap3A_161 = tpu.vector_load %arg9[%swap3A_159, %swap3A_160] {strides = array<i32>} : memref<625x16xi32, #tpu.memory_space<vmem>>, vector<16xi32>,
          tpu.vector_store %arg9[%swap3A_159, %swap3A_160], %bitcast3A_156 {strides = array<i32>} : memref<625x16xi32, #tpu.memory_space<vmem>>, vector<16xi32>,
          %add3A_162 = arith.constant 4 : i32
          %add3A_163 = arith.addi %mul3A_120, %add3A_162 : i32
          %get3A_164 = arith.index_cast %add3A_163 : i32 to index
          %get3A_165 = arith.constant 0 : index
          %get3A_166 = tpu.vector_load %arg7[%get3A_164, %get3A_165] {strides = array<i32>} : memref<625x32xbf16, #tpu.memory_space<vmem>>, vector<32xbf16>,
          %bitcast3A_167 = vector.bitcast %get3A_166 : vector<32xbf16> to vector<16xi32>
          %add3A_168 = arith.constant 4 : i32
          %add3A_169 = arith.addi %mul3A_120, %add3A_168 : i32
          %swap3A_170 = arith.index_cast %add3A_169 : i32 to index
          %swap3A_171 = arith.constant 0 : index
          %swap3A_172 = tpu.vector_load %arg9[%swap3A_170, %swap3A_171] {strides = array<i32>} : memref<625x16xi32, #tpu.memory_space<vmem>>, vector<16xi32>,
          tpu.vector_store %arg9[%swap3A_170, %swap3A_171], %bitcast3A_167 {strides = array<i32>} : memref<625x16xi32, #tpu.memory_space<vmem>>, vector<16xi32>,
        }
        %scan3A_69 = arith.constant 125 : i32
        %mul3A_70 = arith.constant 625 : i32
        %mul3A_71 = arith.muli %add3A_53, %mul3A_70 : i32
        %add3A_72 = arith.addi %mul3A_21, %mul3A_71 : i32
        %dma_start3A_73 = arith.constant 0 : i32
        %dma_start3A_74 = tpu.memref_slice %arg5[%add3A_72, %dma_start3A_73] : memref<1000000x16xi32, #tpu.memory_space<hbm>> -> memref<625x16xi32, #tpu.memory_space<hbm>>
        %dma_start3A_75 = arith.constant 0 : i32
        %dma_start3A_76 = tpu.memref_slice %arg5[%add3A_72, %dma_start3A_75] : memref<1000000x16xi32, #tpu.memory_space<hbm>> -> memref<625x16xi32, #tpu.memory_space<hbm>>
        tpu.enqueue_dma source(%arg9 : memref<625x16xi32, #tpu.memory_space<vmem>>) target(%dma_start3A_76 : memref<625x16xi32, #tpu.memory_space<hbm>>) target_semaphore(%arg18 : memref<!tpu.dma_semaphore, #tpu.memory_space<semaphore_mem>>)
        %add3A_77 = arith.constant 2 : i32
        %add3A_78 = arith.addi %add3A_53, %add3A_77 : i32
        %lt3A = arith.constant 100 : i32
        %lt3A_79 = arith.cmpi slt, %add3A_78, %lt3A : i32
        %convert_element_type3A_80 = arith.extui %lt3A_79 : i1 to i32
        %cond3A_81 = arith.constant 0 : i32
        %cond3A_82 = arith.cmpi ne, %convert_element_type3A_80, %cond3A_81 : i32
        scf.if %cond3A_82 {
          %add3A_118 = arith.constant 2 : i32
          %add3A_119 = arith.addi %add3A_53, %add3A_118 : i32
          %mul3A_120 = arith.constant 625 : i32
          %mul3A_121 = arith.muli %add3A_119, %mul3A_120 : i32
          %add3A_122 = arith.addi %mul3A_21, %mul3A_121 : i32
          %dma_start3A_123 = arith.constant 0 : i32
          %dma_start3A_124 = tpu.memref_slice %arg2[%add3A_122, %dma_start3A_123] : memref<1000000x32xbf16, #tpu.memory_space<hbm>> -> memref<625x32xbf16, #tpu.memory_space<hbm>>
          %dma_start3A_125 = arith.constant 0 : i32
          %dma_start3A_126 = tpu.memref_slice %arg2[%add3A_122, %dma_start3A_125] : memref<1000000x32xbf16, #tpu.memory_space<hbm>> -> memref<625x32xbf16, #tpu.memory_space<hbm>>
          tpu.enqueue_dma source(%dma_start3A_126 : memref<625x32xbf16, #tpu.memory_space<hbm>>) target(%arg7 : memref<625x32xbf16, #tpu.memory_space<vmem>>) target_semaphore(%arg16 : memref<!tpu.dma_semaphore, #tpu.memory_space<semaphore_mem>>)
        } else {
        }
        %mul3A_83 = arith.constant 2 : i32
        %mul3A_84 = arith.muli %mul3A_83, %scan3A_49 : i32
        %add3A_85 = arith.constant 1 : i32
        %add3A_86 = arith.addi %mul3A_84, %add3A_85 : i32
        %add3A_87 = arith.constant 0 : i32
        %add3A_88 = arith.addi %mul3A_21, %add3A_87 : i32
        %dma_wait3A_89 = arith.constant 0 : i32
        %dma_wait3A_90 = tpu.memref_slice %arg2[%add3A_88, %dma_wait3A_89] : memref<1000000x32xbf16, #tpu.memory_space<hbm>> -> memref<625x32xbf16, #tpu.memory_space<hbm>>
        %dma_wait3A_91 = arith.constant 0 : i32
        %dma_wait3A_92 = tpu.memref_slice %arg2[%add3A_88, %dma_wait3A_91] : memref<1000000x32xbf16, #tpu.memory_space<hbm>> -> memref<625x32xbf16, #tpu.memory_space<hbm>>
        tpu.wait_dma2 semaphore(%arg17 : memref<!tpu.dma_semaphore, #tpu.memory_space<semaphore_mem>>) src(%dma_wait3A_92 : memref<625x32xbf16, #tpu.memory_space<hbm>>) dst(%arg8 : memref<625x32xbf16, #tpu.memory_space<vmem>>)
        %ge3A_93 = arith.constant 1 : i32
        %ge3A_94 = arith.cmpi sge, %scan3A_49, %ge3A_93 : i32
        %convert_element_type3A_95 = arith.extui %ge3A_94 : i1 to i32
        %cond3A_96 = arith.constant 0 : i32
        %cond3A_97 = arith.cmpi ne, %convert_element_type3A_95, %cond3A_96 : i32
        scf.if %cond3A_97 {
          %add3A_118 = arith.constant 0 : i32
          %add3A_119 = arith.addi %mul3A_21, %add3A_118 : i32
          %dma_wait3A_120 = arith.constant 0 : i32
          %dma_wait3A_121 = tpu.memref_slice %arg5[%add3A_119, %dma_wait3A_120] : memref<1000000x16xi32, #tpu.memory_space<hbm>> -> memref<625x16xi32, #tpu.memory_space<hbm>>
          %dma_wait3A_122 = arith.constant 0 : i32
          %dma_wait3A_123 = tpu.memref_slice %arg5[%add3A_119, %dma_wait3A_122] : memref<1000000x16xi32, #tpu.memory_space<hbm>> -> memref<625x16xi32, #tpu.memory_space<hbm>>
          tpu.wait_dma2 semaphore(%arg19 : memref<!tpu.dma_semaphore, #tpu.memory_space<semaphore_mem>>) src(%arg10 : memref<625x16xi32, #tpu.memory_space<vmem>>) dst(%dma_wait3A_123 : memref<625x16xi32, #tpu.memory_space<hbm>>)
        } else {
        }
        %scan3A_98 = arith.constant 0 : i32
        %scan3A_99 = arith.constant 0 : i32
        %scan3A_100 = arith.constant 125 : i32
        %scan3A_101 = arith.addi %scan3A_99, %scan3A_100 : i32
        %scan3A_102 = arith.constant 1 : i32
        scf.for %scan3A_118 = %scan3A_99 to %scan3A_101 step %scan3A_102  : i32 {
          %mul3A_119 = arith.constant 5 : i32
          %mul3A_120 = arith.muli %scan3A_118, %mul3A_119 : i32
          %add3A_121 = arith.constant 0 : i32
          %add3A_122 = arith.addi %mul3A_120, %add3A_121 : i32
          %get3A = arith.index_cast %add3A_122 : i32 to index
          %get3A_123 = arith.constant 0 : index
          %get3A_124 = tpu.vector_load %arg8[%get3A, %get3A_123] {strides = array<i32>} : memref<625x32xbf16, #tpu.memory_space<vmem>>, vector<32xbf16>,
          %bitcast3A = vector.bitcast %get3A_124 : vector<32xbf16> to vector<16xi32>
          %add3A_125 = arith.constant 0 : i32
          %add3A_126 = arith.addi %mul3A_120, %add3A_125 : i32
          %swap3A = arith.index_cast %add3A_126 : i32 to index
          %swap3A_127 = arith.constant 0 : index
          %swap3A_128 = tpu.vector_load %arg10[%swap3A, %swap3A_127] {strides = array<i32>} : memref<625x16xi32, #tpu.memory_space<vmem>>, vector<16xi32>,
          tpu.vector_store %arg10[%swap3A, %swap3A_127], %bitcast3A {strides = array<i32>} : memref<625x16xi32, #tpu.memory_space<vmem>>, vector<16xi32>,
          %add3A_129 = arith.constant 1 : i32
          %add3A_130 = arith.addi %mul3A_120, %add3A_129 : i32
          %get3A_131 = arith.index_cast %add3A_130 : i32 to index
          %get3A_132 = arith.constant 0 : index
          %get3A_133 = tpu.vector_load %arg8[%get3A_131, %get3A_132] {strides = array<i32>} : memref<625x32xbf16, #tpu.memory_space<vmem>>, vector<32xbf16>,
          %bitcast3A_134 = vector.bitcast %get3A_133 : vector<32xbf16> to vector<16xi32>
          %add3A_135 = arith.constant 1 : i32
          %add3A_136 = arith.addi %mul3A_120, %add3A_135 : i32
          %swap3A_137 = arith.index_cast %add3A_136 : i32 to index
          %swap3A_138 = arith.constant 0 : index
          %swap3A_139 = tpu.vector_load %arg10[%swap3A_137, %swap3A_138] {strides = array<i32>} : memref<625x16xi32, #tpu.memory_space<vmem>>, vector<16xi32>,
          tpu.vector_store %arg10[%swap3A_137, %swap3A_138], %bitcast3A_134 {strides = array<i32>} : memref<625x16xi32, #tpu.memory_space<vmem>>, vector<16xi32>,
          %add3A_140 = arith.constant 2 : i32
          %add3A_141 = arith.addi %mul3A_120, %add3A_140 : i32
          %get3A_142 = arith.index_cast %add3A_141 : i32 to index
          %get3A_143 = arith.constant 0 : index
          %get3A_144 = tpu.vector_load %arg8[%get3A_142, %get3A_143] {strides = array<i32>} : memref<625x32xbf16, #tpu.memory_space<vmem>>, vector<32xbf16>,
          %bitcast3A_145 = vector.bitcast %get3A_144 : vector<32xbf16> to vector<16xi32>
          %add3A_146 = arith.constant 2 : i32
          %add3A_147 = arith.addi %mul3A_120, %add3A_146 : i32
          %swap3A_148 = arith.index_cast %add3A_147 : i32 to index
          %swap3A_149 = arith.constant 0 : index
          %swap3A_150 = tpu.vector_load %arg10[%swap3A_148, %swap3A_149] {strides = array<i32>} : memref<625x16xi32, #tpu.memory_space<vmem>>, vector<16xi32>,
          tpu.vector_store %arg10[%swap3A_148, %swap3A_149], %bitcast3A_145 {strides = array<i32>} : memref<625x16xi32, #tpu.memory_space<vmem>>, vector<16xi32>,
          %add3A_151 = arith.constant 3 : i32
          %add3A_152 = arith.addi %mul3A_120, %add3A_151 : i32
          %get3A_153 = arith.index_cast %add3A_152 : i32 to index
          %get3A_154 = arith.constant 0 : index
          %get3A_155 = tpu.vector_load %arg8[%get3A_153, %get3A_154] {strides = array<i32>} : memref<625x32xbf16, #tpu.memory_space<vmem>>, vector<32xbf16>,
          %bitcast3A_156 = vector.bitcast %get3A_155 : vector<32xbf16> to vector<16xi32>
          %add3A_157 = arith.constant 3 : i32
          %add3A_158 = arith.addi %mul3A_120, %add3A_157 : i32
          %swap3A_159 = arith.index_cast %add3A_158 : i32 to index
          %swap3A_160 = arith.constant 0 : index
          %swap3A_161 = tpu.vector_load %arg10[%swap3A_159, %swap3A_160] {strides = array<i32>} : memref<625x16xi32, #tpu.memory_space<vmem>>, vector<16xi32>,
          tpu.vector_store %arg10[%swap3A_159, %swap3A_160], %bitcast3A_156 {strides = array<i32>} : memref<625x16xi32, #tpu.memory_space<vmem>>, vector<16xi32>,
          %add3A_162 = arith.constant 4 : i32
          %add3A_163 = arith.addi %mul3A_120, %add3A_162 : i32
          %get3A_164 = arith.index_cast %add3A_163 : i32 to index
          %get3A_165 = arith.constant 0 : index
          %get3A_166 = tpu.vector_load %arg8[%get3A_164, %get3A_165] {strides = array<i32>} : memref<625x32xbf16, #tpu.memory_space<vmem>>, vector<32xbf16>,
          %bitcast3A_167 = vector.bitcast %get3A_166 : vector<32xbf16> to vector<16xi32>
          %add3A_168 = arith.constant 4 : i32
          %add3A_169 = arith.addi %mul3A_120, %add3A_168 : i32
          %swap3A_170 = arith.index_cast %add3A_169 : i32 to index
          %swap3A_171 = arith.constant 0 : index
          %swap3A_172 = tpu.vector_load %arg10[%swap3A_170, %swap3A_171] {strides = array<i32>} : memref<625x16xi32, #tpu.memory_space<vmem>>, vector<16xi32>,
          tpu.vector_store %arg10[%swap3A_170, %swap3A_171], %bitcast3A_167 {strides = array<i32>} : memref<625x16xi32, #tpu.memory_space<vmem>>, vector<16xi32>,
        }
        %scan3A_103 = arith.constant 125 : i32
        %mul3A_104 = arith.constant 625 : i32
        %mul3A_105 = arith.muli %add3A_86, %mul3A_104 : i32
        %add3A_106 = arith.addi %mul3A_21, %mul3A_105 : i32
        %dma_start3A_107 = arith.constant 0 : i32
        %dma_start3A_108 = tpu.memref_slice %arg5[%add3A_106, %dma_start3A_107] : memref<1000000x16xi32, #tpu.memory_space<hbm>> -> memref<625x16xi32, #tpu.memory_space<hbm>>
        %dma_start3A_109 = arith.constant 0 : i32
        %dma_start3A_110 = tpu.memref_slice %arg5[%add3A_106, %dma_start3A_109] : memref<1000000x16xi32, #tpu.memory_space<hbm>> -> memref<625x16xi32, #tpu.memory_space<hbm>>
        tpu.enqueue_dma source(%arg10 : memref<625x16xi32, #tpu.memory_space<vmem>>) target(%dma_start3A_110 : memref<625x16xi32, #tpu.memory_space<hbm>>) target_semaphore(%arg19 : memref<!tpu.dma_semaphore, #tpu.memory_space<semaphore_mem>>)
        %add3A_111 = arith.constant 2 : i32
        %add3A_112 = arith.addi %add3A_86, %add3A_111 : i32
        %lt3A_113 = arith.constant 100 : i32
        %lt3A_114 = arith.cmpi slt, %add3A_112, %lt3A_113 : i32
        %convert_element_type3A_115 = arith.extui %lt3A_114 : i1 to i32
        %cond3A_116 = arith.constant 0 : i32
        %cond3A_117 = arith.cmpi ne, %convert_element_type3A_115, %cond3A_116 : i32
        scf.if %cond3A_117 {
          %add3A_118 = arith.constant 2 : i32
          %add3A_119 = arith.addi %add3A_86, %add3A_118 : i32
          %mul3A_120 = arith.constant 625 : i32
          %mul3A_121 = arith.muli %add3A_119, %mul3A_120 : i32
          %add3A_122 = arith.addi %mul3A_21, %mul3A_121 : i32
          %dma_start3A_123 = arith.constant 0 : i32
          %dma_start3A_124 = tpu.memref_slice %arg2[%add3A_122, %dma_start3A_123] : memref<1000000x32xbf16, #tpu.memory_space<hbm>> -> memref<625x32xbf16, #tpu.memory_space<hbm>>
          %dma_start3A_125 = arith.constant 0 : i32
          %dma_start3A_126 = tpu.memref_slice %arg2[%add3A_122, %dma_start3A_125] : memref<1000000x32xbf16, #tpu.memory_space<hbm>> -> memref<625x32xbf16, #tpu.memory_space<hbm>>
          tpu.enqueue_dma source(%dma_start3A_126 : memref<625x32xbf16, #tpu.memory_space<hbm>>) target(%arg8 : memref<625x32xbf16, #tpu.memory_space<vmem>>) target_semaphore(%arg17 : memref<!tpu.dma_semaphore, #tpu.memory_space<semaphore_mem>>)
        } else {
        }
      }
      %scan3A_37 = arith.constant 50 : i32
      %add3A_38 = arith.constant 0 : i32
      %add3A_39 = arith.addi %mul3A_21, %add3A_38 : i32
      %dma_wait3A = arith.constant 0 : i32
      %dma_wait3A_40 = tpu.memref_slice %arg5[%add3A_39, %dma_wait3A] : memref<1000000x16xi32, #tpu.memory_space<hbm>> -> memref<625x16xi32, #tpu.memory_space<hbm>>
      %dma_wait3A_41 = arith.constant 0 : i32
      %dma_wait3A_42 = tpu.memref_slice %arg5[%add3A_39, %dma_wait3A_41] : memref<1000000x16xi32, #tpu.memory_space<hbm>> -> memref<625x16xi32, #tpu.memory_space<hbm>>
      tpu.wait_dma2 semaphore(%arg18 : memref<!tpu.dma_semaphore, #tpu.memory_space<semaphore_mem>>) src(%arg9 : memref<625x16xi32, #tpu.memory_space<vmem>>) dst(%dma_wait3A_42 : memref<625x16xi32, #tpu.memory_space<hbm>>)
      %add3A_43 = arith.constant 0 : i32
      %add3A_44 = arith.addi %mul3A_21, %add3A_43 : i32
      %dma_wait3A_45 = arith.constant 0 : i32
      %dma_wait3A_46 = tpu.memref_slice %arg5[%add3A_44, %dma_wait3A_45] : memref<1000000x16xi32, #tpu.memory_space<hbm>> -> memref<625x16xi32, #tpu.memory_space<hbm>>
      %dma_wait3A_47 = arith.constant 0 : i32
      %dma_wait3A_48 = tpu.memref_slice %arg5[%add3A_44, %dma_wait3A_47] : memref<1000000x16xi32, #tpu.memory_space<hbm>> -> memref<625x16xi32, #tpu.memory_space<hbm>>
      tpu.wait_dma2 semaphore(%arg19 : memref<!tpu.dma_semaphore, #tpu.memory_space<semaphore_mem>>) src(%arg10 : memref<625x16xi32, #tpu.memory_space<vmem>>) dst(%dma_wait3A_48 : memref<625x16xi32, #tpu.memory_space<hbm>>)
    } else {
    }
    %eq3A_3 = arith.constant 1 : i32
    %eq3A_4 = arith.cmpi eq, %arg0, %eq3A_3 : i32
    %convert_element_type3A_5 = arith.extui %eq3A_4 : i1 to i32
    %cond3A_6 = arith.constant 0 : i32
    %cond3A_7 = arith.cmpi ne, %convert_element_type3A_5, %cond3A_6 : i32
    scf.if %cond3A_7 {
      %mul3A_20 = arith.constant 62500 : i32
      %mul3A_21 = arith.muli %arg1, %mul3A_20 : i32
      %add3A_22 = arith.constant 0 : i32
      %add3A_23 = arith.addi %mul3A_21, %add3A_22 : i32
      %dma_start3A = arith.constant 0 : i32
      %dma_start3A_24 = tpu.memref_slice %arg2[%add3A_23, %dma_start3A] : memref<1000000x32xbf16, #tpu.memory_space<hbm>> -> memref<625x32xbf16, #tpu.memory_space<hbm>>
      %dma_start3A_25 = arith.constant 0 : i32
      %dma_start3A_26 = tpu.memref_slice %arg2[%add3A_23, %dma_start3A_25] : memref<1000000x32xbf16, #tpu.memory_space<hbm>> -> memref<625x32xbf16, #tpu.memory_space<hbm>>
      tpu.enqueue_dma source(%dma_start3A_26 : memref<625x32xbf16, #tpu.memory_space<hbm>>) target(%arg7 : memref<625x32xbf16, #tpu.memory_space<vmem>>) target_semaphore(%arg16 : memref<!tpu.dma_semaphore, #tpu.memory_space<semaphore_mem>>)
      %add3A_27 = arith.constant 625 : i32
      %add3A_28 = arith.addi %mul3A_21, %add3A_27 : i32
      %dma_start3A_29 = arith.constant 0 : i32
      %dma_start3A_30 = tpu.memref_slice %arg2[%add3A_28, %dma_start3A_29] : memref<1000000x32xbf16, #tpu.memory_space<hbm>> -> memref<625x32xbf16, #tpu.memory_space<hbm>>
      %dma_start3A_31 = arith.constant 0 : i32
      %dma_start3A_32 = tpu.memref_slice %arg2[%add3A_28, %dma_start3A_31] : memref<1000000x32xbf16, #tpu.memory_space<hbm>> -> memref<625x32xbf16, #tpu.memory_space<hbm>>
      tpu.enqueue_dma source(%dma_start3A_32 : memref<625x32xbf16, #tpu.memory_space<hbm>>) target(%arg8 : memref<625x32xbf16, #tpu.memory_space<vmem>>) target_semaphore(%arg17 : memref<!tpu.dma_semaphore, #tpu.memory_space<semaphore_mem>>)
      %scan3A = arith.constant 0 : i32
      %scan3A_33 = arith.constant 0 : i32
      %scan3A_34 = arith.constant 50 : i32
      %scan3A_35 = arith.addi %scan3A_33, %scan3A_34 : i32
      %scan3A_36 = arith.constant 1 : i32
      scf.for %scan3A_49 = %scan3A_33 to %scan3A_35 step %scan3A_36  : i32 {
        %mul3A_50 = arith.constant 2 : i32
        %mul3A_51 = arith.muli %mul3A_50, %scan3A_49 : i32
        %add3A_52 = arith.constant 0 : i32
        %add3A_53 = arith.addi %mul3A_51, %add3A_52 : i32
        %add3A_54 = arith.constant 0 : i32
        %add3A_55 = arith.addi %mul3A_21, %add3A_54 : i32
        %dma_wait3A_56 = arith.constant 0 : i32
        %dma_wait3A_57 = tpu.memref_slice %arg2[%add3A_55, %dma_wait3A_56] : memref<1000000x32xbf16, #tpu.memory_space<hbm>> -> memref<625x32xbf16, #tpu.memory_space<hbm>>
        %dma_wait3A_58 = arith.constant 0 : i32
        %dma_wait3A_59 = tpu.memref_slice %arg2[%add3A_55, %dma_wait3A_58] : memref<1000000x32xbf16, #tpu.memory_space<hbm>> -> memref<625x32xbf16, #tpu.memory_space<hbm>>
        tpu.wait_dma2 semaphore(%arg16 : memref<!tpu.dma_semaphore, #tpu.memory_space<semaphore_mem>>) src(%dma_wait3A_59 : memref<625x32xbf16, #tpu.memory_space<hbm>>) dst(%arg7 : memref<625x32xbf16, #tpu.memory_space<vmem>>)
        %ge3A = arith.constant 1 : i32
        %ge3A_60 = arith.cmpi sge, %scan3A_49, %ge3A : i32
        %convert_element_type3A_61 = arith.extui %ge3A_60 : i1 to i32
        %cond3A_62 = arith.constant 0 : i32
        %cond3A_63 = arith.cmpi ne, %convert_element_type3A_61, %cond3A_62 : i32
        scf.if %cond3A_63 {
          %add3A_118 = arith.constant 0 : i32
          %add3A_119 = arith.addi %mul3A_21, %add3A_118 : i32
          %dma_wait3A_120 = arith.constant 0 : i32
          %dma_wait3A_121 = tpu.memref_slice %arg6[%add3A_119, %dma_wait3A_120] : memref<1000000x16xi32, #tpu.memory_space<hbm>> -> memref<625x16xi32, #tpu.memory_space<hbm>>
          %dma_wait3A_122 = arith.constant 0 : i32
          %dma_wait3A_123 = tpu.memref_slice %arg6[%add3A_119, %dma_wait3A_122] : memref<1000000x16xi32, #tpu.memory_space<hbm>> -> memref<625x16xi32, #tpu.memory_space<hbm>>
          tpu.wait_dma2 semaphore(%arg18 : memref<!tpu.dma_semaphore, #tpu.memory_space<semaphore_mem>>) src(%arg9 : memref<625x16xi32, #tpu.memory_space<vmem>>) dst(%dma_wait3A_123 : memref<625x16xi32, #tpu.memory_space<hbm>>)
        } else {
        }
        %scan3A_64 = arith.constant 0 : i32
        %scan3A_65 = arith.constant 0 : i32
        %scan3A_66 = arith.constant 125 : i32
        %scan3A_67 = arith.addi %scan3A_65, %scan3A_66 : i32
        %scan3A_68 = arith.constant 1 : i32
        scf.for %scan3A_118 = %scan3A_65 to %scan3A_67 step %scan3A_68  : i32 {
          %mul3A_119 = arith.constant 5 : i32
          %mul3A_120 = arith.muli %scan3A_118, %mul3A_119 : i32
          %add3A_121 = arith.constant 0 : i32
          %add3A_122 = arith.addi %mul3A_120, %add3A_121 : i32
          %get3A = arith.index_cast %add3A_122 : i32 to index
          %get3A_123 = arith.constant 0 : index
          %get3A_124 = tpu.vector_load %arg7[%get3A, %get3A_123] {strides = array<i32>} : memref<625x32xbf16, #tpu.memory_space<vmem>>, vector<32xbf16>,
          %bitcast3A = vector.bitcast %get3A_124 : vector<32xbf16> to vector<16xi32>
          %add3A_125 = arith.constant 0 : i32
          %add3A_126 = arith.addi %mul3A_120, %add3A_125 : i32
          %swap3A = arith.index_cast %add3A_126 : i32 to index
          %swap3A_127 = arith.constant 0 : index
          %swap3A_128 = tpu.vector_load %arg9[%swap3A, %swap3A_127] {strides = array<i32>} : memref<625x16xi32, #tpu.memory_space<vmem>>, vector<16xi32>,
          tpu.vector_store %arg9[%swap3A, %swap3A_127], %bitcast3A {strides = array<i32>} : memref<625x16xi32, #tpu.memory_space<vmem>>, vector<16xi32>,
          %add3A_129 = arith.constant 1 : i32
          %add3A_130 = arith.addi %mul3A_120, %add3A_129 : i32
          %get3A_131 = arith.index_cast %add3A_130 : i32 to index
          %get3A_132 = arith.constant 0 : index
          %get3A_133 = tpu.vector_load %arg7[%get3A_131, %get3A_132] {strides = array<i32>} : memref<625x32xbf16, #tpu.memory_space<vmem>>, vector<32xbf16>,
          %bitcast3A_134 = vector.bitcast %get3A_133 : vector<32xbf16> to vector<16xi32>
          %add3A_135 = arith.constant 1 : i32
          %add3A_136 = arith.addi %mul3A_120, %add3A_135 : i32
          %swap3A_137 = arith.index_cast %add3A_136 : i32 to index
          %swap3A_138 = arith.constant 0 : index
          %swap3A_139 = tpu.vector_load %arg9[%swap3A_137, %swap3A_138] {strides = array<i32>} : memref<625x16xi32, #tpu.memory_space<vmem>>, vector<16xi32>,
          tpu.vector_store %arg9[%swap3A_137, %swap3A_138], %bitcast3A_134 {strides = array<i32>} : memref<625x16xi32, #tpu.memory_space<vmem>>, vector<16xi32>,
          %add3A_140 = arith.constant 2 : i32
          %add3A_141 = arith.addi %mul3A_120, %add3A_140 : i32
          %get3A_142 = arith.index_cast %add3A_141 : i32 to index
          %get3A_143 = arith.constant 0 : index
          %get3A_144 = tpu.vector_load %arg7[%get3A_142, %get3A_143] {strides = array<i32>} : memref<625x32xbf16, #tpu.memory_space<vmem>>, vector<32xbf16>,
          %bitcast3A_145 = vector.bitcast %get3A_144 : vector<32xbf16> to vector<16xi32>
          %add3A_146 = arith.constant 2 : i32
          %add3A_147 = arith.addi %mul3A_120, %add3A_146 : i32
          %swap3A_148 = arith.index_cast %add3A_147 : i32 to index
          %swap3A_149 = arith.constant 0 : index
          %swap3A_150 = tpu.vector_load %arg9[%swap3A_148, %swap3A_149] {strides = array<i32>} : memref<625x16xi32, #tpu.memory_space<vmem>>, vector<16xi32>,
          tpu.vector_store %arg9[%swap3A_148, %swap3A_149], %bitcast3A_145 {strides = array<i32>} : memref<625x16xi32, #tpu.memory_space<vmem>>, vector<16xi32>,
          %add3A_151 = arith.constant 3 : i32
          %add3A_152 = arith.addi %mul3A_120, %add3A_151 : i32
          %get3A_153 = arith.index_cast %add3A_152 : i32 to index
          %get3A_154 = arith.constant 0 : index
          %get3A_155 = tpu.vector_load %arg7[%get3A_153, %get3A_154] {strides = array<i32>} : memref<625x32xbf16, #tpu.memory_space<vmem>>, vector<32xbf16>,
          %bitcast3A_156 = vector.bitcast %get3A_155 : vector<32xbf16> to vector<16xi32>
          %add3A_157 = arith.constant 3 : i32
          %add3A_158 = arith.addi %mul3A_120, %add3A_157 : i32
          %swap3A_159 = arith.index_cast %add3A_158 : i32 to index
          %swap3A_160 = arith.constant 0 : index
          %swap3A_161 = tpu.vector_load %arg9[%swap3A_159, %swap3A_160] {strides = array<i32>} : memref<625x16xi32, #tpu.memory_space<vmem>>, vector<16xi32>,
          tpu.vector_store %arg9[%swap3A_159, %swap3A_160], %bitcast3A_156 {strides = array<i32>} : memref<625x16xi32, #tpu.memory_space<vmem>>, vector<16xi32>,
          %add3A_162 = arith.constant 4 : i32
          %add3A_163 = arith.addi %mul3A_120, %add3A_162 : i32
          %get3A_164 = arith.index_cast %add3A_163 : i32 to index
          %get3A_165 = arith.constant 0 : index
          %get3A_166 = tpu.vector_load %arg7[%get3A_164, %get3A_165] {strides = array<i32>} : memref<625x32xbf16, #tpu.memory_space<vmem>>, vector<32xbf16>,
          %bitcast3A_167 = vector.bitcast %get3A_166 : vector<32xbf16> to vector<16xi32>
          %add3A_168 = arith.constant 4 : i32
          %add3A_169 = arith.addi %mul3A_120, %add3A_168 : i32
          %swap3A_170 = arith.index_cast %add3A_169 : i32 to index
          %swap3A_171 = arith.constant 0 : index
          %swap3A_172 = tpu.vector_load %arg9[%swap3A_170, %swap3A_171] {strides = array<i32>} : memref<625x16xi32, #tpu.memory_space<vmem>>, vector<16xi32>,
          tpu.vector_store %arg9[%swap3A_170, %swap3A_171], %bitcast3A_167 {strides = array<i32>} : memref<625x16xi32, #tpu.memory_space<vmem>>, vector<16xi32>,
        }
        %scan3A_69 = arith.constant 125 : i32
        %mul3A_70 = arith.constant 625 : i32
        %mul3A_71 = arith.muli %add3A_53, %mul3A_70 : i32
        %add3A_72 = arith.addi %mul3A_21, %mul3A_71 : i32
        %dma_start3A_73 = arith.constant 0 : i32
        %dma_start3A_74 = tpu.memref_slice %arg6[%add3A_72, %dma_start3A_73] : memref<1000000x16xi32, #tpu.memory_space<hbm>> -> memref<625x16xi32, #tpu.memory_space<hbm>>
        %dma_start3A_75 = arith.constant 0 : i32
        %dma_start3A_76 = tpu.memref_slice %arg6[%add3A_72, %dma_start3A_75] : memref<1000000x16xi32, #tpu.memory_space<hbm>> -> memref<625x16xi32, #tpu.memory_space<hbm>>
        tpu.enqueue_dma source(%arg9 : memref<625x16xi32, #tpu.memory_space<vmem>>) target(%dma_start3A_76 : memref<625x16xi32, #tpu.memory_space<hbm>>) target_semaphore(%arg18 : memref<!tpu.dma_semaphore, #tpu.memory_space<semaphore_mem>>)
        %add3A_77 = arith.constant 2 : i32
        %add3A_78 = arith.addi %add3A_53, %add3A_77 : i32
        %lt3A = arith.constant 100 : i32
        %lt3A_79 = arith.cmpi slt, %add3A_78, %lt3A : i32
        %convert_element_type3A_80 = arith.extui %lt3A_79 : i1 to i32
        %cond3A_81 = arith.constant 0 : i32
        %cond3A_82 = arith.cmpi ne, %convert_element_type3A_80, %cond3A_81 : i32
        scf.if %cond3A_82 {
          %add3A_118 = arith.constant 2 : i32
          %add3A_119 = arith.addi %add3A_53, %add3A_118 : i32
          %mul3A_120 = arith.constant 625 : i32
          %mul3A_121 = arith.muli %add3A_119, %mul3A_120 : i32
          %add3A_122 = arith.addi %mul3A_21, %mul3A_121 : i32
          %dma_start3A_123 = arith.constant 0 : i32
          %dma_start3A_124 = tpu.memref_slice %arg2[%add3A_122, %dma_start3A_123] : memref<1000000x32xbf16, #tpu.memory_space<hbm>> -> memref<625x32xbf16, #tpu.memory_space<hbm>>
          %dma_start3A_125 = arith.constant 0 : i32
          %dma_start3A_126 = tpu.memref_slice %arg2[%add3A_122, %dma_start3A_125] : memref<1000000x32xbf16, #tpu.memory_space<hbm>> -> memref<625x32xbf16, #tpu.memory_space<hbm>>
          tpu.enqueue_dma source(%dma_start3A_126 : memref<625x32xbf16, #tpu.memory_space<hbm>>) target(%arg7 : memref<625x32xbf16, #tpu.memory_space<vmem>>) target_semaphore(%arg16 : memref<!tpu.dma_semaphore, #tpu.memory_space<semaphore_mem>>)
        } else {
        }
        %mul3A_83 = arith.constant 2 : i32
        %mul3A_84 = arith.muli %mul3A_83, %scan3A_49 : i32
        %add3A_85 = arith.constant 1 : i32
        %add3A_86 = arith.addi %mul3A_84, %add3A_85 : i32
        %add3A_87 = arith.constant 0 : i32
        %add3A_88 = arith.addi %mul3A_21, %add3A_87 : i32
        %dma_wait3A_89 = arith.constant 0 : i32
        %dma_wait3A_90 = tpu.memref_slice %arg2[%add3A_88, %dma_wait3A_89] : memref<1000000x32xbf16, #tpu.memory_space<hbm>> -> memref<625x32xbf16, #tpu.memory_space<hbm>>
        %dma_wait3A_91 = arith.constant 0 : i32
        %dma_wait3A_92 = tpu.memref_slice %arg2[%add3A_88, %dma_wait3A_91] : memref<1000000x32xbf16, #tpu.memory_space<hbm>> -> memref<625x32xbf16, #tpu.memory_space<hbm>>
        tpu.wait_dma2 semaphore(%arg17 : memref<!tpu.dma_semaphore, #tpu.memory_space<semaphore_mem>>) src(%dma_wait3A_92 : memref<625x32xbf16, #tpu.memory_space<hbm>>) dst(%arg8 : memref<625x32xbf16, #tpu.memory_space<vmem>>)
        %ge3A_93 = arith.constant 1 : i32
        %ge3A_94 = arith.cmpi sge, %scan3A_49, %ge3A_93 : i32
        %convert_element_type3A_95 = arith.extui %ge3A_94 : i1 to i32
        %cond3A_96 = arith.constant 0 : i32
        %cond3A_97 = arith.cmpi ne, %convert_element_type3A_95, %cond3A_96 : i32
        scf.if %cond3A_97 {
          %add3A_118 = arith.constant 0 : i32
          %add3A_119 = arith.addi %mul3A_21, %add3A_118 : i32
          %dma_wait3A_120 = arith.constant 0 : i32
          %dma_wait3A_121 = tpu.memref_slice %arg6[%add3A_119, %dma_wait3A_120] : memref<1000000x16xi32, #tpu.memory_space<hbm>> -> memref<625x16xi32, #tpu.memory_space<hbm>>
          %dma_wait3A_122 = arith.constant 0 : i32
          %dma_wait3A_123 = tpu.memref_slice %arg6[%add3A_119, %dma_wait3A_122] : memref<1000000x16xi32, #tpu.memory_space<hbm>> -> memref<625x16xi32, #tpu.memory_space<hbm>>
          tpu.wait_dma2 semaphore(%arg19 : memref<!tpu.dma_semaphore, #tpu.memory_space<semaphore_mem>>) src(%arg10 : memref<625x16xi32, #tpu.memory_space<vmem>>) dst(%dma_wait3A_123 : memref<625x16xi32, #tpu.memory_space<hbm>>)
        } else {
        }
        %scan3A_98 = arith.constant 0 : i32
        %scan3A_99 = arith.constant 0 : i32
        %scan3A_100 = arith.constant 125 : i32
        %scan3A_101 = arith.addi %scan3A_99, %scan3A_100 : i32
        %scan3A_102 = arith.constant 1 : i32
        scf.for %scan3A_118 = %scan3A_99 to %scan3A_101 step %scan3A_102  : i32 {
          %mul3A_119 = arith.constant 5 : i32
          %mul3A_120 = arith.muli %scan3A_118, %mul3A_119 : i32
          %add3A_121 = arith.constant 0 : i32
          %add3A_122 = arith.addi %mul3A_120, %add3A_121 : i32
          %get3A = arith.index_cast %add3A_122 : i32 to index
          %get3A_123 = arith.constant 0 : index
          %get3A_124 = tpu.vector_load %arg8[%get3A, %get3A_123] {strides = array<i32>} : memref<625x32xbf16, #tpu.memory_space<vmem>>, vector<32xbf16>,
          %bitcast3A = vector.bitcast %get3A_124 : vector<32xbf16> to vector<16xi32>
          %add3A_125 = arith.constant 0 : i32
          %add3A_126 = arith.addi %mul3A_120, %add3A_125 : i32
          %swap3A = arith.index_cast %add3A_126 : i32 to index
          %swap3A_127 = arith.constant 0 : index
          %swap3A_128 = tpu.vector_load %arg10[%swap3A, %swap3A_127] {strides = array<i32>} : memref<625x16xi32, #tpu.memory_space<vmem>>, vector<16xi32>,
          tpu.vector_store %arg10[%swap3A, %swap3A_127], %bitcast3A {strides = array<i32>} : memref<625x16xi32, #tpu.memory_space<vmem>>, vector<16xi32>,
          %add3A_129 = arith.constant 1 : i32
          %add3A_130 = arith.addi %mul3A_120, %add3A_129 : i32
          %get3A_131 = arith.index_cast %add3A_130 : i32 to index
          %get3A_132 = arith.constant 0 : index
          %get3A_133 = tpu.vector_load %arg8[%get3A_131, %get3A_132] {strides = array<i32>} : memref<625x32xbf16, #tpu.memory_space<vmem>>, vector<32xbf16>,
          %bitcast3A_134 = vector.bitcast %get3A_133 : vector<32xbf16> to vector<16xi32>
          %add3A_135 = arith.constant 1 : i32
          %add3A_136 = arith.addi %mul3A_120, %add3A_135 : i32
          %swap3A_137 = arith.index_cast %add3A_136 : i32 to index
          %swap3A_138 = arith.constant 0 : index
          %swap3A_139 = tpu.vector_load %arg10[%swap3A_137, %swap3A_138] {strides = array<i32>} : memref<625x16xi32, #tpu.memory_space<vmem>>, vector<16xi32>,
          tpu.vector_store %arg10[%swap3A_137, %swap3A_138], %bitcast3A_134 {strides = array<i32>} : memref<625x16xi32, #tpu.memory_space<vmem>>, vector<16xi32>,
          %add3A_140 = arith.constant 2 : i32
          %add3A_141 = arith.addi %mul3A_120, %add3A_140 : i32
          %get3A_142 = arith.index_cast %add3A_141 : i32 to index
          %get3A_143 = arith.constant 0 : index
          %get3A_144 = tpu.vector_load %arg8[%get3A_142, %get3A_143] {strides = array<i32>} : memref<625x32xbf16, #tpu.memory_space<vmem>>, vector<32xbf16>,
          %bitcast3A_145 = vector.bitcast %get3A_144 : vector<32xbf16> to vector<16xi32>
          %add3A_146 = arith.constant 2 : i32
          %add3A_147 = arith.addi %mul3A_120, %add3A_146 : i32
          %swap3A_148 = arith.index_cast %add3A_147 : i32 to index
          %swap3A_149 = arith.constant 0 : index
          %swap3A_150 = tpu.vector_load %arg10[%swap3A_148, %swap3A_149] {strides = array<i32>} : memref<625x16xi32, #tpu.memory_space<vmem>>, vector<16xi32>,
          tpu.vector_store %arg10[%swap3A_148, %swap3A_149], %bitcast3A_145 {strides = array<i32>} : memref<625x16xi32, #tpu.memory_space<vmem>>, vector<16xi32>,
          %add3A_151 = arith.constant 3 : i32
          %add3A_152 = arith.addi %mul3A_120, %add3A_151 : i32
          %get3A_153 = arith.index_cast %add3A_152 : i32 to index
          %get3A_154 = arith.constant 0 : index
          %get3A_155 = tpu.vector_load %arg8[%get3A_153, %get3A_154] {strides = array<i32>} : memref<625x32xbf16, #tpu.memory_space<vmem>>, vector<32xbf16>,
          %bitcast3A_156 = vector.bitcast %get3A_155 : vector<32xbf16> to vector<16xi32>
          %add3A_157 = arith.constant 3 : i32
          %add3A_158 = arith.addi %mul3A_120, %add3A_157 : i32
          %swap3A_159 = arith.index_cast %add3A_158 : i32 to index
          %swap3A_160 = arith.constant 0 : index
          %swap3A_161 = tpu.vector_load %arg10[%swap3A_159, %swap3A_160] {strides = array<i32>} : memref<625x16xi32, #tpu.memory_space<vmem>>, vector<16xi32>,
          tpu.vector_store %arg10[%swap3A_159, %swap3A_160], %bitcast3A_156 {strides = array<i32>} : memref<625x16xi32, #tpu.memory_space<vmem>>, vector<16xi32>,
          %add3A_162 = arith.constant 4 : i32
          %add3A_163 = arith.addi %mul3A_120, %add3A_162 : i32
          %get3A_164 = arith.index_cast %add3A_163 : i32 to index
          %get3A_165 = arith.constant 0 : index
          %get3A_166 = tpu.vector_load %arg8[%get3A_164, %get3A_165] {strides = array<i32>} : memref<625x32xbf16, #tpu.memory_space<vmem>>, vector<32xbf16>,
          %bitcast3A_167 = vector.bitcast %get3A_166 : vector<32xbf16> to vector<16xi32>
          %add3A_168 = arith.constant 4 : i32
          %add3A_169 = arith.addi %mul3A_120, %add3A_168 : i32
          %swap3A_170 = arith.index_cast %add3A_169 : i32 to index
          %swap3A_171 = arith.constant 0 : index
          %swap3A_172 = tpu.vector_load %arg10[%swap3A_170, %swap3A_171] {strides = array<i32>} : memref<625x16xi32, #tpu.memory_space<vmem>>, vector<16xi32>,
          tpu.vector_store %arg10[%swap3A_170, %swap3A_171], %bitcast3A_167 {strides = array<i32>} : memref<625x16xi32, #tpu.memory_space<vmem>>, vector<16xi32>,
        }
        %scan3A_103 = arith.constant 125 : i32
        %mul3A_104 = arith.constant 625 : i32
        %mul3A_105 = arith.muli %add3A_86, %mul3A_104 : i32
        %add3A_106 = arith.addi %mul3A_21, %mul3A_105 : i32
        %dma_start3A_107 = arith.constant 0 : i32
        %dma_start3A_108 = tpu.memref_slice %arg6[%add3A_106, %dma_start3A_107] : memref<1000000x16xi32, #tpu.memory_space<hbm>> -> memref<625x16xi32, #tpu.memory_space<hbm>>
        %dma_start3A_109 = arith.constant 0 : i32
        %dma_start3A_110 = tpu.memref_slice %arg6[%add3A_106, %dma_start3A_109] : memref<1000000x16xi32, #tpu.memory_space<hbm>> -> memref<625x16xi32, #tpu.memory_space<hbm>>
        tpu.enqueue_dma source(%arg10 : memref<625x16xi32, #tpu.memory_space<vmem>>) target(%dma_start3A_110 : memref<625x16xi32, #tpu.memory_space<hbm>>) target_semaphore(%arg19 : memref<!tpu.dma_semaphore, #tpu.memory_space<semaphore_mem>>)
        %add3A_111 = arith.constant 2 : i32
        %add3A_112 = arith.addi %add3A_86, %add3A_111 : i32
        %lt3A_113 = arith.constant 100 : i32
        %lt3A_114 = arith.cmpi slt, %add3A_112, %lt3A_113 : i32
        %convert_element_type3A_115 = arith.extui %lt3A_114 : i1 to i32
        %cond3A_116 = arith.constant 0 : i32
        %cond3A_117 = arith.cmpi ne, %convert_element_type3A_115, %cond3A_116 : i32
        scf.if %cond3A_117 {
          %add3A_118 = arith.constant 2 : i32
          %add3A_119 = arith.addi %add3A_86, %add3A_118 : i32
          %mul3A_120 = arith.constant 625 : i32
          %mul3A_121 = arith.muli %add3A_119, %mul3A_120 : i32
          %add3A_122 = arith.addi %mul3A_21, %mul3A_121 : i32
          %dma_start3A_123 = arith.constant 0 : i32
          %dma_start3A_124 = tpu.memref_slice %arg2[%add3A_122, %dma_start3A_123] : memref<1000000x32xbf16, #tpu.memory_space<hbm>> -> memref<625x32xbf16, #tpu.memory_space<hbm>>
          %dma_start3A_125 = arith.constant 0 : i32
          %dma_start3A_126 = tpu.memref_slice %arg2[%add3A_122, %dma_start3A_125] : memref<1000000x32xbf16, #tpu.memory_space<hbm>> -> memref<625x32xbf16, #tpu.memory_space<hbm>>
          tpu.enqueue_dma source(%dma_start3A_126 : memref<625x32xbf16, #tpu.memory_space<hbm>>) target(%arg8 : memref<625x32xbf16, #tpu.memory_space<vmem>>) target_semaphore(%arg17 : memref<!tpu.dma_semaphore, #tpu.memory_space<semaphore_mem>>)
        } else {
        }
      }
      %scan3A_37 = arith.constant 50 : i32
      %add3A_38 = arith.constant 0 : i32
      %add3A_39 = arith.addi %mul3A_21, %add3A_38 : i32
      %dma_wait3A = arith.constant 0 : i32
      %dma_wait3A_40 = tpu.memref_slice %arg6[%add3A_39, %dma_wait3A] : memref<1000000x16xi32, #tpu.memory_space<hbm>> -> memref<625x16xi32, #tpu.memory_space<hbm>>
      %dma_wait3A_41 = arith.constant 0 : i32
      %dma_wait3A_42 = tpu.memref_slice %arg6[%add3A_39, %dma_wait3A_41] : memref<1000000x16xi32, #tpu.memory_space<hbm>> -> memref<625x16xi32, #tpu.memory_space<hbm>>
      tpu.wait_dma2 semaphore(%arg18 : memref<!tpu.dma_semaphore, #tpu.memory_space<semaphore_mem>>) src(%arg9 : memref<625x16xi32, #tpu.memory_space<vmem>>) dst(%dma_wait3A_42 : memref<625x16xi32, #tpu.memory_space<hbm>>)
      %add3A_43 = arith.constant 0 : i32
      %add3A_44 = arith.addi %mul3A_21, %add3A_43 : i32
      %dma_wait3A_45 = arith.constant 0 : i32
      %dma_wait3A_46 = tpu.memref_slice %arg6[%add3A_44, %dma_wait3A_45] : memref<1000000x16xi32, #tpu.memory_space<hbm>> -> memref<625x16xi32, #tpu.memory_space<hbm>>
      %dma_wait3A_47 = arith.constant 0 : i32
      %dma_wait3A_48 = tpu.memref_slice %arg6[%add3A_44, %dma_wait3A_47] : memref<1000000x16xi32, #tpu.memory_space<hbm>> -> memref<625x16xi32, #tpu.memory_space<hbm>>
      tpu.wait_dma2 semaphore(%arg19 : memref<!tpu.dma_semaphore, #tpu.memory_space<semaphore_mem>>) src(%arg10 : memref<625x16xi32, #tpu.memory_space<vmem>>) dst(%dma_wait3A_48 : memref<625x16xi32, #tpu.memory_space<hbm>>)
    } else {
    }
    %mul3A_8 = arith.constant 512 : i32
    %mul3A_9 = arith.muli %add3A, %mul3A_8 : i32
    "tpu.region"() ({
      %run_scoped3A = tpu.sem_alloc : memref<!tpu.dma_semaphore, #tpu.memory_space<semaphore_mem>>
      %dma_start3A = arith.constant 0 : i32
      %dma_start3A_20 = tpu.memref_slice %arg3[%mul3A_9, %dma_start3A] : memref<16384x50xi32, #tpu.memory_space<hbm>> -> memref<512x50xi32, #tpu.memory_space<hbm>>
      %dma_start3A_21 = arith.constant 0 : i32
      %dma_start3A_22 = tpu.memref_slice %arg3[%mul3A_9, %dma_start3A_21] : memref<16384x50xi32, #tpu.memory_space<hbm>> -> memref<512x50xi32, #tpu.memory_space<hbm>>
      tpu.enqueue_dma source(%dma_start3A_22 : memref<512x50xi32, #tpu.memory_space<hbm>>) target(%arg11 : memref<512x50xi32, #tpu.memory_space<vmem>>) target_semaphore(%run_scoped3A : memref<!tpu.dma_semaphore, #tpu.memory_space<semaphore_mem>>)
      %dma_wait3A = arith.constant 0 : i32
      %dma_wait3A_23 = tpu.memref_slice %arg3[%mul3A_9, %dma_wait3A] : memref<16384x50xi32, #tpu.memory_space<hbm>> -> memref<512x50xi32, #tpu.memory_space<hbm>>
      %dma_wait3A_24 = arith.constant 0 : i32
      %dma_wait3A_25 = tpu.memref_slice %arg3[%mul3A_9, %dma_wait3A_24] : memref<16384x50xi32, #tpu.memory_space<hbm>> -> memref<512x50xi32, #tpu.memory_space<hbm>>
      tpu.wait_dma2 semaphore(%run_scoped3A : memref<!tpu.dma_semaphore, #tpu.memory_space<semaphore_mem>>) src(%dma_wait3A_25 : memref<512x50xi32, #tpu.memory_space<hbm>>) dst(%arg11 : memref<512x50xi32, #tpu.memory_space<vmem>>)
      tpu.yield
    }) : () -> ()
    %barrier3A = arith.constant 0 : index
    tpu.barrier barrier_id(%barrier3A)
    %eq3A_10 = arith.constant 0 : i32
    %eq3A_11 = arith.cmpi eq, %arg0, %eq3A_10 : i32
    %convert_element_type3A_12 = arith.extui %eq3A_11 : i1 to i32
    %cond3A_13 = arith.constant 0 : i32
    %cond3A_14 = arith.cmpi ne, %convert_element_type3A_12, %cond3A_13 : i32
    scf.if %cond3A_14 {
      %scan3A = arith.constant 0 : i32
      %scan3A_20 = arith.constant 0 : i32
      %scan3A_21 = arith.constant 16 : i32
      %scan3A_22 = arith.addi %scan3A_20, %scan3A_21 : i32
      %scan3A_23 = arith.constant 1 : i32
      scf.for %scan3A_40 = %scan3A_20 to %scan3A_22 step %scan3A_23  : i32 {
        %mul3A_41 = arith.constant 2 : i32
        %mul3A_42 = arith.muli %mul3A_41, %scan3A_40 : i32
        %add3A_43 = arith.constant 0 : i32
        %add3A_44 = arith.addi %mul3A_42, %add3A_43 : i32
        %mul3A_45 = arith.constant 16 : i32
        %mul3A_46 = arith.muli %add3A_44, %mul3A_45 : i32
        %add3A_47 = arith.constant 0 : i32
        %add3A_48 = arith.addi %mul3A_46, %add3A_47 : i32
        %dma_start3A = arith.constant 0 : i32
        %dma_start3A_49 = arith.constant 0 : i32
        %dma_start3A_50 = tpu.memref_slice %arg12[%dma_start3A, %dma_start3A_49] : memref<800x16xi32, #tpu.memory_space<vmem>> -> memref<50x16xi32, #tpu.memory_space<vmem>>
        %dma_start3A_51 = arith.constant 0 : i32
        %dma_start3A_52 = tpu.memref_slice %arg11[%add3A_48, %dma_start3A_51] : memref<512x50xi32, #tpu.memory_space<vmem>> -> memref<1x50xi32, #tpu.memory_space<vmem>>
        %dma_start3A_53 = tpu.memref_squeeze %dma_start3A_52 : memref<1x50xi32, #tpu.memory_space<vmem>> -> memref<50xi32, #tpu.memory_space<vmem>>
        %dma_start3A_54 = arith.constant 0 : i32
        %dma_start3A_55 = arith.constant 0 : i32
        %dma_start3A_56 = tpu.memref_slice %arg5[%dma_start3A_54, %dma_start3A_55] : memref<1000000x16xi32, #tpu.memory_space<hbm>> -> memref<1000000x16xi32, #tpu.memory_space<hbm>>
        tpu.enqueue_indirect_dma source(%dma_start3A_56 : memref<1000000x16xi32, #tpu.memory_space<hbm>>) target(%dma_start3A_50 : memref<50x16xi32, #tpu.memory_space<vmem>>) offsets(%dma_start3A_53 : memref<50xi32, #tpu.memory_space<vmem>>) semaphore(%arg20 : memref<!tpu.dma_semaphore, #tpu.memory_space<semaphore_mem>>)
        %mul3A_57 = arith.constant 16 : i32
        %mul3A_58 = arith.muli %add3A_44, %mul3A_57 : i32
        %add3A_59 = arith.constant 1 : i32
        %add3A_60 = arith.addi %mul3A_58, %add3A_59 : i32
        %dma_start3A_61 = arith.constant 50 : i32
        %dma_start3A_62 = arith.constant 0 : i32
        %dma_start3A_63 = tpu.memref_slice %arg12[%dma_start3A_61, %dma_start3A_62] : memref<800x16xi32, #tpu.memory_space<vmem>> -> memref<50x16xi32, #tpu.memory_space<vmem>>
        %dma_start3A_64 = arith.constant 0 : i32
        %dma_start3A_65 = tpu.memref_slice %arg11[%add3A_60, %dma_start3A_64] : memref<512x50xi32, #tpu.memory_space<vmem>> -> memref<1x50xi32, #tpu.memory_space<vmem>>
        %dma_start3A_66 = tpu.memref_squeeze %dma_start3A_65 : memref<1x50xi32, #tpu.memory_space<vmem>> -> memref<50xi32, #tpu.memory_space<vmem>>
        %dma_start3A_67 = arith.constant 0 : i32
        %dma_start3A_68 = arith.constant 0 : i32
        %dma_start3A_69 = tpu.memref_slice %arg5[%dma_start3A_67, %dma_start3A_68] : memref<1000000x16xi32, #tpu.memory_space<hbm>> -> memref<1000000x16xi32, #tpu.memory_space<hbm>>
        tpu.enqueue_indirect_dma source(%dma_start3A_69 : memref<1000000x16xi32, #tpu.memory_space<hbm>>) target(%dma_start3A_63 : memref<50x16xi32, #tpu.memory_space<vmem>>) offsets(%dma_start3A_66 : memref<50xi32, #tpu.memory_space<vmem>>) semaphore(%arg20 : memref<!tpu.dma_semaphore, #tpu.memory_space<semaphore_mem>>)
        %mul3A_70 = arith.constant 16 : i32
        %mul3A_71 = arith.muli %add3A_44, %mul3A_70 : i32
        %add3A_72 = arith.constant 2 : i32
        %add3A_73 = arith.addi %mul3A_71, %add3A_72 : i32
        %dma_start3A_74 = arith.constant 100 : i32
        %dma_start3A_75 = arith.constant 0 : i32
        %dma_start3A_76 = tpu.memref_slice %arg12[%dma_start3A_74, %dma_start3A_75] : memref<800x16xi32, #tpu.memory_space<vmem>> -> memref<50x16xi32, #tpu.memory_space<vmem>>
        %dma_start3A_77 = arith.constant 0 : i32
        %dma_start3A_78 = tpu.memref_slice %arg11[%add3A_73, %dma_start3A_77] : memref<512x50xi32, #tpu.memory_space<vmem>> -> memref<1x50xi32, #tpu.memory_space<vmem>>
        %dma_start3A_79 = tpu.memref_squeeze %dma_start3A_78 : memref<1x50xi32, #tpu.memory_space<vmem>> -> memref<50xi32, #tpu.memory_space<vmem>>
        %dma_start3A_80 = arith.constant 0 : i32
        %dma_start3A_81 = arith.constant 0 : i32
        %dma_start3A_82 = tpu.memref_slice %arg5[%dma_start3A_80, %dma_start3A_81] : memref<1000000x16xi32, #tpu.memory_space<hbm>> -> memref<1000000x16xi32, #tpu.memory_space<hbm>>
        tpu.enqueue_indirect_dma source(%dma_start3A_82 : memref<1000000x16xi32, #tpu.memory_space<hbm>>) target(%dma_start3A_76 : memref<50x16xi32, #tpu.memory_space<vmem>>) offsets(%dma_start3A_79 : memref<50xi32, #tpu.memory_space<vmem>>) semaphore(%arg20 : memref<!tpu.dma_semaphore, #tpu.memory_space<semaphore_mem>>)
        %mul3A_83 = arith.constant 16 : i32
        %mul3A_84 = arith.muli %add3A_44, %mul3A_83 : i32
        %add3A_85 = arith.constant 3 : i32
        %add3A_86 = arith.addi %mul3A_84, %add3A_85 : i32
        %dma_start3A_87 = arith.constant 150 : i32
        %dma_start3A_88 = arith.constant 0 : i32
        %dma_start3A_89 = tpu.memref_slice %arg12[%dma_start3A_87, %dma_start3A_88] : memref<800x16xi32, #tpu.memory_space<vmem>> -> memref<50x16xi32, #tpu.memory_space<vmem>>
        %dma_start3A_90 = arith.constant 0 : i32
        %dma_start3A_91 = tpu.memref_slice %arg11[%add3A_86, %dma_start3A_90] : memref<512x50xi32, #tpu.memory_space<vmem>> -> memref<1x50xi32, #tpu.memory_space<vmem>>
        %dma_start3A_92 = tpu.memref_squeeze %dma_start3A_91 : memref<1x50xi32, #tpu.memory_space<vmem>> -> memref<50xi32, #tpu.memory_space<vmem>>
        %dma_start3A_93 = arith.constant 0 : i32
        %dma_start3A_94 = arith.constant 0 : i32
        %dma_start3A_95 = tpu.memref_slice %arg5[%dma_start3A_93, %dma_start3A_94] : memref<1000000x16xi32, #tpu.memory_space<hbm>> -> memref<1000000x16xi32, #tpu.memory_space<hbm>>
        tpu.enqueue_indirect_dma source(%dma_start3A_95 : memref<1000000x16xi32, #tpu.memory_space<hbm>>) target(%dma_start3A_89 : memref<50x16xi32, #tpu.memory_space<vmem>>) offsets(%dma_start3A_92 : memref<50xi32, #tpu.memory_space<vmem>>) semaphore(%arg20 : memref<!tpu.dma_semaphore, #tpu.memory_space<semaphore_mem>>)
        %mul3A_96 = arith.constant 16 : i32
        %mul3A_97 = arith.muli %add3A_44, %mul3A_96 : i32
        %add3A_98 = arith.constant 4 : i32
        %add3A_99 = arith.addi %mul3A_97, %add3A_98 : i32
        %dma_start3A_100 = arith.constant 200 : i32
        %dma_start3A_101 = arith.constant 0 : i32
        %dma_start3A_102 = tpu.memref_slice %arg12[%dma_start3A_100, %dma_start3A_101] : memref<800x16xi32, #tpu.memory_space<vmem>> -> memref<50x16xi32, #tpu.memory_space<vmem>>
        %dma_start3A_103 = arith.constant 0 : i32
        %dma_start3A_104 = tpu.memref_slice %arg11[%add3A_99, %dma_start3A_103] : memref<512x50xi32, #tpu.memory_space<vmem>> -> memref<1x50xi32, #tpu.memory_space<vmem>>
        %dma_start3A_105 = tpu.memref_squeeze %dma_start3A_104 : memref<1x50xi32, #tpu.memory_space<vmem>> -> memref<50xi32, #tpu.memory_space<vmem>>
        %dma_start3A_106 = arith.constant 0 : i32
        %dma_start3A_107 = arith.constant 0 : i32
        %dma_start3A_108 = tpu.memref_slice %arg5[%dma_start3A_106, %dma_start3A_107] : memref<1000000x16xi32, #tpu.memory_space<hbm>> -> memref<1000000x16xi32, #tpu.memory_space<hbm>>
        tpu.enqueue_indirect_dma source(%dma_start3A_108 : memref<1000000x16xi32, #tpu.memory_space<hbm>>) target(%dma_start3A_102 : memref<50x16xi32, #tpu.memory_space<vmem>>) offsets(%dma_start3A_105 : memref<50xi32, #tpu.memory_space<vmem>>) semaphore(%arg20 : memref<!tpu.dma_semaphore, #tpu.memory_space<semaphore_mem>>)
        %mul3A_109 = arith.constant 16 : i32
        %mul3A_110 = arith.muli %add3A_44, %mul3A_109 : i32
        %add3A_111 = arith.constant 5 : i32
        %add3A_112 = arith.addi %mul3A_110, %add3A_111 : i32
        %dma_start3A_113 = arith.constant 250 : i32
        %dma_start3A_114 = arith.constant 0 : i32
        %dma_start3A_115 = tpu.memref_slice %arg12[%dma_start3A_113, %dma_start3A_114] : memref<800x16xi32, #tpu.memory_space<vmem>> -> memref<50x16xi32, #tpu.memory_space<vmem>>
        %dma_start3A_116 = arith.constant 0 : i32
        %dma_start3A_117 = tpu.memref_slice %arg11[%add3A_112, %dma_start3A_116] : memref<512x50xi32, #tpu.memory_space<vmem>> -> memref<1x50xi32, #tpu.memory_space<vmem>>
        %dma_start3A_118 = tpu.memref_squeeze %dma_start3A_117 : memref<1x50xi32, #tpu.memory_space<vmem>> -> memref<50xi32, #tpu.memory_space<vmem>>
        %dma_start3A_119 = arith.constant 0 : i32
        %dma_start3A_120 = arith.constant 0 : i32
        %dma_start3A_121 = tpu.memref_slice %arg5[%dma_start3A_119, %dma_start3A_120] : memref<1000000x16xi32, #tpu.memory_space<hbm>> -> memref<1000000x16xi32, #tpu.memory_space<hbm>>
        tpu.enqueue_indirect_dma source(%dma_start3A_121 : memref<1000000x16xi32, #tpu.memory_space<hbm>>) target(%dma_start3A_115 : memref<50x16xi32, #tpu.memory_space<vmem>>) offsets(%dma_start3A_118 : memref<50xi32, #tpu.memory_space<vmem>>) semaphore(%arg20 : memref<!tpu.dma_semaphore, #tpu.memory_space<semaphore_mem>>)
        %mul3A_122 = arith.constant 16 : i32
        %mul3A_123 = arith.muli %add3A_44, %mul3A_122 : i32
        %add3A_124 = arith.constant 6 : i32
        %add3A_125 = arith.addi %mul3A_123, %add3A_124 : i32
        %dma_start3A_126 = arith.constant 300 : i32
        %dma_start3A_127 = arith.constant 0 : i32
        %dma_start3A_128 = tpu.memref_slice %arg12[%dma_start3A_126, %dma_start3A_127] : memref<800x16xi32, #tpu.memory_space<vmem>> -> memref<50x16xi32, #tpu.memory_space<vmem>>
        %dma_start3A_129 = arith.constant 0 : i32
        %dma_start3A_130 = tpu.memref_slice %arg11[%add3A_125, %dma_start3A_129] : memref<512x50xi32, #tpu.memory_space<vmem>> -> memref<1x50xi32, #tpu.memory_space<vmem>>
        %dma_start3A_131 = tpu.memref_squeeze %dma_start3A_130 : memref<1x50xi32, #tpu.memory_space<vmem>> -> memref<50xi32, #tpu.memory_space<vmem>>
        %dma_start3A_132 = arith.constant 0 : i32
        %dma_start3A_133 = arith.constant 0 : i32
        %dma_start3A_134 = tpu.memref_slice %arg5[%dma_start3A_132, %dma_start3A_133] : memref<1000000x16xi32, #tpu.memory_space<hbm>> -> memref<1000000x16xi32, #tpu.memory_space<hbm>>
        tpu.enqueue_indirect_dma source(%dma_start3A_134 : memref<1000000x16xi32, #tpu.memory_space<hbm>>) target(%dma_start3A_128 : memref<50x16xi32, #tpu.memory_space<vmem>>) offsets(%dma_start3A_131 : memref<50xi32, #tpu.memory_space<vmem>>) semaphore(%arg20 : memref<!tpu.dma_semaphore, #tpu.memory_space<semaphore_mem>>)
        %mul3A_135 = arith.constant 16 : i32
        %mul3A_136 = arith.muli %add3A_44, %mul3A_135 : i32
        %add3A_137 = arith.constant 7 : i32
        %add3A_138 = arith.addi %mul3A_136, %add3A_137 : i32
        %dma_start3A_139 = arith.constant 350 : i32
        %dma_start3A_140 = arith.constant 0 : i32
        %dma_start3A_141 = tpu.memref_slice %arg12[%dma_start3A_139, %dma_start3A_140] : memref<800x16xi32, #tpu.memory_space<vmem>> -> memref<50x16xi32, #tpu.memory_space<vmem>>
        %dma_start3A_142 = arith.constant 0 : i32
        %dma_start3A_143 = tpu.memref_slice %arg11[%add3A_138, %dma_start3A_142] : memref<512x50xi32, #tpu.memory_space<vmem>> -> memref<1x50xi32, #tpu.memory_space<vmem>>
        %dma_start3A_144 = tpu.memref_squeeze %dma_start3A_143 : memref<1x50xi32, #tpu.memory_space<vmem>> -> memref<50xi32, #tpu.memory_space<vmem>>
        %dma_start3A_145 = arith.constant 0 : i32
        %dma_start3A_146 = arith.constant 0 : i32
        %dma_start3A_147 = tpu.memref_slice %arg5[%dma_start3A_145, %dma_start3A_146] : memref<1000000x16xi32, #tpu.memory_space<hbm>> -> memref<1000000x16xi32, #tpu.memory_space<hbm>>
        tpu.enqueue_indirect_dma source(%dma_start3A_147 : memref<1000000x16xi32, #tpu.memory_space<hbm>>) target(%dma_start3A_141 : memref<50x16xi32, #tpu.memory_space<vmem>>) offsets(%dma_start3A_144 : memref<50xi32, #tpu.memory_space<vmem>>) semaphore(%arg20 : memref<!tpu.dma_semaphore, #tpu.memory_space<semaphore_mem>>)
        %mul3A_148 = arith.constant 16 : i32
        %mul3A_149 = arith.muli %add3A_44, %mul3A_148 : i32
        %add3A_150 = arith.constant 8 : i32
        %add3A_151 = arith.addi %mul3A_149, %add3A_150 : i32
        %dma_start3A_152 = arith.constant 400 : i32
        %dma_start3A_153 = arith.constant 0 : i32
        %dma_start3A_154 = tpu.memref_slice %arg12[%dma_start3A_152, %dma_start3A_153] : memref<800x16xi32, #tpu.memory_space<vmem>> -> memref<50x16xi32, #tpu.memory_space<vmem>>
        %dma_start3A_155 = arith.constant 0 : i32
        %dma_start3A_156 = tpu.memref_slice %arg11[%add3A_151, %dma_start3A_155] : memref<512x50xi32, #tpu.memory_space<vmem>> -> memref<1x50xi32, #tpu.memory_space<vmem>>
        %dma_start3A_157 = tpu.memref_squeeze %dma_start3A_156 : memref<1x50xi32, #tpu.memory_space<vmem>> -> memref<50xi32, #tpu.memory_space<vmem>>
        %dma_start3A_158 = arith.constant 0 : i32
        %dma_start3A_159 = arith.constant 0 : i32
        %dma_start3A_160 = tpu.memref_slice %arg5[%dma_start3A_158, %dma_start3A_159] : memref<1000000x16xi32, #tpu.memory_space<hbm>> -> memref<1000000x16xi32, #tpu.memory_space<hbm>>
        tpu.enqueue_indirect_dma source(%dma_start3A_160 : memref<1000000x16xi32, #tpu.memory_space<hbm>>) target(%dma_start3A_154 : memref<50x16xi32, #tpu.memory_space<vmem>>) offsets(%dma_start3A_157 : memref<50xi32, #tpu.memory_space<vmem>>) semaphore(%arg20 : memref<!tpu.dma_semaphore, #tpu.memory_space<semaphore_mem>>)
        %mul3A_161 = arith.constant 16 : i32
        %mul3A_162 = arith.muli %add3A_44, %mul3A_161 : i32
        %add3A_163 = arith.constant 9 : i32
        %add3A_164 = arith.addi %mul3A_162, %add3A_163 : i32
        %dma_start3A_165 = arith.constant 450 : i32
        %dma_start3A_166 = arith.constant 0 : i32
        %dma_start3A_167 = tpu.memref_slice %arg12[%dma_start3A_165, %dma_start3A_166] : memref<800x16xi32, #tpu.memory_space<vmem>> -> memref<50x16xi32, #tpu.memory_space<vmem>>
        %dma_start3A_168 = arith.constant 0 : i32
        %dma_start3A_169 = tpu.memref_slice %arg11[%add3A_164, %dma_start3A_168] : memref<512x50xi32, #tpu.memory_space<vmem>> -> memref<1x50xi32, #tpu.memory_space<vmem>>
        %dma_start3A_170 = tpu.memref_squeeze %dma_start3A_169 : memref<1x50xi32, #tpu.memory_space<vmem>> -> memref<50xi32, #tpu.memory_space<vmem>>
        %dma_start3A_171 = arith.constant 0 : i32
        %dma_start3A_172 = arith.constant 0 : i32
        %dma_start3A_173 = tpu.memref_slice %arg5[%dma_start3A_171, %dma_start3A_172] : memref<1000000x16xi32, #tpu.memory_space<hbm>> -> memref<1000000x16xi32, #tpu.memory_space<hbm>>
        tpu.enqueue_indirect_dma source(%dma_start3A_173 : memref<1000000x16xi32, #tpu.memory_space<hbm>>) target(%dma_start3A_167 : memref<50x16xi32, #tpu.memory_space<vmem>>) offsets(%dma_start3A_170 : memref<50xi32, #tpu.memory_space<vmem>>) semaphore(%arg20 : memref<!tpu.dma_semaphore, #tpu.memory_space<semaphore_mem>>)
        %mul3A_174 = arith.constant 16 : i32
        %mul3A_175 = arith.muli %add3A_44, %mul3A_174 : i32
        %add3A_176 = arith.constant 10 : i32
        %add3A_177 = arith.addi %mul3A_175, %add3A_176 : i32
        %dma_start3A_178 = arith.constant 500 : i32
        %dma_start3A_179 = arith.constant 0 : i32
        %dma_start3A_180 = tpu.memref_slice %arg12[%dma_start3A_178, %dma_start3A_179] : memref<800x16xi32, #tpu.memory_space<vmem>> -> memref<50x16xi32, #tpu.memory_space<vmem>>
        %dma_start3A_181 = arith.constant 0 : i32
        %dma_start3A_182 = tpu.memref_slice %arg11[%add3A_177, %dma_start3A_181] : memref<512x50xi32, #tpu.memory_space<vmem>> -> memref<1x50xi32, #tpu.memory_space<vmem>>
        %dma_start3A_183 = tpu.memref_squeeze %dma_start3A_182 : memref<1x50xi32, #tpu.memory_space<vmem>> -> memref<50xi32, #tpu.memory_space<vmem>>
        %dma_start3A_184 = arith.constant 0 : i32
        %dma_start3A_185 = arith.constant 0 : i32
        %dma_start3A_186 = tpu.memref_slice %arg5[%dma_start3A_184, %dma_start3A_185] : memref<1000000x16xi32, #tpu.memory_space<hbm>> -> memref<1000000x16xi32, #tpu.memory_space<hbm>>
        tpu.enqueue_indirect_dma source(%dma_start3A_186 : memref<1000000x16xi32, #tpu.memory_space<hbm>>) target(%dma_start3A_180 : memref<50x16xi32, #tpu.memory_space<vmem>>) offsets(%dma_start3A_183 : memref<50xi32, #tpu.memory_space<vmem>>) semaphore(%arg20 : memref<!tpu.dma_semaphore, #tpu.memory_space<semaphore_mem>>)
        %mul3A_187 = arith.constant 16 : i32
        %mul3A_188 = arith.muli %add3A_44, %mul3A_187 : i32
        %add3A_189 = arith.constant 11 : i32
        %add3A_190 = arith.addi %mul3A_188, %add3A_189 : i32
        %dma_start3A_191 = arith.constant 550 : i32
        %dma_start3A_192 = arith.constant 0 : i32
        %dma_start3A_193 = tpu.memref_slice %arg12[%dma_start3A_191, %dma_start3A_192] : memref<800x16xi32, #tpu.memory_space<vmem>> -> memref<50x16xi32, #tpu.memory_space<vmem>>
        %dma_start3A_194 = arith.constant 0 : i32
        %dma_start3A_195 = tpu.memref_slice %arg11[%add3A_190, %dma_start3A_194] : memref<512x50xi32, #tpu.memory_space<vmem>> -> memref<1x50xi32, #tpu.memory_space<vmem>>
        %dma_start3A_196 = tpu.memref_squeeze %dma_start3A_195 : memref<1x50xi32, #tpu.memory_space<vmem>> -> memref<50xi32, #tpu.memory_space<vmem>>
        %dma_start3A_197 = arith.constant 0 : i32
        %dma_start3A_198 = arith.constant 0 : i32
        %dma_start3A_199 = tpu.memref_slice %arg5[%dma_start3A_197, %dma_start3A_198] : memref<1000000x16xi32, #tpu.memory_space<hbm>> -> memref<1000000x16xi32, #tpu.memory_space<hbm>>
        tpu.enqueue_indirect_dma source(%dma_start3A_199 : memref<1000000x16xi32, #tpu.memory_space<hbm>>) target(%dma_start3A_193 : memref<50x16xi32, #tpu.memory_space<vmem>>) offsets(%dma_start3A_196 : memref<50xi32, #tpu.memory_space<vmem>>) semaphore(%arg20 : memref<!tpu.dma_semaphore, #tpu.memory_space<semaphore_mem>>)
        %mul3A_200 = arith.constant 16 : i32
        %mul3A_201 = arith.muli %add3A_44, %mul3A_200 : i32
        %add3A_202 = arith.constant 12 : i32
        %add3A_203 = arith.addi %mul3A_201, %add3A_202 : i32
        %dma_start3A_204 = arith.constant 600 : i32
        %dma_start3A_205 = arith.constant 0 : i32
        %dma_start3A_206 = tpu.memref_slice %arg12[%dma_start3A_204, %dma_start3A_205] : memref<800x16xi32, #tpu.memory_space<vmem>> -> memref<50x16xi32, #tpu.memory_space<vmem>>
        %dma_start3A_207 = arith.constant 0 : i32
        %dma_start3A_208 = tpu.memref_slice %arg11[%add3A_203, %dma_start3A_207] : memref<512x50xi32, #tpu.memory_space<vmem>> -> memref<1x50xi32, #tpu.memory_space<vmem>>
        %dma_start3A_209 = tpu.memref_squeeze %dma_start3A_208 : memref<1x50xi32, #tpu.memory_space<vmem>> -> memref<50xi32, #tpu.memory_space<vmem>>
        %dma_start3A_210 = arith.constant 0 : i32
        %dma_start3A_211 = arith.constant 0 : i32
        %dma_start3A_212 = tpu.memref_slice %arg5[%dma_start3A_210, %dma_start3A_211] : memref<1000000x16xi32, #tpu.memory_space<hbm>> -> memref<1000000x16xi32, #tpu.memory_space<hbm>>
        tpu.enqueue_indirect_dma source(%dma_start3A_212 : memref<1000000x16xi32, #tpu.memory_space<hbm>>) target(%dma_start3A_206 : memref<50x16xi32, #tpu.memory_space<vmem>>) offsets(%dma_start3A_209 : memref<50xi32, #tpu.memory_space<vmem>>) semaphore(%arg20 : memref<!tpu.dma_semaphore, #tpu.memory_space<semaphore_mem>>)
        %mul3A_213 = arith.constant 16 : i32
        %mul3A_214 = arith.muli %add3A_44, %mul3A_213 : i32
        %add3A_215 = arith.constant 13 : i32
        %add3A_216 = arith.addi %mul3A_214, %add3A_215 : i32
        %dma_start3A_217 = arith.constant 650 : i32
        %dma_start3A_218 = arith.constant 0 : i32
        %dma_start3A_219 = tpu.memref_slice %arg12[%dma_start3A_217, %dma_start3A_218] : memref<800x16xi32, #tpu.memory_space<vmem>> -> memref<50x16xi32, #tpu.memory_space<vmem>>
        %dma_start3A_220 = arith.constant 0 : i32
        %dma_start3A_221 = tpu.memref_slice %arg11[%add3A_216, %dma_start3A_220] : memref<512x50xi32, #tpu.memory_space<vmem>> -> memref<1x50xi32, #tpu.memory_space<vmem>>
        %dma_start3A_222 = tpu.memref_squeeze %dma_start3A_221 : memref<1x50xi32, #tpu.memory_space<vmem>> -> memref<50xi32, #tpu.memory_space<vmem>>
        %dma_start3A_223 = arith.constant 0 : i32
        %dma_start3A_224 = arith.constant 0 : i32
        %dma_start3A_225 = tpu.memref_slice %arg5[%dma_start3A_223, %dma_start3A_224] : memref<1000000x16xi32, #tpu.memory_space<hbm>> -> memref<1000000x16xi32, #tpu.memory_space<hbm>>
        tpu.enqueue_indirect_dma source(%dma_start3A_225 : memref<1000000x16xi32, #tpu.memory_space<hbm>>) target(%dma_start3A_219 : memref<50x16xi32, #tpu.memory_space<vmem>>) offsets(%dma_start3A_222 : memref<50xi32, #tpu.memory_space<vmem>>) semaphore(%arg20 : memref<!tpu.dma_semaphore, #tpu.memory_space<semaphore_mem>>)
        %mul3A_226 = arith.constant 16 : i32
        %mul3A_227 = arith.muli %add3A_44, %mul3A_226 : i32
        %add3A_228 = arith.constant 14 : i32
        %add3A_229 = arith.addi %mul3A_227, %add3A_228 : i32
        %dma_start3A_230 = arith.constant 700 : i32
        %dma_start3A_231 = arith.constant 0 : i32
        %dma_start3A_232 = tpu.memref_slice %arg12[%dma_start3A_230, %dma_start3A_231] : memref<800x16xi32, #tpu.memory_space<vmem>> -> memref<50x16xi32, #tpu.memory_space<vmem>>
        %dma_start3A_233 = arith.constant 0 : i32
        %dma_start3A_234 = tpu.memref_slice %arg11[%add3A_229, %dma_start3A_233] : memref<512x50xi32, #tpu.memory_space<vmem>> -> memref<1x50xi32, #tpu.memory_space<vmem>>
        %dma_start3A_235 = tpu.memref_squeeze %dma_start3A_234 : memref<1x50xi32, #tpu.memory_space<vmem>> -> memref<50xi32, #tpu.memory_space<vmem>>
        %dma_start3A_236 = arith.constant 0 : i32
        %dma_start3A_237 = arith.constant 0 : i32
        %dma_start3A_238 = tpu.memref_slice %arg5[%dma_start3A_236, %dma_start3A_237] : memref<1000000x16xi32, #tpu.memory_space<hbm>> -> memref<1000000x16xi32, #tpu.memory_space<hbm>>
        tpu.enqueue_indirect_dma source(%dma_start3A_238 : memref<1000000x16xi32, #tpu.memory_space<hbm>>) target(%dma_start3A_232 : memref<50x16xi32, #tpu.memory_space<vmem>>) offsets(%dma_start3A_235 : memref<50xi32, #tpu.memory_space<vmem>>) semaphore(%arg20 : memref<!tpu.dma_semaphore, #tpu.memory_space<semaphore_mem>>)
        %mul3A_239 = arith.constant 16 : i32
        %mul3A_240 = arith.muli %add3A_44, %mul3A_239 : i32
        %add3A_241 = arith.constant 15 : i32
        %add3A_242 = arith.addi %mul3A_240, %add3A_241 : i32
        %dma_start3A_243 = arith.constant 750 : i32
        %dma_start3A_244 = arith.constant 0 : i32
        %dma_start3A_245 = tpu.memref_slice %arg12[%dma_start3A_243, %dma_start3A_244] : memref<800x16xi32, #tpu.memory_space<vmem>> -> memref<50x16xi32, #tpu.memory_space<vmem>>
        %dma_start3A_246 = arith.constant 0 : i32
        %dma_start3A_247 = tpu.memref_slice %arg11[%add3A_242, %dma_start3A_246] : memref<512x50xi32, #tpu.memory_space<vmem>> -> memref<1x50xi32, #tpu.memory_space<vmem>>
        %dma_start3A_248 = tpu.memref_squeeze %dma_start3A_247 : memref<1x50xi32, #tpu.memory_space<vmem>> -> memref<50xi32, #tpu.memory_space<vmem>>
        %dma_start3A_249 = arith.constant 0 : i32
        %dma_start3A_250 = arith.constant 0 : i32
        %dma_start3A_251 = tpu.memref_slice %arg5[%dma_start3A_249, %dma_start3A_250] : memref<1000000x16xi32, #tpu.memory_space<hbm>> -> memref<1000000x16xi32, #tpu.memory_space<hbm>>
        tpu.enqueue_indirect_dma source(%dma_start3A_251 : memref<1000000x16xi32, #tpu.memory_space<hbm>>) target(%dma_start3A_245 : memref<50x16xi32, #tpu.memory_space<vmem>>) offsets(%dma_start3A_248 : memref<50xi32, #tpu.memory_space<vmem>>) semaphore(%arg20 : memref<!tpu.dma_semaphore, #tpu.memory_space<semaphore_mem>>)
        %mul3A_252 = arith.constant 2 : i32
        %mul3A_253 = arith.muli %mul3A_252, %scan3A_40 : i32
        %add3A_254 = arith.constant 1 : i32
        %add3A_255 = arith.addi %mul3A_253, %add3A_254 : i32
        %mul3A_256 = arith.constant 16 : i32
        %mul3A_257 = arith.muli %add3A_255, %mul3A_256 : i32
        %add3A_258 = arith.constant 0 : i32
        %add3A_259 = arith.addi %mul3A_257, %add3A_258 : i32
        %dma_start3A_260 = arith.constant 0 : i32
        %dma_start3A_261 = arith.constant 0 : i32
        %dma_start3A_262 = tpu.memref_slice %arg13[%dma_start3A_260, %dma_start3A_261] : memref<800x16xi32, #tpu.memory_space<vmem>> -> memref<50x16xi32, #tpu.memory_space<vmem>>
        %dma_start3A_263 = arith.constant 0 : i32
        %dma_start3A_264 = tpu.memref_slice %arg11[%add3A_259, %dma_start3A_263] : memref<512x50xi32, #tpu.memory_space<vmem>> -> memref<1x50xi32, #tpu.memory_space<vmem>>
        %dma_start3A_265 = tpu.memref_squeeze %dma_start3A_264 : memref<1x50xi32, #tpu.memory_space<vmem>> -> memref<50xi32, #tpu.memory_space<vmem>>
        %dma_start3A_266 = arith.constant 0 : i32
        %dma_start3A_267 = arith.constant 0 : i32
        %dma_start3A_268 = tpu.memref_slice %arg5[%dma_start3A_266, %dma_start3A_267] : memref<1000000x16xi32, #tpu.memory_space<hbm>> -> memref<1000000x16xi32, #tpu.memory_space<hbm>>
        tpu.enqueue_indirect_dma source(%dma_start3A_268 : memref<1000000x16xi32, #tpu.memory_space<hbm>>) target(%dma_start3A_262 : memref<50x16xi32, #tpu.memory_space<vmem>>) offsets(%dma_start3A_265 : memref<50xi32, #tpu.memory_space<vmem>>) semaphore(%arg21 : memref<!tpu.dma_semaphore, #tpu.memory_space<semaphore_mem>>)
        %mul3A_269 = arith.constant 16 : i32
        %mul3A_270 = arith.muli %add3A_255, %mul3A_269 : i32
        %add3A_271 = arith.constant 1 : i32
        %add3A_272 = arith.addi %mul3A_270, %add3A_271 : i32
        %dma_start3A_273 = arith.constant 50 : i32
        %dma_start3A_274 = arith.constant 0 : i32
        %dma_start3A_275 = tpu.memref_slice %arg13[%dma_start3A_273, %dma_start3A_274] : memref<800x16xi32, #tpu.memory_space<vmem>> -> memref<50x16xi32, #tpu.memory_space<vmem>>
        %dma_start3A_276 = arith.constant 0 : i32
        %dma_start3A_277 = tpu.memref_slice %arg11[%add3A_272, %dma_start3A_276] : memref<512x50xi32, #tpu.memory_space<vmem>> -> memref<1x50xi32, #tpu.memory_space<vmem>>
        %dma_start3A_278 = tpu.memref_squeeze %dma_start3A_277 : memref<1x50xi32, #tpu.memory_space<vmem>> -> memref<50xi32, #tpu.memory_space<vmem>>
        %dma_start3A_279 = arith.constant 0 : i32
        %dma_start3A_280 = arith.constant 0 : i32
        %dma_start3A_281 = tpu.memref_slice %arg5[%dma_start3A_279, %dma_start3A_280] : memref<1000000x16xi32, #tpu.memory_space<hbm>> -> memref<1000000x16xi32, #tpu.memory_space<hbm>>
        tpu.enqueue_indirect_dma source(%dma_start3A_281 : memref<1000000x16xi32, #tpu.memory_space<hbm>>) target(%dma_start3A_275 : memref<50x16xi32, #tpu.memory_space<vmem>>) offsets(%dma_start3A_278 : memref<50xi32, #tpu.memory_space<vmem>>) semaphore(%arg21 : memref<!tpu.dma_semaphore, #tpu.memory_space<semaphore_mem>>)
        %mul3A_282 = arith.constant 16 : i32
        %mul3A_283 = arith.muli %add3A_255, %mul3A_282 : i32
        %add3A_284 = arith.constant 2 : i32
        %add3A_285 = arith.addi %mul3A_283, %add3A_284 : i32
        %dma_start3A_286 = arith.constant 100 : i32
        %dma_start3A_287 = arith.constant 0 : i32
        %dma_start3A_288 = tpu.memref_slice %arg13[%dma_start3A_286, %dma_start3A_287] : memref<800x16xi32, #tpu.memory_space<vmem>> -> memref<50x16xi32, #tpu.memory_space<vmem>>
        %dma_start3A_289 = arith.constant 0 : i32
        %dma_start3A_290 = tpu.memref_slice %arg11[%add3A_285, %dma_start3A_289] : memref<512x50xi32, #tpu.memory_space<vmem>> -> memref<1x50xi32, #tpu.memory_space<vmem>>
        %dma_start3A_291 = tpu.memref_squeeze %dma_start3A_290 : memref<1x50xi32, #tpu.memory_space<vmem>> -> memref<50xi32, #tpu.memory_space<vmem>>
        %dma_start3A_292 = arith.constant 0 : i32
        %dma_start3A_293 = arith.constant 0 : i32
        %dma_start3A_294 = tpu.memref_slice %arg5[%dma_start3A_292, %dma_start3A_293] : memref<1000000x16xi32, #tpu.memory_space<hbm>> -> memref<1000000x16xi32, #tpu.memory_space<hbm>>
        tpu.enqueue_indirect_dma source(%dma_start3A_294 : memref<1000000x16xi32, #tpu.memory_space<hbm>>) target(%dma_start3A_288 : memref<50x16xi32, #tpu.memory_space<vmem>>) offsets(%dma_start3A_291 : memref<50xi32, #tpu.memory_space<vmem>>) semaphore(%arg21 : memref<!tpu.dma_semaphore, #tpu.memory_space<semaphore_mem>>)
        %mul3A_295 = arith.constant 16 : i32
        %mul3A_296 = arith.muli %add3A_255, %mul3A_295 : i32
        %add3A_297 = arith.constant 3 : i32
        %add3A_298 = arith.addi %mul3A_296, %add3A_297 : i32
        %dma_start3A_299 = arith.constant 150 : i32
        %dma_start3A_300 = arith.constant 0 : i32
        %dma_start3A_301 = tpu.memref_slice %arg13[%dma_start3A_299, %dma_start3A_300] : memref<800x16xi32, #tpu.memory_space<vmem>> -> memref<50x16xi32, #tpu.memory_space<vmem>>
        %dma_start3A_302 = arith.constant 0 : i32
        %dma_start3A_303 = tpu.memref_slice %arg11[%add3A_298, %dma_start3A_302] : memref<512x50xi32, #tpu.memory_space<vmem>> -> memref<1x50xi32, #tpu.memory_space<vmem>>
        %dma_start3A_304 = tpu.memref_squeeze %dma_start3A_303 : memref<1x50xi32, #tpu.memory_space<vmem>> -> memref<50xi32, #tpu.memory_space<vmem>>
        %dma_start3A_305 = arith.constant 0 : i32
        %dma_start3A_306 = arith.constant 0 : i32
        %dma_start3A_307 = tpu.memref_slice %arg5[%dma_start3A_305, %dma_start3A_306] : memref<1000000x16xi32, #tpu.memory_space<hbm>> -> memref<1000000x16xi32, #tpu.memory_space<hbm>>
        tpu.enqueue_indirect_dma source(%dma_start3A_307 : memref<1000000x16xi32, #tpu.memory_space<hbm>>) target(%dma_start3A_301 : memref<50x16xi32, #tpu.memory_space<vmem>>) offsets(%dma_start3A_304 : memref<50xi32, #tpu.memory_space<vmem>>) semaphore(%arg21 : memref<!tpu.dma_semaphore, #tpu.memory_space<semaphore_mem>>)
        %mul3A_308 = arith.constant 16 : i32
        %mul3A_309 = arith.muli %add3A_255, %mul3A_308 : i32
        %add3A_310 = arith.constant 4 : i32
        %add3A_311 = arith.addi %mul3A_309, %add3A_310 : i32
        %dma_start3A_312 = arith.constant 200 : i32
        %dma_start3A_313 = arith.constant 0 : i32
        %dma_start3A_314 = tpu.memref_slice %arg13[%dma_start3A_312, %dma_start3A_313] : memref<800x16xi32, #tpu.memory_space<vmem>> -> memref<50x16xi32, #tpu.memory_space<vmem>>
        %dma_start3A_315 = arith.constant 0 : i32
        %dma_start3A_316 = tpu.memref_slice %arg11[%add3A_311, %dma_start3A_315] : memref<512x50xi32, #tpu.memory_space<vmem>> -> memref<1x50xi32, #tpu.memory_space<vmem>>
        %dma_start3A_317 = tpu.memref_squeeze %dma_start3A_316 : memref<1x50xi32, #tpu.memory_space<vmem>> -> memref<50xi32, #tpu.memory_space<vmem>>
        %dma_start3A_318 = arith.constant 0 : i32
        %dma_start3A_319 = arith.constant 0 : i32
        %dma_start3A_320 = tpu.memref_slice %arg5[%dma_start3A_318, %dma_start3A_319] : memref<1000000x16xi32, #tpu.memory_space<hbm>> -> memref<1000000x16xi32, #tpu.memory_space<hbm>>
        tpu.enqueue_indirect_dma source(%dma_start3A_320 : memref<1000000x16xi32, #tpu.memory_space<hbm>>) target(%dma_start3A_314 : memref<50x16xi32, #tpu.memory_space<vmem>>) offsets(%dma_start3A_317 : memref<50xi32, #tpu.memory_space<vmem>>) semaphore(%arg21 : memref<!tpu.dma_semaphore, #tpu.memory_space<semaphore_mem>>)
        %mul3A_321 = arith.constant 16 : i32
        %mul3A_322 = arith.muli %add3A_255, %mul3A_321 : i32
        %add3A_323 = arith.constant 5 : i32
        %add3A_324 = arith.addi %mul3A_322, %add3A_323 : i32
        %dma_start3A_325 = arith.constant 250 : i32
        %dma_start3A_326 = arith.constant 0 : i32
        %dma_start3A_327 = tpu.memref_slice %arg13[%dma_start3A_325, %dma_start3A_326] : memref<800x16xi32, #tpu.memory_space<vmem>> -> memref<50x16xi32, #tpu.memory_space<vmem>>
        %dma_start3A_328 = arith.constant 0 : i32
        %dma_start3A_329 = tpu.memref_slice %arg11[%add3A_324, %dma_start3A_328] : memref<512x50xi32, #tpu.memory_space<vmem>> -> memref<1x50xi32, #tpu.memory_space<vmem>>
        %dma_start3A_330 = tpu.memref_squeeze %dma_start3A_329 : memref<1x50xi32, #tpu.memory_space<vmem>> -> memref<50xi32, #tpu.memory_space<vmem>>
        %dma_start3A_331 = arith.constant 0 : i32
        %dma_start3A_332 = arith.constant 0 : i32
        %dma_start3A_333 = tpu.memref_slice %arg5[%dma_start3A_331, %dma_start3A_332] : memref<1000000x16xi32, #tpu.memory_space<hbm>> -> memref<1000000x16xi32, #tpu.memory_space<hbm>>
        tpu.enqueue_indirect_dma source(%dma_start3A_333 : memref<1000000x16xi32, #tpu.memory_space<hbm>>) target(%dma_start3A_327 : memref<50x16xi32, #tpu.memory_space<vmem>>) offsets(%dma_start3A_330 : memref<50xi32, #tpu.memory_space<vmem>>) semaphore(%arg21 : memref<!tpu.dma_semaphore, #tpu.memory_space<semaphore_mem>>)
        %mul3A_334 = arith.constant 16 : i32
        %mul3A_335 = arith.muli %add3A_255, %mul3A_334 : i32
        %add3A_336 = arith.constant 6 : i32
        %add3A_337 = arith.addi %mul3A_335, %add3A_336 : i32
        %dma_start3A_338 = arith.constant 300 : i32
        %dma_start3A_339 = arith.constant 0 : i32
        %dma_start3A_340 = tpu.memref_slice %arg13[%dma_start3A_338, %dma_start3A_339] : memref<800x16xi32, #tpu.memory_space<vmem>> -> memref<50x16xi32, #tpu.memory_space<vmem>>
        %dma_start3A_341 = arith.constant 0 : i32
        %dma_start3A_342 = tpu.memref_slice %arg11[%add3A_337, %dma_start3A_341] : memref<512x50xi32, #tpu.memory_space<vmem>> -> memref<1x50xi32, #tpu.memory_space<vmem>>
        %dma_start3A_343 = tpu.memref_squeeze %dma_start3A_342 : memref<1x50xi32, #tpu.memory_space<vmem>> -> memref<50xi32, #tpu.memory_space<vmem>>
        %dma_start3A_344 = arith.constant 0 : i32
        %dma_start3A_345 = arith.constant 0 : i32
        %dma_start3A_346 = tpu.memref_slice %arg5[%dma_start3A_344, %dma_start3A_345] : memref<1000000x16xi32, #tpu.memory_space<hbm>> -> memref<1000000x16xi32, #tpu.memory_space<hbm>>
        tpu.enqueue_indirect_dma source(%dma_start3A_346 : memref<1000000x16xi32, #tpu.memory_space<hbm>>) target(%dma_start3A_340 : memref<50x16xi32, #tpu.memory_space<vmem>>) offsets(%dma_start3A_343 : memref<50xi32, #tpu.memory_space<vmem>>) semaphore(%arg21 : memref<!tpu.dma_semaphore, #tpu.memory_space<semaphore_mem>>)
        %mul3A_347 = arith.constant 16 : i32
        %mul3A_348 = arith.muli %add3A_255, %mul3A_347 : i32
        %add3A_349 = arith.constant 7 : i32
        %add3A_350 = arith.addi %mul3A_348, %add3A_349 : i32
        %dma_start3A_351 = arith.constant 350 : i32
        %dma_start3A_352 = arith.constant 0 : i32
        %dma_start3A_353 = tpu.memref_slice %arg13[%dma_start3A_351, %dma_start3A_352] : memref<800x16xi32, #tpu.memory_space<vmem>> -> memref<50x16xi32, #tpu.memory_space<vmem>>
        %dma_start3A_354 = arith.constant 0 : i32
        %dma_start3A_355 = tpu.memref_slice %arg11[%add3A_350, %dma_start3A_354] : memref<512x50xi32, #tpu.memory_space<vmem>> -> memref<1x50xi32, #tpu.memory_space<vmem>>
        %dma_start3A_356 = tpu.memref_squeeze %dma_start3A_355 : memref<1x50xi32, #tpu.memory_space<vmem>> -> memref<50xi32, #tpu.memory_space<vmem>>
        %dma_start3A_357 = arith.constant 0 : i32
        %dma_start3A_358 = arith.constant 0 : i32
        %dma_start3A_359 = tpu.memref_slice %arg5[%dma_start3A_357, %dma_start3A_358] : memref<1000000x16xi32, #tpu.memory_space<hbm>> -> memref<1000000x16xi32, #tpu.memory_space<hbm>>
        tpu.enqueue_indirect_dma source(%dma_start3A_359 : memref<1000000x16xi32, #tpu.memory_space<hbm>>) target(%dma_start3A_353 : memref<50x16xi32, #tpu.memory_space<vmem>>) offsets(%dma_start3A_356 : memref<50xi32, #tpu.memory_space<vmem>>) semaphore(%arg21 : memref<!tpu.dma_semaphore, #tpu.memory_space<semaphore_mem>>)
        %mul3A_360 = arith.constant 16 : i32
        %mul3A_361 = arith.muli %add3A_255, %mul3A_360 : i32
        %add3A_362 = arith.constant 8 : i32
        %add3A_363 = arith.addi %mul3A_361, %add3A_362 : i32
        %dma_start3A_364 = arith.constant 400 : i32
        %dma_start3A_365 = arith.constant 0 : i32
        %dma_start3A_366 = tpu.memref_slice %arg13[%dma_start3A_364, %dma_start3A_365] : memref<800x16xi32, #tpu.memory_space<vmem>> -> memref<50x16xi32, #tpu.memory_space<vmem>>
        %dma_start3A_367 = arith.constant 0 : i32
        %dma_start3A_368 = tpu.memref_slice %arg11[%add3A_363, %dma_start3A_367] : memref<512x50xi32, #tpu.memory_space<vmem>> -> memref<1x50xi32, #tpu.memory_space<vmem>>
        %dma_start3A_369 = tpu.memref_squeeze %dma_start3A_368 : memref<1x50xi32, #tpu.memory_space<vmem>> -> memref<50xi32, #tpu.memory_space<vmem>>
        %dma_start3A_370 = arith.constant 0 : i32
        %dma_start3A_371 = arith.constant 0 : i32
        %dma_start3A_372 = tpu.memref_slice %arg5[%dma_start3A_370, %dma_start3A_371] : memref<1000000x16xi32, #tpu.memory_space<hbm>> -> memref<1000000x16xi32, #tpu.memory_space<hbm>>
        tpu.enqueue_indirect_dma source(%dma_start3A_372 : memref<1000000x16xi32, #tpu.memory_space<hbm>>) target(%dma_start3A_366 : memref<50x16xi32, #tpu.memory_space<vmem>>) offsets(%dma_start3A_369 : memref<50xi32, #tpu.memory_space<vmem>>) semaphore(%arg21 : memref<!tpu.dma_semaphore, #tpu.memory_space<semaphore_mem>>)
        %mul3A_373 = arith.constant 16 : i32
        %mul3A_374 = arith.muli %add3A_255, %mul3A_373 : i32
        %add3A_375 = arith.constant 9 : i32
        %add3A_376 = arith.addi %mul3A_374, %add3A_375 : i32
        %dma_start3A_377 = arith.constant 450 : i32
        %dma_start3A_378 = arith.constant 0 : i32
        %dma_start3A_379 = tpu.memref_slice %arg13[%dma_start3A_377, %dma_start3A_378] : memref<800x16xi32, #tpu.memory_space<vmem>> -> memref<50x16xi32, #tpu.memory_space<vmem>>
        %dma_start3A_380 = arith.constant 0 : i32
        %dma_start3A_381 = tpu.memref_slice %arg11[%add3A_376, %dma_start3A_380] : memref<512x50xi32, #tpu.memory_space<vmem>> -> memref<1x50xi32, #tpu.memory_space<vmem>>
        %dma_start3A_382 = tpu.memref_squeeze %dma_start3A_381 : memref<1x50xi32, #tpu.memory_space<vmem>> -> memref<50xi32, #tpu.memory_space<vmem>>
        %dma_start3A_383 = arith.constant 0 : i32
        %dma_start3A_384 = arith.constant 0 : i32
        %dma_start3A_385 = tpu.memref_slice %arg5[%dma_start3A_383, %dma_start3A_384] : memref<1000000x16xi32, #tpu.memory_space<hbm>> -> memref<1000000x16xi32, #tpu.memory_space<hbm>>
        tpu.enqueue_indirect_dma source(%dma_start3A_385 : memref<1000000x16xi32, #tpu.memory_space<hbm>>) target(%dma_start3A_379 : memref<50x16xi32, #tpu.memory_space<vmem>>) offsets(%dma_start3A_382 : memref<50xi32, #tpu.memory_space<vmem>>) semaphore(%arg21 : memref<!tpu.dma_semaphore, #tpu.memory_space<semaphore_mem>>)
        %mul3A_386 = arith.constant 16 : i32
        %mul3A_387 = arith.muli %add3A_255, %mul3A_386 : i32
        %add3A_388 = arith.constant 10 : i32
        %add3A_389 = arith.addi %mul3A_387, %add3A_388 : i32
        %dma_start3A_390 = arith.constant 500 : i32
        %dma_start3A_391 = arith.constant 0 : i32
        %dma_start3A_392 = tpu.memref_slice %arg13[%dma_start3A_390, %dma_start3A_391] : memref<800x16xi32, #tpu.memory_space<vmem>> -> memref<50x16xi32, #tpu.memory_space<vmem>>
        %dma_start3A_393 = arith.constant 0 : i32
        %dma_start3A_394 = tpu.memref_slice %arg11[%add3A_389, %dma_start3A_393] : memref<512x50xi32, #tpu.memory_space<vmem>> -> memref<1x50xi32, #tpu.memory_space<vmem>>
        %dma_start3A_395 = tpu.memref_squeeze %dma_start3A_394 : memref<1x50xi32, #tpu.memory_space<vmem>> -> memref<50xi32, #tpu.memory_space<vmem>>
        %dma_start3A_396 = arith.constant 0 : i32
        %dma_start3A_397 = arith.constant 0 : i32
        %dma_start3A_398 = tpu.memref_slice %arg5[%dma_start3A_396, %dma_start3A_397] : memref<1000000x16xi32, #tpu.memory_space<hbm>> -> memref<1000000x16xi32, #tpu.memory_space<hbm>>
        tpu.enqueue_indirect_dma source(%dma_start3A_398 : memref<1000000x16xi32, #tpu.memory_space<hbm>>) target(%dma_start3A_392 : memref<50x16xi32, #tpu.memory_space<vmem>>) offsets(%dma_start3A_395 : memref<50xi32, #tpu.memory_space<vmem>>) semaphore(%arg21 : memref<!tpu.dma_semaphore, #tpu.memory_space<semaphore_mem>>)
        %mul3A_399 = arith.constant 16 : i32
        %mul3A_400 = arith.muli %add3A_255, %mul3A_399 : i32
        %add3A_401 = arith.constant 11 : i32
        %add3A_402 = arith.addi %mul3A_400, %add3A_401 : i32
        %dma_start3A_403 = arith.constant 550 : i32
        %dma_start3A_404 = arith.constant 0 : i32
        %dma_start3A_405 = tpu.memref_slice %arg13[%dma_start3A_403, %dma_start3A_404] : memref<800x16xi32, #tpu.memory_space<vmem>> -> memref<50x16xi32, #tpu.memory_space<vmem>>
        %dma_start3A_406 = arith.constant 0 : i32
        %dma_start3A_407 = tpu.memref_slice %arg11[%add3A_402, %dma_start3A_406] : memref<512x50xi32, #tpu.memory_space<vmem>> -> memref<1x50xi32, #tpu.memory_space<vmem>>
        %dma_start3A_408 = tpu.memref_squeeze %dma_start3A_407 : memref<1x50xi32, #tpu.memory_space<vmem>> -> memref<50xi32, #tpu.memory_space<vmem>>
        %dma_start3A_409 = arith.constant 0 : i32
        %dma_start3A_410 = arith.constant 0 : i32
        %dma_start3A_411 = tpu.memref_slice %arg5[%dma_start3A_409, %dma_start3A_410] : memref<1000000x16xi32, #tpu.memory_space<hbm>> -> memref<1000000x16xi32, #tpu.memory_space<hbm>>
        tpu.enqueue_indirect_dma source(%dma_start3A_411 : memref<1000000x16xi32, #tpu.memory_space<hbm>>) target(%dma_start3A_405 : memref<50x16xi32, #tpu.memory_space<vmem>>) offsets(%dma_start3A_408 : memref<50xi32, #tpu.memory_space<vmem>>) semaphore(%arg21 : memref<!tpu.dma_semaphore, #tpu.memory_space<semaphore_mem>>)
        %mul3A_412 = arith.constant 16 : i32
        %mul3A_413 = arith.muli %add3A_255, %mul3A_412 : i32
        %add3A_414 = arith.constant 12 : i32
        %add3A_415 = arith.addi %mul3A_413, %add3A_414 : i32
        %dma_start3A_416 = arith.constant 600 : i32
        %dma_start3A_417 = arith.constant 0 : i32
        %dma_start3A_418 = tpu.memref_slice %arg13[%dma_start3A_416, %dma_start3A_417] : memref<800x16xi32, #tpu.memory_space<vmem>> -> memref<50x16xi32, #tpu.memory_space<vmem>>
        %dma_start3A_419 = arith.constant 0 : i32
        %dma_start3A_420 = tpu.memref_slice %arg11[%add3A_415, %dma_start3A_419] : memref<512x50xi32, #tpu.memory_space<vmem>> -> memref<1x50xi32, #tpu.memory_space<vmem>>
        %dma_start3A_421 = tpu.memref_squeeze %dma_start3A_420 : memref<1x50xi32, #tpu.memory_space<vmem>> -> memref<50xi32, #tpu.memory_space<vmem>>
        %dma_start3A_422 = arith.constant 0 : i32
        %dma_start3A_423 = arith.constant 0 : i32
        %dma_start3A_424 = tpu.memref_slice %arg5[%dma_start3A_422, %dma_start3A_423] : memref<1000000x16xi32, #tpu.memory_space<hbm>> -> memref<1000000x16xi32, #tpu.memory_space<hbm>>
        tpu.enqueue_indirect_dma source(%dma_start3A_424 : memref<1000000x16xi32, #tpu.memory_space<hbm>>) target(%dma_start3A_418 : memref<50x16xi32, #tpu.memory_space<vmem>>) offsets(%dma_start3A_421 : memref<50xi32, #tpu.memory_space<vmem>>) semaphore(%arg21 : memref<!tpu.dma_semaphore, #tpu.memory_space<semaphore_mem>>)
        %mul3A_425 = arith.constant 16 : i32
        %mul3A_426 = arith.muli %add3A_255, %mul3A_425 : i32
        %add3A_427 = arith.constant 13 : i32
        %add3A_428 = arith.addi %mul3A_426, %add3A_427 : i32
        %dma_start3A_429 = arith.constant 650 : i32
        %dma_start3A_430 = arith.constant 0 : i32
        %dma_start3A_431 = tpu.memref_slice %arg13[%dma_start3A_429, %dma_start3A_430] : memref<800x16xi32, #tpu.memory_space<vmem>> -> memref<50x16xi32, #tpu.memory_space<vmem>>
        %dma_start3A_432 = arith.constant 0 : i32
        %dma_start3A_433 = tpu.memref_slice %arg11[%add3A_428, %dma_start3A_432] : memref<512x50xi32, #tpu.memory_space<vmem>> -> memref<1x50xi32, #tpu.memory_space<vmem>>
        %dma_start3A_434 = tpu.memref_squeeze %dma_start3A_433 : memref<1x50xi32, #tpu.memory_space<vmem>> -> memref<50xi32, #tpu.memory_space<vmem>>
        %dma_start3A_435 = arith.constant 0 : i32
        %dma_start3A_436 = arith.constant 0 : i32
        %dma_start3A_437 = tpu.memref_slice %arg5[%dma_start3A_435, %dma_start3A_436] : memref<1000000x16xi32, #tpu.memory_space<hbm>> -> memref<1000000x16xi32, #tpu.memory_space<hbm>>
        tpu.enqueue_indirect_dma source(%dma_start3A_437 : memref<1000000x16xi32, #tpu.memory_space<hbm>>) target(%dma_start3A_431 : memref<50x16xi32, #tpu.memory_space<vmem>>) offsets(%dma_start3A_434 : memref<50xi32, #tpu.memory_space<vmem>>) semaphore(%arg21 : memref<!tpu.dma_semaphore, #tpu.memory_space<semaphore_mem>>)
        %mul3A_438 = arith.constant 16 : i32
        %mul3A_439 = arith.muli %add3A_255, %mul3A_438 : i32
        %add3A_440 = arith.constant 14 : i32
        %add3A_441 = arith.addi %mul3A_439, %add3A_440 : i32
        %dma_start3A_442 = arith.constant 700 : i32
        %dma_start3A_443 = arith.constant 0 : i32
        %dma_start3A_444 = tpu.memref_slice %arg13[%dma_start3A_442, %dma_start3A_443] : memref<800x16xi32, #tpu.memory_space<vmem>> -> memref<50x16xi32, #tpu.memory_space<vmem>>
        %dma_start3A_445 = arith.constant 0 : i32
        %dma_start3A_446 = tpu.memref_slice %arg11[%add3A_441, %dma_start3A_445] : memref<512x50xi32, #tpu.memory_space<vmem>> -> memref<1x50xi32, #tpu.memory_space<vmem>>
        %dma_start3A_447 = tpu.memref_squeeze %dma_start3A_446 : memref<1x50xi32, #tpu.memory_space<vmem>> -> memref<50xi32, #tpu.memory_space<vmem>>
        %dma_start3A_448 = arith.constant 0 : i32
        %dma_start3A_449 = arith.constant 0 : i32
        %dma_start3A_450 = tpu.memref_slice %arg5[%dma_start3A_448, %dma_start3A_449] : memref<1000000x16xi32, #tpu.memory_space<hbm>> -> memref<1000000x16xi32, #tpu.memory_space<hbm>>
        tpu.enqueue_indirect_dma source(%dma_start3A_450 : memref<1000000x16xi32, #tpu.memory_space<hbm>>) target(%dma_start3A_444 : memref<50x16xi32, #tpu.memory_space<vmem>>) offsets(%dma_start3A_447 : memref<50xi32, #tpu.memory_space<vmem>>) semaphore(%arg21 : memref<!tpu.dma_semaphore, #tpu.memory_space<semaphore_mem>>)
        %mul3A_451 = arith.constant 16 : i32
        %mul3A_452 = arith.muli %add3A_255, %mul3A_451 : i32
        %add3A_453 = arith.constant 15 : i32
        %add3A_454 = arith.addi %mul3A_452, %add3A_453 : i32
        %dma_start3A_455 = arith.constant 750 : i32
        %dma_start3A_456 = arith.constant 0 : i32
        %dma_start3A_457 = tpu.memref_slice %arg13[%dma_start3A_455, %dma_start3A_456] : memref<800x16xi32, #tpu.memory_space<vmem>> -> memref<50x16xi32, #tpu.memory_space<vmem>>
        %dma_start3A_458 = arith.constant 0 : i32
        %dma_start3A_459 = tpu.memref_slice %arg11[%add3A_454, %dma_start3A_458] : memref<512x50xi32, #tpu.memory_space<vmem>> -> memref<1x50xi32, #tpu.memory_space<vmem>>
        %dma_start3A_460 = tpu.memref_squeeze %dma_start3A_459 : memref<1x50xi32, #tpu.memory_space<vmem>> -> memref<50xi32, #tpu.memory_space<vmem>>
        %dma_start3A_461 = arith.constant 0 : i32
        %dma_start3A_462 = arith.constant 0 : i32
        %dma_start3A_463 = tpu.memref_slice %arg5[%dma_start3A_461, %dma_start3A_462] : memref<1000000x16xi32, #tpu.memory_space<hbm>> -> memref<1000000x16xi32, #tpu.memory_space<hbm>>
        tpu.enqueue_indirect_dma source(%dma_start3A_463 : memref<1000000x16xi32, #tpu.memory_space<hbm>>) target(%dma_start3A_457 : memref<50x16xi32, #tpu.memory_space<vmem>>) offsets(%dma_start3A_460 : memref<50xi32, #tpu.memory_space<vmem>>) semaphore(%arg21 : memref<!tpu.dma_semaphore, #tpu.memory_space<semaphore_mem>>)
        %mul3A_464 = arith.constant 2 : i32
        %mul3A_465 = arith.muli %mul3A_464, %scan3A_40 : i32
        %add3A_466 = arith.constant 0 : i32
        %add3A_467 = arith.addi %mul3A_465, %add3A_466 : i32
        %dma_wait3A_468 = arith.constant 0 : i32
        %dma_wait3A_469 = arith.constant 0 : i32
        %dma_wait3A_470 = tpu.memref_slice %arg12[%dma_wait3A_468, %dma_wait3A_469] : memref<800x16xi32, #tpu.memory_space<vmem>> -> memref<50x16xi32, #tpu.memory_space<vmem>>
        %dma_wait3A_471 = arith.constant 0 : i32
        %dma_wait3A_472 = tpu.memref_slice %arg11[%add3A_48, %dma_wait3A_471] : memref<512x50xi32, #tpu.memory_space<vmem>> -> memref<1x50xi32, #tpu.memory_space<vmem>>
        %dma_wait3A_473 = tpu.memref_squeeze %dma_wait3A_472 : memref<1x50xi32, #tpu.memory_space<vmem>> -> memref<50xi32, #tpu.memory_space<vmem>>
        %dma_wait3A_474 = arith.constant 0 : i32
        %dma_wait3A_475 = arith.constant 0 : i32
        %dma_wait3A_476 = tpu.memref_slice %arg5[%dma_wait3A_474, %dma_wait3A_475] : memref<1000000x16xi32, #tpu.memory_space<hbm>> -> memref<1000000x16xi32, #tpu.memory_space<hbm>>
        tpu.wait_indirect_dma semaphore(%arg20 : memref<!tpu.dma_semaphore, #tpu.memory_space<semaphore_mem>>) src(%dma_wait3A_476 : memref<1000000x16xi32, #tpu.memory_space<hbm>>) dst(%dma_wait3A_470 : memref<50x16xi32, #tpu.memory_space<vmem>>)
        %dma_wait3A_477 = arith.constant 50 : i32
        %dma_wait3A_478 = arith.constant 0 : i32
        %dma_wait3A_479 = tpu.memref_slice %arg12[%dma_wait3A_477, %dma_wait3A_478] : memref<800x16xi32, #tpu.memory_space<vmem>> -> memref<50x16xi32, #tpu.memory_space<vmem>>
        %dma_wait3A_480 = arith.constant 0 : i32
        %dma_wait3A_481 = tpu.memref_slice %arg11[%add3A_60, %dma_wait3A_480] : memref<512x50xi32, #tpu.memory_space<vmem>> -> memref<1x50xi32, #tpu.memory_space<vmem>>
        %dma_wait3A_482 = tpu.memref_squeeze %dma_wait3A_481 : memref<1x50xi32, #tpu.memory_space<vmem>> -> memref<50xi32, #tpu.memory_space<vmem>>
        %dma_wait3A_483 = arith.constant 0 : i32
        %dma_wait3A_484 = arith.constant 0 : i32
        %dma_wait3A_485 = tpu.memref_slice %arg5[%dma_wait3A_483, %dma_wait3A_484] : memref<1000000x16xi32, #tpu.memory_space<hbm>> -> memref<1000000x16xi32, #tpu.memory_space<hbm>>
        tpu.wait_indirect_dma semaphore(%arg20 : memref<!tpu.dma_semaphore, #tpu.memory_space<semaphore_mem>>) src(%dma_wait3A_485 : memref<1000000x16xi32, #tpu.memory_space<hbm>>) dst(%dma_wait3A_479 : memref<50x16xi32, #tpu.memory_space<vmem>>)
        %dma_wait3A_486 = arith.constant 100 : i32
        %dma_wait3A_487 = arith.constant 0 : i32
        %dma_wait3A_488 = tpu.memref_slice %arg12[%dma_wait3A_486, %dma_wait3A_487] : memref<800x16xi32, #tpu.memory_space<vmem>> -> memref<50x16xi32, #tpu.memory_space<vmem>>
        %dma_wait3A_489 = arith.constant 0 : i32
        %dma_wait3A_490 = tpu.memref_slice %arg11[%add3A_73, %dma_wait3A_489] : memref<512x50xi32, #tpu.memory_space<vmem>> -> memref<1x50xi32, #tpu.memory_space<vmem>>
        %dma_wait3A_491 = tpu.memref_squeeze %dma_wait3A_490 : memref<1x50xi32, #tpu.memory_space<vmem>> -> memref<50xi32, #tpu.memory_space<vmem>>
        %dma_wait3A_492 = arith.constant 0 : i32
        %dma_wait3A_493 = arith.constant 0 : i32
        %dma_wait3A_494 = tpu.memref_slice %arg5[%dma_wait3A_492, %dma_wait3A_493] : memref<1000000x16xi32, #tpu.memory_space<hbm>> -> memref<1000000x16xi32, #tpu.memory_space<hbm>>
        tpu.wait_indirect_dma semaphore(%arg20 : memref<!tpu.dma_semaphore, #tpu.memory_space<semaphore_mem>>) src(%dma_wait3A_494 : memref<1000000x16xi32, #tpu.memory_space<hbm>>) dst(%dma_wait3A_488 : memref<50x16xi32, #tpu.memory_space<vmem>>)
        %dma_wait3A_495 = arith.constant 150 : i32
        %dma_wait3A_496 = arith.constant 0 : i32
        %dma_wait3A_497 = tpu.memref_slice %arg12[%dma_wait3A_495, %dma_wait3A_496] : memref<800x16xi32, #tpu.memory_space<vmem>> -> memref<50x16xi32, #tpu.memory_space<vmem>>
        %dma_wait3A_498 = arith.constant 0 : i32
        %dma_wait3A_499 = tpu.memref_slice %arg11[%add3A_86, %dma_wait3A_498] : memref<512x50xi32, #tpu.memory_space<vmem>> -> memref<1x50xi32, #tpu.memory_space<vmem>>
        %dma_wait3A_500 = tpu.memref_squeeze %dma_wait3A_499 : memref<1x50xi32, #tpu.memory_space<vmem>> -> memref<50xi32, #tpu.memory_space<vmem>>
        %dma_wait3A_501 = arith.constant 0 : i32
        %dma_wait3A_502 = arith.constant 0 : i32
        %dma_wait3A_503 = tpu.memref_slice %arg5[%dma_wait3A_501, %dma_wait3A_502] : memref<1000000x16xi32, #tpu.memory_space<hbm>> -> memref<1000000x16xi32, #tpu.memory_space<hbm>>
        tpu.wait_indirect_dma semaphore(%arg20 : memref<!tpu.dma_semaphore, #tpu.memory_space<semaphore_mem>>) src(%dma_wait3A_503 : memref<1000000x16xi32, #tpu.memory_space<hbm>>) dst(%dma_wait3A_497 : memref<50x16xi32, #tpu.memory_space<vmem>>)
        %dma_wait3A_504 = arith.constant 200 : i32
        %dma_wait3A_505 = arith.constant 0 : i32
        %dma_wait3A_506 = tpu.memref_slice %arg12[%dma_wait3A_504, %dma_wait3A_505] : memref<800x16xi32, #tpu.memory_space<vmem>> -> memref<50x16xi32, #tpu.memory_space<vmem>>
        %dma_wait3A_507 = arith.constant 0 : i32
        %dma_wait3A_508 = tpu.memref_slice %arg11[%add3A_99, %dma_wait3A_507] : memref<512x50xi32, #tpu.memory_space<vmem>> -> memref<1x50xi32, #tpu.memory_space<vmem>>
        %dma_wait3A_509 = tpu.memref_squeeze %dma_wait3A_508 : memref<1x50xi32, #tpu.memory_space<vmem>> -> memref<50xi32, #tpu.memory_space<vmem>>
        %dma_wait3A_510 = arith.constant 0 : i32
        %dma_wait3A_511 = arith.constant 0 : i32
        %dma_wait3A_512 = tpu.memref_slice %arg5[%dma_wait3A_510, %dma_wait3A_511] : memref<1000000x16xi32, #tpu.memory_space<hbm>> -> memref<1000000x16xi32, #tpu.memory_space<hbm>>
        tpu.wait_indirect_dma semaphore(%arg20 : memref<!tpu.dma_semaphore, #tpu.memory_space<semaphore_mem>>) src(%dma_wait3A_512 : memref<1000000x16xi32, #tpu.memory_space<hbm>>) dst(%dma_wait3A_506 : memref<50x16xi32, #tpu.memory_space<vmem>>)
        %dma_wait3A_513 = arith.constant 250 : i32
        %dma_wait3A_514 = arith.constant 0 : i32
        %dma_wait3A_515 = tpu.memref_slice %arg12[%dma_wait3A_513, %dma_wait3A_514] : memref<800x16xi32, #tpu.memory_space<vmem>> -> memref<50x16xi32, #tpu.memory_space<vmem>>
        %dma_wait3A_516 = arith.constant 0 : i32
        %dma_wait3A_517 = tpu.memref_slice %arg11[%add3A_112, %dma_wait3A_516] : memref<512x50xi32, #tpu.memory_space<vmem>> -> memref<1x50xi32, #tpu.memory_space<vmem>>
        %dma_wait3A_518 = tpu.memref_squeeze %dma_wait3A_517 : memref<1x50xi32, #tpu.memory_space<vmem>> -> memref<50xi32, #tpu.memory_space<vmem>>
        %dma_wait3A_519 = arith.constant 0 : i32
        %dma_wait3A_520 = arith.constant 0 : i32
        %dma_wait3A_521 = tpu.memref_slice %arg5[%dma_wait3A_519, %dma_wait3A_520] : memref<1000000x16xi32, #tpu.memory_space<hbm>> -> memref<1000000x16xi32, #tpu.memory_space<hbm>>
        tpu.wait_indirect_dma semaphore(%arg20 : memref<!tpu.dma_semaphore, #tpu.memory_space<semaphore_mem>>) src(%dma_wait3A_521 : memref<1000000x16xi32, #tpu.memory_space<hbm>>) dst(%dma_wait3A_515 : memref<50x16xi32, #tpu.memory_space<vmem>>)
        %dma_wait3A_522 = arith.constant 300 : i32
        %dma_wait3A_523 = arith.constant 0 : i32
        %dma_wait3A_524 = tpu.memref_slice %arg12[%dma_wait3A_522, %dma_wait3A_523] : memref<800x16xi32, #tpu.memory_space<vmem>> -> memref<50x16xi32, #tpu.memory_space<vmem>>
        %dma_wait3A_525 = arith.constant 0 : i32
        %dma_wait3A_526 = tpu.memref_slice %arg11[%add3A_125, %dma_wait3A_525] : memref<512x50xi32, #tpu.memory_space<vmem>> -> memref<1x50xi32, #tpu.memory_space<vmem>>
        %dma_wait3A_527 = tpu.memref_squeeze %dma_wait3A_526 : memref<1x50xi32, #tpu.memory_space<vmem>> -> memref<50xi32, #tpu.memory_space<vmem>>
        %dma_wait3A_528 = arith.constant 0 : i32
        %dma_wait3A_529 = arith.constant 0 : i32
        %dma_wait3A_530 = tpu.memref_slice %arg5[%dma_wait3A_528, %dma_wait3A_529] : memref<1000000x16xi32, #tpu.memory_space<hbm>> -> memref<1000000x16xi32, #tpu.memory_space<hbm>>
        tpu.wait_indirect_dma semaphore(%arg20 : memref<!tpu.dma_semaphore, #tpu.memory_space<semaphore_mem>>) src(%dma_wait3A_530 : memref<1000000x16xi32, #tpu.memory_space<hbm>>) dst(%dma_wait3A_524 : memref<50x16xi32, #tpu.memory_space<vmem>>)
        %dma_wait3A_531 = arith.constant 350 : i32
        %dma_wait3A_532 = arith.constant 0 : i32
        %dma_wait3A_533 = tpu.memref_slice %arg12[%dma_wait3A_531, %dma_wait3A_532] : memref<800x16xi32, #tpu.memory_space<vmem>> -> memref<50x16xi32, #tpu.memory_space<vmem>>
        %dma_wait3A_534 = arith.constant 0 : i32
        %dma_wait3A_535 = tpu.memref_slice %arg11[%add3A_138, %dma_wait3A_534] : memref<512x50xi32, #tpu.memory_space<vmem>> -> memref<1x50xi32, #tpu.memory_space<vmem>>
        %dma_wait3A_536 = tpu.memref_squeeze %dma_wait3A_535 : memref<1x50xi32, #tpu.memory_space<vmem>> -> memref<50xi32, #tpu.memory_space<vmem>>
        %dma_wait3A_537 = arith.constant 0 : i32
        %dma_wait3A_538 = arith.constant 0 : i32
        %dma_wait3A_539 = tpu.memref_slice %arg5[%dma_wait3A_537, %dma_wait3A_538] : memref<1000000x16xi32, #tpu.memory_space<hbm>> -> memref<1000000x16xi32, #tpu.memory_space<hbm>>
        tpu.wait_indirect_dma semaphore(%arg20 : memref<!tpu.dma_semaphore, #tpu.memory_space<semaphore_mem>>) src(%dma_wait3A_539 : memref<1000000x16xi32, #tpu.memory_space<hbm>>) dst(%dma_wait3A_533 : memref<50x16xi32, #tpu.memory_space<vmem>>)
        %dma_wait3A_540 = arith.constant 400 : i32
        %dma_wait3A_541 = arith.constant 0 : i32
        %dma_wait3A_542 = tpu.memref_slice %arg12[%dma_wait3A_540, %dma_wait3A_541] : memref<800x16xi32, #tpu.memory_space<vmem>> -> memref<50x16xi32, #tpu.memory_space<vmem>>
        %dma_wait3A_543 = arith.constant 0 : i32
        %dma_wait3A_544 = tpu.memref_slice %arg11[%add3A_151, %dma_wait3A_543] : memref<512x50xi32, #tpu.memory_space<vmem>> -> memref<1x50xi32, #tpu.memory_space<vmem>>
        %dma_wait3A_545 = tpu.memref_squeeze %dma_wait3A_544 : memref<1x50xi32, #tpu.memory_space<vmem>> -> memref<50xi32, #tpu.memory_space<vmem>>
        %dma_wait3A_546 = arith.constant 0 : i32
        %dma_wait3A_547 = arith.constant 0 : i32
        %dma_wait3A_548 = tpu.memref_slice %arg5[%dma_wait3A_546, %dma_wait3A_547] : memref<1000000x16xi32, #tpu.memory_space<hbm>> -> memref<1000000x16xi32, #tpu.memory_space<hbm>>
        tpu.wait_indirect_dma semaphore(%arg20 : memref<!tpu.dma_semaphore, #tpu.memory_space<semaphore_mem>>) src(%dma_wait3A_548 : memref<1000000x16xi32, #tpu.memory_space<hbm>>) dst(%dma_wait3A_542 : memref<50x16xi32, #tpu.memory_space<vmem>>)
        %dma_wait3A_549 = arith.constant 450 : i32
        %dma_wait3A_550 = arith.constant 0 : i32
        %dma_wait3A_551 = tpu.memref_slice %arg12[%dma_wait3A_549, %dma_wait3A_550] : memref<800x16xi32, #tpu.memory_space<vmem>> -> memref<50x16xi32, #tpu.memory_space<vmem>>
        %dma_wait3A_552 = arith.constant 0 : i32
        %dma_wait3A_553 = tpu.memref_slice %arg11[%add3A_164, %dma_wait3A_552] : memref<512x50xi32, #tpu.memory_space<vmem>> -> memref<1x50xi32, #tpu.memory_space<vmem>>
        %dma_wait3A_554 = tpu.memref_squeeze %dma_wait3A_553 : memref<1x50xi32, #tpu.memory_space<vmem>> -> memref<50xi32, #tpu.memory_space<vmem>>
        %dma_wait3A_555 = arith.constant 0 : i32
        %dma_wait3A_556 = arith.constant 0 : i32
        %dma_wait3A_557 = tpu.memref_slice %arg5[%dma_wait3A_555, %dma_wait3A_556] : memref<1000000x16xi32, #tpu.memory_space<hbm>> -> memref<1000000x16xi32, #tpu.memory_space<hbm>>
        tpu.wait_indirect_dma semaphore(%arg20 : memref<!tpu.dma_semaphore, #tpu.memory_space<semaphore_mem>>) src(%dma_wait3A_557 : memref<1000000x16xi32, #tpu.memory_space<hbm>>) dst(%dma_wait3A_551 : memref<50x16xi32, #tpu.memory_space<vmem>>)
        %dma_wait3A_558 = arith.constant 500 : i32
        %dma_wait3A_559 = arith.constant 0 : i32
        %dma_wait3A_560 = tpu.memref_slice %arg12[%dma_wait3A_558, %dma_wait3A_559] : memref<800x16xi32, #tpu.memory_space<vmem>> -> memref<50x16xi32, #tpu.memory_space<vmem>>
        %dma_wait3A_561 = arith.constant 0 : i32
        %dma_wait3A_562 = tpu.memref_slice %arg11[%add3A_177, %dma_wait3A_561] : memref<512x50xi32, #tpu.memory_space<vmem>> -> memref<1x50xi32, #tpu.memory_space<vmem>>
        %dma_wait3A_563 = tpu.memref_squeeze %dma_wait3A_562 : memref<1x50xi32, #tpu.memory_space<vmem>> -> memref<50xi32, #tpu.memory_space<vmem>>
        %dma_wait3A_564 = arith.constant 0 : i32
        %dma_wait3A_565 = arith.constant 0 : i32
        %dma_wait3A_566 = tpu.memref_slice %arg5[%dma_wait3A_564, %dma_wait3A_565] : memref<1000000x16xi32, #tpu.memory_space<hbm>> -> memref<1000000x16xi32, #tpu.memory_space<hbm>>
        tpu.wait_indirect_dma semaphore(%arg20 : memref<!tpu.dma_semaphore, #tpu.memory_space<semaphore_mem>>) src(%dma_wait3A_566 : memref<1000000x16xi32, #tpu.memory_space<hbm>>) dst(%dma_wait3A_560 : memref<50x16xi32, #tpu.memory_space<vmem>>)
        %dma_wait3A_567 = arith.constant 550 : i32
        %dma_wait3A_568 = arith.constant 0 : i32
        %dma_wait3A_569 = tpu.memref_slice %arg12[%dma_wait3A_567, %dma_wait3A_568] : memref<800x16xi32, #tpu.memory_space<vmem>> -> memref<50x16xi32, #tpu.memory_space<vmem>>
        %dma_wait3A_570 = arith.constant 0 : i32
        %dma_wait3A_571 = tpu.memref_slice %arg11[%add3A_190, %dma_wait3A_570] : memref<512x50xi32, #tpu.memory_space<vmem>> -> memref<1x50xi32, #tpu.memory_space<vmem>>
        %dma_wait3A_572 = tpu.memref_squeeze %dma_wait3A_571 : memref<1x50xi32, #tpu.memory_space<vmem>> -> memref<50xi32, #tpu.memory_space<vmem>>
        %dma_wait3A_573 = arith.constant 0 : i32
        %dma_wait3A_574 = arith.constant 0 : i32
        %dma_wait3A_575 = tpu.memref_slice %arg5[%dma_wait3A_573, %dma_wait3A_574] : memref<1000000x16xi32, #tpu.memory_space<hbm>> -> memref<1000000x16xi32, #tpu.memory_space<hbm>>
        tpu.wait_indirect_dma semaphore(%arg20 : memref<!tpu.dma_semaphore, #tpu.memory_space<semaphore_mem>>) src(%dma_wait3A_575 : memref<1000000x16xi32, #tpu.memory_space<hbm>>) dst(%dma_wait3A_569 : memref<50x16xi32, #tpu.memory_space<vmem>>)
        %dma_wait3A_576 = arith.constant 600 : i32
        %dma_wait3A_577 = arith.constant 0 : i32
        %dma_wait3A_578 = tpu.memref_slice %arg12[%dma_wait3A_576, %dma_wait3A_577] : memref<800x16xi32, #tpu.memory_space<vmem>> -> memref<50x16xi32, #tpu.memory_space<vmem>>
        %dma_wait3A_579 = arith.constant 0 : i32
        %dma_wait3A_580 = tpu.memref_slice %arg11[%add3A_203, %dma_wait3A_579] : memref<512x50xi32, #tpu.memory_space<vmem>> -> memref<1x50xi32, #tpu.memory_space<vmem>>
        %dma_wait3A_581 = tpu.memref_squeeze %dma_wait3A_580 : memref<1x50xi32, #tpu.memory_space<vmem>> -> memref<50xi32, #tpu.memory_space<vmem>>
        %dma_wait3A_582 = arith.constant 0 : i32
        %dma_wait3A_583 = arith.constant 0 : i32
        %dma_wait3A_584 = tpu.memref_slice %arg5[%dma_wait3A_582, %dma_wait3A_583] : memref<1000000x16xi32, #tpu.memory_space<hbm>> -> memref<1000000x16xi32, #tpu.memory_space<hbm>>
        tpu.wait_indirect_dma semaphore(%arg20 : memref<!tpu.dma_semaphore, #tpu.memory_space<semaphore_mem>>) src(%dma_wait3A_584 : memref<1000000x16xi32, #tpu.memory_space<hbm>>) dst(%dma_wait3A_578 : memref<50x16xi32, #tpu.memory_space<vmem>>)
        %dma_wait3A_585 = arith.constant 650 : i32
        %dma_wait3A_586 = arith.constant 0 : i32
        %dma_wait3A_587 = tpu.memref_slice %arg12[%dma_wait3A_585, %dma_wait3A_586] : memref<800x16xi32, #tpu.memory_space<vmem>> -> memref<50x16xi32, #tpu.memory_space<vmem>>
        %dma_wait3A_588 = arith.constant 0 : i32
        %dma_wait3A_589 = tpu.memref_slice %arg11[%add3A_216, %dma_wait3A_588] : memref<512x50xi32, #tpu.memory_space<vmem>> -> memref<1x50xi32, #tpu.memory_space<vmem>>
        %dma_wait3A_590 = tpu.memref_squeeze %dma_wait3A_589 : memref<1x50xi32, #tpu.memory_space<vmem>> -> memref<50xi32, #tpu.memory_space<vmem>>
        %dma_wait3A_591 = arith.constant 0 : i32
        %dma_wait3A_592 = arith.constant 0 : i32
        %dma_wait3A_593 = tpu.memref_slice %arg5[%dma_wait3A_591, %dma_wait3A_592] : memref<1000000x16xi32, #tpu.memory_space<hbm>> -> memref<1000000x16xi32, #tpu.memory_space<hbm>>
        tpu.wait_indirect_dma semaphore(%arg20 : memref<!tpu.dma_semaphore, #tpu.memory_space<semaphore_mem>>) src(%dma_wait3A_593 : memref<1000000x16xi32, #tpu.memory_space<hbm>>) dst(%dma_wait3A_587 : memref<50x16xi32, #tpu.memory_space<vmem>>)
        %dma_wait3A_594 = arith.constant 700 : i32
        %dma_wait3A_595 = arith.constant 0 : i32
        %dma_wait3A_596 = tpu.memref_slice %arg12[%dma_wait3A_594, %dma_wait3A_595] : memref<800x16xi32, #tpu.memory_space<vmem>> -> memref<50x16xi32, #tpu.memory_space<vmem>>
        %dma_wait3A_597 = arith.constant 0 : i32
        %dma_wait3A_598 = tpu.memref_slice %arg11[%add3A_229, %dma_wait3A_597] : memref<512x50xi32, #tpu.memory_space<vmem>> -> memref<1x50xi32, #tpu.memory_space<vmem>>
        %dma_wait3A_599 = tpu.memref_squeeze %dma_wait3A_598 : memref<1x50xi32, #tpu.memory_space<vmem>> -> memref<50xi32, #tpu.memory_space<vmem>>
        %dma_wait3A_600 = arith.constant 0 : i32
        %dma_wait3A_601 = arith.constant 0 : i32
        %dma_wait3A_602 = tpu.memref_slice %arg5[%dma_wait3A_600, %dma_wait3A_601] : memref<1000000x16xi32, #tpu.memory_space<hbm>> -> memref<1000000x16xi32, #tpu.memory_space<hbm>>
        tpu.wait_indirect_dma semaphore(%arg20 : memref<!tpu.dma_semaphore, #tpu.memory_space<semaphore_mem>>) src(%dma_wait3A_602 : memref<1000000x16xi32, #tpu.memory_space<hbm>>) dst(%dma_wait3A_596 : memref<50x16xi32, #tpu.memory_space<vmem>>)
        %dma_wait3A_603 = arith.constant 750 : i32
        %dma_wait3A_604 = arith.constant 0 : i32
        %dma_wait3A_605 = tpu.memref_slice %arg12[%dma_wait3A_603, %dma_wait3A_604] : memref<800x16xi32, #tpu.memory_space<vmem>> -> memref<50x16xi32, #tpu.memory_space<vmem>>
        %dma_wait3A_606 = arith.constant 0 : i32
        %dma_wait3A_607 = tpu.memref_slice %arg11[%add3A_242, %dma_wait3A_606] : memref<512x50xi32, #tpu.memory_space<vmem>> -> memref<1x50xi32, #tpu.memory_space<vmem>>
        %dma_wait3A_608 = tpu.memref_squeeze %dma_wait3A_607 : memref<1x50xi32, #tpu.memory_space<vmem>> -> memref<50xi32, #tpu.memory_space<vmem>>
        %dma_wait3A_609 = arith.constant 0 : i32
        %dma_wait3A_610 = arith.constant 0 : i32
        %dma_wait3A_611 = tpu.memref_slice %arg5[%dma_wait3A_609, %dma_wait3A_610] : memref<1000000x16xi32, #tpu.memory_space<hbm>> -> memref<1000000x16xi32, #tpu.memory_space<hbm>>
        tpu.wait_indirect_dma semaphore(%arg20 : memref<!tpu.dma_semaphore, #tpu.memory_space<semaphore_mem>>) src(%dma_wait3A_611 : memref<1000000x16xi32, #tpu.memory_space<hbm>>) dst(%dma_wait3A_605 : memref<50x16xi32, #tpu.memory_space<vmem>>)
        %ge3A = arith.constant 1 : i32
        %ge3A_612 = arith.cmpi sge, %scan3A_40, %ge3A : i32
        %convert_element_type3A_613 = arith.extui %ge3A_612 : i1 to i32
        %cond3A_614 = arith.constant 0 : i32
        %cond3A_615 = arith.cmpi ne, %convert_element_type3A_613, %cond3A_614 : i32
        scf.if %cond3A_615 {
          %dma_wait3A_803 = arith.constant 0 : i32
          %dma_wait3A_804 = arith.constant 0 : i32
          %dma_wait3A_805 = arith.constant 0 : i32
          %dma_wait3A_806 = tpu.memref_slice %arg4[%dma_wait3A_803, %dma_wait3A_804, %dma_wait3A_805] : memref<16384x50x32xbf16, #tpu.memory_space<hbm>> -> memref<16x50x32xbf16, #tpu.memory_space<hbm>>
          %dma_wait3A_807 = arith.constant 0 : i32
          %dma_wait3A_808 = arith.constant 0 : i32
          %dma_wait3A_809 = arith.constant 0 : i32
          %dma_wait3A_810 = tpu.memref_slice %arg4[%dma_wait3A_807, %dma_wait3A_808, %dma_wait3A_809] : memref<16384x50x32xbf16, #tpu.memory_space<hbm>> -> memref<16x50x32xbf16, #tpu.memory_space<hbm>>
          tpu.wait_dma2 semaphore(%arg22 : memref<!tpu.dma_semaphore, #tpu.memory_space<semaphore_mem>>) src(%arg14 : memref<16x50x32xbf16, #tpu.memory_space<vmem>>) dst(%dma_wait3A_810 : memref<16x50x32xbf16, #tpu.memory_space<hbm>>)
        } else {
        }
        %scan3A_616 = arith.constant 0 : i32
        %scan3A_617 = arith.constant 0 : i32
        %scan3A_618 = arith.constant 16 : i32
        %scan3A_619 = arith.addi %scan3A_617, %scan3A_618 : i32
        %scan3A_620 = arith.constant 1 : i32
        scf.for %scan3A_803 = %scan3A_617 to %scan3A_619 step %scan3A_620  : i32 {
          %mul3A_804 = arith.constant 50 : i32
          %mul3A_805 = arith.muli %scan3A_803, %mul3A_804 : i32
          %scan3A_806 = arith.constant 0 : i32
          %scan3A_807 = arith.constant 0 : i32
          %scan3A_808 = arith.constant 10 : i32
          %scan3A_809 = arith.addi %scan3A_807, %scan3A_808 : i32
          %scan3A_810 = arith.constant 1 : i32
          scf.for %scan3A_812 = %scan3A_807 to %scan3A_809 step %scan3A_810  : i32 {
            %mul3A_813 = arith.constant 5 : i32
            %mul3A_814 = arith.muli %scan3A_812, %mul3A_813 : i32
            %add3A_815 = arith.addi %mul3A_805, %mul3A_814 : i32
            %add3A_816 = arith.constant 0 : i32
            %add3A_817 = arith.addi %add3A_815, %add3A_816 : i32
            %get3A = arith.index_cast %add3A_817 : i32 to index
            %get3A_818 = arith.constant 0 : index
            %get3A_819 = tpu.vector_load %arg12[%get3A, %get3A_818] {strides = array<i32>} : memref<800x16xi32, #tpu.memory_space<vmem>>, vector<16xi32>,
            %bitcast3A = vector.bitcast %get3A_819 : vector<16xi32> to vector<32xbf16>
            %add3A_820 = arith.constant 0 : i32
            %add3A_821 = arith.addi %mul3A_814, %add3A_820 : i32
            %swap3A = arith.index_cast %scan3A_803 : i32 to index
            %swap3A_822 = arith.index_cast %add3A_821 : i32 to index
            %swap3A_823 = arith.constant 0 : index
            %swap3A_824 = tpu.vector_load %arg14[%swap3A, %swap3A_822, %swap3A_823] {strides = array<i32>} : memref<16x50x32xbf16, #tpu.memory_space<vmem>>, vector<32xbf16>,
            tpu.vector_store %arg14[%swap3A, %swap3A_822, %swap3A_823], %bitcast3A {strides = array<i32>} : memref<16x50x32xbf16, #tpu.memory_space<vmem>>, vector<32xbf16>,
            %add3A_825 = arith.addi %mul3A_805, %mul3A_814 : i32
            %add3A_826 = arith.constant 1 : i32
            %add3A_827 = arith.addi %add3A_825, %add3A_826 : i32
            %get3A_828 = arith.index_cast %add3A_827 : i32 to index
            %get3A_829 = arith.constant 0 : index
            %get3A_830 = tpu.vector_load %arg12[%get3A_828, %get3A_829] {strides = array<i32>} : memref<800x16xi32, #tpu.memory_space<vmem>>, vector<16xi32>,
            %bitcast3A_831 = vector.bitcast %get3A_830 : vector<16xi32> to vector<32xbf16>
            %add3A_832 = arith.constant 1 : i32
            %add3A_833 = arith.addi %mul3A_814, %add3A_832 : i32
            %swap3A_834 = arith.index_cast %scan3A_803 : i32 to index
            %swap3A_835 = arith.index_cast %add3A_833 : i32 to index
            %swap3A_836 = arith.constant 0 : index
            %swap3A_837 = tpu.vector_load %arg14[%swap3A_834, %swap3A_835, %swap3A_836] {strides = array<i32>} : memref<16x50x32xbf16, #tpu.memory_space<vmem>>, vector<32xbf16>,
            tpu.vector_store %arg14[%swap3A_834, %swap3A_835, %swap3A_836], %bitcast3A_831 {strides = array<i32>} : memref<16x50x32xbf16, #tpu.memory_space<vmem>>, vector<32xbf16>,
            %add3A_838 = arith.addi %mul3A_805, %mul3A_814 : i32
            %add3A_839 = arith.constant 2 : i32
            %add3A_840 = arith.addi %add3A_838, %add3A_839 : i32
            %get3A_841 = arith.index_cast %add3A_840 : i32 to index
            %get3A_842 = arith.constant 0 : index
            %get3A_843 = tpu.vector_load %arg12[%get3A_841, %get3A_842] {strides = array<i32>} : memref<800x16xi32, #tpu.memory_space<vmem>>, vector<16xi32>,
            %bitcast3A_844 = vector.bitcast %get3A_843 : vector<16xi32> to vector<32xbf16>
            %add3A_845 = arith.constant 2 : i32
            %add3A_846 = arith.addi %mul3A_814, %add3A_845 : i32
            %swap3A_847 = arith.index_cast %scan3A_803 : i32 to index
            %swap3A_848 = arith.index_cast %add3A_846 : i32 to index
            %swap3A_849 = arith.constant 0 : index
            %swap3A_850 = tpu.vector_load %arg14[%swap3A_847, %swap3A_848, %swap3A_849] {strides = array<i32>} : memref<16x50x32xbf16, #tpu.memory_space<vmem>>, vector<32xbf16>,
            tpu.vector_store %arg14[%swap3A_847, %swap3A_848, %swap3A_849], %bitcast3A_844 {strides = array<i32>} : memref<16x50x32xbf16, #tpu.memory_space<vmem>>, vector<32xbf16>,
            %add3A_851 = arith.addi %mul3A_805, %mul3A_814 : i32
            %add3A_852 = arith.constant 3 : i32
            %add3A_853 = arith.addi %add3A_851, %add3A_852 : i32
            %get3A_854 = arith.index_cast %add3A_853 : i32 to index
            %get3A_855 = arith.constant 0 : index
            %get3A_856 = tpu.vector_load %arg12[%get3A_854, %get3A_855] {strides = array<i32>} : memref<800x16xi32, #tpu.memory_space<vmem>>, vector<16xi32>,
            %bitcast3A_857 = vector.bitcast %get3A_856 : vector<16xi32> to vector<32xbf16>
            %add3A_858 = arith.constant 3 : i32
            %add3A_859 = arith.addi %mul3A_814, %add3A_858 : i32
            %swap3A_860 = arith.index_cast %scan3A_803 : i32 to index
            %swap3A_861 = arith.index_cast %add3A_859 : i32 to index
            %swap3A_862 = arith.constant 0 : index
            %swap3A_863 = tpu.vector_load %arg14[%swap3A_860, %swap3A_861, %swap3A_862] {strides = array<i32>} : memref<16x50x32xbf16, #tpu.memory_space<vmem>>, vector<32xbf16>,
            tpu.vector_store %arg14[%swap3A_860, %swap3A_861, %swap3A_862], %bitcast3A_857 {strides = array<i32>} : memref<16x50x32xbf16, #tpu.memory_space<vmem>>, vector<32xbf16>,
            %add3A_864 = arith.addi %mul3A_805, %mul3A_814 : i32
            %add3A_865 = arith.constant 4 : i32
            %add3A_866 = arith.addi %add3A_864, %add3A_865 : i32
            %get3A_867 = arith.index_cast %add3A_866 : i32 to index
            %get3A_868 = arith.constant 0 : index
            %get3A_869 = tpu.vector_load %arg12[%get3A_867, %get3A_868] {strides = array<i32>} : memref<800x16xi32, #tpu.memory_space<vmem>>, vector<16xi32>,
            %bitcast3A_870 = vector.bitcast %get3A_869 : vector<16xi32> to vector<32xbf16>
            %add3A_871 = arith.constant 4 : i32
            %add3A_872 = arith.addi %mul3A_814, %add3A_871 : i32
            %swap3A_873 = arith.index_cast %scan3A_803 : i32 to index
            %swap3A_874 = arith.index_cast %add3A_872 : i32 to index
            %swap3A_875 = arith.constant 0 : index
            %swap3A_876 = tpu.vector_load %arg14[%swap3A_873, %swap3A_874, %swap3A_875] {strides = array<i32>} : memref<16x50x32xbf16, #tpu.memory_space<vmem>>, vector<32xbf16>,
            tpu.vector_store %arg14[%swap3A_873, %swap3A_874, %swap3A_875], %bitcast3A_870 {strides = array<i32>} : memref<16x50x32xbf16, #tpu.memory_space<vmem>>, vector<32xbf16>,
          }
          %scan3A_811 = arith.constant 10 : i32
        }
        %scan3A_621 = arith.constant 16 : i32
        %mul3A_622 = arith.constant 32 : i32
        %mul3A_623 = arith.muli %add3A, %mul3A_622 : i32
        %add3A_624 = arith.addi %mul3A_623, %add3A_467 : i32
        %mul3A_625 = arith.constant 16 : i32
        %mul3A_626 = arith.muli %add3A_624, %mul3A_625 : i32
        %dma_start3A_627 = arith.constant 0 : i32
        %dma_start3A_628 = arith.constant 0 : i32
        %dma_start3A_629 = tpu.memref_slice %arg4[%mul3A_626, %dma_start3A_627, %dma_start3A_628] : memref<16384x50x32xbf16, #tpu.memory_space<hbm>> -> memref<16x50x32xbf16, #tpu.memory_space<hbm>>
        %dma_start3A_630 = arith.constant 0 : i32
        %dma_start3A_631 = arith.constant 0 : i32
        %dma_start3A_632 = tpu.memref_slice %arg4[%mul3A_626, %dma_start3A_630, %dma_start3A_631] : memref<16384x50x32xbf16, #tpu.memory_space<hbm>> -> memref<16x50x32xbf16, #tpu.memory_space<hbm>>
        tpu.enqueue_dma source(%arg14 : memref<16x50x32xbf16, #tpu.memory_space<vmem>>) target(%dma_start3A_632 : memref<16x50x32xbf16, #tpu.memory_space<hbm>>) target_semaphore(%arg22 : memref<!tpu.dma_semaphore, #tpu.memory_space<semaphore_mem>>)
        %mul3A_633 = arith.constant 2 : i32
        %mul3A_634 = arith.muli %mul3A_633, %scan3A_40 : i32
        %add3A_635 = arith.constant 1 : i32
        %add3A_636 = arith.addi %mul3A_634, %add3A_635 : i32
        %dma_wait3A_637 = arith.constant 0 : i32
        %dma_wait3A_638 = arith.constant 0 : i32
        %dma_wait3A_639 = tpu.memref_slice %arg13[%dma_wait3A_637, %dma_wait3A_638] : memref<800x16xi32, #tpu.memory_space<vmem>> -> memref<50x16xi32, #tpu.memory_space<vmem>>
        %dma_wait3A_640 = arith.constant 0 : i32
        %dma_wait3A_641 = tpu.memref_slice %arg11[%add3A_259, %dma_wait3A_640] : memref<512x50xi32, #tpu.memory_space<vmem>> -> memref<1x50xi32, #tpu.memory_space<vmem>>
        %dma_wait3A_642 = tpu.memref_squeeze %dma_wait3A_641 : memref<1x50xi32, #tpu.memory_space<vmem>> -> memref<50xi32, #tpu.memory_space<vmem>>
        %dma_wait3A_643 = arith.constant 0 : i32
        %dma_wait3A_644 = arith.constant 0 : i32
        %dma_wait3A_645 = tpu.memref_slice %arg5[%dma_wait3A_643, %dma_wait3A_644] : memref<1000000x16xi32, #tpu.memory_space<hbm>> -> memref<1000000x16xi32, #tpu.memory_space<hbm>>
        tpu.wait_indirect_dma semaphore(%arg21 : memref<!tpu.dma_semaphore, #tpu.memory_space<semaphore_mem>>) src(%dma_wait3A_645 : memref<1000000x16xi32, #tpu.memory_space<hbm>>) dst(%dma_wait3A_639 : memref<50x16xi32, #tpu.memory_space<vmem>>)
        %dma_wait3A_646 = arith.constant 50 : i32
        %dma_wait3A_647 = arith.constant 0 : i32
        %dma_wait3A_648 = tpu.memref_slice %arg13[%dma_wait3A_646, %dma_wait3A_647] : memref<800x16xi32, #tpu.memory_space<vmem>> -> memref<50x16xi32, #tpu.memory_space<vmem>>
        %dma_wait3A_649 = arith.constant 0 : i32
        %dma_wait3A_650 = tpu.memref_slice %arg11[%add3A_272, %dma_wait3A_649] : memref<512x50xi32, #tpu.memory_space<vmem>> -> memref<1x50xi32, #tpu.memory_space<vmem>>
        %dma_wait3A_651 = tpu.memref_squeeze %dma_wait3A_650 : memref<1x50xi32, #tpu.memory_space<vmem>> -> memref<50xi32, #tpu.memory_space<vmem>>
        %dma_wait3A_652 = arith.constant 0 : i32
        %dma_wait3A_653 = arith.constant 0 : i32
        %dma_wait3A_654 = tpu.memref_slice %arg5[%dma_wait3A_652, %dma_wait3A_653] : memref<1000000x16xi32, #tpu.memory_space<hbm>> -> memref<1000000x16xi32, #tpu.memory_space<hbm>>
        tpu.wait_indirect_dma semaphore(%arg21 : memref<!tpu.dma_semaphore, #tpu.memory_space<semaphore_mem>>) src(%dma_wait3A_654 : memref<1000000x16xi32, #tpu.memory_space<hbm>>) dst(%dma_wait3A_648 : memref<50x16xi32, #tpu.memory_space<vmem>>)
        %dma_wait3A_655 = arith.constant 100 : i32
        %dma_wait3A_656 = arith.constant 0 : i32
        %dma_wait3A_657 = tpu.memref_slice %arg13[%dma_wait3A_655, %dma_wait3A_656] : memref<800x16xi32, #tpu.memory_space<vmem>> -> memref<50x16xi32, #tpu.memory_space<vmem>>
        %dma_wait3A_658 = arith.constant 0 : i32
        %dma_wait3A_659 = tpu.memref_slice %arg11[%add3A_285, %dma_wait3A_658] : memref<512x50xi32, #tpu.memory_space<vmem>> -> memref<1x50xi32, #tpu.memory_space<vmem>>
        %dma_wait3A_660 = tpu.memref_squeeze %dma_wait3A_659 : memref<1x50xi32, #tpu.memory_space<vmem>> -> memref<50xi32, #tpu.memory_space<vmem>>
        %dma_wait3A_661 = arith.constant 0 : i32
        %dma_wait3A_662 = arith.constant 0 : i32
        %dma_wait3A_663 = tpu.memref_slice %arg5[%dma_wait3A_661, %dma_wait3A_662] : memref<1000000x16xi32, #tpu.memory_space<hbm>> -> memref<1000000x16xi32, #tpu.memory_space<hbm>>
        tpu.wait_indirect_dma semaphore(%arg21 : memref<!tpu.dma_semaphore, #tpu.memory_space<semaphore_mem>>) src(%dma_wait3A_663 : memref<1000000x16xi32, #tpu.memory_space<hbm>>) dst(%dma_wait3A_657 : memref<50x16xi32, #tpu.memory_space<vmem>>)
        %dma_wait3A_664 = arith.constant 150 : i32
        %dma_wait3A_665 = arith.constant 0 : i32
        %dma_wait3A_666 = tpu.memref_slice %arg13[%dma_wait3A_664, %dma_wait3A_665] : memref<800x16xi32, #tpu.memory_space<vmem>> -> memref<50x16xi32, #tpu.memory_space<vmem>>
        %dma_wait3A_667 = arith.constant 0 : i32
        %dma_wait3A_668 = tpu.memref_slice %arg11[%add3A_298, %dma_wait3A_667] : memref<512x50xi32, #tpu.memory_space<vmem>> -> memref<1x50xi32, #tpu.memory_space<vmem>>
        %dma_wait3A_669 = tpu.memref_squeeze %dma_wait3A_668 : memref<1x50xi32, #tpu.memory_space<vmem>> -> memref<50xi32, #tpu.memory_space<vmem>>
        %dma_wait3A_670 = arith.constant 0 : i32
        %dma_wait3A_671 = arith.constant 0 : i32
        %dma_wait3A_672 = tpu.memref_slice %arg5[%dma_wait3A_670, %dma_wait3A_671] : memref<1000000x16xi32, #tpu.memory_space<hbm>> -> memref<1000000x16xi32, #tpu.memory_space<hbm>>
        tpu.wait_indirect_dma semaphore(%arg21 : memref<!tpu.dma_semaphore, #tpu.memory_space<semaphore_mem>>) src(%dma_wait3A_672 : memref<1000000x16xi32, #tpu.memory_space<hbm>>) dst(%dma_wait3A_666 : memref<50x16xi32, #tpu.memory_space<vmem>>)
        %dma_wait3A_673 = arith.constant 200 : i32
        %dma_wait3A_674 = arith.constant 0 : i32
        %dma_wait3A_675 = tpu.memref_slice %arg13[%dma_wait3A_673, %dma_wait3A_674] : memref<800x16xi32, #tpu.memory_space<vmem>> -> memref<50x16xi32, #tpu.memory_space<vmem>>
        %dma_wait3A_676 = arith.constant 0 : i32
        %dma_wait3A_677 = tpu.memref_slice %arg11[%add3A_311, %dma_wait3A_676] : memref<512x50xi32, #tpu.memory_space<vmem>> -> memref<1x50xi32, #tpu.memory_space<vmem>>
        %dma_wait3A_678 = tpu.memref_squeeze %dma_wait3A_677 : memref<1x50xi32, #tpu.memory_space<vmem>> -> memref<50xi32, #tpu.memory_space<vmem>>
        %dma_wait3A_679 = arith.constant 0 : i32
        %dma_wait3A_680 = arith.constant 0 : i32
        %dma_wait3A_681 = tpu.memref_slice %arg5[%dma_wait3A_679, %dma_wait3A_680] : memref<1000000x16xi32, #tpu.memory_space<hbm>> -> memref<1000000x16xi32, #tpu.memory_space<hbm>>
        tpu.wait_indirect_dma semaphore(%arg21 : memref<!tpu.dma_semaphore, #tpu.memory_space<semaphore_mem>>) src(%dma_wait3A_681 : memref<1000000x16xi32, #tpu.memory_space<hbm>>) dst(%dma_wait3A_675 : memref<50x16xi32, #tpu.memory_space<vmem>>)
        %dma_wait3A_682 = arith.constant 250 : i32
        %dma_wait3A_683 = arith.constant 0 : i32
        %dma_wait3A_684 = tpu.memref_slice %arg13[%dma_wait3A_682, %dma_wait3A_683] : memref<800x16xi32, #tpu.memory_space<vmem>> -> memref<50x16xi32, #tpu.memory_space<vmem>>
        %dma_wait3A_685 = arith.constant 0 : i32
        %dma_wait3A_686 = tpu.memref_slice %arg11[%add3A_324, %dma_wait3A_685] : memref<512x50xi32, #tpu.memory_space<vmem>> -> memref<1x50xi32, #tpu.memory_space<vmem>>
        %dma_wait3A_687 = tpu.memref_squeeze %dma_wait3A_686 : memref<1x50xi32, #tpu.memory_space<vmem>> -> memref<50xi32, #tpu.memory_space<vmem>>
        %dma_wait3A_688 = arith.constant 0 : i32
        %dma_wait3A_689 = arith.constant 0 : i32
        %dma_wait3A_690 = tpu.memref_slice %arg5[%dma_wait3A_688, %dma_wait3A_689] : memref<1000000x16xi32, #tpu.memory_space<hbm>> -> memref<1000000x16xi32, #tpu.memory_space<hbm>>
        tpu.wait_indirect_dma semaphore(%arg21 : memref<!tpu.dma_semaphore, #tpu.memory_space<semaphore_mem>>) src(%dma_wait3A_690 : memref<1000000x16xi32, #tpu.memory_space<hbm>>) dst(%dma_wait3A_684 : memref<50x16xi32, #tpu.memory_space<vmem>>)
        %dma_wait3A_691 = arith.constant 300 : i32
        %dma_wait3A_692 = arith.constant 0 : i32
        %dma_wait3A_693 = tpu.memref_slice %arg13[%dma_wait3A_691, %dma_wait3A_692] : memref<800x16xi32, #tpu.memory_space<vmem>> -> memref<50x16xi32, #tpu.memory_space<vmem>>
        %dma_wait3A_694 = arith.constant 0 : i32
        %dma_wait3A_695 = tpu.memref_slice %arg11[%add3A_337, %dma_wait3A_694] : memref<512x50xi32, #tpu.memory_space<vmem>> -> memref<1x50xi32, #tpu.memory_space<vmem>>
        %dma_wait3A_696 = tpu.memref_squeeze %dma_wait3A_695 : memref<1x50xi32, #tpu.memory_space<vmem>> -> memref<50xi32, #tpu.memory_space<vmem>>
        %dma_wait3A_697 = arith.constant 0 : i32
        %dma_wait3A_698 = arith.constant 0 : i32
        %dma_wait3A_699 = tpu.memref_slice %arg5[%dma_wait3A_697, %dma_wait3A_698] : memref<1000000x16xi32, #tpu.memory_space<hbm>> -> memref<1000000x16xi32, #tpu.memory_space<hbm>>
        tpu.wait_indirect_dma semaphore(%arg21 : memref<!tpu.dma_semaphore, #tpu.memory_space<semaphore_mem>>) src(%dma_wait3A_699 : memref<1000000x16xi32, #tpu.memory_space<hbm>>) dst(%dma_wait3A_693 : memref<50x16xi32, #tpu.memory_space<vmem>>)
        %dma_wait3A_700 = arith.constant 350 : i32
        %dma_wait3A_701 = arith.constant 0 : i32
        %dma_wait3A_702 = tpu.memref_slice %arg13[%dma_wait3A_700, %dma_wait3A_701] : memref<800x16xi32, #tpu.memory_space<vmem>> -> memref<50x16xi32, #tpu.memory_space<vmem>>
        %dma_wait3A_703 = arith.constant 0 : i32
        %dma_wait3A_704 = tpu.memref_slice %arg11[%add3A_350, %dma_wait3A_703] : memref<512x50xi32, #tpu.memory_space<vmem>> -> memref<1x50xi32, #tpu.memory_space<vmem>>
        %dma_wait3A_705 = tpu.memref_squeeze %dma_wait3A_704 : memref<1x50xi32, #tpu.memory_space<vmem>> -> memref<50xi32, #tpu.memory_space<vmem>>
        %dma_wait3A_706 = arith.constant 0 : i32
        %dma_wait3A_707 = arith.constant 0 : i32
        %dma_wait3A_708 = tpu.memref_slice %arg5[%dma_wait3A_706, %dma_wait3A_707] : memref<1000000x16xi32, #tpu.memory_space<hbm>> -> memref<1000000x16xi32, #tpu.memory_space<hbm>>
        tpu.wait_indirect_dma semaphore(%arg21 : memref<!tpu.dma_semaphore, #tpu.memory_space<semaphore_mem>>) src(%dma_wait3A_708 : memref<1000000x16xi32, #tpu.memory_space<hbm>>) dst(%dma_wait3A_702 : memref<50x16xi32, #tpu.memory_space<vmem>>)
        %dma_wait3A_709 = arith.constant 400 : i32
        %dma_wait3A_710 = arith.constant 0 : i32
        %dma_wait3A_711 = tpu.memref_slice %arg13[%dma_wait3A_709, %dma_wait3A_710] : memref<800x16xi32, #tpu.memory_space<vmem>> -> memref<50x16xi32, #tpu.memory_space<vmem>>
        %dma_wait3A_712 = arith.constant 0 : i32
        %dma_wait3A_713 = tpu.memref_slice %arg11[%add3A_363, %dma_wait3A_712] : memref<512x50xi32, #tpu.memory_space<vmem>> -> memref<1x50xi32, #tpu.memory_space<vmem>>
        %dma_wait3A_714 = tpu.memref_squeeze %dma_wait3A_713 : memref<1x50xi32, #tpu.memory_space<vmem>> -> memref<50xi32, #tpu.memory_space<vmem>>
        %dma_wait3A_715 = arith.constant 0 : i32
        %dma_wait3A_716 = arith.constant 0 : i32
        %dma_wait3A_717 = tpu.memref_slice %arg5[%dma_wait3A_715, %dma_wait3A_716] : memref<1000000x16xi32, #tpu.memory_space<hbm>> -> memref<1000000x16xi32, #tpu.memory_space<hbm>>
        tpu.wait_indirect_dma semaphore(%arg21 : memref<!tpu.dma_semaphore, #tpu.memory_space<semaphore_mem>>) src(%dma_wait3A_717 : memref<1000000x16xi32, #tpu.memory_space<hbm>>) dst(%dma_wait3A_711 : memref<50x16xi32, #tpu.memory_space<vmem>>)
        %dma_wait3A_718 = arith.constant 450 : i32
        %dma_wait3A_719 = arith.constant 0 : i32
        %dma_wait3A_720 = tpu.memref_slice %arg13[%dma_wait3A_718, %dma_wait3A_719] : memref<800x16xi32, #tpu.memory_space<vmem>> -> memref<50x16xi32, #tpu.memory_space<vmem>>
        %dma_wait3A_721 = arith.constant 0 : i32
        %dma_wait3A_722 = tpu.memref_slice %arg11[%add3A_376, %dma_wait3A_721] : memref<512x50xi32, #tpu.memory_space<vmem>> -> memref<1x50xi32, #tpu.memory_space<vmem>>
        %dma_wait3A_723 = tpu.memref_squeeze %dma_wait3A_722 : memref<1x50xi32, #tpu.memory_space<vmem>> -> memref<50xi32, #tpu.memory_space<vmem>>
        %dma_wait3A_724 = arith.constant 0 : i32
        %dma_wait3A_725 = arith.constant 0 : i32
        %dma_wait3A_726 = tpu.memref_slice %arg5[%dma_wait3A_724, %dma_wait3A_725] : memref<1000000x16xi32, #tpu.memory_space<hbm>> -> memref<1000000x16xi32, #tpu.memory_space<hbm>>
        tpu.wait_indirect_dma semaphore(%arg21 : memref<!tpu.dma_semaphore, #tpu.memory_space<semaphore_mem>>) src(%dma_wait3A_726 : memref<1000000x16xi32, #tpu.memory_space<hbm>>) dst(%dma_wait3A_720 : memref<50x16xi32, #tpu.memory_space<vmem>>)
        %dma_wait3A_727 = arith.constant 500 : i32
        %dma_wait3A_728 = arith.constant 0 : i32
        %dma_wait3A_729 = tpu.memref_slice %arg13[%dma_wait3A_727, %dma_wait3A_728] : memref<800x16xi32, #tpu.memory_space<vmem>> -> memref<50x16xi32, #tpu.memory_space<vmem>>
        %dma_wait3A_730 = arith.constant 0 : i32
        %dma_wait3A_731 = tpu.memref_slice %arg11[%add3A_389, %dma_wait3A_730] : memref<512x50xi32, #tpu.memory_space<vmem>> -> memref<1x50xi32, #tpu.memory_space<vmem>>
        %dma_wait3A_732 = tpu.memref_squeeze %dma_wait3A_731 : memref<1x50xi32, #tpu.memory_space<vmem>> -> memref<50xi32, #tpu.memory_space<vmem>>
        %dma_wait3A_733 = arith.constant 0 : i32
        %dma_wait3A_734 = arith.constant 0 : i32
        %dma_wait3A_735 = tpu.memref_slice %arg5[%dma_wait3A_733, %dma_wait3A_734] : memref<1000000x16xi32, #tpu.memory_space<hbm>> -> memref<1000000x16xi32, #tpu.memory_space<hbm>>
        tpu.wait_indirect_dma semaphore(%arg21 : memref<!tpu.dma_semaphore, #tpu.memory_space<semaphore_mem>>) src(%dma_wait3A_735 : memref<1000000x16xi32, #tpu.memory_space<hbm>>) dst(%dma_wait3A_729 : memref<50x16xi32, #tpu.memory_space<vmem>>)
        %dma_wait3A_736 = arith.constant 550 : i32
        %dma_wait3A_737 = arith.constant 0 : i32
        %dma_wait3A_738 = tpu.memref_slice %arg13[%dma_wait3A_736, %dma_wait3A_737] : memref<800x16xi32, #tpu.memory_space<vmem>> -> memref<50x16xi32, #tpu.memory_space<vmem>>
        %dma_wait3A_739 = arith.constant 0 : i32
        %dma_wait3A_740 = tpu.memref_slice %arg11[%add3A_402, %dma_wait3A_739] : memref<512x50xi32, #tpu.memory_space<vmem>> -> memref<1x50xi32, #tpu.memory_space<vmem>>
        %dma_wait3A_741 = tpu.memref_squeeze %dma_wait3A_740 : memref<1x50xi32, #tpu.memory_space<vmem>> -> memref<50xi32, #tpu.memory_space<vmem>>
        %dma_wait3A_742 = arith.constant 0 : i32
        %dma_wait3A_743 = arith.constant 0 : i32
        %dma_wait3A_744 = tpu.memref_slice %arg5[%dma_wait3A_742, %dma_wait3A_743] : memref<1000000x16xi32, #tpu.memory_space<hbm>> -> memref<1000000x16xi32, #tpu.memory_space<hbm>>
        tpu.wait_indirect_dma semaphore(%arg21 : memref<!tpu.dma_semaphore, #tpu.memory_space<semaphore_mem>>) src(%dma_wait3A_744 : memref<1000000x16xi32, #tpu.memory_space<hbm>>) dst(%dma_wait3A_738 : memref<50x16xi32, #tpu.memory_space<vmem>>)
        %dma_wait3A_745 = arith.constant 600 : i32
        %dma_wait3A_746 = arith.constant 0 : i32
        %dma_wait3A_747 = tpu.memref_slice %arg13[%dma_wait3A_745, %dma_wait3A_746] : memref<800x16xi32, #tpu.memory_space<vmem>> -> memref<50x16xi32, #tpu.memory_space<vmem>>
        %dma_wait3A_748 = arith.constant 0 : i32
        %dma_wait3A_749 = tpu.memref_slice %arg11[%add3A_415, %dma_wait3A_748] : memref<512x50xi32, #tpu.memory_space<vmem>> -> memref<1x50xi32, #tpu.memory_space<vmem>>
        %dma_wait3A_750 = tpu.memref_squeeze %dma_wait3A_749 : memref<1x50xi32, #tpu.memory_space<vmem>> -> memref<50xi32, #tpu.memory_space<vmem>>
        %dma_wait3A_751 = arith.constant 0 : i32
        %dma_wait3A_752 = arith.constant 0 : i32
        %dma_wait3A_753 = tpu.memref_slice %arg5[%dma_wait3A_751, %dma_wait3A_752] : memref<1000000x16xi32, #tpu.memory_space<hbm>> -> memref<1000000x16xi32, #tpu.memory_space<hbm>>
        tpu.wait_indirect_dma semaphore(%arg21 : memref<!tpu.dma_semaphore, #tpu.memory_space<semaphore_mem>>) src(%dma_wait3A_753 : memref<1000000x16xi32, #tpu.memory_space<hbm>>) dst(%dma_wait3A_747 : memref<50x16xi32, #tpu.memory_space<vmem>>)
        %dma_wait3A_754 = arith.constant 650 : i32
        %dma_wait3A_755 = arith.constant 0 : i32
        %dma_wait3A_756 = tpu.memref_slice %arg13[%dma_wait3A_754, %dma_wait3A_755] : memref<800x16xi32, #tpu.memory_space<vmem>> -> memref<50x16xi32, #tpu.memory_space<vmem>>
        %dma_wait3A_757 = arith.constant 0 : i32
        %dma_wait3A_758 = tpu.memref_slice %arg11[%add3A_428, %dma_wait3A_757] : memref<512x50xi32, #tpu.memory_space<vmem>> -> memref<1x50xi32, #tpu.memory_space<vmem>>
        %dma_wait3A_759 = tpu.memref_squeeze %dma_wait3A_758 : memref<1x50xi32, #tpu.memory_space<vmem>> -> memref<50xi32, #tpu.memory_space<vmem>>
        %dma_wait3A_760 = arith.constant 0 : i32
        %dma_wait3A_761 = arith.constant 0 : i32
        %dma_wait3A_762 = tpu.memref_slice %arg5[%dma_wait3A_760, %dma_wait3A_761] : memref<1000000x16xi32, #tpu.memory_space<hbm>> -> memref<1000000x16xi32, #tpu.memory_space<hbm>>
        tpu.wait_indirect_dma semaphore(%arg21 : memref<!tpu.dma_semaphore, #tpu.memory_space<semaphore_mem>>) src(%dma_wait3A_762 : memref<1000000x16xi32, #tpu.memory_space<hbm>>) dst(%dma_wait3A_756 : memref<50x16xi32, #tpu.memory_space<vmem>>)
        %dma_wait3A_763 = arith.constant 700 : i32
        %dma_wait3A_764 = arith.constant 0 : i32
        %dma_wait3A_765 = tpu.memref_slice %arg13[%dma_wait3A_763, %dma_wait3A_764] : memref<800x16xi32, #tpu.memory_space<vmem>> -> memref<50x16xi32, #tpu.memory_space<vmem>>
        %dma_wait3A_766 = arith.constant 0 : i32
        %dma_wait3A_767 = tpu.memref_slice %arg11[%add3A_441, %dma_wait3A_766] : memref<512x50xi32, #tpu.memory_space<vmem>> -> memref<1x50xi32, #tpu.memory_space<vmem>>
        %dma_wait3A_768 = tpu.memref_squeeze %dma_wait3A_767 : memref<1x50xi32, #tpu.memory_space<vmem>> -> memref<50xi32, #tpu.memory_space<vmem>>
        %dma_wait3A_769 = arith.constant 0 : i32
        %dma_wait3A_770 = arith.constant 0 : i32
        %dma_wait3A_771 = tpu.memref_slice %arg5[%dma_wait3A_769, %dma_wait3A_770] : memref<1000000x16xi32, #tpu.memory_space<hbm>> -> memref<1000000x16xi32, #tpu.memory_space<hbm>>
        tpu.wait_indirect_dma semaphore(%arg21 : memref<!tpu.dma_semaphore, #tpu.memory_space<semaphore_mem>>) src(%dma_wait3A_771 : memref<1000000x16xi32, #tpu.memory_space<hbm>>) dst(%dma_wait3A_765 : memref<50x16xi32, #tpu.memory_space<vmem>>)
        %dma_wait3A_772 = arith.constant 750 : i32
        %dma_wait3A_773 = arith.constant 0 : i32
        %dma_wait3A_774 = tpu.memref_slice %arg13[%dma_wait3A_772, %dma_wait3A_773] : memref<800x16xi32, #tpu.memory_space<vmem>> -> memref<50x16xi32, #tpu.memory_space<vmem>>
        %dma_wait3A_775 = arith.constant 0 : i32
        %dma_wait3A_776 = tpu.memref_slice %arg11[%add3A_454, %dma_wait3A_775] : memref<512x50xi32, #tpu.memory_space<vmem>> -> memref<1x50xi32, #tpu.memory_space<vmem>>
        %dma_wait3A_777 = tpu.memref_squeeze %dma_wait3A_776 : memref<1x50xi32, #tpu.memory_space<vmem>> -> memref<50xi32, #tpu.memory_space<vmem>>
        %dma_wait3A_778 = arith.constant 0 : i32
        %dma_wait3A_779 = arith.constant 0 : i32
        %dma_wait3A_780 = tpu.memref_slice %arg5[%dma_wait3A_778, %dma_wait3A_779] : memref<1000000x16xi32, #tpu.memory_space<hbm>> -> memref<1000000x16xi32, #tpu.memory_space<hbm>>
        tpu.wait_indirect_dma semaphore(%arg21 : memref<!tpu.dma_semaphore, #tpu.memory_space<semaphore_mem>>) src(%dma_wait3A_780 : memref<1000000x16xi32, #tpu.memory_space<hbm>>) dst(%dma_wait3A_774 : memref<50x16xi32, #tpu.memory_space<vmem>>)
        %ge3A_781 = arith.constant 1 : i32
        %ge3A_782 = arith.cmpi sge, %scan3A_40, %ge3A_781 : i32
        %convert_element_type3A_783 = arith.extui %ge3A_782 : i1 to i32
        %cond3A_784 = arith.constant 0 : i32
        %cond3A_785 = arith.cmpi ne, %convert_element_type3A_783, %cond3A_784 : i32
        scf.if %cond3A_785 {
          %dma_wait3A_803 = arith.constant 0 : i32
          %dma_wait3A_804 = arith.constant 0 : i32
          %dma_wait3A_805 = arith.constant 0 : i32
          %dma_wait3A_806 = tpu.memref_slice %arg4[%dma_wait3A_803, %dma_wait3A_804, %dma_wait3A_805] : memref<16384x50x32xbf16, #tpu.memory_space<hbm>> -> memref<16x50x32xbf16, #tpu.memory_space<hbm>>
          %dma_wait3A_807 = arith.constant 0 : i32
          %dma_wait3A_808 = arith.constant 0 : i32
          %dma_wait3A_809 = arith.constant 0 : i32
          %dma_wait3A_810 = tpu.memref_slice %arg4[%dma_wait3A_807, %dma_wait3A_808, %dma_wait3A_809] : memref<16384x50x32xbf16, #tpu.memory_space<hbm>> -> memref<16x50x32xbf16, #tpu.memory_space<hbm>>
          tpu.wait_dma2 semaphore(%arg23 : memref<!tpu.dma_semaphore, #tpu.memory_space<semaphore_mem>>) src(%arg15 : memref<16x50x32xbf16, #tpu.memory_space<vmem>>) dst(%dma_wait3A_810 : memref<16x50x32xbf16, #tpu.memory_space<hbm>>)
        } else {
        }
        %scan3A_786 = arith.constant 0 : i32
        %scan3A_787 = arith.constant 0 : i32
        %scan3A_788 = arith.constant 16 : i32
        %scan3A_789 = arith.addi %scan3A_787, %scan3A_788 : i32
        %scan3A_790 = arith.constant 1 : i32
        scf.for %scan3A_803 = %scan3A_787 to %scan3A_789 step %scan3A_790  : i32 {
          %mul3A_804 = arith.constant 50 : i32
          %mul3A_805 = arith.muli %scan3A_803, %mul3A_804 : i32
          %scan3A_806 = arith.constant 0 : i32
          %scan3A_807 = arith.constant 0 : i32
          %scan3A_808 = arith.constant 10 : i32
          %scan3A_809 = arith.addi %scan3A_807, %scan3A_808 : i32
          %scan3A_810 = arith.constant 1 : i32
          scf.for %scan3A_812 = %scan3A_807 to %scan3A_809 step %scan3A_810  : i32 {
            %mul3A_813 = arith.constant 5 : i32
            %mul3A_814 = arith.muli %scan3A_812, %mul3A_813 : i32
            %add3A_815 = arith.addi %mul3A_805, %mul3A_814 : i32
            %add3A_816 = arith.constant 0 : i32
            %add3A_817 = arith.addi %add3A_815, %add3A_816 : i32
            %get3A = arith.index_cast %add3A_817 : i32 to index
            %get3A_818 = arith.constant 0 : index
            %get3A_819 = tpu.vector_load %arg13[%get3A, %get3A_818] {strides = array<i32>} : memref<800x16xi32, #tpu.memory_space<vmem>>, vector<16xi32>,
            %bitcast3A = vector.bitcast %get3A_819 : vector<16xi32> to vector<32xbf16>
            %add3A_820 = arith.constant 0 : i32
            %add3A_821 = arith.addi %mul3A_814, %add3A_820 : i32
            %swap3A = arith.index_cast %scan3A_803 : i32 to index
            %swap3A_822 = arith.index_cast %add3A_821 : i32 to index
            %swap3A_823 = arith.constant 0 : index
            %swap3A_824 = tpu.vector_load %arg15[%swap3A, %swap3A_822, %swap3A_823] {strides = array<i32>} : memref<16x50x32xbf16, #tpu.memory_space<vmem>>, vector<32xbf16>,
            tpu.vector_store %arg15[%swap3A, %swap3A_822, %swap3A_823], %bitcast3A {strides = array<i32>} : memref<16x50x32xbf16, #tpu.memory_space<vmem>>, vector<32xbf16>,
            %add3A_825 = arith.addi %mul3A_805, %mul3A_814 : i32
            %add3A_826 = arith.constant 1 : i32
            %add3A_827 = arith.addi %add3A_825, %add3A_826 : i32
            %get3A_828 = arith.index_cast %add3A_827 : i32 to index
            %get3A_829 = arith.constant 0 : index
            %get3A_830 = tpu.vector_load %arg13[%get3A_828, %get3A_829] {strides = array<i32>} : memref<800x16xi32, #tpu.memory_space<vmem>>, vector<16xi32>,
            %bitcast3A_831 = vector.bitcast %get3A_830 : vector<16xi32> to vector<32xbf16>
            %add3A_832 = arith.constant 1 : i32
            %add3A_833 = arith.addi %mul3A_814, %add3A_832 : i32
            %swap3A_834 = arith.index_cast %scan3A_803 : i32 to index
            %swap3A_835 = arith.index_cast %add3A_833 : i32 to index
            %swap3A_836 = arith.constant 0 : index
            %swap3A_837 = tpu.vector_load %arg15[%swap3A_834, %swap3A_835, %swap3A_836] {strides = array<i32>} : memref<16x50x32xbf16, #tpu.memory_space<vmem>>, vector<32xbf16>,
            tpu.vector_store %arg15[%swap3A_834, %swap3A_835, %swap3A_836], %bitcast3A_831 {strides = array<i32>} : memref<16x50x32xbf16, #tpu.memory_space<vmem>>, vector<32xbf16>,
            %add3A_838 = arith.addi %mul3A_805, %mul3A_814 : i32
            %add3A_839 = arith.constant 2 : i32
            %add3A_840 = arith.addi %add3A_838, %add3A_839 : i32
            %get3A_841 = arith.index_cast %add3A_840 : i32 to index
            %get3A_842 = arith.constant 0 : index
            %get3A_843 = tpu.vector_load %arg13[%get3A_841, %get3A_842] {strides = array<i32>} : memref<800x16xi32, #tpu.memory_space<vmem>>, vector<16xi32>,
            %bitcast3A_844 = vector.bitcast %get3A_843 : vector<16xi32> to vector<32xbf16>
            %add3A_845 = arith.constant 2 : i32
            %add3A_846 = arith.addi %mul3A_814, %add3A_845 : i32
            %swap3A_847 = arith.index_cast %scan3A_803 : i32 to index
            %swap3A_848 = arith.index_cast %add3A_846 : i32 to index
            %swap3A_849 = arith.constant 0 : index
            %swap3A_850 = tpu.vector_load %arg15[%swap3A_847, %swap3A_848, %swap3A_849] {strides = array<i32>} : memref<16x50x32xbf16, #tpu.memory_space<vmem>>, vector<32xbf16>,
            tpu.vector_store %arg15[%swap3A_847, %swap3A_848, %swap3A_849], %bitcast3A_844 {strides = array<i32>} : memref<16x50x32xbf16, #tpu.memory_space<vmem>>, vector<32xbf16>,
            %add3A_851 = arith.addi %mul3A_805, %mul3A_814 : i32
            %add3A_852 = arith.constant 3 : i32
            %add3A_853 = arith.addi %add3A_851, %add3A_852 : i32
            %get3A_854 = arith.index_cast %add3A_853 : i32 to index
            %get3A_855 = arith.constant 0 : index
            %get3A_856 = tpu.vector_load %arg13[%get3A_854, %get3A_855] {strides = array<i32>} : memref<800x16xi32, #tpu.memory_space<vmem>>, vector<16xi32>,
            %bitcast3A_857 = vector.bitcast %get3A_856 : vector<16xi32> to vector<32xbf16>
            %add3A_858 = arith.constant 3 : i32
            %add3A_859 = arith.addi %mul3A_814, %add3A_858 : i32
            %swap3A_860 = arith.index_cast %scan3A_803 : i32 to index
            %swap3A_861 = arith.index_cast %add3A_859 : i32 to index
            %swap3A_862 = arith.constant 0 : index
            %swap3A_863 = tpu.vector_load %arg15[%swap3A_860, %swap3A_861, %swap3A_862] {strides = array<i32>} : memref<16x50x32xbf16, #tpu.memory_space<vmem>>, vector<32xbf16>,
            tpu.vector_store %arg15[%swap3A_860, %swap3A_861, %swap3A_862], %bitcast3A_857 {strides = array<i32>} : memref<16x50x32xbf16, #tpu.memory_space<vmem>>, vector<32xbf16>,
            %add3A_864 = arith.addi %mul3A_805, %mul3A_814 : i32
            %add3A_865 = arith.constant 4 : i32
            %add3A_866 = arith.addi %add3A_864, %add3A_865 : i32
            %get3A_867 = arith.index_cast %add3A_866 : i32 to index
            %get3A_868 = arith.constant 0 : index
            %get3A_869 = tpu.vector_load %arg13[%get3A_867, %get3A_868] {strides = array<i32>} : memref<800x16xi32, #tpu.memory_space<vmem>>, vector<16xi32>,
            %bitcast3A_870 = vector.bitcast %get3A_869 : vector<16xi32> to vector<32xbf16>
            %add3A_871 = arith.constant 4 : i32
            %add3A_872 = arith.addi %mul3A_814, %add3A_871 : i32
            %swap3A_873 = arith.index_cast %scan3A_803 : i32 to index
            %swap3A_874 = arith.index_cast %add3A_872 : i32 to index
            %swap3A_875 = arith.constant 0 : index
            %swap3A_876 = tpu.vector_load %arg15[%swap3A_873, %swap3A_874, %swap3A_875] {strides = array<i32>} : memref<16x50x32xbf16, #tpu.memory_space<vmem>>, vector<32xbf16>,
            tpu.vector_store %arg15[%swap3A_873, %swap3A_874, %swap3A_875], %bitcast3A_870 {strides = array<i32>} : memref<16x50x32xbf16, #tpu.memory_space<vmem>>, vector<32xbf16>,
          }
          %scan3A_811 = arith.constant 10 : i32
        }
        %scan3A_791 = arith.constant 16 : i32
        %mul3A_792 = arith.constant 32 : i32
        %mul3A_793 = arith.muli %add3A, %mul3A_792 : i32
        %add3A_794 = arith.addi %mul3A_793, %add3A_636 : i32
        %mul3A_795 = arith.constant 16 : i32
        %mul3A_796 = arith.muli %add3A_794, %mul3A_795 : i32
        %dma_start3A_797 = arith.constant 0 : i32
        %dma_start3A_798 = arith.constant 0 : i32
        %dma_start3A_799 = tpu.memref_slice %arg4[%mul3A_796, %dma_start3A_797, %dma_start3A_798] : memref<16384x50x32xbf16, #tpu.memory_space<hbm>> -> memref<16x50x32xbf16, #tpu.memory_space<hbm>>
        %dma_start3A_800 = arith.constant 0 : i32
        %dma_start3A_801 = arith.constant 0 : i32
        %dma_start3A_802 = tpu.memref_slice %arg4[%mul3A_796, %dma_start3A_800, %dma_start3A_801] : memref<16384x50x32xbf16, #tpu.memory_space<hbm>> -> memref<16x50x32xbf16, #tpu.memory_space<hbm>>
        tpu.enqueue_dma source(%arg15 : memref<16x50x32xbf16, #tpu.memory_space<vmem>>) target(%dma_start3A_802 : memref<16x50x32xbf16, #tpu.memory_space<hbm>>) target_semaphore(%arg23 : memref<!tpu.dma_semaphore, #tpu.memory_space<semaphore_mem>>)
      }
      %scan3A_24 = arith.constant 16 : i32
      %dma_wait3A = arith.constant 0 : i32
      %dma_wait3A_25 = arith.constant 0 : i32
      %dma_wait3A_26 = arith.constant 0 : i32
      %dma_wait3A_27 = tpu.memref_slice %arg4[%dma_wait3A, %dma_wait3A_25, %dma_wait3A_26] : memref<16384x50x32xbf16, #tpu.memory_space<hbm>> -> memref<16x50x32xbf16, #tpu.memory_space<hbm>>
      %dma_wait3A_28 = arith.constant 0 : i32
      %dma_wait3A_29 = arith.constant 0 : i32
      %dma_wait3A_30 = arith.constant 0 : i32
      %dma_wait3A_31 = tpu.memref_slice %arg4[%dma_wait3A_28, %dma_wait3A_29, %dma_wait3A_30] : memref<16384x50x32xbf16, #tpu.memory_space<hbm>> -> memref<16x50x32xbf16, #tpu.memory_space<hbm>>
      tpu.wait_dma2 semaphore(%arg22 : memref<!tpu.dma_semaphore, #tpu.memory_space<semaphore_mem>>) src(%arg14 : memref<16x50x32xbf16, #tpu.memory_space<vmem>>) dst(%dma_wait3A_31 : memref<16x50x32xbf16, #tpu.memory_space<hbm>>)
      %dma_wait3A_32 = arith.constant 0 : i32
      %dma_wait3A_33 = arith.constant 0 : i32
      %dma_wait3A_34 = arith.constant 0 : i32
      %dma_wait3A_35 = tpu.memref_slice %arg4[%dma_wait3A_32, %dma_wait3A_33, %dma_wait3A_34] : memref<16384x50x32xbf16, #tpu.memory_space<hbm>> -> memref<16x50x32xbf16, #tpu.memory_space<hbm>>
      %dma_wait3A_36 = arith.constant 0 : i32
      %dma_wait3A_37 = arith.constant 0 : i32
      %dma_wait3A_38 = arith.constant 0 : i32
      %dma_wait3A_39 = tpu.memref_slice %arg4[%dma_wait3A_36, %dma_wait3A_37, %dma_wait3A_38] : memref<16384x50x32xbf16, #tpu.memory_space<hbm>> -> memref<16x50x32xbf16, #tpu.memory_space<hbm>>
      tpu.wait_dma2 semaphore(%arg23 : memref<!tpu.dma_semaphore, #tpu.memory_space<semaphore_mem>>) src(%arg15 : memref<16x50x32xbf16, #tpu.memory_space<vmem>>) dst(%dma_wait3A_39 : memref<16x50x32xbf16, #tpu.memory_space<hbm>>)
    } else {
    }
    %eq3A_15 = arith.constant 1 : i32
    %eq3A_16 = arith.cmpi eq, %arg0, %eq3A_15 : i32
    %convert_element_type3A_17 = arith.extui %eq3A_16 : i1 to i32
    %cond3A_18 = arith.constant 0 : i32
    %cond3A_19 = arith.cmpi ne, %convert_element_type3A_17, %cond3A_18 : i32
    scf.if %cond3A_19 {
      %scan3A = arith.constant 0 : i32
      %scan3A_20 = arith.constant 0 : i32
      %scan3A_21 = arith.constant 16 : i32
      %scan3A_22 = arith.addi %scan3A_20, %scan3A_21 : i32
      %scan3A_23 = arith.constant 1 : i32
      scf.for %scan3A_40 = %scan3A_20 to %scan3A_22 step %scan3A_23  : i32 {
        %mul3A_41 = arith.constant 2 : i32
        %mul3A_42 = arith.muli %mul3A_41, %scan3A_40 : i32
        %add3A_43 = arith.constant 0 : i32
        %add3A_44 = arith.addi %mul3A_42, %add3A_43 : i32
        %mul3A_45 = arith.constant 16 : i32
        %mul3A_46 = arith.muli %add3A_44, %mul3A_45 : i32
        %add3A_47 = arith.constant 0 : i32
        %add3A_48 = arith.addi %mul3A_46, %add3A_47 : i32
        %dma_start3A = arith.constant 0 : i32
        %dma_start3A_49 = arith.constant 0 : i32
        %dma_start3A_50 = tpu.memref_slice %arg12[%dma_start3A, %dma_start3A_49] : memref<800x16xi32, #tpu.memory_space<vmem>> -> memref<50x16xi32, #tpu.memory_space<vmem>>
        %dma_start3A_51 = arith.constant 0 : i32
        %dma_start3A_52 = tpu.memref_slice %arg11[%add3A_48, %dma_start3A_51] : memref<512x50xi32, #tpu.memory_space<vmem>> -> memref<1x50xi32, #tpu.memory_space<vmem>>
        %dma_start3A_53 = tpu.memref_squeeze %dma_start3A_52 : memref<1x50xi32, #tpu.memory_space<vmem>> -> memref<50xi32, #tpu.memory_space<vmem>>
        %dma_start3A_54 = arith.constant 0 : i32
        %dma_start3A_55 = arith.constant 0 : i32
        %dma_start3A_56 = tpu.memref_slice %arg6[%dma_start3A_54, %dma_start3A_55] : memref<1000000x16xi32, #tpu.memory_space<hbm>> -> memref<1000000x16xi32, #tpu.memory_space<hbm>>
        tpu.enqueue_indirect_dma source(%dma_start3A_56 : memref<1000000x16xi32, #tpu.memory_space<hbm>>) target(%dma_start3A_50 : memref<50x16xi32, #tpu.memory_space<vmem>>) offsets(%dma_start3A_53 : memref<50xi32, #tpu.memory_space<vmem>>) semaphore(%arg20 : memref<!tpu.dma_semaphore, #tpu.memory_space<semaphore_mem>>)
        %mul3A_57 = arith.constant 16 : i32
        %mul3A_58 = arith.muli %add3A_44, %mul3A_57 : i32
        %add3A_59 = arith.constant 1 : i32
        %add3A_60 = arith.addi %mul3A_58, %add3A_59 : i32
        %dma_start3A_61 = arith.constant 50 : i32
        %dma_start3A_62 = arith.constant 0 : i32
        %dma_start3A_63 = tpu.memref_slice %arg12[%dma_start3A_61, %dma_start3A_62] : memref<800x16xi32, #tpu.memory_space<vmem>> -> memref<50x16xi32, #tpu.memory_space<vmem>>
        %dma_start3A_64 = arith.constant 0 : i32
        %dma_start3A_65 = tpu.memref_slice %arg11[%add3A_60, %dma_start3A_64] : memref<512x50xi32, #tpu.memory_space<vmem>> -> memref<1x50xi32, #tpu.memory_space<vmem>>
        %dma_start3A_66 = tpu.memref_squeeze %dma_start3A_65 : memref<1x50xi32, #tpu.memory_space<vmem>> -> memref<50xi32, #tpu.memory_space<vmem>>
        %dma_start3A_67 = arith.constant 0 : i32
        %dma_start3A_68 = arith.constant 0 : i32
        %dma_start3A_69 = tpu.memref_slice %arg6[%dma_start3A_67, %dma_start3A_68] : memref<1000000x16xi32, #tpu.memory_space<hbm>> -> memref<1000000x16xi32, #tpu.memory_space<hbm>>
        tpu.enqueue_indirect_dma source(%dma_start3A_69 : memref<1000000x16xi32, #tpu.memory_space<hbm>>) target(%dma_start3A_63 : memref<50x16xi32, #tpu.memory_space<vmem>>) offsets(%dma_start3A_66 : memref<50xi32, #tpu.memory_space<vmem>>) semaphore(%arg20 : memref<!tpu.dma_semaphore, #tpu.memory_space<semaphore_mem>>)
        %mul3A_70 = arith.constant 16 : i32
        %mul3A_71 = arith.muli %add3A_44, %mul3A_70 : i32
        %add3A_72 = arith.constant 2 : i32
        %add3A_73 = arith.addi %mul3A_71, %add3A_72 : i32
        %dma_start3A_74 = arith.constant 100 : i32
        %dma_start3A_75 = arith.constant 0 : i32
        %dma_start3A_76 = tpu.memref_slice %arg12[%dma_start3A_74, %dma_start3A_75] : memref<800x16xi32, #tpu.memory_space<vmem>> -> memref<50x16xi32, #tpu.memory_space<vmem>>
        %dma_start3A_77 = arith.constant 0 : i32
        %dma_start3A_78 = tpu.memref_slice %arg11[%add3A_73, %dma_start3A_77] : memref<512x50xi32, #tpu.memory_space<vmem>> -> memref<1x50xi32, #tpu.memory_space<vmem>>
        %dma_start3A_79 = tpu.memref_squeeze %dma_start3A_78 : memref<1x50xi32, #tpu.memory_space<vmem>> -> memref<50xi32, #tpu.memory_space<vmem>>
        %dma_start3A_80 = arith.constant 0 : i32
        %dma_start3A_81 = arith.constant 0 : i32
        %dma_start3A_82 = tpu.memref_slice %arg6[%dma_start3A_80, %dma_start3A_81] : memref<1000000x16xi32, #tpu.memory_space<hbm>> -> memref<1000000x16xi32, #tpu.memory_space<hbm>>
        tpu.enqueue_indirect_dma source(%dma_start3A_82 : memref<1000000x16xi32, #tpu.memory_space<hbm>>) target(%dma_start3A_76 : memref<50x16xi32, #tpu.memory_space<vmem>>) offsets(%dma_start3A_79 : memref<50xi32, #tpu.memory_space<vmem>>) semaphore(%arg20 : memref<!tpu.dma_semaphore, #tpu.memory_space<semaphore_mem>>)
        %mul3A_83 = arith.constant 16 : i32
        %mul3A_84 = arith.muli %add3A_44, %mul3A_83 : i32
        %add3A_85 = arith.constant 3 : i32
        %add3A_86 = arith.addi %mul3A_84, %add3A_85 : i32
        %dma_start3A_87 = arith.constant 150 : i32
        %dma_start3A_88 = arith.constant 0 : i32
        %dma_start3A_89 = tpu.memref_slice %arg12[%dma_start3A_87, %dma_start3A_88] : memref<800x16xi32, #tpu.memory_space<vmem>> -> memref<50x16xi32, #tpu.memory_space<vmem>>
        %dma_start3A_90 = arith.constant 0 : i32
        %dma_start3A_91 = tpu.memref_slice %arg11[%add3A_86, %dma_start3A_90] : memref<512x50xi32, #tpu.memory_space<vmem>> -> memref<1x50xi32, #tpu.memory_space<vmem>>
        %dma_start3A_92 = tpu.memref_squeeze %dma_start3A_91 : memref<1x50xi32, #tpu.memory_space<vmem>> -> memref<50xi32, #tpu.memory_space<vmem>>
        %dma_start3A_93 = arith.constant 0 : i32
        %dma_start3A_94 = arith.constant 0 : i32
        %dma_start3A_95 = tpu.memref_slice %arg6[%dma_start3A_93, %dma_start3A_94] : memref<1000000x16xi32, #tpu.memory_space<hbm>> -> memref<1000000x16xi32, #tpu.memory_space<hbm>>
        tpu.enqueue_indirect_dma source(%dma_start3A_95 : memref<1000000x16xi32, #tpu.memory_space<hbm>>) target(%dma_start3A_89 : memref<50x16xi32, #tpu.memory_space<vmem>>) offsets(%dma_start3A_92 : memref<50xi32, #tpu.memory_space<vmem>>) semaphore(%arg20 : memref<!tpu.dma_semaphore, #tpu.memory_space<semaphore_mem>>)
        %mul3A_96 = arith.constant 16 : i32
        %mul3A_97 = arith.muli %add3A_44, %mul3A_96 : i32
        %add3A_98 = arith.constant 4 : i32
        %add3A_99 = arith.addi %mul3A_97, %add3A_98 : i32
        %dma_start3A_100 = arith.constant 200 : i32
        %dma_start3A_101 = arith.constant 0 : i32
        %dma_start3A_102 = tpu.memref_slice %arg12[%dma_start3A_100, %dma_start3A_101] : memref<800x16xi32, #tpu.memory_space<vmem>> -> memref<50x16xi32, #tpu.memory_space<vmem>>
        %dma_start3A_103 = arith.constant 0 : i32
        %dma_start3A_104 = tpu.memref_slice %arg11[%add3A_99, %dma_start3A_103] : memref<512x50xi32, #tpu.memory_space<vmem>> -> memref<1x50xi32, #tpu.memory_space<vmem>>
        %dma_start3A_105 = tpu.memref_squeeze %dma_start3A_104 : memref<1x50xi32, #tpu.memory_space<vmem>> -> memref<50xi32, #tpu.memory_space<vmem>>
        %dma_start3A_106 = arith.constant 0 : i32
        %dma_start3A_107 = arith.constant 0 : i32
        %dma_start3A_108 = tpu.memref_slice %arg6[%dma_start3A_106, %dma_start3A_107] : memref<1000000x16xi32, #tpu.memory_space<hbm>> -> memref<1000000x16xi32, #tpu.memory_space<hbm>>
        tpu.enqueue_indirect_dma source(%dma_start3A_108 : memref<1000000x16xi32, #tpu.memory_space<hbm>>) target(%dma_start3A_102 : memref<50x16xi32, #tpu.memory_space<vmem>>) offsets(%dma_start3A_105 : memref<50xi32, #tpu.memory_space<vmem>>) semaphore(%arg20 : memref<!tpu.dma_semaphore, #tpu.memory_space<semaphore_mem>>)
        %mul3A_109 = arith.constant 16 : i32
        %mul3A_110 = arith.muli %add3A_44, %mul3A_109 : i32
        %add3A_111 = arith.constant 5 : i32
        %add3A_112 = arith.addi %mul3A_110, %add3A_111 : i32
        %dma_start3A_113 = arith.constant 250 : i32
        %dma_start3A_114 = arith.constant 0 : i32
        %dma_start3A_115 = tpu.memref_slice %arg12[%dma_start3A_113, %dma_start3A_114] : memref<800x16xi32, #tpu.memory_space<vmem>> -> memref<50x16xi32, #tpu.memory_space<vmem>>
        %dma_start3A_116 = arith.constant 0 : i32
        %dma_start3A_117 = tpu.memref_slice %arg11[%add3A_112, %dma_start3A_116] : memref<512x50xi32, #tpu.memory_space<vmem>> -> memref<1x50xi32, #tpu.memory_space<vmem>>
        %dma_start3A_118 = tpu.memref_squeeze %dma_start3A_117 : memref<1x50xi32, #tpu.memory_space<vmem>> -> memref<50xi32, #tpu.memory_space<vmem>>
        %dma_start3A_119 = arith.constant 0 : i32
        %dma_start3A_120 = arith.constant 0 : i32
        %dma_start3A_121 = tpu.memref_slice %arg6[%dma_start3A_119, %dma_start3A_120] : memref<1000000x16xi32, #tpu.memory_space<hbm>> -> memref<1000000x16xi32, #tpu.memory_space<hbm>>
        tpu.enqueue_indirect_dma source(%dma_start3A_121 : memref<1000000x16xi32, #tpu.memory_space<hbm>>) target(%dma_start3A_115 : memref<50x16xi32, #tpu.memory_space<vmem>>) offsets(%dma_start3A_118 : memref<50xi32, #tpu.memory_space<vmem>>) semaphore(%arg20 : memref<!tpu.dma_semaphore, #tpu.memory_space<semaphore_mem>>)
        %mul3A_122 = arith.constant 16 : i32
        %mul3A_123 = arith.muli %add3A_44, %mul3A_122 : i32
        %add3A_124 = arith.constant 6 : i32
        %add3A_125 = arith.addi %mul3A_123, %add3A_124 : i32
        %dma_start3A_126 = arith.constant 300 : i32
        %dma_start3A_127 = arith.constant 0 : i32
        %dma_start3A_128 = tpu.memref_slice %arg12[%dma_start3A_126, %dma_start3A_127] : memref<800x16xi32, #tpu.memory_space<vmem>> -> memref<50x16xi32, #tpu.memory_space<vmem>>
        %dma_start3A_129 = arith.constant 0 : i32
        %dma_start3A_130 = tpu.memref_slice %arg11[%add3A_125, %dma_start3A_129] : memref<512x50xi32, #tpu.memory_space<vmem>> -> memref<1x50xi32, #tpu.memory_space<vmem>>
        %dma_start3A_131 = tpu.memref_squeeze %dma_start3A_130 : memref<1x50xi32, #tpu.memory_space<vmem>> -> memref<50xi32, #tpu.memory_space<vmem>>
        %dma_start3A_132 = arith.constant 0 : i32
        %dma_start3A_133 = arith.constant 0 : i32
        %dma_start3A_134 = tpu.memref_slice %arg6[%dma_start3A_132, %dma_start3A_133] : memref<1000000x16xi32, #tpu.memory_space<hbm>> -> memref<1000000x16xi32, #tpu.memory_space<hbm>>
        tpu.enqueue_indirect_dma source(%dma_start3A_134 : memref<1000000x16xi32, #tpu.memory_space<hbm>>) target(%dma_start3A_128 : memref<50x16xi32, #tpu.memory_space<vmem>>) offsets(%dma_start3A_131 : memref<50xi32, #tpu.memory_space<vmem>>) semaphore(%arg20 : memref<!tpu.dma_semaphore, #tpu.memory_space<semaphore_mem>>)
        %mul3A_135 = arith.constant 16 : i32
        %mul3A_136 = arith.muli %add3A_44, %mul3A_135 : i32
        %add3A_137 = arith.constant 7 : i32
        %add3A_138 = arith.addi %mul3A_136, %add3A_137 : i32
        %dma_start3A_139 = arith.constant 350 : i32
        %dma_start3A_140 = arith.constant 0 : i32
        %dma_start3A_141 = tpu.memref_slice %arg12[%dma_start3A_139, %dma_start3A_140] : memref<800x16xi32, #tpu.memory_space<vmem>> -> memref<50x16xi32, #tpu.memory_space<vmem>>
        %dma_start3A_142 = arith.constant 0 : i32
        %dma_start3A_143 = tpu.memref_slice %arg11[%add3A_138, %dma_start3A_142] : memref<512x50xi32, #tpu.memory_space<vmem>> -> memref<1x50xi32, #tpu.memory_space<vmem>>
        %dma_start3A_144 = tpu.memref_squeeze %dma_start3A_143 : memref<1x50xi32, #tpu.memory_space<vmem>> -> memref<50xi32, #tpu.memory_space<vmem>>
        %dma_start3A_145 = arith.constant 0 : i32
        %dma_start3A_146 = arith.constant 0 : i32
        %dma_start3A_147 = tpu.memref_slice %arg6[%dma_start3A_145, %dma_start3A_146] : memref<1000000x16xi32, #tpu.memory_space<hbm>> -> memref<1000000x16xi32, #tpu.memory_space<hbm>>
        tpu.enqueue_indirect_dma source(%dma_start3A_147 : memref<1000000x16xi32, #tpu.memory_space<hbm>>) target(%dma_start3A_141 : memref<50x16xi32, #tpu.memory_space<vmem>>) offsets(%dma_start3A_144 : memref<50xi32, #tpu.memory_space<vmem>>) semaphore(%arg20 : memref<!tpu.dma_semaphore, #tpu.memory_space<semaphore_mem>>)
        %mul3A_148 = arith.constant 16 : i32
        %mul3A_149 = arith.muli %add3A_44, %mul3A_148 : i32
        %add3A_150 = arith.constant 8 : i32
        %add3A_151 = arith.addi %mul3A_149, %add3A_150 : i32
        %dma_start3A_152 = arith.constant 400 : i32
        %dma_start3A_153 = arith.constant 0 : i32
        %dma_start3A_154 = tpu.memref_slice %arg12[%dma_start3A_152, %dma_start3A_153] : memref<800x16xi32, #tpu.memory_space<vmem>> -> memref<50x16xi32, #tpu.memory_space<vmem>>
        %dma_start3A_155 = arith.constant 0 : i32
        %dma_start3A_156 = tpu.memref_slice %arg11[%add3A_151, %dma_start3A_155] : memref<512x50xi32, #tpu.memory_space<vmem>> -> memref<1x50xi32, #tpu.memory_space<vmem>>
        %dma_start3A_157 = tpu.memref_squeeze %dma_start3A_156 : memref<1x50xi32, #tpu.memory_space<vmem>> -> memref<50xi32, #tpu.memory_space<vmem>>
        %dma_start3A_158 = arith.constant 0 : i32
        %dma_start3A_159 = arith.constant 0 : i32
        %dma_start3A_160 = tpu.memref_slice %arg6[%dma_start3A_158, %dma_start3A_159] : memref<1000000x16xi32, #tpu.memory_space<hbm>> -> memref<1000000x16xi32, #tpu.memory_space<hbm>>
        tpu.enqueue_indirect_dma source(%dma_start3A_160 : memref<1000000x16xi32, #tpu.memory_space<hbm>>) target(%dma_start3A_154 : memref<50x16xi32, #tpu.memory_space<vmem>>) offsets(%dma_start3A_157 : memref<50xi32, #tpu.memory_space<vmem>>) semaphore(%arg20 : memref<!tpu.dma_semaphore, #tpu.memory_space<semaphore_mem>>)
        %mul3A_161 = arith.constant 16 : i32
        %mul3A_162 = arith.muli %add3A_44, %mul3A_161 : i32
        %add3A_163 = arith.constant 9 : i32
        %add3A_164 = arith.addi %mul3A_162, %add3A_163 : i32
        %dma_start3A_165 = arith.constant 450 : i32
        %dma_start3A_166 = arith.constant 0 : i32
        %dma_start3A_167 = tpu.memref_slice %arg12[%dma_start3A_165, %dma_start3A_166] : memref<800x16xi32, #tpu.memory_space<vmem>> -> memref<50x16xi32, #tpu.memory_space<vmem>>
        %dma_start3A_168 = arith.constant 0 : i32
        %dma_start3A_169 = tpu.memref_slice %arg11[%add3A_164, %dma_start3A_168] : memref<512x50xi32, #tpu.memory_space<vmem>> -> memref<1x50xi32, #tpu.memory_space<vmem>>
        %dma_start3A_170 = tpu.memref_squeeze %dma_start3A_169 : memref<1x50xi32, #tpu.memory_space<vmem>> -> memref<50xi32, #tpu.memory_space<vmem>>
        %dma_start3A_171 = arith.constant 0 : i32
        %dma_start3A_172 = arith.constant 0 : i32
        %dma_start3A_173 = tpu.memref_slice %arg6[%dma_start3A_171, %dma_start3A_172] : memref<1000000x16xi32, #tpu.memory_space<hbm>> -> memref<1000000x16xi32, #tpu.memory_space<hbm>>
        tpu.enqueue_indirect_dma source(%dma_start3A_173 : memref<1000000x16xi32, #tpu.memory_space<hbm>>) target(%dma_start3A_167 : memref<50x16xi32, #tpu.memory_space<vmem>>) offsets(%dma_start3A_170 : memref<50xi32, #tpu.memory_space<vmem>>) semaphore(%arg20 : memref<!tpu.dma_semaphore, #tpu.memory_space<semaphore_mem>>)
        %mul3A_174 = arith.constant 16 : i32
        %mul3A_175 = arith.muli %add3A_44, %mul3A_174 : i32
        %add3A_176 = arith.constant 10 : i32
        %add3A_177 = arith.addi %mul3A_175, %add3A_176 : i32
        %dma_start3A_178 = arith.constant 500 : i32
        %dma_start3A_179 = arith.constant 0 : i32
        %dma_start3A_180 = tpu.memref_slice %arg12[%dma_start3A_178, %dma_start3A_179] : memref<800x16xi32, #tpu.memory_space<vmem>> -> memref<50x16xi32, #tpu.memory_space<vmem>>
        %dma_start3A_181 = arith.constant 0 : i32
        %dma_start3A_182 = tpu.memref_slice %arg11[%add3A_177, %dma_start3A_181] : memref<512x50xi32, #tpu.memory_space<vmem>> -> memref<1x50xi32, #tpu.memory_space<vmem>>
        %dma_start3A_183 = tpu.memref_squeeze %dma_start3A_182 : memref<1x50xi32, #tpu.memory_space<vmem>> -> memref<50xi32, #tpu.memory_space<vmem>>
        %dma_start3A_184 = arith.constant 0 : i32
        %dma_start3A_185 = arith.constant 0 : i32
        %dma_start3A_186 = tpu.memref_slice %arg6[%dma_start3A_184, %dma_start3A_185] : memref<1000000x16xi32, #tpu.memory_space<hbm>> -> memref<1000000x16xi32, #tpu.memory_space<hbm>>
        tpu.enqueue_indirect_dma source(%dma_start3A_186 : memref<1000000x16xi32, #tpu.memory_space<hbm>>) target(%dma_start3A_180 : memref<50x16xi32, #tpu.memory_space<vmem>>) offsets(%dma_start3A_183 : memref<50xi32, #tpu.memory_space<vmem>>) semaphore(%arg20 : memref<!tpu.dma_semaphore, #tpu.memory_space<semaphore_mem>>)
        %mul3A_187 = arith.constant 16 : i32
        %mul3A_188 = arith.muli %add3A_44, %mul3A_187 : i32
        %add3A_189 = arith.constant 11 : i32
        %add3A_190 = arith.addi %mul3A_188, %add3A_189 : i32
        %dma_start3A_191 = arith.constant 550 : i32
        %dma_start3A_192 = arith.constant 0 : i32
        %dma_start3A_193 = tpu.memref_slice %arg12[%dma_start3A_191, %dma_start3A_192] : memref<800x16xi32, #tpu.memory_space<vmem>> -> memref<50x16xi32, #tpu.memory_space<vmem>>
        %dma_start3A_194 = arith.constant 0 : i32
        %dma_start3A_195 = tpu.memref_slice %arg11[%add3A_190, %dma_start3A_194] : memref<512x50xi32, #tpu.memory_space<vmem>> -> memref<1x50xi32, #tpu.memory_space<vmem>>
        %dma_start3A_196 = tpu.memref_squeeze %dma_start3A_195 : memref<1x50xi32, #tpu.memory_space<vmem>> -> memref<50xi32, #tpu.memory_space<vmem>>
        %dma_start3A_197 = arith.constant 0 : i32
        %dma_start3A_198 = arith.constant 0 : i32
        %dma_start3A_199 = tpu.memref_slice %arg6[%dma_start3A_197, %dma_start3A_198] : memref<1000000x16xi32, #tpu.memory_space<hbm>> -> memref<1000000x16xi32, #tpu.memory_space<hbm>>
        tpu.enqueue_indirect_dma source(%dma_start3A_199 : memref<1000000x16xi32, #tpu.memory_space<hbm>>) target(%dma_start3A_193 : memref<50x16xi32, #tpu.memory_space<vmem>>) offsets(%dma_start3A_196 : memref<50xi32, #tpu.memory_space<vmem>>) semaphore(%arg20 : memref<!tpu.dma_semaphore, #tpu.memory_space<semaphore_mem>>)
        %mul3A_200 = arith.constant 16 : i32
        %mul3A_201 = arith.muli %add3A_44, %mul3A_200 : i32
        %add3A_202 = arith.constant 12 : i32
        %add3A_203 = arith.addi %mul3A_201, %add3A_202 : i32
        %dma_start3A_204 = arith.constant 600 : i32
        %dma_start3A_205 = arith.constant 0 : i32
        %dma_start3A_206 = tpu.memref_slice %arg12[%dma_start3A_204, %dma_start3A_205] : memref<800x16xi32, #tpu.memory_space<vmem>> -> memref<50x16xi32, #tpu.memory_space<vmem>>
        %dma_start3A_207 = arith.constant 0 : i32
        %dma_start3A_208 = tpu.memref_slice %arg11[%add3A_203, %dma_start3A_207] : memref<512x50xi32, #tpu.memory_space<vmem>> -> memref<1x50xi32, #tpu.memory_space<vmem>>
        %dma_start3A_209 = tpu.memref_squeeze %dma_start3A_208 : memref<1x50xi32, #tpu.memory_space<vmem>> -> memref<50xi32, #tpu.memory_space<vmem>>
        %dma_start3A_210 = arith.constant 0 : i32
        %dma_start3A_211 = arith.constant 0 : i32
        %dma_start3A_212 = tpu.memref_slice %arg6[%dma_start3A_210, %dma_start3A_211] : memref<1000000x16xi32, #tpu.memory_space<hbm>> -> memref<1000000x16xi32, #tpu.memory_space<hbm>>
        tpu.enqueue_indirect_dma source(%dma_start3A_212 : memref<1000000x16xi32, #tpu.memory_space<hbm>>) target(%dma_start3A_206 : memref<50x16xi32, #tpu.memory_space<vmem>>) offsets(%dma_start3A_209 : memref<50xi32, #tpu.memory_space<vmem>>) semaphore(%arg20 : memref<!tpu.dma_semaphore, #tpu.memory_space<semaphore_mem>>)
        %mul3A_213 = arith.constant 16 : i32
        %mul3A_214 = arith.muli %add3A_44, %mul3A_213 : i32
        %add3A_215 = arith.constant 13 : i32
        %add3A_216 = arith.addi %mul3A_214, %add3A_215 : i32
        %dma_start3A_217 = arith.constant 650 : i32
        %dma_start3A_218 = arith.constant 0 : i32
        %dma_start3A_219 = tpu.memref_slice %arg12[%dma_start3A_217, %dma_start3A_218] : memref<800x16xi32, #tpu.memory_space<vmem>> -> memref<50x16xi32, #tpu.memory_space<vmem>>
        %dma_start3A_220 = arith.constant 0 : i32
        %dma_start3A_221 = tpu.memref_slice %arg11[%add3A_216, %dma_start3A_220] : memref<512x50xi32, #tpu.memory_space<vmem>> -> memref<1x50xi32, #tpu.memory_space<vmem>>
        %dma_start3A_222 = tpu.memref_squeeze %dma_start3A_221 : memref<1x50xi32, #tpu.memory_space<vmem>> -> memref<50xi32, #tpu.memory_space<vmem>>
        %dma_start3A_223 = arith.constant 0 : i32
        %dma_start3A_224 = arith.constant 0 : i32
        %dma_start3A_225 = tpu.memref_slice %arg6[%dma_start3A_223, %dma_start3A_224] : memref<1000000x16xi32, #tpu.memory_space<hbm>> -> memref<1000000x16xi32, #tpu.memory_space<hbm>>
        tpu.enqueue_indirect_dma source(%dma_start3A_225 : memref<1000000x16xi32, #tpu.memory_space<hbm>>) target(%dma_start3A_219 : memref<50x16xi32, #tpu.memory_space<vmem>>) offsets(%dma_start3A_222 : memref<50xi32, #tpu.memory_space<vmem>>) semaphore(%arg20 : memref<!tpu.dma_semaphore, #tpu.memory_space<semaphore_mem>>)
        %mul3A_226 = arith.constant 16 : i32
        %mul3A_227 = arith.muli %add3A_44, %mul3A_226 : i32
        %add3A_228 = arith.constant 14 : i32
        %add3A_229 = arith.addi %mul3A_227, %add3A_228 : i32
        %dma_start3A_230 = arith.constant 700 : i32
        %dma_start3A_231 = arith.constant 0 : i32
        %dma_start3A_232 = tpu.memref_slice %arg12[%dma_start3A_230, %dma_start3A_231] : memref<800x16xi32, #tpu.memory_space<vmem>> -> memref<50x16xi32, #tpu.memory_space<vmem>>
        %dma_start3A_233 = arith.constant 0 : i32
        %dma_start3A_234 = tpu.memref_slice %arg11[%add3A_229, %dma_start3A_233] : memref<512x50xi32, #tpu.memory_space<vmem>> -> memref<1x50xi32, #tpu.memory_space<vmem>>
        %dma_start3A_235 = tpu.memref_squeeze %dma_start3A_234 : memref<1x50xi32, #tpu.memory_space<vmem>> -> memref<50xi32, #tpu.memory_space<vmem>>
        %dma_start3A_236 = arith.constant 0 : i32
        %dma_start3A_237 = arith.constant 0 : i32
        %dma_start3A_238 = tpu.memref_slice %arg6[%dma_start3A_236, %dma_start3A_237] : memref<1000000x16xi32, #tpu.memory_space<hbm>> -> memref<1000000x16xi32, #tpu.memory_space<hbm>>
        tpu.enqueue_indirect_dma source(%dma_start3A_238 : memref<1000000x16xi32, #tpu.memory_space<hbm>>) target(%dma_start3A_232 : memref<50x16xi32, #tpu.memory_space<vmem>>) offsets(%dma_start3A_235 : memref<50xi32, #tpu.memory_space<vmem>>) semaphore(%arg20 : memref<!tpu.dma_semaphore, #tpu.memory_space<semaphore_mem>>)
        %mul3A_239 = arith.constant 16 : i32
        %mul3A_240 = arith.muli %add3A_44, %mul3A_239 : i32
        %add3A_241 = arith.constant 15 : i32
        %add3A_242 = arith.addi %mul3A_240, %add3A_241 : i32
        %dma_start3A_243 = arith.constant 750 : i32
        %dma_start3A_244 = arith.constant 0 : i32
        %dma_start3A_245 = tpu.memref_slice %arg12[%dma_start3A_243, %dma_start3A_244] : memref<800x16xi32, #tpu.memory_space<vmem>> -> memref<50x16xi32, #tpu.memory_space<vmem>>
        %dma_start3A_246 = arith.constant 0 : i32
        %dma_start3A_247 = tpu.memref_slice %arg11[%add3A_242, %dma_start3A_246] : memref<512x50xi32, #tpu.memory_space<vmem>> -> memref<1x50xi32, #tpu.memory_space<vmem>>
        %dma_start3A_248 = tpu.memref_squeeze %dma_start3A_247 : memref<1x50xi32, #tpu.memory_space<vmem>> -> memref<50xi32, #tpu.memory_space<vmem>>
        %dma_start3A_249 = arith.constant 0 : i32
        %dma_start3A_250 = arith.constant 0 : i32
        %dma_start3A_251 = tpu.memref_slice %arg6[%dma_start3A_249, %dma_start3A_250] : memref<1000000x16xi32, #tpu.memory_space<hbm>> -> memref<1000000x16xi32, #tpu.memory_space<hbm>>
        tpu.enqueue_indirect_dma source(%dma_start3A_251 : memref<1000000x16xi32, #tpu.memory_space<hbm>>) target(%dma_start3A_245 : memref<50x16xi32, #tpu.memory_space<vmem>>) offsets(%dma_start3A_248 : memref<50xi32, #tpu.memory_space<vmem>>) semaphore(%arg20 : memref<!tpu.dma_semaphore, #tpu.memory_space<semaphore_mem>>)
        %mul3A_252 = arith.constant 2 : i32
        %mul3A_253 = arith.muli %mul3A_252, %scan3A_40 : i32
        %add3A_254 = arith.constant 1 : i32
        %add3A_255 = arith.addi %mul3A_253, %add3A_254 : i32
        %mul3A_256 = arith.constant 16 : i32
        %mul3A_257 = arith.muli %add3A_255, %mul3A_256 : i32
        %add3A_258 = arith.constant 0 : i32
        %add3A_259 = arith.addi %mul3A_257, %add3A_258 : i32
        %dma_start3A_260 = arith.constant 0 : i32
        %dma_start3A_261 = arith.constant 0 : i32
        %dma_start3A_262 = tpu.memref_slice %arg13[%dma_start3A_260, %dma_start3A_261] : memref<800x16xi32, #tpu.memory_space<vmem>> -> memref<50x16xi32, #tpu.memory_space<vmem>>
        %dma_start3A_263 = arith.constant 0 : i32
        %dma_start3A_264 = tpu.memref_slice %arg11[%add3A_259, %dma_start3A_263] : memref<512x50xi32, #tpu.memory_space<vmem>> -> memref<1x50xi32, #tpu.memory_space<vmem>>
        %dma_start3A_265 = tpu.memref_squeeze %dma_start3A_264 : memref<1x50xi32, #tpu.memory_space<vmem>> -> memref<50xi32, #tpu.memory_space<vmem>>
        %dma_start3A_266 = arith.constant 0 : i32
        %dma_start3A_267 = arith.constant 0 : i32
        %dma_start3A_268 = tpu.memref_slice %arg6[%dma_start3A_266, %dma_start3A_267] : memref<1000000x16xi32, #tpu.memory_space<hbm>> -> memref<1000000x16xi32, #tpu.memory_space<hbm>>
        tpu.enqueue_indirect_dma source(%dma_start3A_268 : memref<1000000x16xi32, #tpu.memory_space<hbm>>) target(%dma_start3A_262 : memref<50x16xi32, #tpu.memory_space<vmem>>) offsets(%dma_start3A_265 : memref<50xi32, #tpu.memory_space<vmem>>) semaphore(%arg21 : memref<!tpu.dma_semaphore, #tpu.memory_space<semaphore_mem>>)
        %mul3A_269 = arith.constant 16 : i32
        %mul3A_270 = arith.muli %add3A_255, %mul3A_269 : i32
        %add3A_271 = arith.constant 1 : i32
        %add3A_272 = arith.addi %mul3A_270, %add3A_271 : i32
        %dma_start3A_273 = arith.constant 50 : i32
        %dma_start3A_274 = arith.constant 0 : i32
        %dma_start3A_275 = tpu.memref_slice %arg13[%dma_start3A_273, %dma_start3A_274] : memref<800x16xi32, #tpu.memory_space<vmem>> -> memref<50x16xi32, #tpu.memory_space<vmem>>
        %dma_start3A_276 = arith.constant 0 : i32
        %dma_start3A_277 = tpu.memref_slice %arg11[%add3A_272, %dma_start3A_276] : memref<512x50xi32, #tpu.memory_space<vmem>> -> memref<1x50xi32, #tpu.memory_space<vmem>>
        %dma_start3A_278 = tpu.memref_squeeze %dma_start3A_277 : memref<1x50xi32, #tpu.memory_space<vmem>> -> memref<50xi32, #tpu.memory_space<vmem>>
        %dma_start3A_279 = arith.constant 0 : i32
        %dma_start3A_280 = arith.constant 0 : i32
        %dma_start3A_281 = tpu.memref_slice %arg6[%dma_start3A_279, %dma_start3A_280] : memref<1000000x16xi32, #tpu.memory_space<hbm>> -> memref<1000000x16xi32, #tpu.memory_space<hbm>>
        tpu.enqueue_indirect_dma source(%dma_start3A_281 : memref<1000000x16xi32, #tpu.memory_space<hbm>>) target(%dma_start3A_275 : memref<50x16xi32, #tpu.memory_space<vmem>>) offsets(%dma_start3A_278 : memref<50xi32, #tpu.memory_space<vmem>>) semaphore(%arg21 : memref<!tpu.dma_semaphore, #tpu.memory_space<semaphore_mem>>)
        %mul3A_282 = arith.constant 16 : i32
        %mul3A_283 = arith.muli %add3A_255, %mul3A_282 : i32
        %add3A_284 = arith.constant 2 : i32
        %add3A_285 = arith.addi %mul3A_283, %add3A_284 : i32
        %dma_start3A_286 = arith.constant 100 : i32
        %dma_start3A_287 = arith.constant 0 : i32
        %dma_start3A_288 = tpu.memref_slice %arg13[%dma_start3A_286, %dma_start3A_287] : memref<800x16xi32, #tpu.memory_space<vmem>> -> memref<50x16xi32, #tpu.memory_space<vmem>>
        %dma_start3A_289 = arith.constant 0 : i32
        %dma_start3A_290 = tpu.memref_slice %arg11[%add3A_285, %dma_start3A_289] : memref<512x50xi32, #tpu.memory_space<vmem>> -> memref<1x50xi32, #tpu.memory_space<vmem>>
        %dma_start3A_291 = tpu.memref_squeeze %dma_start3A_290 : memref<1x50xi32, #tpu.memory_space<vmem>> -> memref<50xi32, #tpu.memory_space<vmem>>
        %dma_start3A_292 = arith.constant 0 : i32
        %dma_start3A_293 = arith.constant 0 : i32
        %dma_start3A_294 = tpu.memref_slice %arg6[%dma_start3A_292, %dma_start3A_293] : memref<1000000x16xi32, #tpu.memory_space<hbm>> -> memref<1000000x16xi32, #tpu.memory_space<hbm>>
        tpu.enqueue_indirect_dma source(%dma_start3A_294 : memref<1000000x16xi32, #tpu.memory_space<hbm>>) target(%dma_start3A_288 : memref<50x16xi32, #tpu.memory_space<vmem>>) offsets(%dma_start3A_291 : memref<50xi32, #tpu.memory_space<vmem>>) semaphore(%arg21 : memref<!tpu.dma_semaphore, #tpu.memory_space<semaphore_mem>>)
        %mul3A_295 = arith.constant 16 : i32
        %mul3A_296 = arith.muli %add3A_255, %mul3A_295 : i32
        %add3A_297 = arith.constant 3 : i32
        %add3A_298 = arith.addi %mul3A_296, %add3A_297 : i32
        %dma_start3A_299 = arith.constant 150 : i32
        %dma_start3A_300 = arith.constant 0 : i32
        %dma_start3A_301 = tpu.memref_slice %arg13[%dma_start3A_299, %dma_start3A_300] : memref<800x16xi32, #tpu.memory_space<vmem>> -> memref<50x16xi32, #tpu.memory_space<vmem>>
        %dma_start3A_302 = arith.constant 0 : i32
        %dma_start3A_303 = tpu.memref_slice %arg11[%add3A_298, %dma_start3A_302] : memref<512x50xi32, #tpu.memory_space<vmem>> -> memref<1x50xi32, #tpu.memory_space<vmem>>
        %dma_start3A_304 = tpu.memref_squeeze %dma_start3A_303 : memref<1x50xi32, #tpu.memory_space<vmem>> -> memref<50xi32, #tpu.memory_space<vmem>>
        %dma_start3A_305 = arith.constant 0 : i32
        %dma_start3A_306 = arith.constant 0 : i32
        %dma_start3A_307 = tpu.memref_slice %arg6[%dma_start3A_305, %dma_start3A_306] : memref<1000000x16xi32, #tpu.memory_space<hbm>> -> memref<1000000x16xi32, #tpu.memory_space<hbm>>
        tpu.enqueue_indirect_dma source(%dma_start3A_307 : memref<1000000x16xi32, #tpu.memory_space<hbm>>) target(%dma_start3A_301 : memref<50x16xi32, #tpu.memory_space<vmem>>) offsets(%dma_start3A_304 : memref<50xi32, #tpu.memory_space<vmem>>) semaphore(%arg21 : memref<!tpu.dma_semaphore, #tpu.memory_space<semaphore_mem>>)
        %mul3A_308 = arith.constant 16 : i32
        %mul3A_309 = arith.muli %add3A_255, %mul3A_308 : i32
        %add3A_310 = arith.constant 4 : i32
        %add3A_311 = arith.addi %mul3A_309, %add3A_310 : i32
        %dma_start3A_312 = arith.constant 200 : i32
        %dma_start3A_313 = arith.constant 0 : i32
        %dma_start3A_314 = tpu.memref_slice %arg13[%dma_start3A_312, %dma_start3A_313] : memref<800x16xi32, #tpu.memory_space<vmem>> -> memref<50x16xi32, #tpu.memory_space<vmem>>
        %dma_start3A_315 = arith.constant 0 : i32
        %dma_start3A_316 = tpu.memref_slice %arg11[%add3A_311, %dma_start3A_315] : memref<512x50xi32, #tpu.memory_space<vmem>> -> memref<1x50xi32, #tpu.memory_space<vmem>>
        %dma_start3A_317 = tpu.memref_squeeze %dma_start3A_316 : memref<1x50xi32, #tpu.memory_space<vmem>> -> memref<50xi32, #tpu.memory_space<vmem>>
        %dma_start3A_318 = arith.constant 0 : i32
        %dma_start3A_319 = arith.constant 0 : i32
        %dma_start3A_320 = tpu.memref_slice %arg6[%dma_start3A_318, %dma_start3A_319] : memref<1000000x16xi32, #tpu.memory_space<hbm>> -> memref<1000000x16xi32, #tpu.memory_space<hbm>>
        tpu.enqueue_indirect_dma source(%dma_start3A_320 : memref<1000000x16xi32, #tpu.memory_space<hbm>>) target(%dma_start3A_314 : memref<50x16xi32, #tpu.memory_space<vmem>>) offsets(%dma_start3A_317 : memref<50xi32, #tpu.memory_space<vmem>>) semaphore(%arg21 : memref<!tpu.dma_semaphore, #tpu.memory_space<semaphore_mem>>)
        %mul3A_321 = arith.constant 16 : i32
        %mul3A_322 = arith.muli %add3A_255, %mul3A_321 : i32
        %add3A_323 = arith.constant 5 : i32
        %add3A_324 = arith.addi %mul3A_322, %add3A_323 : i32
        %dma_start3A_325 = arith.constant 250 : i32
        %dma_start3A_326 = arith.constant 0 : i32
        %dma_start3A_327 = tpu.memref_slice %arg13[%dma_start3A_325, %dma_start3A_326] : memref<800x16xi32, #tpu.memory_space<vmem>> -> memref<50x16xi32, #tpu.memory_space<vmem>>
        %dma_start3A_328 = arith.constant 0 : i32
        %dma_start3A_329 = tpu.memref_slice %arg11[%add3A_324, %dma_start3A_328] : memref<512x50xi32, #tpu.memory_space<vmem>> -> memref<1x50xi32, #tpu.memory_space<vmem>>
        %dma_start3A_330 = tpu.memref_squeeze %dma_start3A_329 : memref<1x50xi32, #tpu.memory_space<vmem>> -> memref<50xi32, #tpu.memory_space<vmem>>
        %dma_start3A_331 = arith.constant 0 : i32
        %dma_start3A_332 = arith.constant 0 : i32
        %dma_start3A_333 = tpu.memref_slice %arg6[%dma_start3A_331, %dma_start3A_332] : memref<1000000x16xi32, #tpu.memory_space<hbm>> -> memref<1000000x16xi32, #tpu.memory_space<hbm>>
        tpu.enqueue_indirect_dma source(%dma_start3A_333 : memref<1000000x16xi32, #tpu.memory_space<hbm>>) target(%dma_start3A_327 : memref<50x16xi32, #tpu.memory_space<vmem>>) offsets(%dma_start3A_330 : memref<50xi32, #tpu.memory_space<vmem>>) semaphore(%arg21 : memref<!tpu.dma_semaphore, #tpu.memory_space<semaphore_mem>>)
        %mul3A_334 = arith.constant 16 : i32
        %mul3A_335 = arith.muli %add3A_255, %mul3A_334 : i32
        %add3A_336 = arith.constant 6 : i32
        %add3A_337 = arith.addi %mul3A_335, %add3A_336 : i32
        %dma_start3A_338 = arith.constant 300 : i32
        %dma_start3A_339 = arith.constant 0 : i32
        %dma_start3A_340 = tpu.memref_slice %arg13[%dma_start3A_338, %dma_start3A_339] : memref<800x16xi32, #tpu.memory_space<vmem>> -> memref<50x16xi32, #tpu.memory_space<vmem>>
        %dma_start3A_341 = arith.constant 0 : i32
        %dma_start3A_342 = tpu.memref_slice %arg11[%add3A_337, %dma_start3A_341] : memref<512x50xi32, #tpu.memory_space<vmem>> -> memref<1x50xi32, #tpu.memory_space<vmem>>
        %dma_start3A_343 = tpu.memref_squeeze %dma_start3A_342 : memref<1x50xi32, #tpu.memory_space<vmem>> -> memref<50xi32, #tpu.memory_space<vmem>>
        %dma_start3A_344 = arith.constant 0 : i32
        %dma_start3A_345 = arith.constant 0 : i32
        %dma_start3A_346 = tpu.memref_slice %arg6[%dma_start3A_344, %dma_start3A_345] : memref<1000000x16xi32, #tpu.memory_space<hbm>> -> memref<1000000x16xi32, #tpu.memory_space<hbm>>
        tpu.enqueue_indirect_dma source(%dma_start3A_346 : memref<1000000x16xi32, #tpu.memory_space<hbm>>) target(%dma_start3A_340 : memref<50x16xi32, #tpu.memory_space<vmem>>) offsets(%dma_start3A_343 : memref<50xi32, #tpu.memory_space<vmem>>) semaphore(%arg21 : memref<!tpu.dma_semaphore, #tpu.memory_space<semaphore_mem>>)
        %mul3A_347 = arith.constant 16 : i32
        %mul3A_348 = arith.muli %add3A_255, %mul3A_347 : i32
        %add3A_349 = arith.constant 7 : i32
        %add3A_350 = arith.addi %mul3A_348, %add3A_349 : i32
        %dma_start3A_351 = arith.constant 350 : i32
        %dma_start3A_352 = arith.constant 0 : i32
        %dma_start3A_353 = tpu.memref_slice %arg13[%dma_start3A_351, %dma_start3A_352] : memref<800x16xi32, #tpu.memory_space<vmem>> -> memref<50x16xi32, #tpu.memory_space<vmem>>
        %dma_start3A_354 = arith.constant 0 : i32
        %dma_start3A_355 = tpu.memref_slice %arg11[%add3A_350, %dma_start3A_354] : memref<512x50xi32, #tpu.memory_space<vmem>> -> memref<1x50xi32, #tpu.memory_space<vmem>>
        %dma_start3A_356 = tpu.memref_squeeze %dma_start3A_355 : memref<1x50xi32, #tpu.memory_space<vmem>> -> memref<50xi32, #tpu.memory_space<vmem>>
        %dma_start3A_357 = arith.constant 0 : i32
        %dma_start3A_358 = arith.constant 0 : i32
        %dma_start3A_359 = tpu.memref_slice %arg6[%dma_start3A_357, %dma_start3A_358] : memref<1000000x16xi32, #tpu.memory_space<hbm>> -> memref<1000000x16xi32, #tpu.memory_space<hbm>>
        tpu.enqueue_indirect_dma source(%dma_start3A_359 : memref<1000000x16xi32, #tpu.memory_space<hbm>>) target(%dma_start3A_353 : memref<50x16xi32, #tpu.memory_space<vmem>>) offsets(%dma_start3A_356 : memref<50xi32, #tpu.memory_space<vmem>>) semaphore(%arg21 : memref<!tpu.dma_semaphore, #tpu.memory_space<semaphore_mem>>)
        %mul3A_360 = arith.constant 16 : i32
        %mul3A_361 = arith.muli %add3A_255, %mul3A_360 : i32
        %add3A_362 = arith.constant 8 : i32
        %add3A_363 = arith.addi %mul3A_361, %add3A_362 : i32
        %dma_start3A_364 = arith.constant 400 : i32
        %dma_start3A_365 = arith.constant 0 : i32
        %dma_start3A_366 = tpu.memref_slice %arg13[%dma_start3A_364, %dma_start3A_365] : memref<800x16xi32, #tpu.memory_space<vmem>> -> memref<50x16xi32, #tpu.memory_space<vmem>>
        %dma_start3A_367 = arith.constant 0 : i32
        %dma_start3A_368 = tpu.memref_slice %arg11[%add3A_363, %dma_start3A_367] : memref<512x50xi32, #tpu.memory_space<vmem>> -> memref<1x50xi32, #tpu.memory_space<vmem>>
        %dma_start3A_369 = tpu.memref_squeeze %dma_start3A_368 : memref<1x50xi32, #tpu.memory_space<vmem>> -> memref<50xi32, #tpu.memory_space<vmem>>
        %dma_start3A_370 = arith.constant 0 : i32
        %dma_start3A_371 = arith.constant 0 : i32
        %dma_start3A_372 = tpu.memref_slice %arg6[%dma_start3A_370, %dma_start3A_371] : memref<1000000x16xi32, #tpu.memory_space<hbm>> -> memref<1000000x16xi32, #tpu.memory_space<hbm>>
        tpu.enqueue_indirect_dma source(%dma_start3A_372 : memref<1000000x16xi32, #tpu.memory_space<hbm>>) target(%dma_start3A_366 : memref<50x16xi32, #tpu.memory_space<vmem>>) offsets(%dma_start3A_369 : memref<50xi32, #tpu.memory_space<vmem>>) semaphore(%arg21 : memref<!tpu.dma_semaphore, #tpu.memory_space<semaphore_mem>>)
        %mul3A_373 = arith.constant 16 : i32
        %mul3A_374 = arith.muli %add3A_255, %mul3A_373 : i32
        %add3A_375 = arith.constant 9 : i32
        %add3A_376 = arith.addi %mul3A_374, %add3A_375 : i32
        %dma_start3A_377 = arith.constant 450 : i32
        %dma_start3A_378 = arith.constant 0 : i32
        %dma_start3A_379 = tpu.memref_slice %arg13[%dma_start3A_377, %dma_start3A_378] : memref<800x16xi32, #tpu.memory_space<vmem>> -> memref<50x16xi32, #tpu.memory_space<vmem>>
        %dma_start3A_380 = arith.constant 0 : i32
        %dma_start3A_381 = tpu.memref_slice %arg11[%add3A_376, %dma_start3A_380] : memref<512x50xi32, #tpu.memory_space<vmem>> -> memref<1x50xi32, #tpu.memory_space<vmem>>
        %dma_start3A_382 = tpu.memref_squeeze %dma_start3A_381 : memref<1x50xi32, #tpu.memory_space<vmem>> -> memref<50xi32, #tpu.memory_space<vmem>>
        %dma_start3A_383 = arith.constant 0 : i32
        %dma_start3A_384 = arith.constant 0 : i32
        %dma_start3A_385 = tpu.memref_slice %arg6[%dma_start3A_383, %dma_start3A_384] : memref<1000000x16xi32, #tpu.memory_space<hbm>> -> memref<1000000x16xi32, #tpu.memory_space<hbm>>
        tpu.enqueue_indirect_dma source(%dma_start3A_385 : memref<1000000x16xi32, #tpu.memory_space<hbm>>) target(%dma_start3A_379 : memref<50x16xi32, #tpu.memory_space<vmem>>) offsets(%dma_start3A_382 : memref<50xi32, #tpu.memory_space<vmem>>) semaphore(%arg21 : memref<!tpu.dma_semaphore, #tpu.memory_space<semaphore_mem>>)
        %mul3A_386 = arith.constant 16 : i32
        %mul3A_387 = arith.muli %add3A_255, %mul3A_386 : i32
        %add3A_388 = arith.constant 10 : i32
        %add3A_389 = arith.addi %mul3A_387, %add3A_388 : i32
        %dma_start3A_390 = arith.constant 500 : i32
        %dma_start3A_391 = arith.constant 0 : i32
        %dma_start3A_392 = tpu.memref_slice %arg13[%dma_start3A_390, %dma_start3A_391] : memref<800x16xi32, #tpu.memory_space<vmem>> -> memref<50x16xi32, #tpu.memory_space<vmem>>
        %dma_start3A_393 = arith.constant 0 : i32
        %dma_start3A_394 = tpu.memref_slice %arg11[%add3A_389, %dma_start3A_393] : memref<512x50xi32, #tpu.memory_space<vmem>> -> memref<1x50xi32, #tpu.memory_space<vmem>>
        %dma_start3A_395 = tpu.memref_squeeze %dma_start3A_394 : memref<1x50xi32, #tpu.memory_space<vmem>> -> memref<50xi32, #tpu.memory_space<vmem>>
        %dma_start3A_396 = arith.constant 0 : i32
        %dma_start3A_397 = arith.constant 0 : i32
        %dma_start3A_398 = tpu.memref_slice %arg6[%dma_start3A_396, %dma_start3A_397] : memref<1000000x16xi32, #tpu.memory_space<hbm>> -> memref<1000000x16xi32, #tpu.memory_space<hbm>>
        tpu.enqueue_indirect_dma source(%dma_start3A_398 : memref<1000000x16xi32, #tpu.memory_space<hbm>>) target(%dma_start3A_392 : memref<50x16xi32, #tpu.memory_space<vmem>>) offsets(%dma_start3A_395 : memref<50xi32, #tpu.memory_space<vmem>>) semaphore(%arg21 : memref<!tpu.dma_semaphore, #tpu.memory_space<semaphore_mem>>)
        %mul3A_399 = arith.constant 16 : i32
        %mul3A_400 = arith.muli %add3A_255, %mul3A_399 : i32
        %add3A_401 = arith.constant 11 : i32
        %add3A_402 = arith.addi %mul3A_400, %add3A_401 : i32
        %dma_start3A_403 = arith.constant 550 : i32
        %dma_start3A_404 = arith.constant 0 : i32
        %dma_start3A_405 = tpu.memref_slice %arg13[%dma_start3A_403, %dma_start3A_404] : memref<800x16xi32, #tpu.memory_space<vmem>> -> memref<50x16xi32, #tpu.memory_space<vmem>>
        %dma_start3A_406 = arith.constant 0 : i32
        %dma_start3A_407 = tpu.memref_slice %arg11[%add3A_402, %dma_start3A_406] : memref<512x50xi32, #tpu.memory_space<vmem>> -> memref<1x50xi32, #tpu.memory_space<vmem>>
        %dma_start3A_408 = tpu.memref_squeeze %dma_start3A_407 : memref<1x50xi32, #tpu.memory_space<vmem>> -> memref<50xi32, #tpu.memory_space<vmem>>
        %dma_start3A_409 = arith.constant 0 : i32
        %dma_start3A_410 = arith.constant 0 : i32
        %dma_start3A_411 = tpu.memref_slice %arg6[%dma_start3A_409, %dma_start3A_410] : memref<1000000x16xi32, #tpu.memory_space<hbm>> -> memref<1000000x16xi32, #tpu.memory_space<hbm>>
        tpu.enqueue_indirect_dma source(%dma_start3A_411 : memref<1000000x16xi32, #tpu.memory_space<hbm>>) target(%dma_start3A_405 : memref<50x16xi32, #tpu.memory_space<vmem>>) offsets(%dma_start3A_408 : memref<50xi32, #tpu.memory_space<vmem>>) semaphore(%arg21 : memref<!tpu.dma_semaphore, #tpu.memory_space<semaphore_mem>>)
        %mul3A_412 = arith.constant 16 : i32
        %mul3A_413 = arith.muli %add3A_255, %mul3A_412 : i32
        %add3A_414 = arith.constant 12 : i32
        %add3A_415 = arith.addi %mul3A_413, %add3A_414 : i32
        %dma_start3A_416 = arith.constant 600 : i32
        %dma_start3A_417 = arith.constant 0 : i32
        %dma_start3A_418 = tpu.memref_slice %arg13[%dma_start3A_416, %dma_start3A_417] : memref<800x16xi32, #tpu.memory_space<vmem>> -> memref<50x16xi32, #tpu.memory_space<vmem>>
        %dma_start3A_419 = arith.constant 0 : i32
        %dma_start3A_420 = tpu.memref_slice %arg11[%add3A_415, %dma_start3A_419] : memref<512x50xi32, #tpu.memory_space<vmem>> -> memref<1x50xi32, #tpu.memory_space<vmem>>
        %dma_start3A_421 = tpu.memref_squeeze %dma_start3A_420 : memref<1x50xi32, #tpu.memory_space<vmem>> -> memref<50xi32, #tpu.memory_space<vmem>>
        %dma_start3A_422 = arith.constant 0 : i32
        %dma_start3A_423 = arith.constant 0 : i32
        %dma_start3A_424 = tpu.memref_slice %arg6[%dma_start3A_422, %dma_start3A_423] : memref<1000000x16xi32, #tpu.memory_space<hbm>> -> memref<1000000x16xi32, #tpu.memory_space<hbm>>
        tpu.enqueue_indirect_dma source(%dma_start3A_424 : memref<1000000x16xi32, #tpu.memory_space<hbm>>) target(%dma_start3A_418 : memref<50x16xi32, #tpu.memory_space<vmem>>) offsets(%dma_start3A_421 : memref<50xi32, #tpu.memory_space<vmem>>) semaphore(%arg21 : memref<!tpu.dma_semaphore, #tpu.memory_space<semaphore_mem>>)
        %mul3A_425 = arith.constant 16 : i32
        %mul3A_426 = arith.muli %add3A_255, %mul3A_425 : i32
        %add3A_427 = arith.constant 13 : i32
        %add3A_428 = arith.addi %mul3A_426, %add3A_427 : i32
        %dma_start3A_429 = arith.constant 650 : i32
        %dma_start3A_430 = arith.constant 0 : i32
        %dma_start3A_431 = tpu.memref_slice %arg13[%dma_start3A_429, %dma_start3A_430] : memref<800x16xi32, #tpu.memory_space<vmem>> -> memref<50x16xi32, #tpu.memory_space<vmem>>
        %dma_start3A_432 = arith.constant 0 : i32
        %dma_start3A_433 = tpu.memref_slice %arg11[%add3A_428, %dma_start3A_432] : memref<512x50xi32, #tpu.memory_space<vmem>> -> memref<1x50xi32, #tpu.memory_space<vmem>>
        %dma_start3A_434 = tpu.memref_squeeze %dma_start3A_433 : memref<1x50xi32, #tpu.memory_space<vmem>> -> memref<50xi32, #tpu.memory_space<vmem>>
        %dma_start3A_435 = arith.constant 0 : i32
        %dma_start3A_436 = arith.constant 0 : i32
        %dma_start3A_437 = tpu.memref_slice %arg6[%dma_start3A_435, %dma_start3A_436] : memref<1000000x16xi32, #tpu.memory_space<hbm>> -> memref<1000000x16xi32, #tpu.memory_space<hbm>>
        tpu.enqueue_indirect_dma source(%dma_start3A_437 : memref<1000000x16xi32, #tpu.memory_space<hbm>>) target(%dma_start3A_431 : memref<50x16xi32, #tpu.memory_space<vmem>>) offsets(%dma_start3A_434 : memref<50xi32, #tpu.memory_space<vmem>>) semaphore(%arg21 : memref<!tpu.dma_semaphore, #tpu.memory_space<semaphore_mem>>)
        %mul3A_438 = arith.constant 16 : i32
        %mul3A_439 = arith.muli %add3A_255, %mul3A_438 : i32
        %add3A_440 = arith.constant 14 : i32
        %add3A_441 = arith.addi %mul3A_439, %add3A_440 : i32
        %dma_start3A_442 = arith.constant 700 : i32
        %dma_start3A_443 = arith.constant 0 : i32
        %dma_start3A_444 = tpu.memref_slice %arg13[%dma_start3A_442, %dma_start3A_443] : memref<800x16xi32, #tpu.memory_space<vmem>> -> memref<50x16xi32, #tpu.memory_space<vmem>>
        %dma_start3A_445 = arith.constant 0 : i32
        %dma_start3A_446 = tpu.memref_slice %arg11[%add3A_441, %dma_start3A_445] : memref<512x50xi32, #tpu.memory_space<vmem>> -> memref<1x50xi32, #tpu.memory_space<vmem>>
        %dma_start3A_447 = tpu.memref_squeeze %dma_start3A_446 : memref<1x50xi32, #tpu.memory_space<vmem>> -> memref<50xi32, #tpu.memory_space<vmem>>
        %dma_start3A_448 = arith.constant 0 : i32
        %dma_start3A_449 = arith.constant 0 : i32
        %dma_start3A_450 = tpu.memref_slice %arg6[%dma_start3A_448, %dma_start3A_449] : memref<1000000x16xi32, #tpu.memory_space<hbm>> -> memref<1000000x16xi32, #tpu.memory_space<hbm>>
        tpu.enqueue_indirect_dma source(%dma_start3A_450 : memref<1000000x16xi32, #tpu.memory_space<hbm>>) target(%dma_start3A_444 : memref<50x16xi32, #tpu.memory_space<vmem>>) offsets(%dma_start3A_447 : memref<50xi32, #tpu.memory_space<vmem>>) semaphore(%arg21 : memref<!tpu.dma_semaphore, #tpu.memory_space<semaphore_mem>>)
        %mul3A_451 = arith.constant 16 : i32
        %mul3A_452 = arith.muli %add3A_255, %mul3A_451 : i32
        %add3A_453 = arith.constant 15 : i32
        %add3A_454 = arith.addi %mul3A_452, %add3A_453 : i32
        %dma_start3A_455 = arith.constant 750 : i32
        %dma_start3A_456 = arith.constant 0 : i32
        %dma_start3A_457 = tpu.memref_slice %arg13[%dma_start3A_455, %dma_start3A_456] : memref<800x16xi32, #tpu.memory_space<vmem>> -> memref<50x16xi32, #tpu.memory_space<vmem>>
        %dma_start3A_458 = arith.constant 0 : i32
        %dma_start3A_459 = tpu.memref_slice %arg11[%add3A_454, %dma_start3A_458] : memref<512x50xi32, #tpu.memory_space<vmem>> -> memref<1x50xi32, #tpu.memory_space<vmem>>
        %dma_start3A_460 = tpu.memref_squeeze %dma_start3A_459 : memref<1x50xi32, #tpu.memory_space<vmem>> -> memref<50xi32, #tpu.memory_space<vmem>>
        %dma_start3A_461 = arith.constant 0 : i32
        %dma_start3A_462 = arith.constant 0 : i32
        %dma_start3A_463 = tpu.memref_slice %arg6[%dma_start3A_461, %dma_start3A_462] : memref<1000000x16xi32, #tpu.memory_space<hbm>> -> memref<1000000x16xi32, #tpu.memory_space<hbm>>
        tpu.enqueue_indirect_dma source(%dma_start3A_463 : memref<1000000x16xi32, #tpu.memory_space<hbm>>) target(%dma_start3A_457 : memref<50x16xi32, #tpu.memory_space<vmem>>) offsets(%dma_start3A_460 : memref<50xi32, #tpu.memory_space<vmem>>) semaphore(%arg21 : memref<!tpu.dma_semaphore, #tpu.memory_space<semaphore_mem>>)
        %mul3A_464 = arith.constant 2 : i32
        %mul3A_465 = arith.muli %mul3A_464, %scan3A_40 : i32
        %add3A_466 = arith.constant 0 : i32
        %add3A_467 = arith.addi %mul3A_465, %add3A_466 : i32
        %dma_wait3A_468 = arith.constant 0 : i32
        %dma_wait3A_469 = arith.constant 0 : i32
        %dma_wait3A_470 = tpu.memref_slice %arg12[%dma_wait3A_468, %dma_wait3A_469] : memref<800x16xi32, #tpu.memory_space<vmem>> -> memref<50x16xi32, #tpu.memory_space<vmem>>
        %dma_wait3A_471 = arith.constant 0 : i32
        %dma_wait3A_472 = tpu.memref_slice %arg11[%add3A_48, %dma_wait3A_471] : memref<512x50xi32, #tpu.memory_space<vmem>> -> memref<1x50xi32, #tpu.memory_space<vmem>>
        %dma_wait3A_473 = tpu.memref_squeeze %dma_wait3A_472 : memref<1x50xi32, #tpu.memory_space<vmem>> -> memref<50xi32, #tpu.memory_space<vmem>>
        %dma_wait3A_474 = arith.constant 0 : i32
        %dma_wait3A_475 = arith.constant 0 : i32
        %dma_wait3A_476 = tpu.memref_slice %arg6[%dma_wait3A_474, %dma_wait3A_475] : memref<1000000x16xi32, #tpu.memory_space<hbm>> -> memref<1000000x16xi32, #tpu.memory_space<hbm>>
        tpu.wait_indirect_dma semaphore(%arg20 : memref<!tpu.dma_semaphore, #tpu.memory_space<semaphore_mem>>) src(%dma_wait3A_476 : memref<1000000x16xi32, #tpu.memory_space<hbm>>) dst(%dma_wait3A_470 : memref<50x16xi32, #tpu.memory_space<vmem>>)
        %dma_wait3A_477 = arith.constant 50 : i32
        %dma_wait3A_478 = arith.constant 0 : i32
        %dma_wait3A_479 = tpu.memref_slice %arg12[%dma_wait3A_477, %dma_wait3A_478] : memref<800x16xi32, #tpu.memory_space<vmem>> -> memref<50x16xi32, #tpu.memory_space<vmem>>
        %dma_wait3A_480 = arith.constant 0 : i32
        %dma_wait3A_481 = tpu.memref_slice %arg11[%add3A_60, %dma_wait3A_480] : memref<512x50xi32, #tpu.memory_space<vmem>> -> memref<1x50xi32, #tpu.memory_space<vmem>>
        %dma_wait3A_482 = tpu.memref_squeeze %dma_wait3A_481 : memref<1x50xi32, #tpu.memory_space<vmem>> -> memref<50xi32, #tpu.memory_space<vmem>>
        %dma_wait3A_483 = arith.constant 0 : i32
        %dma_wait3A_484 = arith.constant 0 : i32
        %dma_wait3A_485 = tpu.memref_slice %arg6[%dma_wait3A_483, %dma_wait3A_484] : memref<1000000x16xi32, #tpu.memory_space<hbm>> -> memref<1000000x16xi32, #tpu.memory_space<hbm>>
        tpu.wait_indirect_dma semaphore(%arg20 : memref<!tpu.dma_semaphore, #tpu.memory_space<semaphore_mem>>) src(%dma_wait3A_485 : memref<1000000x16xi32, #tpu.memory_space<hbm>>) dst(%dma_wait3A_479 : memref<50x16xi32, #tpu.memory_space<vmem>>)
        %dma_wait3A_486 = arith.constant 100 : i32
        %dma_wait3A_487 = arith.constant 0 : i32
        %dma_wait3A_488 = tpu.memref_slice %arg12[%dma_wait3A_486, %dma_wait3A_487] : memref<800x16xi32, #tpu.memory_space<vmem>> -> memref<50x16xi32, #tpu.memory_space<vmem>>
        %dma_wait3A_489 = arith.constant 0 : i32
        %dma_wait3A_490 = tpu.memref_slice %arg11[%add3A_73, %dma_wait3A_489] : memref<512x50xi32, #tpu.memory_space<vmem>> -> memref<1x50xi32, #tpu.memory_space<vmem>>
        %dma_wait3A_491 = tpu.memref_squeeze %dma_wait3A_490 : memref<1x50xi32, #tpu.memory_space<vmem>> -> memref<50xi32, #tpu.memory_space<vmem>>
        %dma_wait3A_492 = arith.constant 0 : i32
        %dma_wait3A_493 = arith.constant 0 : i32
        %dma_wait3A_494 = tpu.memref_slice %arg6[%dma_wait3A_492, %dma_wait3A_493] : memref<1000000x16xi32, #tpu.memory_space<hbm>> -> memref<1000000x16xi32, #tpu.memory_space<hbm>>
        tpu.wait_indirect_dma semaphore(%arg20 : memref<!tpu.dma_semaphore, #tpu.memory_space<semaphore_mem>>) src(%dma_wait3A_494 : memref<1000000x16xi32, #tpu.memory_space<hbm>>) dst(%dma_wait3A_488 : memref<50x16xi32, #tpu.memory_space<vmem>>)
        %dma_wait3A_495 = arith.constant 150 : i32
        %dma_wait3A_496 = arith.constant 0 : i32
        %dma_wait3A_497 = tpu.memref_slice %arg12[%dma_wait3A_495, %dma_wait3A_496] : memref<800x16xi32, #tpu.memory_space<vmem>> -> memref<50x16xi32, #tpu.memory_space<vmem>>
        %dma_wait3A_498 = arith.constant 0 : i32
        %dma_wait3A_499 = tpu.memref_slice %arg11[%add3A_86, %dma_wait3A_498] : memref<512x50xi32, #tpu.memory_space<vmem>> -> memref<1x50xi32, #tpu.memory_space<vmem>>
        %dma_wait3A_500 = tpu.memref_squeeze %dma_wait3A_499 : memref<1x50xi32, #tpu.memory_space<vmem>> -> memref<50xi32, #tpu.memory_space<vmem>>
        %dma_wait3A_501 = arith.constant 0 : i32
        %dma_wait3A_502 = arith.constant 0 : i32
        %dma_wait3A_503 = tpu.memref_slice %arg6[%dma_wait3A_501, %dma_wait3A_502] : memref<1000000x16xi32, #tpu.memory_space<hbm>> -> memref<1000000x16xi32, #tpu.memory_space<hbm>>
        tpu.wait_indirect_dma semaphore(%arg20 : memref<!tpu.dma_semaphore, #tpu.memory_space<semaphore_mem>>) src(%dma_wait3A_503 : memref<1000000x16xi32, #tpu.memory_space<hbm>>) dst(%dma_wait3A_497 : memref<50x16xi32, #tpu.memory_space<vmem>>)
        %dma_wait3A_504 = arith.constant 200 : i32
        %dma_wait3A_505 = arith.constant 0 : i32
        %dma_wait3A_506 = tpu.memref_slice %arg12[%dma_wait3A_504, %dma_wait3A_505] : memref<800x16xi32, #tpu.memory_space<vmem>> -> memref<50x16xi32, #tpu.memory_space<vmem>>
        %dma_wait3A_507 = arith.constant 0 : i32
        %dma_wait3A_508 = tpu.memref_slice %arg11[%add3A_99, %dma_wait3A_507] : memref<512x50xi32, #tpu.memory_space<vmem>> -> memref<1x50xi32, #tpu.memory_space<vmem>>
        %dma_wait3A_509 = tpu.memref_squeeze %dma_wait3A_508 : memref<1x50xi32, #tpu.memory_space<vmem>> -> memref<50xi32, #tpu.memory_space<vmem>>
        %dma_wait3A_510 = arith.constant 0 : i32
        %dma_wait3A_511 = arith.constant 0 : i32
        %dma_wait3A_512 = tpu.memref_slice %arg6[%dma_wait3A_510, %dma_wait3A_511] : memref<1000000x16xi32, #tpu.memory_space<hbm>> -> memref<1000000x16xi32, #tpu.memory_space<hbm>>
        tpu.wait_indirect_dma semaphore(%arg20 : memref<!tpu.dma_semaphore, #tpu.memory_space<semaphore_mem>>) src(%dma_wait3A_512 : memref<1000000x16xi32, #tpu.memory_space<hbm>>) dst(%dma_wait3A_506 : memref<50x16xi32, #tpu.memory_space<vmem>>)
        %dma_wait3A_513 = arith.constant 250 : i32
        %dma_wait3A_514 = arith.constant 0 : i32
        %dma_wait3A_515 = tpu.memref_slice %arg12[%dma_wait3A_513, %dma_wait3A_514] : memref<800x16xi32, #tpu.memory_space<vmem>> -> memref<50x16xi32, #tpu.memory_space<vmem>>
        %dma_wait3A_516 = arith.constant 0 : i32
        %dma_wait3A_517 = tpu.memref_slice %arg11[%add3A_112, %dma_wait3A_516] : memref<512x50xi32, #tpu.memory_space<vmem>> -> memref<1x50xi32, #tpu.memory_space<vmem>>
        %dma_wait3A_518 = tpu.memref_squeeze %dma_wait3A_517 : memref<1x50xi32, #tpu.memory_space<vmem>> -> memref<50xi32, #tpu.memory_space<vmem>>
        %dma_wait3A_519 = arith.constant 0 : i32
        %dma_wait3A_520 = arith.constant 0 : i32
        %dma_wait3A_521 = tpu.memref_slice %arg6[%dma_wait3A_519, %dma_wait3A_520] : memref<1000000x16xi32, #tpu.memory_space<hbm>> -> memref<1000000x16xi32, #tpu.memory_space<hbm>>
        tpu.wait_indirect_dma semaphore(%arg20 : memref<!tpu.dma_semaphore, #tpu.memory_space<semaphore_mem>>) src(%dma_wait3A_521 : memref<1000000x16xi32, #tpu.memory_space<hbm>>) dst(%dma_wait3A_515 : memref<50x16xi32, #tpu.memory_space<vmem>>)
        %dma_wait3A_522 = arith.constant 300 : i32
        %dma_wait3A_523 = arith.constant 0 : i32
        %dma_wait3A_524 = tpu.memref_slice %arg12[%dma_wait3A_522, %dma_wait3A_523] : memref<800x16xi32, #tpu.memory_space<vmem>> -> memref<50x16xi32, #tpu.memory_space<vmem>>
        %dma_wait3A_525 = arith.constant 0 : i32
        %dma_wait3A_526 = tpu.memref_slice %arg11[%add3A_125, %dma_wait3A_525] : memref<512x50xi32, #tpu.memory_space<vmem>> -> memref<1x50xi32, #tpu.memory_space<vmem>>
        %dma_wait3A_527 = tpu.memref_squeeze %dma_wait3A_526 : memref<1x50xi32, #tpu.memory_space<vmem>> -> memref<50xi32, #tpu.memory_space<vmem>>
        %dma_wait3A_528 = arith.constant 0 : i32
        %dma_wait3A_529 = arith.constant 0 : i32
        %dma_wait3A_530 = tpu.memref_slice %arg6[%dma_wait3A_528, %dma_wait3A_529] : memref<1000000x16xi32, #tpu.memory_space<hbm>> -> memref<1000000x16xi32, #tpu.memory_space<hbm>>
        tpu.wait_indirect_dma semaphore(%arg20 : memref<!tpu.dma_semaphore, #tpu.memory_space<semaphore_mem>>) src(%dma_wait3A_530 : memref<1000000x16xi32, #tpu.memory_space<hbm>>) dst(%dma_wait3A_524 : memref<50x16xi32, #tpu.memory_space<vmem>>)
        %dma_wait3A_531 = arith.constant 350 : i32
        %dma_wait3A_532 = arith.constant 0 : i32
        %dma_wait3A_533 = tpu.memref_slice %arg12[%dma_wait3A_531, %dma_wait3A_532] : memref<800x16xi32, #tpu.memory_space<vmem>> -> memref<50x16xi32, #tpu.memory_space<vmem>>
        %dma_wait3A_534 = arith.constant 0 : i32
        %dma_wait3A_535 = tpu.memref_slice %arg11[%add3A_138, %dma_wait3A_534] : memref<512x50xi32, #tpu.memory_space<vmem>> -> memref<1x50xi32, #tpu.memory_space<vmem>>
        %dma_wait3A_536 = tpu.memref_squeeze %dma_wait3A_535 : memref<1x50xi32, #tpu.memory_space<vmem>> -> memref<50xi32, #tpu.memory_space<vmem>>
        %dma_wait3A_537 = arith.constant 0 : i32
        %dma_wait3A_538 = arith.constant 0 : i32
        %dma_wait3A_539 = tpu.memref_slice %arg6[%dma_wait3A_537, %dma_wait3A_538] : memref<1000000x16xi32, #tpu.memory_space<hbm>> -> memref<1000000x16xi32, #tpu.memory_space<hbm>>
        tpu.wait_indirect_dma semaphore(%arg20 : memref<!tpu.dma_semaphore, #tpu.memory_space<semaphore_mem>>) src(%dma_wait3A_539 : memref<1000000x16xi32, #tpu.memory_space<hbm>>) dst(%dma_wait3A_533 : memref<50x16xi32, #tpu.memory_space<vmem>>)
        %dma_wait3A_540 = arith.constant 400 : i32
        %dma_wait3A_541 = arith.constant 0 : i32
        %dma_wait3A_542 = tpu.memref_slice %arg12[%dma_wait3A_540, %dma_wait3A_541] : memref<800x16xi32, #tpu.memory_space<vmem>> -> memref<50x16xi32, #tpu.memory_space<vmem>>
        %dma_wait3A_543 = arith.constant 0 : i32
        %dma_wait3A_544 = tpu.memref_slice %arg11[%add3A_151, %dma_wait3A_543] : memref<512x50xi32, #tpu.memory_space<vmem>> -> memref<1x50xi32, #tpu.memory_space<vmem>>
        %dma_wait3A_545 = tpu.memref_squeeze %dma_wait3A_544 : memref<1x50xi32, #tpu.memory_space<vmem>> -> memref<50xi32, #tpu.memory_space<vmem>>
        %dma_wait3A_546 = arith.constant 0 : i32
        %dma_wait3A_547 = arith.constant 0 : i32
        %dma_wait3A_548 = tpu.memref_slice %arg6[%dma_wait3A_546, %dma_wait3A_547] : memref<1000000x16xi32, #tpu.memory_space<hbm>> -> memref<1000000x16xi32, #tpu.memory_space<hbm>>
        tpu.wait_indirect_dma semaphore(%arg20 : memref<!tpu.dma_semaphore, #tpu.memory_space<semaphore_mem>>) src(%dma_wait3A_548 : memref<1000000x16xi32, #tpu.memory_space<hbm>>) dst(%dma_wait3A_542 : memref<50x16xi32, #tpu.memory_space<vmem>>)
        %dma_wait3A_549 = arith.constant 450 : i32
        %dma_wait3A_550 = arith.constant 0 : i32
        %dma_wait3A_551 = tpu.memref_slice %arg12[%dma_wait3A_549, %dma_wait3A_550] : memref<800x16xi32, #tpu.memory_space<vmem>> -> memref<50x16xi32, #tpu.memory_space<vmem>>
        %dma_wait3A_552 = arith.constant 0 : i32
        %dma_wait3A_553 = tpu.memref_slice %arg11[%add3A_164, %dma_wait3A_552] : memref<512x50xi32, #tpu.memory_space<vmem>> -> memref<1x50xi32, #tpu.memory_space<vmem>>
        %dma_wait3A_554 = tpu.memref_squeeze %dma_wait3A_553 : memref<1x50xi32, #tpu.memory_space<vmem>> -> memref<50xi32, #tpu.memory_space<vmem>>
        %dma_wait3A_555 = arith.constant 0 : i32
        %dma_wait3A_556 = arith.constant 0 : i32
        %dma_wait3A_557 = tpu.memref_slice %arg6[%dma_wait3A_555, %dma_wait3A_556] : memref<1000000x16xi32, #tpu.memory_space<hbm>> -> memref<1000000x16xi32, #tpu.memory_space<hbm>>
        tpu.wait_indirect_dma semaphore(%arg20 : memref<!tpu.dma_semaphore, #tpu.memory_space<semaphore_mem>>) src(%dma_wait3A_557 : memref<1000000x16xi32, #tpu.memory_space<hbm>>) dst(%dma_wait3A_551 : memref<50x16xi32, #tpu.memory_space<vmem>>)
        %dma_wait3A_558 = arith.constant 500 : i32
        %dma_wait3A_559 = arith.constant 0 : i32
        %dma_wait3A_560 = tpu.memref_slice %arg12[%dma_wait3A_558, %dma_wait3A_559] : memref<800x16xi32, #tpu.memory_space<vmem>> -> memref<50x16xi32, #tpu.memory_space<vmem>>
        %dma_wait3A_561 = arith.constant 0 : i32
        %dma_wait3A_562 = tpu.memref_slice %arg11[%add3A_177, %dma_wait3A_561] : memref<512x50xi32, #tpu.memory_space<vmem>> -> memref<1x50xi32, #tpu.memory_space<vmem>>
        %dma_wait3A_563 = tpu.memref_squeeze %dma_wait3A_562 : memref<1x50xi32, #tpu.memory_space<vmem>> -> memref<50xi32, #tpu.memory_space<vmem>>
        %dma_wait3A_564 = arith.constant 0 : i32
        %dma_wait3A_565 = arith.constant 0 : i32
        %dma_wait3A_566 = tpu.memref_slice %arg6[%dma_wait3A_564, %dma_wait3A_565] : memref<1000000x16xi32, #tpu.memory_space<hbm>> -> memref<1000000x16xi32, #tpu.memory_space<hbm>>
        tpu.wait_indirect_dma semaphore(%arg20 : memref<!tpu.dma_semaphore, #tpu.memory_space<semaphore_mem>>) src(%dma_wait3A_566 : memref<1000000x16xi32, #tpu.memory_space<hbm>>) dst(%dma_wait3A_560 : memref<50x16xi32, #tpu.memory_space<vmem>>)
        %dma_wait3A_567 = arith.constant 550 : i32
        %dma_wait3A_568 = arith.constant 0 : i32
        %dma_wait3A_569 = tpu.memref_slice %arg12[%dma_wait3A_567, %dma_wait3A_568] : memref<800x16xi32, #tpu.memory_space<vmem>> -> memref<50x16xi32, #tpu.memory_space<vmem>>
        %dma_wait3A_570 = arith.constant 0 : i32
        %dma_wait3A_571 = tpu.memref_slice %arg11[%add3A_190, %dma_wait3A_570] : memref<512x50xi32, #tpu.memory_space<vmem>> -> memref<1x50xi32, #tpu.memory_space<vmem>>
        %dma_wait3A_572 = tpu.memref_squeeze %dma_wait3A_571 : memref<1x50xi32, #tpu.memory_space<vmem>> -> memref<50xi32, #tpu.memory_space<vmem>>
        %dma_wait3A_573 = arith.constant 0 : i32
        %dma_wait3A_574 = arith.constant 0 : i32
        %dma_wait3A_575 = tpu.memref_slice %arg6[%dma_wait3A_573, %dma_wait3A_574] : memref<1000000x16xi32, #tpu.memory_space<hbm>> -> memref<1000000x16xi32, #tpu.memory_space<hbm>>
        tpu.wait_indirect_dma semaphore(%arg20 : memref<!tpu.dma_semaphore, #tpu.memory_space<semaphore_mem>>) src(%dma_wait3A_575 : memref<1000000x16xi32, #tpu.memory_space<hbm>>) dst(%dma_wait3A_569 : memref<50x16xi32, #tpu.memory_space<vmem>>)
        %dma_wait3A_576 = arith.constant 600 : i32
        %dma_wait3A_577 = arith.constant 0 : i32
        %dma_wait3A_578 = tpu.memref_slice %arg12[%dma_wait3A_576, %dma_wait3A_577] : memref<800x16xi32, #tpu.memory_space<vmem>> -> memref<50x16xi32, #tpu.memory_space<vmem>>
        %dma_wait3A_579 = arith.constant 0 : i32
        %dma_wait3A_580 = tpu.memref_slice %arg11[%add3A_203, %dma_wait3A_579] : memref<512x50xi32, #tpu.memory_space<vmem>> -> memref<1x50xi32, #tpu.memory_space<vmem>>
        %dma_wait3A_581 = tpu.memref_squeeze %dma_wait3A_580 : memref<1x50xi32, #tpu.memory_space<vmem>> -> memref<50xi32, #tpu.memory_space<vmem>>
        %dma_wait3A_582 = arith.constant 0 : i32
        %dma_wait3A_583 = arith.constant 0 : i32
        %dma_wait3A_584 = tpu.memref_slice %arg6[%dma_wait3A_582, %dma_wait3A_583] : memref<1000000x16xi32, #tpu.memory_space<hbm>> -> memref<1000000x16xi32, #tpu.memory_space<hbm>>
        tpu.wait_indirect_dma semaphore(%arg20 : memref<!tpu.dma_semaphore, #tpu.memory_space<semaphore_mem>>) src(%dma_wait3A_584 : memref<1000000x16xi32, #tpu.memory_space<hbm>>) dst(%dma_wait3A_578 : memref<50x16xi32, #tpu.memory_space<vmem>>)
        %dma_wait3A_585 = arith.constant 650 : i32
        %dma_wait3A_586 = arith.constant 0 : i32
        %dma_wait3A_587 = tpu.memref_slice %arg12[%dma_wait3A_585, %dma_wait3A_586] : memref<800x16xi32, #tpu.memory_space<vmem>> -> memref<50x16xi32, #tpu.memory_space<vmem>>
        %dma_wait3A_588 = arith.constant 0 : i32
        %dma_wait3A_589 = tpu.memref_slice %arg11[%add3A_216, %dma_wait3A_588] : memref<512x50xi32, #tpu.memory_space<vmem>> -> memref<1x50xi32, #tpu.memory_space<vmem>>
        %dma_wait3A_590 = tpu.memref_squeeze %dma_wait3A_589 : memref<1x50xi32, #tpu.memory_space<vmem>> -> memref<50xi32, #tpu.memory_space<vmem>>
        %dma_wait3A_591 = arith.constant 0 : i32
        %dma_wait3A_592 = arith.constant 0 : i32
        %dma_wait3A_593 = tpu.memref_slice %arg6[%dma_wait3A_591, %dma_wait3A_592] : memref<1000000x16xi32, #tpu.memory_space<hbm>> -> memref<1000000x16xi32, #tpu.memory_space<hbm>>
        tpu.wait_indirect_dma semaphore(%arg20 : memref<!tpu.dma_semaphore, #tpu.memory_space<semaphore_mem>>) src(%dma_wait3A_593 : memref<1000000x16xi32, #tpu.memory_space<hbm>>) dst(%dma_wait3A_587 : memref<50x16xi32, #tpu.memory_space<vmem>>)
        %dma_wait3A_594 = arith.constant 700 : i32
        %dma_wait3A_595 = arith.constant 0 : i32
        %dma_wait3A_596 = tpu.memref_slice %arg12[%dma_wait3A_594, %dma_wait3A_595] : memref<800x16xi32, #tpu.memory_space<vmem>> -> memref<50x16xi32, #tpu.memory_space<vmem>>
        %dma_wait3A_597 = arith.constant 0 : i32
        %dma_wait3A_598 = tpu.memref_slice %arg11[%add3A_229, %dma_wait3A_597] : memref<512x50xi32, #tpu.memory_space<vmem>> -> memref<1x50xi32, #tpu.memory_space<vmem>>
        %dma_wait3A_599 = tpu.memref_squeeze %dma_wait3A_598 : memref<1x50xi32, #tpu.memory_space<vmem>> -> memref<50xi32, #tpu.memory_space<vmem>>
        %dma_wait3A_600 = arith.constant 0 : i32
        %dma_wait3A_601 = arith.constant 0 : i32
        %dma_wait3A_602 = tpu.memref_slice %arg6[%dma_wait3A_600, %dma_wait3A_601] : memref<1000000x16xi32, #tpu.memory_space<hbm>> -> memref<1000000x16xi32, #tpu.memory_space<hbm>>
        tpu.wait_indirect_dma semaphore(%arg20 : memref<!tpu.dma_semaphore, #tpu.memory_space<semaphore_mem>>) src(%dma_wait3A_602 : memref<1000000x16xi32, #tpu.memory_space<hbm>>) dst(%dma_wait3A_596 : memref<50x16xi32, #tpu.memory_space<vmem>>)
        %dma_wait3A_603 = arith.constant 750 : i32
        %dma_wait3A_604 = arith.constant 0 : i32
        %dma_wait3A_605 = tpu.memref_slice %arg12[%dma_wait3A_603, %dma_wait3A_604] : memref<800x16xi32, #tpu.memory_space<vmem>> -> memref<50x16xi32, #tpu.memory_space<vmem>>
        %dma_wait3A_606 = arith.constant 0 : i32
        %dma_wait3A_607 = tpu.memref_slice %arg11[%add3A_242, %dma_wait3A_606] : memref<512x50xi32, #tpu.memory_space<vmem>> -> memref<1x50xi32, #tpu.memory_space<vmem>>
        %dma_wait3A_608 = tpu.memref_squeeze %dma_wait3A_607 : memref<1x50xi32, #tpu.memory_space<vmem>> -> memref<50xi32, #tpu.memory_space<vmem>>
        %dma_wait3A_609 = arith.constant 0 : i32
        %dma_wait3A_610 = arith.constant 0 : i32
        %dma_wait3A_611 = tpu.memref_slice %arg6[%dma_wait3A_609, %dma_wait3A_610] : memref<1000000x16xi32, #tpu.memory_space<hbm>> -> memref<1000000x16xi32, #tpu.memory_space<hbm>>
        tpu.wait_indirect_dma semaphore(%arg20 : memref<!tpu.dma_semaphore, #tpu.memory_space<semaphore_mem>>) src(%dma_wait3A_611 : memref<1000000x16xi32, #tpu.memory_space<hbm>>) dst(%dma_wait3A_605 : memref<50x16xi32, #tpu.memory_space<vmem>>)
        %ge3A = arith.constant 1 : i32
        %ge3A_612 = arith.cmpi sge, %scan3A_40, %ge3A : i32
        %convert_element_type3A_613 = arith.extui %ge3A_612 : i1 to i32
        %cond3A_614 = arith.constant 0 : i32
        %cond3A_615 = arith.cmpi ne, %convert_element_type3A_613, %cond3A_614 : i32
        scf.if %cond3A_615 {
          %dma_wait3A_803 = arith.constant 0 : i32
          %dma_wait3A_804 = arith.constant 0 : i32
          %dma_wait3A_805 = arith.constant 0 : i32
          %dma_wait3A_806 = tpu.memref_slice %arg4[%dma_wait3A_803, %dma_wait3A_804, %dma_wait3A_805] : memref<16384x50x32xbf16, #tpu.memory_space<hbm>> -> memref<16x50x32xbf16, #tpu.memory_space<hbm>>
          %dma_wait3A_807 = arith.constant 0 : i32
          %dma_wait3A_808 = arith.constant 0 : i32
          %dma_wait3A_809 = arith.constant 0 : i32
          %dma_wait3A_810 = tpu.memref_slice %arg4[%dma_wait3A_807, %dma_wait3A_808, %dma_wait3A_809] : memref<16384x50x32xbf16, #tpu.memory_space<hbm>> -> memref<16x50x32xbf16, #tpu.memory_space<hbm>>
          tpu.wait_dma2 semaphore(%arg22 : memref<!tpu.dma_semaphore, #tpu.memory_space<semaphore_mem>>) src(%arg14 : memref<16x50x32xbf16, #tpu.memory_space<vmem>>) dst(%dma_wait3A_810 : memref<16x50x32xbf16, #tpu.memory_space<hbm>>)
        } else {
        }
        %scan3A_616 = arith.constant 0 : i32
        %scan3A_617 = arith.constant 0 : i32
        %scan3A_618 = arith.constant 16 : i32
        %scan3A_619 = arith.addi %scan3A_617, %scan3A_618 : i32
        %scan3A_620 = arith.constant 1 : i32
        scf.for %scan3A_803 = %scan3A_617 to %scan3A_619 step %scan3A_620  : i32 {
          %mul3A_804 = arith.constant 50 : i32
          %mul3A_805 = arith.muli %scan3A_803, %mul3A_804 : i32
          %scan3A_806 = arith.constant 0 : i32
          %scan3A_807 = arith.constant 0 : i32
          %scan3A_808 = arith.constant 10 : i32
          %scan3A_809 = arith.addi %scan3A_807, %scan3A_808 : i32
          %scan3A_810 = arith.constant 1 : i32
          scf.for %scan3A_812 = %scan3A_807 to %scan3A_809 step %scan3A_810  : i32 {
            %mul3A_813 = arith.constant 5 : i32
            %mul3A_814 = arith.muli %scan3A_812, %mul3A_813 : i32
            %add3A_815 = arith.addi %mul3A_805, %mul3A_814 : i32
            %add3A_816 = arith.constant 0 : i32
            %add3A_817 = arith.addi %add3A_815, %add3A_816 : i32
            %get3A = arith.index_cast %add3A_817 : i32 to index
            %get3A_818 = arith.constant 0 : index
            %get3A_819 = tpu.vector_load %arg12[%get3A, %get3A_818] {strides = array<i32>} : memref<800x16xi32, #tpu.memory_space<vmem>>, vector<16xi32>,
            %bitcast3A = vector.bitcast %get3A_819 : vector<16xi32> to vector<32xbf16>
            %add3A_820 = arith.constant 0 : i32
            %add3A_821 = arith.addi %mul3A_814, %add3A_820 : i32
            %swap3A = arith.index_cast %scan3A_803 : i32 to index
            %swap3A_822 = arith.index_cast %add3A_821 : i32 to index
            %swap3A_823 = arith.constant 0 : index
            %swap3A_824 = tpu.vector_load %arg14[%swap3A, %swap3A_822, %swap3A_823] {strides = array<i32>} : memref<16x50x32xbf16, #tpu.memory_space<vmem>>, vector<32xbf16>,
            tpu.vector_store %arg14[%swap3A, %swap3A_822, %swap3A_823], %bitcast3A {strides = array<i32>} : memref<16x50x32xbf16, #tpu.memory_space<vmem>>, vector<32xbf16>,
            %add3A_825 = arith.addi %mul3A_805, %mul3A_814 : i32
            %add3A_826 = arith.constant 1 : i32
            %add3A_827 = arith.addi %add3A_825, %add3A_826 : i32
            %get3A_828 = arith.index_cast %add3A_827 : i32 to index
            %get3A_829 = arith.constant 0 : index
            %get3A_830 = tpu.vector_load %arg12[%get3A_828, %get3A_829] {strides = array<i32>} : memref<800x16xi32, #tpu.memory_space<vmem>>, vector<16xi32>,
            %bitcast3A_831 = vector.bitcast %get3A_830 : vector<16xi32> to vector<32xbf16>
            %add3A_832 = arith.constant 1 : i32
            %add3A_833 = arith.addi %mul3A_814, %add3A_832 : i32
            %swap3A_834 = arith.index_cast %scan3A_803 : i32 to index
            %swap3A_835 = arith.index_cast %add3A_833 : i32 to index
            %swap3A_836 = arith.constant 0 : index
            %swap3A_837 = tpu.vector_load %arg14[%swap3A_834, %swap3A_835, %swap3A_836] {strides = array<i32>} : memref<16x50x32xbf16, #tpu.memory_space<vmem>>, vector<32xbf16>,
            tpu.vector_store %arg14[%swap3A_834, %swap3A_835, %swap3A_836], %bitcast3A_831 {strides = array<i32>} : memref<16x50x32xbf16, #tpu.memory_space<vmem>>, vector<32xbf16>,
            %add3A_838 = arith.addi %mul3A_805, %mul3A_814 : i32
            %add3A_839 = arith.constant 2 : i32
            %add3A_840 = arith.addi %add3A_838, %add3A_839 : i32
            %get3A_841 = arith.index_cast %add3A_840 : i32 to index
            %get3A_842 = arith.constant 0 : index
            %get3A_843 = tpu.vector_load %arg12[%get3A_841, %get3A_842] {strides = array<i32>} : memref<800x16xi32, #tpu.memory_space<vmem>>, vector<16xi32>,
            %bitcast3A_844 = vector.bitcast %get3A_843 : vector<16xi32> to vector<32xbf16>
            %add3A_845 = arith.constant 2 : i32
            %add3A_846 = arith.addi %mul3A_814, %add3A_845 : i32
            %swap3A_847 = arith.index_cast %scan3A_803 : i32 to index
            %swap3A_848 = arith.index_cast %add3A_846 : i32 to index
            %swap3A_849 = arith.constant 0 : index
            %swap3A_850 = tpu.vector_load %arg14[%swap3A_847, %swap3A_848, %swap3A_849] {strides = array<i32>} : memref<16x50x32xbf16, #tpu.memory_space<vmem>>, vector<32xbf16>,
            tpu.vector_store %arg14[%swap3A_847, %swap3A_848, %swap3A_849], %bitcast3A_844 {strides = array<i32>} : memref<16x50x32xbf16, #tpu.memory_space<vmem>>, vector<32xbf16>,
            %add3A_851 = arith.addi %mul3A_805, %mul3A_814 : i32
            %add3A_852 = arith.constant 3 : i32
            %add3A_853 = arith.addi %add3A_851, %add3A_852 : i32
            %get3A_854 = arith.index_cast %add3A_853 : i32 to index
            %get3A_855 = arith.constant 0 : index
            %get3A_856 = tpu.vector_load %arg12[%get3A_854, %get3A_855] {strides = array<i32>} : memref<800x16xi32, #tpu.memory_space<vmem>>, vector<16xi32>,
            %bitcast3A_857 = vector.bitcast %get3A_856 : vector<16xi32> to vector<32xbf16>
            %add3A_858 = arith.constant 3 : i32
            %add3A_859 = arith.addi %mul3A_814, %add3A_858 : i32
            %swap3A_860 = arith.index_cast %scan3A_803 : i32 to index
            %swap3A_861 = arith.index_cast %add3A_859 : i32 to index
            %swap3A_862 = arith.constant 0 : index
            %swap3A_863 = tpu.vector_load %arg14[%swap3A_860, %swap3A_861, %swap3A_862] {strides = array<i32>} : memref<16x50x32xbf16, #tpu.memory_space<vmem>>, vector<32xbf16>,
            tpu.vector_store %arg14[%swap3A_860, %swap3A_861, %swap3A_862], %bitcast3A_857 {strides = array<i32>} : memref<16x50x32xbf16, #tpu.memory_space<vmem>>, vector<32xbf16>,
            %add3A_864 = arith.addi %mul3A_805, %mul3A_814 : i32
            %add3A_865 = arith.constant 4 : i32
            %add3A_866 = arith.addi %add3A_864, %add3A_865 : i32
            %get3A_867 = arith.index_cast %add3A_866 : i32 to index
            %get3A_868 = arith.constant 0 : index
            %get3A_869 = tpu.vector_load %arg12[%get3A_867, %get3A_868] {strides = array<i32>} : memref<800x16xi32, #tpu.memory_space<vmem>>, vector<16xi32>,
            %bitcast3A_870 = vector.bitcast %get3A_869 : vector<16xi32> to vector<32xbf16>
            %add3A_871 = arith.constant 4 : i32
            %add3A_872 = arith.addi %mul3A_814, %add3A_871 : i32
            %swap3A_873 = arith.index_cast %scan3A_803 : i32 to index
            %swap3A_874 = arith.index_cast %add3A_872 : i32 to index
            %swap3A_875 = arith.constant 0 : index
            %swap3A_876 = tpu.vector_load %arg14[%swap3A_873, %swap3A_874, %swap3A_875] {strides = array<i32>} : memref<16x50x32xbf16, #tpu.memory_space<vmem>>, vector<32xbf16>,
            tpu.vector_store %arg14[%swap3A_873, %swap3A_874, %swap3A_875], %bitcast3A_870 {strides = array<i32>} : memref<16x50x32xbf16, #tpu.memory_space<vmem>>, vector<32xbf16>,
          }
          %scan3A_811 = arith.constant 10 : i32
        }
        %scan3A_621 = arith.constant 16 : i32
        %mul3A_622 = arith.constant 32 : i32
        %mul3A_623 = arith.muli %add3A, %mul3A_622 : i32
        %add3A_624 = arith.addi %mul3A_623, %add3A_467 : i32
        %mul3A_625 = arith.constant 16 : i32
        %mul3A_626 = arith.muli %add3A_624, %mul3A_625 : i32
        %dma_start3A_627 = arith.constant 0 : i32
        %dma_start3A_628 = arith.constant 0 : i32
        %dma_start3A_629 = tpu.memref_slice %arg4[%mul3A_626, %dma_start3A_627, %dma_start3A_628] : memref<16384x50x32xbf16, #tpu.memory_space<hbm>> -> memref<16x50x32xbf16, #tpu.memory_space<hbm>>
        %dma_start3A_630 = arith.constant 0 : i32
        %dma_start3A_631 = arith.constant 0 : i32
        %dma_start3A_632 = tpu.memref_slice %arg4[%mul3A_626, %dma_start3A_630, %dma_start3A_631] : memref<16384x50x32xbf16, #tpu.memory_space<hbm>> -> memref<16x50x32xbf16, #tpu.memory_space<hbm>>
        tpu.enqueue_dma source(%arg14 : memref<16x50x32xbf16, #tpu.memory_space<vmem>>) target(%dma_start3A_632 : memref<16x50x32xbf16, #tpu.memory_space<hbm>>) target_semaphore(%arg22 : memref<!tpu.dma_semaphore, #tpu.memory_space<semaphore_mem>>)
        %mul3A_633 = arith.constant 2 : i32
        %mul3A_634 = arith.muli %mul3A_633, %scan3A_40 : i32
        %add3A_635 = arith.constant 1 : i32
        %add3A_636 = arith.addi %mul3A_634, %add3A_635 : i32
        %dma_wait3A_637 = arith.constant 0 : i32
        %dma_wait3A_638 = arith.constant 0 : i32
        %dma_wait3A_639 = tpu.memref_slice %arg13[%dma_wait3A_637, %dma_wait3A_638] : memref<800x16xi32, #tpu.memory_space<vmem>> -> memref<50x16xi32, #tpu.memory_space<vmem>>
        %dma_wait3A_640 = arith.constant 0 : i32
        %dma_wait3A_641 = tpu.memref_slice %arg11[%add3A_259, %dma_wait3A_640] : memref<512x50xi32, #tpu.memory_space<vmem>> -> memref<1x50xi32, #tpu.memory_space<vmem>>
        %dma_wait3A_642 = tpu.memref_squeeze %dma_wait3A_641 : memref<1x50xi32, #tpu.memory_space<vmem>> -> memref<50xi32, #tpu.memory_space<vmem>>
        %dma_wait3A_643 = arith.constant 0 : i32
        %dma_wait3A_644 = arith.constant 0 : i32
        %dma_wait3A_645 = tpu.memref_slice %arg6[%dma_wait3A_643, %dma_wait3A_644] : memref<1000000x16xi32, #tpu.memory_space<hbm>> -> memref<1000000x16xi32, #tpu.memory_space<hbm>>
        tpu.wait_indirect_dma semaphore(%arg21 : memref<!tpu.dma_semaphore, #tpu.memory_space<semaphore_mem>>) src(%dma_wait3A_645 : memref<1000000x16xi32, #tpu.memory_space<hbm>>) dst(%dma_wait3A_639 : memref<50x16xi32, #tpu.memory_space<vmem>>)
        %dma_wait3A_646 = arith.constant 50 : i32
        %dma_wait3A_647 = arith.constant 0 : i32
        %dma_wait3A_648 = tpu.memref_slice %arg13[%dma_wait3A_646, %dma_wait3A_647] : memref<800x16xi32, #tpu.memory_space<vmem>> -> memref<50x16xi32, #tpu.memory_space<vmem>>
        %dma_wait3A_649 = arith.constant 0 : i32
        %dma_wait3A_650 = tpu.memref_slice %arg11[%add3A_272, %dma_wait3A_649] : memref<512x50xi32, #tpu.memory_space<vmem>> -> memref<1x50xi32, #tpu.memory_space<vmem>>
        %dma_wait3A_651 = tpu.memref_squeeze %dma_wait3A_650 : memref<1x50xi32, #tpu.memory_space<vmem>> -> memref<50xi32, #tpu.memory_space<vmem>>
        %dma_wait3A_652 = arith.constant 0 : i32
        %dma_wait3A_653 = arith.constant 0 : i32
        %dma_wait3A_654 = tpu.memref_slice %arg6[%dma_wait3A_652, %dma_wait3A_653] : memref<1000000x16xi32, #tpu.memory_space<hbm>> -> memref<1000000x16xi32, #tpu.memory_space<hbm>>
        tpu.wait_indirect_dma semaphore(%arg21 : memref<!tpu.dma_semaphore, #tpu.memory_space<semaphore_mem>>) src(%dma_wait3A_654 : memref<1000000x16xi32, #tpu.memory_space<hbm>>) dst(%dma_wait3A_648 : memref<50x16xi32, #tpu.memory_space<vmem>>)
        %dma_wait3A_655 = arith.constant 100 : i32
        %dma_wait3A_656 = arith.constant 0 : i32
        %dma_wait3A_657 = tpu.memref_slice %arg13[%dma_wait3A_655, %dma_wait3A_656] : memref<800x16xi32, #tpu.memory_space<vmem>> -> memref<50x16xi32, #tpu.memory_space<vmem>>
        %dma_wait3A_658 = arith.constant 0 : i32
        %dma_wait3A_659 = tpu.memref_slice %arg11[%add3A_285, %dma_wait3A_658] : memref<512x50xi32, #tpu.memory_space<vmem>> -> memref<1x50xi32, #tpu.memory_space<vmem>>
        %dma_wait3A_660 = tpu.memref_squeeze %dma_wait3A_659 : memref<1x50xi32, #tpu.memory_space<vmem>> -> memref<50xi32, #tpu.memory_space<vmem>>
        %dma_wait3A_661 = arith.constant 0 : i32
        %dma_wait3A_662 = arith.constant 0 : i32
        %dma_wait3A_663 = tpu.memref_slice %arg6[%dma_wait3A_661, %dma_wait3A_662] : memref<1000000x16xi32, #tpu.memory_space<hbm>> -> memref<1000000x16xi32, #tpu.memory_space<hbm>>
        tpu.wait_indirect_dma semaphore(%arg21 : memref<!tpu.dma_semaphore, #tpu.memory_space<semaphore_mem>>) src(%dma_wait3A_663 : memref<1000000x16xi32, #tpu.memory_space<hbm>>) dst(%dma_wait3A_657 : memref<50x16xi32, #tpu.memory_space<vmem>>)
        %dma_wait3A_664 = arith.constant 150 : i32
        %dma_wait3A_665 = arith.constant 0 : i32
        %dma_wait3A_666 = tpu.memref_slice %arg13[%dma_wait3A_664, %dma_wait3A_665] : memref<800x16xi32, #tpu.memory_space<vmem>> -> memref<50x16xi32, #tpu.memory_space<vmem>>
        %dma_wait3A_667 = arith.constant 0 : i32
        %dma_wait3A_668 = tpu.memref_slice %arg11[%add3A_298, %dma_wait3A_667] : memref<512x50xi32, #tpu.memory_space<vmem>> -> memref<1x50xi32, #tpu.memory_space<vmem>>
        %dma_wait3A_669 = tpu.memref_squeeze %dma_wait3A_668 : memref<1x50xi32, #tpu.memory_space<vmem>> -> memref<50xi32, #tpu.memory_space<vmem>>
        %dma_wait3A_670 = arith.constant 0 : i32
        %dma_wait3A_671 = arith.constant 0 : i32
        %dma_wait3A_672 = tpu.memref_slice %arg6[%dma_wait3A_670, %dma_wait3A_671] : memref<1000000x16xi32, #tpu.memory_space<hbm>> -> memref<1000000x16xi32, #tpu.memory_space<hbm>>
        tpu.wait_indirect_dma semaphore(%arg21 : memref<!tpu.dma_semaphore, #tpu.memory_space<semaphore_mem>>) src(%dma_wait3A_672 : memref<1000000x16xi32, #tpu.memory_space<hbm>>) dst(%dma_wait3A_666 : memref<50x16xi32, #tpu.memory_space<vmem>>)
        %dma_wait3A_673 = arith.constant 200 : i32
        %dma_wait3A_674 = arith.constant 0 : i32
        %dma_wait3A_675 = tpu.memref_slice %arg13[%dma_wait3A_673, %dma_wait3A_674] : memref<800x16xi32, #tpu.memory_space<vmem>> -> memref<50x16xi32, #tpu.memory_space<vmem>>
        %dma_wait3A_676 = arith.constant 0 : i32
        %dma_wait3A_677 = tpu.memref_slice %arg11[%add3A_311, %dma_wait3A_676] : memref<512x50xi32, #tpu.memory_space<vmem>> -> memref<1x50xi32, #tpu.memory_space<vmem>>
        %dma_wait3A_678 = tpu.memref_squeeze %dma_wait3A_677 : memref<1x50xi32, #tpu.memory_space<vmem>> -> memref<50xi32, #tpu.memory_space<vmem>>
        %dma_wait3A_679 = arith.constant 0 : i32
        %dma_wait3A_680 = arith.constant 0 : i32
        %dma_wait3A_681 = tpu.memref_slice %arg6[%dma_wait3A_679, %dma_wait3A_680] : memref<1000000x16xi32, #tpu.memory_space<hbm>> -> memref<1000000x16xi32, #tpu.memory_space<hbm>>
        tpu.wait_indirect_dma semaphore(%arg21 : memref<!tpu.dma_semaphore, #tpu.memory_space<semaphore_mem>>) src(%dma_wait3A_681 : memref<1000000x16xi32, #tpu.memory_space<hbm>>) dst(%dma_wait3A_675 : memref<50x16xi32, #tpu.memory_space<vmem>>)
        %dma_wait3A_682 = arith.constant 250 : i32
        %dma_wait3A_683 = arith.constant 0 : i32
        %dma_wait3A_684 = tpu.memref_slice %arg13[%dma_wait3A_682, %dma_wait3A_683] : memref<800x16xi32, #tpu.memory_space<vmem>> -> memref<50x16xi32, #tpu.memory_space<vmem>>
        %dma_wait3A_685 = arith.constant 0 : i32
        %dma_wait3A_686 = tpu.memref_slice %arg11[%add3A_324, %dma_wait3A_685] : memref<512x50xi32, #tpu.memory_space<vmem>> -> memref<1x50xi32, #tpu.memory_space<vmem>>
        %dma_wait3A_687 = tpu.memref_squeeze %dma_wait3A_686 : memref<1x50xi32, #tpu.memory_space<vmem>> -> memref<50xi32, #tpu.memory_space<vmem>>
        %dma_wait3A_688 = arith.constant 0 : i32
        %dma_wait3A_689 = arith.constant 0 : i32
        %dma_wait3A_690 = tpu.memref_slice %arg6[%dma_wait3A_688, %dma_wait3A_689] : memref<1000000x16xi32, #tpu.memory_space<hbm>> -> memref<1000000x16xi32, #tpu.memory_space<hbm>>
        tpu.wait_indirect_dma semaphore(%arg21 : memref<!tpu.dma_semaphore, #tpu.memory_space<semaphore_mem>>) src(%dma_wait3A_690 : memref<1000000x16xi32, #tpu.memory_space<hbm>>) dst(%dma_wait3A_684 : memref<50x16xi32, #tpu.memory_space<vmem>>)
        %dma_wait3A_691 = arith.constant 300 : i32
        %dma_wait3A_692 = arith.constant 0 : i32
        %dma_wait3A_693 = tpu.memref_slice %arg13[%dma_wait3A_691, %dma_wait3A_692] : memref<800x16xi32, #tpu.memory_space<vmem>> -> memref<50x16xi32, #tpu.memory_space<vmem>>
        %dma_wait3A_694 = arith.constant 0 : i32
        %dma_wait3A_695 = tpu.memref_slice %arg11[%add3A_337, %dma_wait3A_694] : memref<512x50xi32, #tpu.memory_space<vmem>> -> memref<1x50xi32, #tpu.memory_space<vmem>>
        %dma_wait3A_696 = tpu.memref_squeeze %dma_wait3A_695 : memref<1x50xi32, #tpu.memory_space<vmem>> -> memref<50xi32, #tpu.memory_space<vmem>>
        %dma_wait3A_697 = arith.constant 0 : i32
        %dma_wait3A_698 = arith.constant 0 : i32
        %dma_wait3A_699 = tpu.memref_slice %arg6[%dma_wait3A_697, %dma_wait3A_698] : memref<1000000x16xi32, #tpu.memory_space<hbm>> -> memref<1000000x16xi32, #tpu.memory_space<hbm>>
        tpu.wait_indirect_dma semaphore(%arg21 : memref<!tpu.dma_semaphore, #tpu.memory_space<semaphore_mem>>) src(%dma_wait3A_699 : memref<1000000x16xi32, #tpu.memory_space<hbm>>) dst(%dma_wait3A_693 : memref<50x16xi32, #tpu.memory_space<vmem>>)
        %dma_wait3A_700 = arith.constant 350 : i32
        %dma_wait3A_701 = arith.constant 0 : i32
        %dma_wait3A_702 = tpu.memref_slice %arg13[%dma_wait3A_700, %dma_wait3A_701] : memref<800x16xi32, #tpu.memory_space<vmem>> -> memref<50x16xi32, #tpu.memory_space<vmem>>
        %dma_wait3A_703 = arith.constant 0 : i32
        %dma_wait3A_704 = tpu.memref_slice %arg11[%add3A_350, %dma_wait3A_703] : memref<512x50xi32, #tpu.memory_space<vmem>> -> memref<1x50xi32, #tpu.memory_space<vmem>>
        %dma_wait3A_705 = tpu.memref_squeeze %dma_wait3A_704 : memref<1x50xi32, #tpu.memory_space<vmem>> -> memref<50xi32, #tpu.memory_space<vmem>>
        %dma_wait3A_706 = arith.constant 0 : i32
        %dma_wait3A_707 = arith.constant 0 : i32
        %dma_wait3A_708 = tpu.memref_slice %arg6[%dma_wait3A_706, %dma_wait3A_707] : memref<1000000x16xi32, #tpu.memory_space<hbm>> -> memref<1000000x16xi32, #tpu.memory_space<hbm>>
        tpu.wait_indirect_dma semaphore(%arg21 : memref<!tpu.dma_semaphore, #tpu.memory_space<semaphore_mem>>) src(%dma_wait3A_708 : memref<1000000x16xi32, #tpu.memory_space<hbm>>) dst(%dma_wait3A_702 : memref<50x16xi32, #tpu.memory_space<vmem>>)
        %dma_wait3A_709 = arith.constant 400 : i32
        %dma_wait3A_710 = arith.constant 0 : i32
        %dma_wait3A_711 = tpu.memref_slice %arg13[%dma_wait3A_709, %dma_wait3A_710] : memref<800x16xi32, #tpu.memory_space<vmem>> -> memref<50x16xi32, #tpu.memory_space<vmem>>
        %dma_wait3A_712 = arith.constant 0 : i32
        %dma_wait3A_713 = tpu.memref_slice %arg11[%add3A_363, %dma_wait3A_712] : memref<512x50xi32, #tpu.memory_space<vmem>> -> memref<1x50xi32, #tpu.memory_space<vmem>>
        %dma_wait3A_714 = tpu.memref_squeeze %dma_wait3A_713 : memref<1x50xi32, #tpu.memory_space<vmem>> -> memref<50xi32, #tpu.memory_space<vmem>>
        %dma_wait3A_715 = arith.constant 0 : i32
        %dma_wait3A_716 = arith.constant 0 : i32
        %dma_wait3A_717 = tpu.memref_slice %arg6[%dma_wait3A_715, %dma_wait3A_716] : memref<1000000x16xi32, #tpu.memory_space<hbm>> -> memref<1000000x16xi32, #tpu.memory_space<hbm>>
        tpu.wait_indirect_dma semaphore(%arg21 : memref<!tpu.dma_semaphore, #tpu.memory_space<semaphore_mem>>) src(%dma_wait3A_717 : memref<1000000x16xi32, #tpu.memory_space<hbm>>) dst(%dma_wait3A_711 : memref<50x16xi32, #tpu.memory_space<vmem>>)
        %dma_wait3A_718 = arith.constant 450 : i32
        %dma_wait3A_719 = arith.constant 0 : i32
        %dma_wait3A_720 = tpu.memref_slice %arg13[%dma_wait3A_718, %dma_wait3A_719] : memref<800x16xi32, #tpu.memory_space<vmem>> -> memref<50x16xi32, #tpu.memory_space<vmem>>
        %dma_wait3A_721 = arith.constant 0 : i32
        %dma_wait3A_722 = tpu.memref_slice %arg11[%add3A_376, %dma_wait3A_721] : memref<512x50xi32, #tpu.memory_space<vmem>> -> memref<1x50xi32, #tpu.memory_space<vmem>>
        %dma_wait3A_723 = tpu.memref_squeeze %dma_wait3A_722 : memref<1x50xi32, #tpu.memory_space<vmem>> -> memref<50xi32, #tpu.memory_space<vmem>>
        %dma_wait3A_724 = arith.constant 0 : i32
        %dma_wait3A_725 = arith.constant 0 : i32
        %dma_wait3A_726 = tpu.memref_slice %arg6[%dma_wait3A_724, %dma_wait3A_725] : memref<1000000x16xi32, #tpu.memory_space<hbm>> -> memref<1000000x16xi32, #tpu.memory_space<hbm>>
        tpu.wait_indirect_dma semaphore(%arg21 : memref<!tpu.dma_semaphore, #tpu.memory_space<semaphore_mem>>) src(%dma_wait3A_726 : memref<1000000x16xi32, #tpu.memory_space<hbm>>) dst(%dma_wait3A_720 : memref<50x16xi32, #tpu.memory_space<vmem>>)
        %dma_wait3A_727 = arith.constant 500 : i32
        %dma_wait3A_728 = arith.constant 0 : i32
        %dma_wait3A_729 = tpu.memref_slice %arg13[%dma_wait3A_727, %dma_wait3A_728] : memref<800x16xi32, #tpu.memory_space<vmem>> -> memref<50x16xi32, #tpu.memory_space<vmem>>
        %dma_wait3A_730 = arith.constant 0 : i32
        %dma_wait3A_731 = tpu.memref_slice %arg11[%add3A_389, %dma_wait3A_730] : memref<512x50xi32, #tpu.memory_space<vmem>> -> memref<1x50xi32, #tpu.memory_space<vmem>>
        %dma_wait3A_732 = tpu.memref_squeeze %dma_wait3A_731 : memref<1x50xi32, #tpu.memory_space<vmem>> -> memref<50xi32, #tpu.memory_space<vmem>>
        %dma_wait3A_733 = arith.constant 0 : i32
        %dma_wait3A_734 = arith.constant 0 : i32
        %dma_wait3A_735 = tpu.memref_slice %arg6[%dma_wait3A_733, %dma_wait3A_734] : memref<1000000x16xi32, #tpu.memory_space<hbm>> -> memref<1000000x16xi32, #tpu.memory_space<hbm>>
        tpu.wait_indirect_dma semaphore(%arg21 : memref<!tpu.dma_semaphore, #tpu.memory_space<semaphore_mem>>) src(%dma_wait3A_735 : memref<1000000x16xi32, #tpu.memory_space<hbm>>) dst(%dma_wait3A_729 : memref<50x16xi32, #tpu.memory_space<vmem>>)
        %dma_wait3A_736 = arith.constant 550 : i32
        %dma_wait3A_737 = arith.constant 0 : i32
        %dma_wait3A_738 = tpu.memref_slice %arg13[%dma_wait3A_736, %dma_wait3A_737] : memref<800x16xi32, #tpu.memory_space<vmem>> -> memref<50x16xi32, #tpu.memory_space<vmem>>
        %dma_wait3A_739 = arith.constant 0 : i32
        %dma_wait3A_740 = tpu.memref_slice %arg11[%add3A_402, %dma_wait3A_739] : memref<512x50xi32, #tpu.memory_space<vmem>> -> memref<1x50xi32, #tpu.memory_space<vmem>>
        %dma_wait3A_741 = tpu.memref_squeeze %dma_wait3A_740 : memref<1x50xi32, #tpu.memory_space<vmem>> -> memref<50xi32, #tpu.memory_space<vmem>>
        %dma_wait3A_742 = arith.constant 0 : i32
        %dma_wait3A_743 = arith.constant 0 : i32
        %dma_wait3A_744 = tpu.memref_slice %arg6[%dma_wait3A_742, %dma_wait3A_743] : memref<1000000x16xi32, #tpu.memory_space<hbm>> -> memref<1000000x16xi32, #tpu.memory_space<hbm>>
        tpu.wait_indirect_dma semaphore(%arg21 : memref<!tpu.dma_semaphore, #tpu.memory_space<semaphore_mem>>) src(%dma_wait3A_744 : memref<1000000x16xi32, #tpu.memory_space<hbm>>) dst(%dma_wait3A_738 : memref<50x16xi32, #tpu.memory_space<vmem>>)
        %dma_wait3A_745 = arith.constant 600 : i32
        %dma_wait3A_746 = arith.constant 0 : i32
        %dma_wait3A_747 = tpu.memref_slice %arg13[%dma_wait3A_745, %dma_wait3A_746] : memref<800x16xi32, #tpu.memory_space<vmem>> -> memref<50x16xi32, #tpu.memory_space<vmem>>
        %dma_wait3A_748 = arith.constant 0 : i32
        %dma_wait3A_749 = tpu.memref_slice %arg11[%add3A_415, %dma_wait3A_748] : memref<512x50xi32, #tpu.memory_space<vmem>> -> memref<1x50xi32, #tpu.memory_space<vmem>>
        %dma_wait3A_750 = tpu.memref_squeeze %dma_wait3A_749 : memref<1x50xi32, #tpu.memory_space<vmem>> -> memref<50xi32, #tpu.memory_space<vmem>>
        %dma_wait3A_751 = arith.constant 0 : i32
        %dma_wait3A_752 = arith.constant 0 : i32
        %dma_wait3A_753 = tpu.memref_slice %arg6[%dma_wait3A_751, %dma_wait3A_752] : memref<1000000x16xi32, #tpu.memory_space<hbm>> -> memref<1000000x16xi32, #tpu.memory_space<hbm>>
        tpu.wait_indirect_dma semaphore(%arg21 : memref<!tpu.dma_semaphore, #tpu.memory_space<semaphore_mem>>) src(%dma_wait3A_753 : memref<1000000x16xi32, #tpu.memory_space<hbm>>) dst(%dma_wait3A_747 : memref<50x16xi32, #tpu.memory_space<vmem>>)
        %dma_wait3A_754 = arith.constant 650 : i32
        %dma_wait3A_755 = arith.constant 0 : i32
        %dma_wait3A_756 = tpu.memref_slice %arg13[%dma_wait3A_754, %dma_wait3A_755] : memref<800x16xi32, #tpu.memory_space<vmem>> -> memref<50x16xi32, #tpu.memory_space<vmem>>
        %dma_wait3A_757 = arith.constant 0 : i32
        %dma_wait3A_758 = tpu.memref_slice %arg11[%add3A_428, %dma_wait3A_757] : memref<512x50xi32, #tpu.memory_space<vmem>> -> memref<1x50xi32, #tpu.memory_space<vmem>>
        %dma_wait3A_759 = tpu.memref_squeeze %dma_wait3A_758 : memref<1x50xi32, #tpu.memory_space<vmem>> -> memref<50xi32, #tpu.memory_space<vmem>>
        %dma_wait3A_760 = arith.constant 0 : i32
        %dma_wait3A_761 = arith.constant 0 : i32
        %dma_wait3A_762 = tpu.memref_slice %arg6[%dma_wait3A_760, %dma_wait3A_761] : memref<1000000x16xi32, #tpu.memory_space<hbm>> -> memref<1000000x16xi32, #tpu.memory_space<hbm>>
        tpu.wait_indirect_dma semaphore(%arg21 : memref<!tpu.dma_semaphore, #tpu.memory_space<semaphore_mem>>) src(%dma_wait3A_762 : memref<1000000x16xi32, #tpu.memory_space<hbm>>) dst(%dma_wait3A_756 : memref<50x16xi32, #tpu.memory_space<vmem>>)
        %dma_wait3A_763 = arith.constant 700 : i32
        %dma_wait3A_764 = arith.constant 0 : i32
        %dma_wait3A_765 = tpu.memref_slice %arg13[%dma_wait3A_763, %dma_wait3A_764] : memref<800x16xi32, #tpu.memory_space<vmem>> -> memref<50x16xi32, #tpu.memory_space<vmem>>
        %dma_wait3A_766 = arith.constant 0 : i32
        %dma_wait3A_767 = tpu.memref_slice %arg11[%add3A_441, %dma_wait3A_766] : memref<512x50xi32, #tpu.memory_space<vmem>> -> memref<1x50xi32, #tpu.memory_space<vmem>>
        %dma_wait3A_768 = tpu.memref_squeeze %dma_wait3A_767 : memref<1x50xi32, #tpu.memory_space<vmem>> -> memref<50xi32, #tpu.memory_space<vmem>>
        %dma_wait3A_769 = arith.constant 0 : i32
        %dma_wait3A_770 = arith.constant 0 : i32
        %dma_wait3A_771 = tpu.memref_slice %arg6[%dma_wait3A_769, %dma_wait3A_770] : memref<1000000x16xi32, #tpu.memory_space<hbm>> -> memref<1000000x16xi32, #tpu.memory_space<hbm>>
        tpu.wait_indirect_dma semaphore(%arg21 : memref<!tpu.dma_semaphore, #tpu.memory_space<semaphore_mem>>) src(%dma_wait3A_771 : memref<1000000x16xi32, #tpu.memory_space<hbm>>) dst(%dma_wait3A_765 : memref<50x16xi32, #tpu.memory_space<vmem>>)
        %dma_wait3A_772 = arith.constant 750 : i32
        %dma_wait3A_773 = arith.constant 0 : i32
        %dma_wait3A_774 = tpu.memref_slice %arg13[%dma_wait3A_772, %dma_wait3A_773] : memref<800x16xi32, #tpu.memory_space<vmem>> -> memref<50x16xi32, #tpu.memory_space<vmem>>
        %dma_wait3A_775 = arith.constant 0 : i32
        %dma_wait3A_776 = tpu.memref_slice %arg11[%add3A_454, %dma_wait3A_775] : memref<512x50xi32, #tpu.memory_space<vmem>> -> memref<1x50xi32, #tpu.memory_space<vmem>>
        %dma_wait3A_777 = tpu.memref_squeeze %dma_wait3A_776 : memref<1x50xi32, #tpu.memory_space<vmem>> -> memref<50xi32, #tpu.memory_space<vmem>>
        %dma_wait3A_778 = arith.constant 0 : i32
        %dma_wait3A_779 = arith.constant 0 : i32
        %dma_wait3A_780 = tpu.memref_slice %arg6[%dma_wait3A_778, %dma_wait3A_779] : memref<1000000x16xi32, #tpu.memory_space<hbm>> -> memref<1000000x16xi32, #tpu.memory_space<hbm>>
        tpu.wait_indirect_dma semaphore(%arg21 : memref<!tpu.dma_semaphore, #tpu.memory_space<semaphore_mem>>) src(%dma_wait3A_780 : memref<1000000x16xi32, #tpu.memory_space<hbm>>) dst(%dma_wait3A_774 : memref<50x16xi32, #tpu.memory_space<vmem>>)
        %ge3A_781 = arith.constant 1 : i32
        %ge3A_782 = arith.cmpi sge, %scan3A_40, %ge3A_781 : i32
        %convert_element_type3A_783 = arith.extui %ge3A_782 : i1 to i32
        %cond3A_784 = arith.constant 0 : i32
        %cond3A_785 = arith.cmpi ne, %convert_element_type3A_783, %cond3A_784 : i32
        scf.if %cond3A_785 {
          %dma_wait3A_803 = arith.constant 0 : i32
          %dma_wait3A_804 = arith.constant 0 : i32
          %dma_wait3A_805 = arith.constant 0 : i32
          %dma_wait3A_806 = tpu.memref_slice %arg4[%dma_wait3A_803, %dma_wait3A_804, %dma_wait3A_805] : memref<16384x50x32xbf16, #tpu.memory_space<hbm>> -> memref<16x50x32xbf16, #tpu.memory_space<hbm>>
          %dma_wait3A_807 = arith.constant 0 : i32
          %dma_wait3A_808 = arith.constant 0 : i32
          %dma_wait3A_809 = arith.constant 0 : i32
          %dma_wait3A_810 = tpu.memref_slice %arg4[%dma_wait3A_807, %dma_wait3A_808, %dma_wait3A_809] : memref<16384x50x32xbf16, #tpu.memory_space<hbm>> -> memref<16x50x32xbf16, #tpu.memory_space<hbm>>
          tpu.wait_dma2 semaphore(%arg23 : memref<!tpu.dma_semaphore, #tpu.memory_space<semaphore_mem>>) src(%arg15 : memref<16x50x32xbf16, #tpu.memory_space<vmem>>) dst(%dma_wait3A_810 : memref<16x50x32xbf16, #tpu.memory_space<hbm>>)
        } else {
        }
        %scan3A_786 = arith.constant 0 : i32
        %scan3A_787 = arith.constant 0 : i32
        %scan3A_788 = arith.constant 16 : i32
        %scan3A_789 = arith.addi %scan3A_787, %scan3A_788 : i32
        %scan3A_790 = arith.constant 1 : i32
        scf.for %scan3A_803 = %scan3A_787 to %scan3A_789 step %scan3A_790  : i32 {
          %mul3A_804 = arith.constant 50 : i32
          %mul3A_805 = arith.muli %scan3A_803, %mul3A_804 : i32
          %scan3A_806 = arith.constant 0 : i32
          %scan3A_807 = arith.constant 0 : i32
          %scan3A_808 = arith.constant 10 : i32
          %scan3A_809 = arith.addi %scan3A_807, %scan3A_808 : i32
          %scan3A_810 = arith.constant 1 : i32
          scf.for %scan3A_812 = %scan3A_807 to %scan3A_809 step %scan3A_810  : i32 {
            %mul3A_813 = arith.constant 5 : i32
            %mul3A_814 = arith.muli %scan3A_812, %mul3A_813 : i32
            %add3A_815 = arith.addi %mul3A_805, %mul3A_814 : i32
            %add3A_816 = arith.constant 0 : i32
            %add3A_817 = arith.addi %add3A_815, %add3A_816 : i32
            %get3A = arith.index_cast %add3A_817 : i32 to index
            %get3A_818 = arith.constant 0 : index
            %get3A_819 = tpu.vector_load %arg13[%get3A, %get3A_818] {strides = array<i32>} : memref<800x16xi32, #tpu.memory_space<vmem>>, vector<16xi32>,
            %bitcast3A = vector.bitcast %get3A_819 : vector<16xi32> to vector<32xbf16>
            %add3A_820 = arith.constant 0 : i32
            %add3A_821 = arith.addi %mul3A_814, %add3A_820 : i32
            %swap3A = arith.index_cast %scan3A_803 : i32 to index
            %swap3A_822 = arith.index_cast %add3A_821 : i32 to index
            %swap3A_823 = arith.constant 0 : index
            %swap3A_824 = tpu.vector_load %arg15[%swap3A, %swap3A_822, %swap3A_823] {strides = array<i32>} : memref<16x50x32xbf16, #tpu.memory_space<vmem>>, vector<32xbf16>,
            tpu.vector_store %arg15[%swap3A, %swap3A_822, %swap3A_823], %bitcast3A {strides = array<i32>} : memref<16x50x32xbf16, #tpu.memory_space<vmem>>, vector<32xbf16>,
            %add3A_825 = arith.addi %mul3A_805, %mul3A_814 : i32
            %add3A_826 = arith.constant 1 : i32
            %add3A_827 = arith.addi %add3A_825, %add3A_826 : i32
            %get3A_828 = arith.index_cast %add3A_827 : i32 to index
            %get3A_829 = arith.constant 0 : index
            %get3A_830 = tpu.vector_load %arg13[%get3A_828, %get3A_829] {strides = array<i32>} : memref<800x16xi32, #tpu.memory_space<vmem>>, vector<16xi32>,
            %bitcast3A_831 = vector.bitcast %get3A_830 : vector<16xi32> to vector<32xbf16>
            %add3A_832 = arith.constant 1 : i32
            %add3A_833 = arith.addi %mul3A_814, %add3A_832 : i32
            %swap3A_834 = arith.index_cast %scan3A_803 : i32 to index
            %swap3A_835 = arith.index_cast %add3A_833 : i32 to index
            %swap3A_836 = arith.constant 0 : index
            %swap3A_837 = tpu.vector_load %arg15[%swap3A_834, %swap3A_835, %swap3A_836] {strides = array<i32>} : memref<16x50x32xbf16, #tpu.memory_space<vmem>>, vector<32xbf16>,
            tpu.vector_store %arg15[%swap3A_834, %swap3A_835, %swap3A_836], %bitcast3A_831 {strides = array<i32>} : memref<16x50x32xbf16, #tpu.memory_space<vmem>>, vector<32xbf16>,
            %add3A_838 = arith.addi %mul3A_805, %mul3A_814 : i32
            %add3A_839 = arith.constant 2 : i32
            %add3A_840 = arith.addi %add3A_838, %add3A_839 : i32
            %get3A_841 = arith.index_cast %add3A_840 : i32 to index
            %get3A_842 = arith.constant 0 : index
            %get3A_843 = tpu.vector_load %arg13[%get3A_841, %get3A_842] {strides = array<i32>} : memref<800x16xi32, #tpu.memory_space<vmem>>, vector<16xi32>,
            %bitcast3A_844 = vector.bitcast %get3A_843 : vector<16xi32> to vector<32xbf16>
            %add3A_845 = arith.constant 2 : i32
            %add3A_846 = arith.addi %mul3A_814, %add3A_845 : i32
            %swap3A_847 = arith.index_cast %scan3A_803 : i32 to index
            %swap3A_848 = arith.index_cast %add3A_846 : i32 to index
            %swap3A_849 = arith.constant 0 : index
            %swap3A_850 = tpu.vector_load %arg15[%swap3A_847, %swap3A_848, %swap3A_849] {strides = array<i32>} : memref<16x50x32xbf16, #tpu.memory_space<vmem>>, vector<32xbf16>,
            tpu.vector_store %arg15[%swap3A_847, %swap3A_848, %swap3A_849], %bitcast3A_844 {strides = array<i32>} : memref<16x50x32xbf16, #tpu.memory_space<vmem>>, vector<32xbf16>,
            %add3A_851 = arith.addi %mul3A_805, %mul3A_814 : i32
            %add3A_852 = arith.constant 3 : i32
            %add3A_853 = arith.addi %add3A_851, %add3A_852 : i32
            %get3A_854 = arith.index_cast %add3A_853 : i32 to index
            %get3A_855 = arith.constant 0 : index
            %get3A_856 = tpu.vector_load %arg13[%get3A_854, %get3A_855] {strides = array<i32>} : memref<800x16xi32, #tpu.memory_space<vmem>>, vector<16xi32>,
            %bitcast3A_857 = vector.bitcast %get3A_856 : vector<16xi32> to vector<32xbf16>
            %add3A_858 = arith.constant 3 : i32
            %add3A_859 = arith.addi %mul3A_814, %add3A_858 : i32
            %swap3A_860 = arith.index_cast %scan3A_803 : i32 to index
            %swap3A_861 = arith.index_cast %add3A_859 : i32 to index
            %swap3A_862 = arith.constant 0 : index
            %swap3A_863 = tpu.vector_load %arg15[%swap3A_860, %swap3A_861, %swap3A_862] {strides = array<i32>} : memref<16x50x32xbf16, #tpu.memory_space<vmem>>, vector<32xbf16>,
            tpu.vector_store %arg15[%swap3A_860, %swap3A_861, %swap3A_862], %bitcast3A_857 {strides = array<i32>} : memref<16x50x32xbf16, #tpu.memory_space<vmem>>, vector<32xbf16>,
            %add3A_864 = arith.addi %mul3A_805, %mul3A_814 : i32
            %add3A_865 = arith.constant 4 : i32
            %add3A_866 = arith.addi %add3A_864, %add3A_865 : i32
            %get3A_867 = arith.index_cast %add3A_866 : i32 to index
            %get3A_868 = arith.constant 0 : index
            %get3A_869 = tpu.vector_load %arg13[%get3A_867, %get3A_868] {strides = array<i32>} : memref<800x16xi32, #tpu.memory_space<vmem>>, vector<16xi32>,
            %bitcast3A_870 = vector.bitcast %get3A_869 : vector<16xi32> to vector<32xbf16>
            %add3A_871 = arith.constant 4 : i32
            %add3A_872 = arith.addi %mul3A_814, %add3A_871 : i32
            %swap3A_873 = arith.index_cast %scan3A_803 : i32 to index
            %swap3A_874 = arith.index_cast %add3A_872 : i32 to index
            %swap3A_875 = arith.constant 0 : index
            %swap3A_876 = tpu.vector_load %arg15[%swap3A_873, %swap3A_874, %swap3A_875] {strides = array<i32>} : memref<16x50x32xbf16, #tpu.memory_space<vmem>>, vector<32xbf16>,
            tpu.vector_store %arg15[%swap3A_873, %swap3A_874, %swap3A_875], %bitcast3A_870 {strides = array<i32>} : memref<16x50x32xbf16, #tpu.memory_space<vmem>>, vector<32xbf16>,
          }
          %scan3A_811 = arith.constant 10 : i32
        }
        %scan3A_791 = arith.constant 16 : i32
        %mul3A_792 = arith.constant 32 : i32
        %mul3A_793 = arith.muli %add3A, %mul3A_792 : i32
        %add3A_794 = arith.addi %mul3A_793, %add3A_636 : i32
        %mul3A_795 = arith.constant 16 : i32
        %mul3A_796 = arith.muli %add3A_794, %mul3A_795 : i32
        %dma_start3A_797 = arith.constant 0 : i32
        %dma_start3A_798 = arith.constant 0 : i32
        %dma_start3A_799 = tpu.memref_slice %arg4[%mul3A_796, %dma_start3A_797, %dma_start3A_798] : memref<16384x50x32xbf16, #tpu.memory_space<hbm>> -> memref<16x50x32xbf16, #tpu.memory_space<hbm>>
        %dma_start3A_800 = arith.constant 0 : i32
        %dma_start3A_801 = arith.constant 0 : i32
        %dma_start3A_802 = tpu.memref_slice %arg4[%mul3A_796, %dma_start3A_800, %dma_start3A_801] : memref<16384x50x32xbf16, #tpu.memory_space<hbm>> -> memref<16x50x32xbf16, #tpu.memory_space<hbm>>
        tpu.enqueue_dma source(%arg15 : memref<16x50x32xbf16, #tpu.memory_space<vmem>>) target(%dma_start3A_802 : memref<16x50x32xbf16, #tpu.memory_space<hbm>>) target_semaphore(%arg23 : memref<!tpu.dma_semaphore, #tpu.memory_space<semaphore_mem>>)
      }
      %scan3A_24 = arith.constant 16 : i32
      %dma_wait3A = arith.constant 0 : i32
      %dma_wait3A_25 = arith.constant 0 : i32
      %dma_wait3A_26 = arith.constant 0 : i32
      %dma_wait3A_27 = tpu.memref_slice %arg4[%dma_wait3A, %dma_wait3A_25, %dma_wait3A_26] : memref<16384x50x32xbf16, #tpu.memory_space<hbm>> -> memref<16x50x32xbf16, #tpu.memory_space<hbm>>
      %dma_wait3A_28 = arith.constant 0 : i32
      %dma_wait3A_29 = arith.constant 0 : i32
      %dma_wait3A_30 = arith.constant 0 : i32
      %dma_wait3A_31 = tpu.memref_slice %arg4[%dma_wait3A_28, %dma_wait3A_29, %dma_wait3A_30] : memref<16384x50x32xbf16, #tpu.memory_space<hbm>> -> memref<16x50x32xbf16, #tpu.memory_space<hbm>>
      tpu.wait_dma2 semaphore(%arg22 : memref<!tpu.dma_semaphore, #tpu.memory_space<semaphore_mem>>) src(%arg14 : memref<16x50x32xbf16, #tpu.memory_space<vmem>>) dst(%dma_wait3A_31 : memref<16x50x32xbf16, #tpu.memory_space<hbm>>)
      %dma_wait3A_32 = arith.constant 0 : i32
      %dma_wait3A_33 = arith.constant 0 : i32
      %dma_wait3A_34 = arith.constant 0 : i32
      %dma_wait3A_35 = tpu.memref_slice %arg4[%dma_wait3A_32, %dma_wait3A_33, %dma_wait3A_34] : memref<16384x50x32xbf16, #tpu.memory_space<hbm>> -> memref<16x50x32xbf16, #tpu.memory_space<hbm>>
      %dma_wait3A_36 = arith.constant 0 : i32
      %dma_wait3A_37 = arith.constant 0 : i32
      %dma_wait3A_38 = arith.constant 0 : i32
      %dma_wait3A_39 = tpu.memref_slice %arg4[%dma_wait3A_36, %dma_wait3A_37, %dma_wait3A_38] : memref<16384x50x32xbf16, #tpu.memory_space<hbm>> -> memref<16x50x32xbf16, #tpu.memory_space<hbm>>
      tpu.wait_dma2 semaphore(%arg23 : memref<!tpu.dma_semaphore, #tpu.memory_space<semaphore_mem>>) src(%arg15 : memref<16x50x32xbf16, #tpu.memory_space<vmem>>) dst(%dma_wait3A_39 : memref<16x50x32xbf16, #tpu.memory_space<hbm>>)
    } else {
    }
    return
  }
}

</mosaic_0001>

<sc_bundles>
// kernel: kernel.3.cloned.1.call-start
scs
__scs_entry_jumppad:
0x0: {  	(pc) =	sbr.rel $0x88, $3  }
0x1: {  	(tag) =	ssettag $0x0;
	lr =	simm.s32 $0x1  }
0x2: {  	[smem:$0x3F9F] =	sst lr;
	_ =	strace $0xD0000000  }
0x3: {  	_ = 	snop  }
0x4: {  	_ = 	snop  }
0x5: {  	_ = 	snop  }
0x6: {  	_ = 	snop  }
0x7: {  	_ = 	snop  }
__scs_overlays_trampoline_lowered:
0x8: {  	[smem:$0x3FAE] =	sst s0  }
0x9: {  	[smem:$0x3FAF] =	sst s1  }
0xa: {  	[smem:$0x3FB0] =	sst s2  }
0xb: {  	[smem:$0x3FB1] =	sst s3  }
0xc: {  	[smem:$0x3FB2] =	sst s4  }
0xd: {  	[smem:$0x3FB3] =	sst s5  }
0xe: {  	[smem:$0x3FB4] =	sst s6  }
0xf: {  	[smem:$0x3FB5] =	sst s7  }
0x10: {  	[smem:$0x3FB6] =	sst s8  }
0x11: {  	[smem:$0x3FB7] =	sst s9;
	s0 =	simm.s32 @!p0 $0x0  }
0x12: {  	s1 =	sld [smem:$0x3F9D];
	s0 =	simm.s32 @p0 $0x1  }
0x13: {  	[smem:$0x3FB8] =	sst s0;
	s0 =	simm.s32 @!p1 $0x0  }
0x14: {  	s2 =	sld [smem:$0x3F9C];
	s0 =	simm.s32 @p1 $0x1  }
0x15: {  	[smem:$0x3FB9] =	sst s0;
	s0 =	simm.s32 @!p2 $0x0  }
0x16: {  	s3 =	sld [smem:$0x3FDB];
	s0 =	simm.s32 @p2 $0x1  }
0x17: {  	s4 =	simm.s32 $0x1BF5;
	[smem:$0x3FBB] =	sst s0  }
0x18: {  	s0 =	sld [smem:$0x3F9E];
	_ =	swait.ge [sflag:s4], $0x0  }
0x19: {  	s7 =	sld [smem:$0x3F9F]  }
0x1a: {  	s8 =	sadd.s32 $0xFFFFE003, lr  }
0x1b: {  	s9 =	sadd.s32 $0xFFFFFEF7, lr;
	s5 =	simm.s32 $0xFFFFFFFF;
	p2 =	slt.u32 s8, $0xFFFFF086  }
0x1c: {  	p1 =	slt.u32 s9, $0xF7A;
	s5 =	simm.s32 @!p2 $0x0  }
0x1d: {  	s5 =	simm.s32 @p1 $0x1;
	p0 =	seq.s32 s7, s2  }
0x1e: {  	s7 =	smul.u32 @!p0 $0xF7A, s2;
	p2 =	seq.s32 @!p0 s5, $0x0  }
0x1f: {  	s9 =	smul.u32 $0xF7A, s1;
	s8 =	simm.s32 @!p0 $0x1BF5;
	p2 =	por !p2, p0  }
0x20: {  	[sflag:s8] =	ssyncset.s32 @!p0 $0xFFFFF086;
	s6 =	sadd.s32 @!p0 s3, s7;
	s7 =	simm.s32 @!p0 $0x108  }
0x21: {  	s3 =	sadd.s32 s3, s9;
	s6 =	sadd.s32 @!p0 $0x88, s6;
	s7 =	simm.s32 @p2 $0x1082  }
0x22: {  	[simem:s7], [sflag:s8] =	dma.local @!p0 [hbm:s6], $0xF7A  }
0x23: {  	s9 =	sor.u32 $0xD0000000, s2;
	s6 =	simm.s32 $0x108;
	_ =	swait.ge @!p0 [sflag:s8], $0x0  }
0x24: {  	s3 =	sadd.s32 $0x88, s3;
	s6 =	simm.s32 @!p1 $0x1082;
	[sflag:s4] =	ssyncset.s32 $0xFFFFF086  }
0x25: {  	[simem:s6], [sflag:s4] =	dma.local [hbm:s3], $0xF7A  }
0x26: {  	[smem:$0x3F9F] =	sst s1;
	(tag) =	ssettag s2;
	_ =	strace s9  }
0x27: {  	s1 =	sld [smem:$0x3FAF]  }
0x28: {  	s2 =	sld [smem:$0x3FB0]  }
0x29: {  	s4 =	sld [smem:$0x3FB2]  }
0x2a: {  	p0 =	seq.s32 s5, $0x0;
	s5 =	sld [smem:$0x3FB3]  }
0x2b: {  	s6 =	sld [smem:$0x3FB4]  }
0x2c: {  	s7 =	sld [smem:$0x3FB5]  }
0x2d: {  	s3 =	simm.s32 $0x108;
	s8 =	sld [smem:$0x3FB6]  }
0x2e: {  	s3 =	simm.s32 @!p0 $0x1082;
	s9 =	sld [smem:$0x3FB7]  }
0x2f: {  	lr =	sadd.s32 s0, s3;
	s0 =	sld [smem:$0x3FAE]  }
0x30: {  	s3 =	sld [smem:$0x3FB1]  }
0x31: {  	[smem:$0x3FBA] =	sst s10  }
0x32: {  	s10 =	sld [smem:$0x3FB8];
	_ =	sdelay $0x3  }
0x33: {  	p0 =	seq.s32 s10, $0x1;
	s10 =	sld [smem:$0x3FBA];
	_ =	sdelay $0x3  }
0x34: {  	[smem:$0x3FBA] =	sst s10  }
0x35: {  	s10 =	sld [smem:$0x3FB9];
	_ =	sdelay $0x3  }
0x36: {  	p1 =	seq.s32 s10, $0x1;
	s10 =	sld [smem:$0x3FBA];
	_ =	sdelay $0x3  }
0x37: {  	[smem:$0x3FBA] =	sst s10  }
0x38: {  	s10 =	sld [smem:$0x3FBB]  }
0x39: {  	_ = 	snop;
	(pc) =	sbr.ind lr, $3  }
0x3a: {  	_ = 	snop  }
0x3b: {  	_ = 	snop  }
0x3c: {  	p2 =	seq.s32 s10, $0x1;
	s10 =	sld [smem:$0x3FBA]  }
0x3d: {  	_ =	shalt  }
0x3e: {  	_ =	shalt  }
0x3f: {  	_ =	shalt  }
0x40: {  	_ =	shalt  }
0x41: {  	_ =	shalt  }
0x42: {  	_ =	shalt  }
0x43: {  	_ =	shalt  }
0x44: {  	_ =	shalt  }
0x45: {  	_ =	shalt  }
0x46: {  	_ =	shalt  }
0x47: {  	_ =	shalt  }
0x48: {  	_ =	shalt  }
0x49: {  	_ =	shalt  }
0x4a: {  	_ =	shalt  }
0x4b: {  	_ =	shalt  }
0x4c: {  	_ =	shalt  }
0x4d: {  	_ =	shalt  }
0x4e: {  	_ =	shalt  }
0x4f: {  	_ =	shalt  }
0x50: {  	_ =	shalt  }
0x51: {  	_ =	shalt  }
0x52: {  	_ =	shalt  }
0x53: {  	_ =	shalt  }
0x54: {  	_ =	shalt  }
0x55: {  	_ =	shalt  }
0x56: {  	_ =	shalt  }
0x57: {  	_ =	shalt  }
0x58: {  	_ =	shalt  }
0x59: {  	_ =	shalt  }
0x5a: {  	_ =	shalt  }
0x5b: {  	_ =	shalt  }
0x5c: {  	_ =	shalt  }
0x5d: {  	_ =	shalt  }
0x5e: {  	_ =	shalt  }
0x5f: {  	_ =	shalt  }
0x60: {  	_ =	shalt  }
0x61: {  	_ =	shalt  }
0x62: {  	_ =	shalt  }
0x63: {  	_ =	shalt  }
0x64: {  	_ =	shalt  }
0x65: {  	_ =	shalt  }
0x66: {  	_ =	shalt  }
0x67: {  	_ =	shalt  }
0x68: {  	_ =	shalt  }
0x69: {  	_ =	shalt  }
0x6a: {  	_ =	shalt  }
0x6b: {  	_ =	shalt  }
0x6c: {  	_ =	shalt  }
0x6d: {  	_ =	shalt  }
0x6e: {  	_ =	shalt  }
0x6f: {  	_ =	shalt  }
0x70: {  	_ =	shalt  }
0x71: {  	_ =	shalt  }
0x72: {  	_ =	shalt  }
0x73: {  	_ =	shalt  }
0x74: {  	_ =	shalt  }
0x75: {  	_ =	shalt  }
0x76: {  	_ =	shalt  }
0x77: {  	_ =	shalt  }
0x78: {  	_ =	shalt  }
0x79: {  	_ =	shalt  }
0x7a: {  	_ =	shalt  }
0x7b: {  	_ =	shalt  }
0x7c: {  	_ =	shalt  }
0x7d: {  	_ =	shalt  }
0x7e: {  	_ =	shalt  }
0x7f: {  	_ =	shalt  }
0x80: {  	_ =	shalt  }
0x81: {  	_ =	shalt  }
0x82: {  	_ =	shalt  }
0x83: {  	_ =	shalt  }
0x84: {  	_ =	shalt  }
0x85: {  	_ =	shalt  }
0x86: {  	_ =	shalt  }
0x87: {  	_ =	shalt  }
.Lfunc_end0:
.L_simem_size_0:
called_computation.2_lowered:
.L_overlay_start_0:
0x88: {  	s2 =	sld [smem:$0x3FD9]  }
0x89: {  	s3 =	sld [smem:$0x3FFE];
	_ =	sdelay $0x1  }
0x8a: {  	s1 =	srdreg.scid  }
0x8b: {  	s0 =	sand.u32 $0x1, s1  }
0x8c: {  	s17 =	sshll.u32 s0, $0xA;
	s2 =	sadd.s32 s3, s2  }
0x8d: {  	s2 =	sadd.s32 s2, s17  }
0x8e: {  	[smem:$0x3FC6] =	sst s2  }
0x8f: {  	_ = 	snop  }
0x90: {  	s2 =	sld [smem:$0x3FD0];
	(tm) =	ssettm $0x1  }
0x91: {  	s18 =	sld [smem:$0x3FFB];
	_ =	sdelay $0x3  }
0x92: {  	_ =	strace s18  }
0x93: {  	s3 =	sld [smem:$0x3FFC];
	_ =	sdelay $0x3  }
0x94: {  	_ =	strace s3  }
0x95: {  	s3 =	sld [smem:$0x3FFD];
	_ =	sdelay $0x3  }
0x96: {  	_ =	strace s3  }
0x97: {  	_ =	strace $0x8FFFFFFF  }
0x98: {  	s19 =	sld [smem:$0x3FDB];
	_ =	sdelay $0x1  }
0x99: {  	s4 =	simm.s32 $_scs_section_size  }
0x9a: {  	s5 =	simm.s32 $_size__tile_overlayer_lowered;
	s6 =	simm.s32 $_tile_overlayer_lowered  }
0x9b: {  	s22 =	simm.s32 $0x1BFF;
	s21 =	sshll.u32 s6, $0x1;
	s3 =	sadd.s32 s4, s19  }
0x9c: {  	s7 =	simm.s32 $0x0;
	s20 =	sshll.u32 s5, $0x1;
	s5 =	sadd.s32 s21, s3  }
0x9d: {  	[timem:s7], [sflag:s22] =	dma.local [hbm:s5], s20  }
0x9e: {  	_ =	swait.ge [sflag:s22], s20  }
0x9f: {  	s4 =	ssub.s32 $0x0, s20;
	[sflag:s22] =	ssyncset.done $0x0  }
0xa0: {  	[sflag:s22] =	ssyncadd.s32 s4;
	_ =	sdelay $0x1  }
0xa1: {  	s23 =	simm.s32 $0x1B8B  }
0xa2: {  	_ =	swait.ge [sflag:s23], $0x1  }
0xa3: {  	[sflag:s23] =	ssyncset.done $0x0  }
0xa4: {  	s25 =	simm.s32 $0x1B8E;
	s24 =	sld [smem:$0x3FFE];
	[sflag:s23] =	ssyncadd.s32 $0xFFFFFFFF  }
0xa5: {  	s26 =	simm.s32 $execute0_lowered;
	[smem:$0x3FD2] =	sst s25  }
0xa6: {  	s5 =	sshll.u32 s26, $0x1;
	_ =	strace $0x80000049;
	[dreg:$0x1] =	wrdreg $0xFFFFFFFF  }
0xa7: {  	s28 =	simm.s32 $_size_execute0_lowered;
	s3 =	sadd.s32 s3, s5;
	[dreg:$0x0] =	wrdreg $0x0  }
0xa8: {  	s5 =	sshll.u32 s28, $0x1;
	[dreg:$0x2] =	wrdreg s3  }
0xa9: {  	[dreg:$0x3] =	wrdreg s5  }
0xaa: {  	[dreg:$0x4] =	wrdreg $0xC0  }
0xab: {  	_ =	task [dreg:s7], $0x5FFFF  }
0xac: {  	[dreg:$0x1] =	wrdreg $0xFFFFFFFF  }
0xad: {  	[dreg:$0x0] =	wrdreg $0x60  }
0xae: {  	[dreg:$0x2] =	wrdreg s24  }
0xaf: {  	[dreg:$0x3] =	wrdreg s2  }
0xb0: {  	[dreg:$0x4] =	wrdreg $0x9  }
0xb1: {  	_ =	task.clear_ibuf [dreg:s7], $0x5FFFF;
	_ =	strace $0x90000049  }
0xb2: {  	s29 =	simm.s32 $0x9;
	_ =	strace $0x8000004B  }
0xb3: {  	_ =	swait.ge [sflag:s29], $0x1  }
0xb4: {  	[sflag:s29] =	ssyncadd.s32 $0xFFFFFFFF  }
0xb5: {  	_ =	strace $0x9000004B  }
0xb6: {  	_ =	sfence  }
0xb7: {  	s30 =	sld [smem:$0x0];
	_ =	sdelay $0x2  }
0xb8: {  	s31 =	sshll.u32 s1, $0xD;
	s1 =	sshrl.u32 s1, $0x2  }
0xb9: {  	s3 =	sand.u32 $0x4000, s31;
	s1 =	sadd.s32 s1, s30  }
0xba: {  	s0 =	sor.u32 s3, s0;
	s1 =	sshll.u32 s1, $0x11  }
0xbb: {  	s0 =	sor.u32 s1, s0  }
0xbc: {  	s0 =	sadd.s32 $0x8F2B, s0  }
0xbd: {  	[sflag:s0] =	ssyncadd.remote.s32 $0x1  }
0xbe: {  	_ =	sfence.sel $0xFFFF  }
0xbf: {  	[dreg:$0x0] =	wrdreg $0xFFFFFFFF;
	(pc) =	sbr.abs _section_cstart, $3  }
0xc0: {  	[dreg:$0x1] =	wrdreg $0xFFFFFFFF  }
0xc1: {  	_ =	task.clear_ibuf [dreg:s7], $0x2FFFF;
	_ =	strace $0x9FFFFFFF  }
0xc2: {  	(tm) =	ssettm $0x7FFFFFFF  }
0xc3: {  	_ =	shalt  }
tec
execute0_lowered:
.L_overlay_start_1:
0x0: {  	(tag) =	ssettag $0x1  }
0x1: {  	s0 =	rddreg [dreg:$0x0]  }
0x2: {  	s2 =	rddreg [dreg:$0x1];
	s1 =	simm.s32 $0x0;
	s3 =	srdreg.scid  }
0x3: {  	s15 =	stileid.u32;
	s18 =	simm.s32 $0x1;
	s20 =	simm.s32 $0x2  }
0x4: {  	s21 =	simm.s32 $0x4;
	s16 =	simm.s32 $0x160A0;
	s17 =	simm.s32 $0x16D20  }
0x5: {  	s19 =	simm.s32 $0x5;
	s22 =	simm.s32 $0x17040;
	s29 =	simm.s32 $0x1A240  }
0x6: {  	[smem:$0x7FF] =	sst s1;
	s8 =	sand.u32 $0x1, s3;
	s3 =	sadd.s32 $0x1E9800, s0  }
0x7: {  	s28 =	simm.s32 $0x6;
	s4 =	sadd.s32 $0x5BA400, s0;
	s10 =	smul.u32 $0x1E8480, s15  }
0x8: {  	s5 =	sadd.s32 $0x1200, s0;
	s6 =	sadd.s32 $0x3D1E00, s0;
	s24 =	sshll.u32 s15, $0x1  }
0x9: {  	s25 =	smul.u32 $0x1E848, s15;
	_ =	strace $0x8000004A;
	s7 =	ssub.s32 $0x2, s8  }
0xa: {  	s13 =	sor.u32 s8, s24;
	p0 =	sne.s32 s8, $0x0;
	s8 =	simm.s32 $0x0  }
0xb: {  	s9 =	sshrl.u32 s7, $0x1;
	s10 =	sshrl.u32 s10, $0x4;
	s30 =	smul.u32 $0xE00, s13  }
0xc: {  	s14 =	sshll.u32 s13, $0x5;
	s13 =	simm.s32 $0x15D80;
	s23 =	ssub.s32 s7, s9  }
0xd: {  	s7 =	smul.u32 $0xF424, s15;
	s10 =	sadd.s32 s3, s10;
	s9 =	sadd.s32 s3, s25  }
0xe: {  	s15 =	sshll.u32 s15, $0x6;
	s25 =	simm.s32 $0x166E0;
	[dreg:$0x3] =	wrdreg s9  }
.Ltmp0:
0xf: {  	s26 =	sadd.s32 $0x4E2, s10;
	s2 =	sadd.s32 s2, s30;
	(pc) =	sbr.rel .LBB2_1-.Ltmp0, $4  }
0x10: {  	s0 =	smax.u32 s23, $0x1;
	s9 =	simm.s32 $0x15A60;
	[dreg:$0x4] =	wrdreg s26  }
0x11: {  	s23 =	simm.s32 $0x163C0;
	s10 =	simm.s32 $0x16A00;
	[dreg:$0x6] =	wrdreg s2  }
0x12: {  	s31 =	sadd.s32 $0x4E2, s7;
	s11 =	sadd.s32 $0x271, s7;
	[dreg:$0x7] =	wrdreg s0  }
0x13: {  	s12 =	sadd.s32 $0x753, s7;
	s26 =	simm.s32 $0x32;
	[dreg:$0x5] =	wrdreg s31  }
.LBB2_33:
0x14: {  	s0 =	simm.s32 $0x7  }
0x15: {  	_ =	swait.ge [sflag:s0], $0x3200  }
0x16: {  	[sflag:s0] =	ssyncset.done $0x0  }
0x17: {  	s2 =	simm.s32 $0x8;
	[sflag:s0] =	ssyncadd.s32 $0xFFFFCE00  }
0x18: {  	_ =	swait.ge [sflag:s2], $0x3200  }
0x19: {  	s8 =	rddreg [dreg:$0x8]  }
0x1a: {  	s30 =	rddreg [dreg:$0x7];
	s8 =	sadd.s32 $0x1, s8  }
0x1b: {  	p1 =	sne.s32 s8, s30  }
.Ltmp1:
0x1c: {  	_ = 	snop;
	(pc) =	sbr.rel @!p1 .LBB2_34-.Ltmp1, $3  }
0x1d: {  	_ =	sdelay $0x1  }
0x1e: {  	[sflag:s2] =	ssyncset.done $0x0  }
0x1f: {  	s31 =	rddreg [dreg:$0x5];
	[sflag:s2] =	ssyncadd.s32 $0xFFFFCE00  }
.LBB2_1:
.Ltmp2:
0x20: {  	s0 =	rddreg [dreg:$0x3];
	(pc) =	sbr.rel @p0 .LBB2_12-.Ltmp2, $4  }
0x21: {  	[tilespmem:s1], [sflag:$0x1] =	stream.linear.gather [hbm4b:s0+s1], $0x2710, $0x38;
	[tilespmem:$0x1D440] =	vst v63  }
0x22: {  	s30 =	rddreg [dreg:$0x4];
	s2 =	simm.s32 $0x2710  }
0x23: {  	[tilespmem:s2], [sflag:$0x2] =	stream.linear.gather [hbm4b:s30+s1], $0x2710, $0x38;
	[tilespmem:$0x1D440] =	vst v63  }
0x24: {  	[dreg:$0x8] =	wrdreg s8;
	s0 =	simm.s32 $0x0;
	s2 =	simm.s32 $0x0  }
.LBB2_2:
0x25: {  	_ =	swait.ge [sflag:s18], $0x2710  }
0x26: {  	p1 =	seq.s32 s0, $0x0;
	[sflag:s18] =	ssyncset.done $0x0  }
0x27: {  	s2 =	simm.s32 @!p1 $0x3;
	[sflag:s18] =	ssyncadd.s32 $0xFFFFD8F0  }
0x28: {  	_ =	swait.ge @!p1 [sflag:s2], $0x2710  }
0x29: {  	[sflag:s2] =	ssyncset.done @!p1 $0x0  }
0x2a: {  	s8 =	simm.s32 $0x0;
	[sflag:s2] =	ssyncadd.s32 @!p1 $0xFFFFD8F0  }
0x2b: {  	v4 =	vld [tilespmem:s8+$0x40]  }
0x2c: {  	v1 =	vld [tilespmem:s8+$0x0]  }
0x2d: {  	v2 =	vld [tilespmem:s8+$0x10]  }
0x2e: {  	v0 =	vld [tilespmem:s8+$0x20]  }
0x2f: {  	s2 =	simm.s32 $0x140;
	v3 =	vld [tilespmem:s8+$0x30]  }
.LBB2_3:
0x30: {  	s24 =	sshra.s32 s2, $0x2;
	p2 =	sne.s32 s2, $0x9B00;
	s2 =	sadd.s32 $0x140, s2;
	[tilespmem:s8+$0x4E60] =	vst v4  }
.Ltmp3:
0x31: {  	v4 =	vld [tilespmem:s24+$0x40];
	[tilespmem:s8+$0x4E20] =	vst v1;
	(pc) =	sbr.rel @p2 .LBB2_3-.Ltmp3, $4  }
0x32: {  	v1 =	vld [tilespmem:s24+$0x0];
	[tilespmem:s8+$0x4E30] =	vst v2  }
0x33: {  	v2 =	vld [tilespmem:s24+$0x10];
	[tilespmem:s8+$0x4E40] =	vst v0  }
0x34: {  	v0 =	vld [tilespmem:s24+$0x20];
	[tilespmem:s8+$0x4E50] =	vst v3;
	s8 =	smov.u32 s24  }
0x35: {  	v3 =	vld [tilespmem:s8+$0x30]  }
0x36: {  	[tilespmem:s8+$0x4E60] =	vst v4;
	s2 =	smul.u32 $0x4E2, s0;
	p2 =	sne.s32 s0, $0x31  }
.Ltmp4:
0x37: {  	[tilespmem:s8+$0x4E20] =	vst v1;
	(pc) =	sbr.rel @p2 .LBB2_6-.Ltmp4, $4  }
0x38: {  	[tilespmem:s8+$0x4E30] =	vst v2;
	s24 =	sadd.s32 s7, s2  }
0x39: {  	[tilespmem:s8+$0x4E40] =	vst v0;
	s24 =	sshll.u32 s24, $0x1  }
0x3a: {  	s30 =	simm.s32 $0x4E20;
	[tilespmem:s8+$0x4E50] =	vst v3;
	s24 =	sadd.s32 s5, s24  }
0x3b: {  	[hbm4b:s24+s1] =	stream.linear.scatter [tilespmem:s30], [sflag:$0x3], $0x2710, $0x38;
	[tilespmem:$0x1D440] =	vst v63  }
.Ltmp5:
0x3c: {  	(pc) =	sbr.rel .LBB2_7-.Ltmp5, $4  }
0x3d: {  	_ = 	snop  }
0x3e: {  	_ =	swait.ge [sflag:s20], $0x2710  }
0x3f: {  	[sflag:s20] =	ssyncset.done $0x0  }
0x40: {  	[sflag:s20] =	ssyncadd.s32 $0xFFFFD8F0  }
.LBB2_6:
0x41: {  	s8 =	sadd.s32 s2, s31  }
0x42: {  	s8 =	sshll.u32 s8, $0x1  }
.Ltmp6:
0x43: {  	s8 =	sadd.s32 s3, s8;
	(pc) =	sbr.rel @p1 .LBB2_8-.Ltmp6, $4  }
0x44: {  	[tilespmem:s1], [sflag:$0x1] =	stream.linear.gather [hbm4b:s8+s1], $0x2710, $0x38;
	[tilespmem:$0x1D440] =	vst v63  }
0x45: {  	_ =	swait.ge [sflag:s20], $0x2710  }
0x46: {  	[sflag:s20] =	ssyncset.done $0x0  }
0x47: {  	[sflag:s20] =	ssyncadd.s32 $0xFFFFD8F0  }
.LBB2_7:
0x48: {  	_ =	swait.ge [sflag:s21], $0x2710  }
0x49: {  	[sflag:s21] =	ssyncset.done $0x0  }
0x4a: {  	[sflag:s21] =	ssyncadd.s32 $0xFFFFD8F0  }
.LBB2_8:
0x4b: {  	s8 =	simm.s32 $0x0  }
0x4c: {  	v1 =	vld [tilespmem:s8+$0x2750]  }
0x4d: {  	v2 =	vld [tilespmem:s8+$0x2710]  }
0x4e: {  	v3 =	vld [tilespmem:s8+$0x2720]  }
0x4f: {  	v0 =	vld [tilespmem:s8+$0x2730]  }
0x50: {  	s24 =	simm.s32 $0x140;
	v4 =	vld [tilespmem:s8+$0x2740]  }
.LBB2_9:
0x51: {  	s30 =	sshra.s32 s24, $0x2;
	p1 =	sne.s32 s24, $0x9B00;
	s24 =	sadd.s32 $0x140, s24;
	[tilespmem:s8+$0x7570] =	vst v1  }
.Ltmp7:
0x52: {  	v1 =	vld [tilespmem:s30+$0x2750];
	[tilespmem:s8+$0x7530] =	vst v2;
	(pc) =	sbr.rel @p1 .LBB2_9-.Ltmp7, $4  }
0x53: {  	v2 =	vld [tilespmem:s30+$0x2710];
	[tilespmem:s8+$0x7540] =	vst v3  }
0x54: {  	v3 =	vld [tilespmem:s30+$0x2720];
	[tilespmem:s8+$0x7550] =	vst v0  }
0x55: {  	v0 =	vld [tilespmem:s30+$0x2730];
	[tilespmem:s8+$0x7560] =	vst v4;
	s8 =	smov.u32 s30  }
0x56: {  	v4 =	vld [tilespmem:s8+$0x2740]  }
0x57: {  	[tilespmem:s8+$0x7570] =	vst v1;
	p1 =	seq.s32 s0, $0x31  }
.Ltmp8:
0x58: {  	[tilespmem:s8+$0x7530] =	vst v2;
	(pc) =	sbr.rel @p1 .LBB2_22-.Ltmp8, $4  }
0x59: {  	s24 =	sadd.s32 s2, s11;
	[tilespmem:s8+$0x7540] =	vst v3  }
0x5a: {  	s24 =	sshll.u32 s24, $0x1;
	[tilespmem:s8+$0x7550] =	vst v0  }
0x5b: {  	s30 =	simm.s32 $0x7530;
	s24 =	sadd.s32 s5, s24;
	[tilespmem:s8+$0x7560] =	vst v4  }
0x5c: {  	[hbm4b:s24+s1] =	stream.linear.scatter [tilespmem:s30], [sflag:$0x4], $0x2710, $0x38;
	[tilespmem:$0x1D440] =	vst v63  }
.Ltmp9:
0x5d: {  	(pc) =	sbr.rel .LBB2_2-.Ltmp9, $4  }
0x5e: {  	s2 =	sadd.s32 s2, s12  }
0x5f: {  	s2 =	sshll.u32 s2, $0x1  }
0x60: {  	s8 =	simm.s32 $0x2710;
	s0 =	sadd.s32 $0x1, s0;
	s2 =	sadd.s32 s3, s2  }
0x61: {  	[tilespmem:s8], [sflag:$0x2] =	stream.linear.gather [hbm4b:s2+s1], $0x2710, $0x38;
	[tilespmem:$0x1D440] =	vst v63  }
.LBB2_12:
0x62: {  	_ =	swait.ge [sflag:s18], $0x2710  }
0x63: {  	p1 =	seq.s32 s2, $0x0;
	[sflag:s18] =	ssyncset.done $0x0  }
0x64: {  	s0 =	simm.s32 @!p1 $0x3;
	[sflag:s18] =	ssyncadd.s32 $0xFFFFD8F0  }
0x65: {  	_ =	swait.ge @!p1 [sflag:s0], $0x2710  }
0x66: {  	[sflag:s0] =	ssyncset.done @!p1 $0x0  }
0x67: {  	s8 =	simm.s32 $0x0;
	[sflag:s0] =	ssyncadd.s32 @!p1 $0xFFFFD8F0  }
0x68: {  	v4 =	vld [tilespmem:s8+$0x40]  }
0x69: {  	v1 =	vld [tilespmem:s8+$0x0]  }
0x6a: {  	v2 =	vld [tilespmem:s8+$0x10]  }
0x6b: {  	v0 =	vld [tilespmem:s8+$0x20]  }
0x6c: {  	s0 =	simm.s32 $0x140;
	v3 =	vld [tilespmem:s8+$0x30]  }
.LBB2_13:
0x6d: {  	s24 =	sshra.s32 s0, $0x2;
	p2 =	sne.s32 s0, $0x9B00;
	s0 =	sadd.s32 $0x140, s0;
	[tilespmem:s8+$0x4E60] =	vst v4  }
.Ltmp10:
0x6e: {  	v4 =	vld [tilespmem:s24+$0x40];
	[tilespmem:s8+$0x4E20] =	vst v1;
	(pc) =	sbr.rel @p2 .LBB2_13-.Ltmp10, $4  }
0x6f: {  	v1 =	vld [tilespmem:s24+$0x0];
	[tilespmem:s8+$0x4E30] =	vst v2  }
0x70: {  	v2 =	vld [tilespmem:s24+$0x10];
	[tilespmem:s8+$0x4E40] =	vst v0  }
0x71: {  	v0 =	vld [tilespmem:s24+$0x20];
	[tilespmem:s8+$0x4E50] =	vst v3;
	s8 =	smov.u32 s24  }
0x72: {  	v3 =	vld [tilespmem:s8+$0x30]  }
0x73: {  	[tilespmem:s8+$0x4E60] =	vst v4;
	s0 =	smul.u32 $0x4E2, s2;
	p2 =	sne.s32 s2, $0x31  }
.Ltmp11:
0x74: {  	[tilespmem:s8+$0x4E20] =	vst v1;
	(pc) =	sbr.rel @p2 .LBB2_16-.Ltmp11, $4  }
0x75: {  	[tilespmem:s8+$0x4E30] =	vst v2;
	s24 =	sadd.s32 s7, s0  }
0x76: {  	[tilespmem:s8+$0x4E40] =	vst v0;
	s24 =	sshll.u32 s24, $0x1  }
0x77: {  	s30 =	simm.s32 $0x4E20;
	[tilespmem:s8+$0x4E50] =	vst v3;
	s24 =	sadd.s32 s6, s24  }
0x78: {  	[hbm4b:s24+s1] =	stream.linear.scatter [tilespmem:s30], [sflag:$0x3], $0x2710, $0x38;
	[tilespmem:$0x1D440] =	vst v63  }
.Ltmp12:
0x79: {  	(pc) =	sbr.rel .LBB2_17-.Ltmp12, $4  }
0x7a: {  	_ = 	snop  }
0x7b: {  	_ =	swait.ge [sflag:s20], $0x2710  }
0x7c: {  	[sflag:s20] =	ssyncset.done $0x0  }
0x7d: {  	[sflag:s20] =	ssyncadd.s32 $0xFFFFD8F0  }
.LBB2_16:
0x7e: {  	s8 =	sadd.s32 s0, s31  }
0x7f: {  	s8 =	sshll.u32 s8, $0x1  }
.Ltmp13:
0x80: {  	s8 =	sadd.s32 s3, s8;
	(pc) =	sbr.rel @p1 .LBB2_18-.Ltmp13, $4  }
0x81: {  	[tilespmem:s1], [sflag:$0x1] =	stream.linear.gather [hbm4b:s8+s1], $0x2710, $0x38;
	[tilespmem:$0x1D440] =	vst v63  }
0x82: {  	_ =	swait.ge [sflag:s20], $0x2710  }
0x83: {  	[sflag:s20] =	ssyncset.done $0x0  }
0x84: {  	[sflag:s20] =	ssyncadd.s32 $0xFFFFD8F0  }
.LBB2_17:
0x85: {  	_ =	swait.ge [sflag:s21], $0x2710  }
0x86: {  	[sflag:s21] =	ssyncset.done $0x0  }
0x87: {  	[sflag:s21] =	ssyncadd.s32 $0xFFFFD8F0  }
.LBB2_18:
0x88: {  	s8 =	simm.s32 $0x0  }
0x89: {  	v1 =	vld [tilespmem:s8+$0x2750]  }
0x8a: {  	v2 =	vld [tilespmem:s8+$0x2710]  }
0x8b: {  	v3 =	vld [tilespmem:s8+$0x2720]  }
0x8c: {  	v0 =	vld [tilespmem:s8+$0x2730]  }
0x8d: {  	s24 =	simm.s32 $0x140;
	v4 =	vld [tilespmem:s8+$0x2740]  }
.LBB2_19:
0x8e: {  	s30 =	sshra.s32 s24, $0x2;
	p1 =	sne.s32 s24, $0x9B00;
	s24 =	sadd.s32 $0x140, s24;
	[tilespmem:s8+$0x7570] =	vst v1  }
.Ltmp14:
0x8f: {  	v1 =	vld [tilespmem:s30+$0x2750];
	[tilespmem:s8+$0x7530] =	vst v2;
	(pc) =	sbr.rel @p1 .LBB2_19-.Ltmp14, $4  }
0x90: {  	v2 =	vld [tilespmem:s30+$0x2710];
	[tilespmem:s8+$0x7540] =	vst v3  }
0x91: {  	v3 =	vld [tilespmem:s30+$0x2720];
	[tilespmem:s8+$0x7550] =	vst v0  }
0x92: {  	v0 =	vld [tilespmem:s30+$0x2730];
	[tilespmem:s8+$0x7560] =	vst v4;
	s8 =	smov.u32 s30  }
0x93: {  	v4 =	vld [tilespmem:s8+$0x2740]  }
0x94: {  	[tilespmem:s8+$0x7570] =	vst v1;
	p1 =	seq.s32 s2, $0x31  }
.Ltmp15:
0x95: {  	[tilespmem:s8+$0x7530] =	vst v2;
	(pc) =	sbr.rel @p1 .LBB2_22-.Ltmp15, $4  }
0x96: {  	s24 =	sadd.s32 s0, s11;
	[tilespmem:s8+$0x7540] =	vst v3  }
0x97: {  	s24 =	sshll.u32 s24, $0x1;
	[tilespmem:s8+$0x7550] =	vst v0  }
0x98: {  	s30 =	simm.s32 $0x7530;
	s24 =	sadd.s32 s6, s24;
	[tilespmem:s8+$0x7560] =	vst v4  }
0x99: {  	[hbm4b:s24+s1] =	stream.linear.scatter [tilespmem:s30], [sflag:$0x4], $0x2710, $0x38;
	[tilespmem:$0x1D440] =	vst v63  }
.Ltmp16:
0x9a: {  	(pc) =	sbr.rel .LBB2_12-.Ltmp16, $4  }
0x9b: {  	s0 =	sadd.s32 s0, s12  }
0x9c: {  	s0 =	sshll.u32 s0, $0x1  }
0x9d: {  	s8 =	simm.s32 $0x2710;
	s2 =	sadd.s32 $0x1, s2;
	s0 =	sadd.s32 s3, s0  }
0x9e: {  	[tilespmem:s8], [sflag:$0x2] =	stream.linear.gather [hbm4b:s0+s1], $0x2710, $0x38;
	[tilespmem:$0x1D440] =	vst v63  }
.LBB2_22:
0x9f: {  	s0 =	simm.s32 $0x3  }
0xa0: {  	_ =	swait.ge [sflag:s0], $0x2710  }
0xa1: {  	[sflag:s0] =	ssyncset.done $0x0  }
0xa2: {  	[sflag:s0] =	ssyncadd.s32 $0xFFFFD8F0  }
0xa3: {  	_ =	swait.ge [sflag:s21], $0x2710  }
0xa4: {  	s30 =	simm.s32 $0x0;
	s2 =	simm.s32 $0x9C40;
	[sflag:s21] =	ssyncset.done $0x0  }
0xa5: {  	s31 =	simm.s32 $0x9;
	s24 =	rddreg [dreg:$0x6];
	[sflag:s21] =	ssyncadd.s32 $0xFFFFD8F0  }
0xa6: {  	[tilespmem:s2], [sflag:$0x9] =	stream.linear.gather [hbm4b:s24+s30], $0x7000, $0x38;
	[tilespmem:$0x1D440] =	vst v63  }
.Ltmp17:
0xa7: {  	_ =	swait.ge [sflag:s31], $0x7000;
	(pc) =	sbr.rel @p0 .LBB2_28-.Ltmp17, $3  }
0xa8: {  	[sflag:s31] =	ssyncset.done $0x0  }
0xa9: {  	[sflag:s31] =	ssyncadd.s32 $0xFFFF9000  }
0xaa: {  	[bflag:$0x0] =	sbarrier.arrive $0xFFFF;
	_ =	sdelay $0x1  }
.LBB2_23:
0xab: {  	s0 =	smul.u32 $0x1C00, s30;
	_ =	sdelay $0x1  }
0xac: {  	s0 =	sshra.s32 s0, $0x2  }
0xad: {  	s8 =	simm.s32 $0x10C40;
	s2 =	sadd.s32 $0x9C40, s0  }
0xae: {  	[tilespmem:s8], [sflag:$0x5] =	stream.indirect.gather [hbm4b:s5+s26], $0x10, s2, s26, $0xb8;
	[tilespmem:$0x1D440] =	vst v63  }
0xaf: {  	s24 =	simm.s32 $0x10F60;
	s8 =	sadd.s32 $0x9C78, s0  }
0xb0: {  	[tilespmem:s24], [sflag:$0x5] =	stream.indirect.gather [hbm4b:s5+s26], $0x10, s8, s26, $0xb8;
	[tilespmem:$0x1D440] =	vst v63  }
0xb1: {  	s8 =	sadd.s32 $0x9CB0, s0;
	s24 =	simm.s32 $0x11280  }
0xb2: {  	[tilespmem:s24], [sflag:$0x5] =	stream.indirect.gather [hbm4b:s5+s26], $0x10, s8, s26, $0xb8;
	[tilespmem:$0x1D440] =	vst v63  }
0xb3: {  	s8 =	sadd.s32 $0x9CE8, s0;
	s24 =	simm.s32 $0x115A0  }
0xb4: {  	[tilespmem:s24], [sflag:$0x5] =	stream.indirect.gather [hbm4b:s5+s26], $0x10, s8, s26, $0xb8;
	[tilespmem:$0x1D440] =	vst v63  }
0xb5: {  	s8 =	sadd.s32 $0x9D20, s0;
	s24 =	simm.s32 $0x118C0  }
0xb6: {  	[tilespmem:s24], [sflag:$0x5] =	stream.indirect.gather [hbm4b:s5+s26], $0x10, s8, s26, $0xb8;
	[tilespmem:$0x1D440] =	vst v63  }
0xb7: {  	s8 =	sadd.s32 $0x9D58, s0;
	s24 =	simm.s32 $0x11BE0  }
0xb8: {  	[tilespmem:s24], [sflag:$0x5] =	stream.indirect.gather [hbm4b:s5+s26], $0x10, s8, s26, $0xb8;
	[tilespmem:$0x1D440] =	vst v63  }
0xb9: {  	s8 =	sadd.s32 $0x9D90, s0;
	s24 =	simm.s32 $0x11F00  }
0xba: {  	[tilespmem:s24], [sflag:$0x5] =	stream.indirect.gather [hbm4b:s5+s26], $0x10, s8, s26, $0xb8;
	[tilespmem:$0x1D440] =	vst v63  }
0xbb: {  	s8 =	sadd.s32 $0x9DC8, s0;
	s24 =	simm.s32 $0x12220  }
0xbc: {  	[tilespmem:s24], [sflag:$0x5] =	stream.indirect.gather [hbm4b:s5+s26], $0x10, s8, s26, $0xb8;
	[tilespmem:$0x1D440] =	vst v63  }
0xbd: {  	s8 =	sadd.s32 $0x9E00, s0;
	s24 =	simm.s32 $0x12540  }
0xbe: {  	[tilespmem:s24], [sflag:$0x5] =	stream.indirect.gather [hbm4b:s5+s26], $0x10, s8, s26, $0xb8;
	[tilespmem:$0x1D440] =	vst v63  }
0xbf: {  	s8 =	sadd.s32 $0x9E38, s0;
	s24 =	simm.s32 $0x12860  }
0xc0: {  	[tilespmem:s24], [sflag:$0x5] =	stream.indirect.gather [hbm4b:s5+s26], $0x10, s8, s26, $0xb8;
	[tilespmem:$0x1D440] =	vst v63  }
0xc1: {  	s8 =	sadd.s32 $0x9E70, s0;
	s24 =	simm.s32 $0x12B80  }
0xc2: {  	[tilespmem:s24], [sflag:$0x5] =	stream.indirect.gather [hbm4b:s5+s26], $0x10, s8, s26, $0xb8;
	[tilespmem:$0x1D440] =	vst v63  }
0xc3: {  	s8 =	sadd.s32 $0x9EA8, s0;
	s24 =	simm.s32 $0x12EA0  }
0xc4: {  	[tilespmem:s24], [sflag:$0x5] =	stream.indirect.gather [hbm4b:s5+s26], $0x10, s8, s26, $0xb8;
	[tilespmem:$0x1D440] =	vst v63  }
0xc5: {  	s8 =	sadd.s32 $0x9EE0, s0;
	s24 =	simm.s32 $0x131C0  }
0xc6: {  	[tilespmem:s24], [sflag:$0x5] =	stream.indirect.gather [hbm4b:s5+s26], $0x10, s8, s26, $0xb8;
	[tilespmem:$0x1D440] =	vst v63  }
0xc7: {  	s8 =	sadd.s32 $0x9F18, s0;
	s24 =	simm.s32 $0x134E0  }
0xc8: {  	[tilespmem:s24], [sflag:$0x5] =	stream.indirect.gather [hbm4b:s5+s26], $0x10, s8, s26, $0xb8;
	[tilespmem:$0x1D440] =	vst v63  }
0xc9: {  	s31 =	sshllo.u32 s30, $0x1;
	s8 =	sadd.s32 $0x9F50, s0;
	s24 =	simm.s32 $0x13800  }
0xca: {  	[tilespmem:s24], [sflag:$0x5] =	stream.indirect.gather [hbm4b:s5+s26], $0x10, s8, s26, $0xb8;
	[tilespmem:$0x1D440] =	vst v63  }
0xcb: {  	s2 =	smul.u32 $0xE00, s31;
	s0 =	sadd.s32 $0x9F88, s0;
	s24 =	simm.s32 $0x13B20  }
0xcc: {  	[tilespmem:s24], [sflag:$0x5] =	stream.indirect.gather [hbm4b:s5+s26], $0x10, s0, s26, $0xb8;
	[tilespmem:$0x1D440] =	vst v63  }
0xcd: {  	s0 =	sshra.s32 s2, $0x2  }
0xce: {  	s24 =	simm.s32 $0x13E40;
	s2 =	sadd.s32 $0x9C40, s0  }
0xcf: {  	[tilespmem:s24], [sflag:$0x6] =	stream.indirect.gather [hbm4b:s5+s26], $0x10, s2, s26, $0xb8;
	[tilespmem:$0x1D440] =	vst v63  }
0xd0: {  	s8 =	sadd.s32 $0x9C78, s0;
	s24 =	simm.s32 $0x14160  }
0xd1: {  	[tilespmem:s24], [sflag:$0x6] =	stream.indirect.gather [hbm4b:s5+s26], $0x10, s8, s26, $0xb8;
	[tilespmem:$0x1D440] =	vst v63  }
0xd2: {  	s8 =	sadd.s32 $0x9CB0, s0;
	s24 =	simm.s32 $0x14480  }
0xd3: {  	[tilespmem:s24], [sflag:$0x6] =	stream.indirect.gather [hbm4b:s5+s26], $0x10, s8, s26, $0xb8;
	[tilespmem:$0x1D440] =	vst v63  }
0xd4: {  	s8 =	sadd.s32 $0x9CE8, s0;
	s24 =	simm.s32 $0x147A0  }
0xd5: {  	[tilespmem:s24], [sflag:$0x6] =	stream.indirect.gather [hbm4b:s5+s26], $0x10, s8, s26, $0xb8;
	[tilespmem:$0x1D440] =	vst v63  }
0xd6: {  	s8 =	sadd.s32 $0x9D20, s0;
	s24 =	simm.s32 $0x14AC0  }
0xd7: {  	[tilespmem:s24], [sflag:$0x6] =	stream.indirect.gather [hbm4b:s5+s26], $0x10, s8, s26, $0xb8;
	[tilespmem:$0x1D440] =	vst v63  }
0xd8: {  	s8 =	sadd.s32 $0x9D58, s0;
	s24 =	simm.s32 $0x14DE0  }
0xd9: {  	[tilespmem:s24], [sflag:$0x6] =	stream.indirect.gather [hbm4b:s5+s26], $0x10, s8, s26, $0xb8;
	[tilespmem:$0x1D440] =	vst v63  }
0xda: {  	s8 =	sadd.s32 $0x9D90, s0;
	s24 =	simm.s32 $0x15100  }
0xdb: {  	[tilespmem:s24], [sflag:$0x6] =	stream.indirect.gather [hbm4b:s5+s26], $0x10, s8, s26, $0xb8;
	[tilespmem:$0x1D440] =	vst v63  }
0xdc: {  	s8 =	sadd.s32 $0x9DC8, s0;
	s24 =	simm.s32 $0x15420  }
0xdd: {  	[tilespmem:s24], [sflag:$0x6] =	stream.indirect.gather [hbm4b:s5+s26], $0x10, s8, s26, $0xb8;
	[tilespmem:$0x1D440] =	vst v63  }
0xde: {  	s8 =	sadd.s32 $0x9E00, s0;
	s24 =	simm.s32 $0x15740  }
0xdf: {  	[tilespmem:s24], [sflag:$0x6] =	stream.indirect.gather [hbm4b:s5+s26], $0x10, s8, s26, $0xb8;
	[tilespmem:$0x1D440] =	vst v63  }
0xe0: {  	s8 =	sadd.s32 $0x9E38, s0  }
0xe1: {  	[tilespmem:s9], [sflag:$0x6] =	stream.indirect.gather [hbm4b:s5+s26], $0x10, s8, s26, $0xb8;
	[tilespmem:$0x1D440] =	vst v63  }
0xe2: {  	s24 =	sadd.s32 $0x9E70, s0  }
0xe3: {  	[tilespmem:s13], [sflag:$0x6] =	stream.indirect.gather [hbm4b:s5+s26], $0x10, s24, s26, $0xb8;
	[tilespmem:$0x1D440] =	vst v63  }
0xe4: {  	s8 =	sadd.s32 $0x9EA8, s0  }
0xe5: {  	[tilespmem:s16], [sflag:$0x6] =	stream.indirect.gather [hbm4b:s5+s26], $0x10, s8, s26, $0xb8;
	[tilespmem:$0x1D440] =	vst v63  }
0xe6: {  	s24 =	sadd.s32 $0x9EE0, s0  }
0xe7: {  	[tilespmem:s23], [sflag:$0x6] =	stream.indirect.gather [hbm4b:s5+s26], $0x10, s24, s26, $0xb8;
	[tilespmem:$0x1D440] =	vst v63  }
0xe8: {  	s8 =	sadd.s32 $0x9F18, s0  }
0xe9: {  	[tilespmem:s25], [sflag:$0x6] =	stream.indirect.gather [hbm4b:s5+s26], $0x10, s8, s26, $0xb8;
	[tilespmem:$0x1D440] =	vst v63  }
0xea: {  	s24 =	sadd.s32 $0x9F50, s0  }
0xeb: {  	[tilespmem:s10], [sflag:$0x6] =	stream.indirect.gather [hbm4b:s5+s26], $0x10, s24, s26, $0xb8;
	[tilespmem:$0x1D440] =	vst v63  }
0xec: {  	s0 =	sadd.s32 $0x9F88, s0  }
0xed: {  	[tilespmem:s17], [sflag:$0x6] =	stream.indirect.gather [hbm4b:s5+s26], $0x10, s0, s26, $0xb8;
	[tilespmem:$0x1D440] =	vst v63  }
0xee: {  	_ =	swait.ge [sflag:s19], $0x320  }
0xef: {  	[sflag:s19] =	ssyncset.done $0x0  }
0xf0: {  	[sflag:s19] =	ssyncadd.s32 $0xFFFFFCE0  }
0xf1: {  	_ =	swait.ge [sflag:s19], $0x320  }
0xf2: {  	[sflag:s19] =	ssyncset.done $0x0  }
0xf3: {  	[sflag:s19] =	ssyncadd.s32 $0xFFFFFCE0  }
0xf4: {  	_ =	swait.ge [sflag:s19], $0x320  }
0xf5: {  	[sflag:s19] =	ssyncset.done $0x0  }
0xf6: {  	[sflag:s19] =	ssyncadd.s32 $0xFFFFFCE0  }
0xf7: {  	_ =	swait.ge [sflag:s19], $0x320  }
0xf8: {  	[sflag:s19] =	ssyncset.done $0x0  }
0xf9: {  	[sflag:s19] =	ssyncadd.s32 $0xFFFFFCE0  }
0xfa: {  	_ =	swait.ge [sflag:s19], $0x320  }
0xfb: {  	[sflag:s19] =	ssyncset.done $0x0  }
0xfc: {  	[sflag:s19] =	ssyncadd.s32 $0xFFFFFCE0  }
0xfd: {  	_ =	swait.ge [sflag:s19], $0x320  }
0xfe: {  	[sflag:s19] =	ssyncset.done $0x0  }
0xff: {  	[sflag:s19] =	ssyncadd.s32 $0xFFFFFCE0  }
0x100: {  	_ =	swait.ge [sflag:s19], $0x320  }
0x101: {  	[sflag:s19] =	ssyncset.done $0x0  }
0x102: {  	[sflag:s19] =	ssyncadd.s32 $0xFFFFFCE0  }
0x103: {  	_ =	swait.ge [sflag:s19], $0x320  }
0x104: {  	[sflag:s19] =	ssyncset.done $0x0  }
0x105: {  	[sflag:s19] =	ssyncadd.s32 $0xFFFFFCE0  }
0x106: {  	_ =	swait.ge [sflag:s19], $0x320  }
0x107: {  	[sflag:s19] =	ssyncset.done $0x0  }
0x108: {  	[sflag:s19] =	ssyncadd.s32 $0xFFFFFCE0  }
0x109: {  	_ =	swait.ge [sflag:s19], $0x320  }
0x10a: {  	[sflag:s19] =	ssyncset.done $0x0  }
0x10b: {  	[sflag:s19] =	ssyncadd.s32 $0xFFFFFCE0  }
0x10c: {  	_ =	swait.ge [sflag:s19], $0x320  }
0x10d: {  	[sflag:s19] =	ssyncset.done $0x0  }
0x10e: {  	[sflag:s19] =	ssyncadd.s32 $0xFFFFFCE0  }
0x10f: {  	_ =	swait.ge [sflag:s19], $0x320  }
0x110: {  	[sflag:s19] =	ssyncset.done $0x0  }
0x111: {  	[sflag:s19] =	ssyncadd.s32 $0xFFFFFCE0  }
0x112: {  	_ =	swait.ge [sflag:s19], $0x320  }
0x113: {  	[sflag:s19] =	ssyncset.done $0x0  }
0x114: {  	[sflag:s19] =	ssyncadd.s32 $0xFFFFFCE0  }
0x115: {  	_ =	swait.ge [sflag:s19], $0x320  }
0x116: {  	[sflag:s19] =	ssyncset.done $0x0  }
0x117: {  	[sflag:s19] =	ssyncadd.s32 $0xFFFFFCE0  }
0x118: {  	_ =	swait.ge [sflag:s19], $0x320  }
0x119: {  	[sflag:s19] =	ssyncset.done $0x0  }
0x11a: {  	[sflag:s19] =	ssyncadd.s32 $0xFFFFFCE0  }
0x11b: {  	_ =	swait.ge [sflag:s19], $0x320  }
0x11c: {  	p1 =	seq.s32 s30, $0x0;
	[sflag:s19] =	ssyncset.done $0x0  }
0x11d: {  	s0 =	simm.s32 @!p1 $0x7;
	[sflag:s19] =	ssyncadd.s32 $0xFFFFFCE0  }
0x11e: {  	_ =	swait.ge @!p1 [sflag:s0], $0x3200  }
0x11f: {  	[sflag:s0] =	ssyncset.done @!p1 $0x0  }
0x120: {  	[sflag:s0] =	ssyncadd.s32 @!p1 $0xFFFFCE00;
	s0 =	simm.s32 $0x310  }
0x121: {  	v0 =	vld [tilespmem:s0+$0x10C40]  }
0x122: {  	v1 =	vld [tilespmem:s0+$0x10930]  }
0x123: {  	v2 =	vld [tilespmem:s0+$0x10940]  }
0x124: {  	v3 =	vld [tilespmem:s0+$0x10950]  }
0x125: {  	v4 =	vld [tilespmem:s0+$0x10960]  }
0x126: {  	v5 =	vld [tilespmem:s0+$0x10970];
	[tilespmem:s0+$0x17040] =	vst v0  }
0x127: {  	v6 =	vld [tilespmem:s0+$0x10BC0];
	[tilespmem:s0+$0x16D30] =	vst v1  }
0x128: {  	v7 =	vld [tilespmem:s0+$0x10BD0];
	[tilespmem:s0+$0x16D40] =	vst v2  }
0x129: {  	v8 =	vld [tilespmem:s0+$0x10BE0];
	[tilespmem:s0+$0x16D50] =	vst v3  }
0x12a: {  	v0 =	vld [tilespmem:s0+$0x10980];
	[tilespmem:s0+$0x16D60] =	vst v4  }
0x12b: {  	v1 =	vld [tilespmem:s0+$0x10990];
	[tilespmem:s0+$0x16D70] =	vst v5  }
0x12c: {  	v2 =	vld [tilespmem:s0+$0x109A0];
	[tilespmem:s0+$0x16FC0] =	vst v6  }
0x12d: {  	v3 =	vld [tilespmem:s0+$0x109B0];
	[tilespmem:s0+$0x16FD0] =	vst v7  }
0x12e: {  	v4 =	vld [tilespmem:s0+$0x109C0];
	[tilespmem:s0+$0x16FE0] =	vst v8  }
0x12f: {  	v5 =	vld [tilespmem:s0+$0x10BB0];
	[tilespmem:s0+$0x16D80] =	vst v0  }
0x130: {  	v0 =	vld [tilespmem:s0+$0x109D0];
	[tilespmem:s0+$0x16D90] =	vst v1  }
0x131: {  	v1 =	vld [tilespmem:s0+$0x109E0];
	[tilespmem:s0+$0x16DA0] =	vst v2  }
0x132: {  	v2 =	vld [tilespmem:s0+$0x109F0];
	[tilespmem:s0+$0x16DB0] =	vst v3  }
0x133: {  	v3 =	vld [tilespmem:s0+$0x10A00];
	[tilespmem:s0+$0x16DC0] =	vst v4  }
0x134: {  	v4 =	vld [tilespmem:s0+$0x10A10];
	[tilespmem:s0+$0x16FB0] =	vst v5  }
0x135: {  	[tilespmem:s0+$0x16DD0] =	vst v0;
	v0 =	vld [tilespmem:s0+$0x10A20]  }
0x136: {  	[tilespmem:s0+$0x16DE0] =	vst v1;
	v1 =	vld [tilespmem:s0+$0x10A30]  }
0x137: {  	[tilespmem:s0+$0x16DF0] =	vst v2;
	v2 =	vld [tilespmem:s0+$0x10A40]  }
0x138: {  	[tilespmem:s0+$0x16E00] =	vst v3;
	v3 =	vld [tilespmem:s0+$0x10A50]  }
0x139: {  	[tilespmem:s0+$0x16E10] =	vst v4;
	v4 =	vld [tilespmem:s0+$0x10A60]  }
0x13a: {  	[tilespmem:s0+$0x16E20] =	vst v0;
	v0 =	vld [tilespmem:s0+$0x10A70]  }
0x13b: {  	[tilespmem:s0+$0x16E30] =	vst v1;
	v1 =	vld [tilespmem:s0+$0x10A80]  }
0x13c: {  	[tilespmem:s0+$0x16E40] =	vst v2;
	v2 =	vld [tilespmem:s0+$0x10A90]  }
0x13d: {  	[tilespmem:s0+$0x16E50] =	vst v3;
	v3 =	vld [tilespmem:s0+$0x10AA0]  }
0x13e: {  	[tilespmem:s0+$0x16E60] =	vst v4;
	v4 =	vld [tilespmem:s0+$0x10AB0]  }
0x13f: {  	[tilespmem:s0+$0x16E70] =	vst v0;
	v0 =	vld [tilespmem:s0+$0x10AC0]  }
0x140: {  	[tilespmem:s0+$0x16E80] =	vst v1;
	v1 =	vld [tilespmem:s0+$0x10AD0]  }
0x141: {  	[tilespmem:s0+$0x16E90] =	vst v2;
	v2 =	vld [tilespmem:s0+$0x10AE0]  }
0x142: {  	[tilespmem:s0+$0x16EA0] =	vst v3;
	v3 =	vld [tilespmem:s0+$0x10AF0]  }
0x143: {  	[tilespmem:s0+$0x16EB0] =	vst v4;
	v4 =	vld [tilespmem:s0+$0x10B00]  }
0x144: {  	[tilespmem:s0+$0x16EC0] =	vst v0;
	v0 =	vld [tilespmem:s0+$0x10B10]  }
0x145: {  	[tilespmem:s0+$0x16ED0] =	vst v1;
	v1 =	vld [tilespmem:s0+$0x10B20]  }
0x146: {  	[tilespmem:s0+$0x16EE0] =	vst v2;
	v2 =	vld [tilespmem:s0+$0x10B30]  }
0x147: {  	[tilespmem:s0+$0x16EF0] =	vst v3;
	v3 =	vld [tilespmem:s0+$0x10B40]  }
0x148: {  	[tilespmem:s0+$0x16F00] =	vst v4;
	v4 =	vld [tilespmem:s0+$0x10B50]  }
0x149: {  	[tilespmem:s0+$0x16F10] =	vst v0;
	v0 =	vld [tilespmem:s0+$0x10B60]  }
0x14a: {  	[tilespmem:s0+$0x16F20] =	vst v1;
	v1 =	vld [tilespmem:s0+$0x10B70]  }
0x14b: {  	[tilespmem:s0+$0x16F30] =	vst v2;
	v2 =	vld [tilespmem:s0+$0x10B80]  }
0x14c: {  	[tilespmem:s0+$0x16F40] =	vst v3;
	v3 =	vld [tilespmem:s0+$0x10B90]  }
0x14d: {  	[tilespmem:s0+$0x16F50] =	vst v4;
	v4 =	vld [tilespmem:s0+$0x10BA0]  }
0x14e: {  	[tilespmem:s0+$0x16F60] =	vst v0;
	v0 =	vld [tilespmem:s0+$0x10BF0]  }
0x14f: {  	[tilespmem:s0+$0x16F70] =	vst v1;
	v1 =	vld [tilespmem:s0+$0x10C00]  }
0x150: {  	[tilespmem:s0+$0x16F80] =	vst v2;
	v2 =	vld [tilespmem:s0+$0x10C10]  }
0x151: {  	[tilespmem:s0+$0x16F90] =	vst v3;
	v3 =	vld [tilespmem:s0+$0x10C20]  }
0x152: {  	s2 =	sshll.u32 s30, $0x1;
	s8 =	simm.s32 $0x630;
	s24 =	simm.s32 $0x2540;
	[tilespmem:s0+$0x16FA0] =	vst v4;
	v4 =	vld [tilespmem:s0+$0x10C30]  }
.LBB2_24:
0x153: {  	p2 =	sne.s32 s24, $0xC7C0;
	v5 =	vld [tilespmem:s8+$0x10C40];
	[tilespmem:s0+$0x16FF0] =	vst v0  }
0x154: {  	v0 =	vld [tilespmem:s8+$0x10930];
	[tilespmem:s0+$0x17000] =	vst v1  }
0x155: {  	v1 =	vld [tilespmem:s8+$0x10940];
	[tilespmem:s0+$0x17010] =	vst v2  }
0x156: {  	v2 =	vld [tilespmem:s8+$0x10950];
	[tilespmem:s0+$0x17020] =	vst v3  }
0x157: {  	v3 =	vld [tilespmem:s8+$0x10960];
	[tilespmem:s0+$0x17030] =	vst v4;
	s0 =	smov.u32 s8  }
0x158: {  	v4 =	vld [tilespmem:s0+$0x10970];
	[tilespmem:s0+$0x17040] =	vst v5  }
0x159: {  	[tilespmem:s0+$0x16D30] =	vst v0;
	v0 =	vld [tilespmem:s0+$0x10980]  }
0x15a: {  	[tilespmem:s0+$0x16D40] =	vst v1;
	v1 =	vld [tilespmem:s0+$0x10990]  }
0x15b: {  	[tilespmem:s0+$0x16D50] =	vst v2;
	v2 =	vld [tilespmem:s0+$0x109A0]  }
0x15c: {  	[tilespmem:s0+$0x16D60] =	vst v3;
	v3 =	vld [tilespmem:s0+$0x109B0]  }
0x15d: {  	[tilespmem:s0+$0x16D70] =	vst v4;
	v4 =	vld [tilespmem:s0+$0x109C0]  }
0x15e: {  	[tilespmem:s0+$0x16D80] =	vst v0;
	v0 =	vld [tilespmem:s0+$0x109D0]  }
0x15f: {  	[tilespmem:s0+$0x16D90] =	vst v1;
	v1 =	vld [tilespmem:s0+$0x109E0]  }
0x160: {  	[tilespmem:s0+$0x16DA0] =	vst v2;
	v2 =	vld [tilespmem:s0+$0x109F0]  }
0x161: {  	[tilespmem:s0+$0x16DB0] =	vst v3;
	v3 =	vld [tilespmem:s0+$0x10A00]  }
0x162: {  	[tilespmem:s0+$0x16DC0] =	vst v4;
	v4 =	vld [tilespmem:s0+$0x10A10]  }
0x163: {  	[tilespmem:s0+$0x16DD0] =	vst v0;
	v0 =	vld [tilespmem:s0+$0x10A20]  }
0x164: {  	[tilespmem:s0+$0x16DE0] =	vst v1;
	v1 =	vld [tilespmem:s0+$0x10A30]  }
0x165: {  	[tilespmem:s0+$0x16DF0] =	vst v2;
	v2 =	vld [tilespmem:s0+$0x10A40]  }
0x166: {  	[tilespmem:s0+$0x16E00] =	vst v3;
	v3 =	vld [tilespmem:s0+$0x10A50]  }
0x167: {  	[tilespmem:s0+$0x16E10] =	vst v4;
	v4 =	vld [tilespmem:s0+$0x10A60]  }
0x168: {  	[tilespmem:s0+$0x16E20] =	vst v0;
	v0 =	vld [tilespmem:s0+$0x10A70]  }
0x169: {  	[tilespmem:s0+$0x16E30] =	vst v1;
	v1 =	vld [tilespmem:s0+$0x10A80]  }
0x16a: {  	[tilespmem:s0+$0x16E40] =	vst v2;
	v2 =	vld [tilespmem:s0+$0x10A90]  }
0x16b: {  	[tilespmem:s0+$0x16E50] =	vst v3;
	v3 =	vld [tilespmem:s0+$0x10AA0]  }
0x16c: {  	[tilespmem:s0+$0x16E60] =	vst v4;
	v4 =	vld [tilespmem:s0+$0x10AB0]  }
0x16d: {  	[tilespmem:s0+$0x16E70] =	vst v0;
	v0 =	vld [tilespmem:s0+$0x10AC0]  }
0x16e: {  	[tilespmem:s0+$0x16E80] =	vst v1;
	v1 =	vld [tilespmem:s0+$0x10AD0]  }
0x16f: {  	[tilespmem:s0+$0x16E90] =	vst v2;
	v2 =	vld [tilespmem:s0+$0x10AE0]  }
0x170: {  	[tilespmem:s0+$0x16EA0] =	vst v3;
	v3 =	vld [tilespmem:s0+$0x10AF0]  }
0x171: {  	[tilespmem:s0+$0x16EB0] =	vst v4;
	v4 =	vld [tilespmem:s0+$0x10B00]  }
0x172: {  	[tilespmem:s0+$0x16EC0] =	vst v0;
	v0 =	vld [tilespmem:s0+$0x10B10]  }
0x173: {  	[tilespmem:s0+$0x16ED0] =	vst v1;
	v1 =	vld [tilespmem:s0+$0x10B20]  }
0x174: {  	[tilespmem:s0+$0x16EE0] =	vst v2;
	v2 =	vld [tilespmem:s0+$0x10B30]  }
0x175: {  	[tilespmem:s0+$0x16EF0] =	vst v3;
	v3 =	vld [tilespmem:s0+$0x10B40]  }
0x176: {  	[tilespmem:s0+$0x16F00] =	vst v4;
	v4 =	vld [tilespmem:s0+$0x10B50]  }
0x177: {  	[tilespmem:s0+$0x16F10] =	vst v0;
	v0 =	vld [tilespmem:s0+$0x10B60]  }
0x178: {  	[tilespmem:s0+$0x16F20] =	vst v1;
	v1 =	vld [tilespmem:s0+$0x10B70]  }
0x179: {  	[tilespmem:s0+$0x16F30] =	vst v2;
	v2 =	vld [tilespmem:s0+$0x10B80]  }
0x17a: {  	[tilespmem:s0+$0x16F40] =	vst v3;
	v3 =	vld [tilespmem:s0+$0x10B90]  }
0x17b: {  	[tilespmem:s0+$0x16F50] =	vst v4;
	v4 =	vld [tilespmem:s0+$0x10BA0]  }
0x17c: {  	[tilespmem:s0+$0x16F60] =	vst v0;
	v5 =	vld [tilespmem:s0+$0x10BB0]  }
0x17d: {  	[tilespmem:s0+$0x16F70] =	vst v1;
	v6 =	vld [tilespmem:s0+$0x10BC0]  }
0x17e: {  	[tilespmem:s0+$0x16F80] =	vst v2;
	v7 =	vld [tilespmem:s0+$0x10BD0]  }
0x17f: {  	[tilespmem:s0+$0x16F90] =	vst v3;
	v8 =	vld [tilespmem:s0+$0x10BE0]  }
.Ltmp18:
0x180: {  	[tilespmem:s0+$0x16FA0] =	vst v4;
	v0 =	vld [tilespmem:s0+$0x10BF0];
	(pc) =	sbr.rel @p2 .LBB2_24-.Ltmp18, $4  }
0x181: {  	[tilespmem:s0+$0x16FB0] =	vst v5;
	v1 =	vld [tilespmem:s0+$0x10C00]  }
0x182: {  	[tilespmem:s0+$0x16FC0] =	vst v6;
	v2 =	vld [tilespmem:s0+$0x10C10]  }
0x183: {  	[tilespmem:s0+$0x16FD0] =	vst v7;
	v3 =	vld [tilespmem:s0+$0x10C20]  }
0x184: {  	s8 =	sshra.s32 s24, $0x2;
	s24 =	sadd.s32 $0xC80, s24;
	[tilespmem:s0+$0x16FE0] =	vst v8;
	v4 =	vld [tilespmem:s0+$0x10C30]  }
0x185: {  	v5 =	vld [tilespmem:s8+$0x10C40];
	[tilespmem:s0+$0x16FF0] =	vst v0  }
0x186: {  	v0 =	vld [tilespmem:s8+$0x10930];
	[tilespmem:s0+$0x17000] =	vst v1  }
0x187: {  	v1 =	vld [tilespmem:s8+$0x10940];
	[tilespmem:s0+$0x17010] =	vst v2  }
0x188: {  	v2 =	vld [tilespmem:s8+$0x10950];
	[tilespmem:s0+$0x17020] =	vst v3  }
0x189: {  	v3 =	vld [tilespmem:s8+$0x10960];
	[tilespmem:s0+$0x17030] =	vst v4  }
0x18a: {  	v4 =	vld [tilespmem:s8+$0x10970];
	[tilespmem:s8+$0x17040] =	vst v5  }
0x18b: {  	[tilespmem:s8+$0x16D30] =	vst v0;
	v0 =	vld [tilespmem:s8+$0x10980]  }
0x18c: {  	[tilespmem:s8+$0x16D40] =	vst v1;
	v1 =	vld [tilespmem:s8+$0x10990]  }
0x18d: {  	[tilespmem:s8+$0x16D50] =	vst v2;
	v2 =	vld [tilespmem:s8+$0x109A0]  }
0x18e: {  	[tilespmem:s8+$0x16D60] =	vst v3;
	v3 =	vld [tilespmem:s8+$0x109B0]  }
0x18f: {  	[tilespmem:s8+$0x16D70] =	vst v4;
	v4 =	vld [tilespmem:s8+$0x109C0]  }
0x190: {  	[tilespmem:s8+$0x16D80] =	vst v0;
	v0 =	vld [tilespmem:s8+$0x109D0]  }
0x191: {  	[tilespmem:s8+$0x16D90] =	vst v1;
	v1 =	vld [tilespmem:s8+$0x109E0]  }
0x192: {  	[tilespmem:s8+$0x16DA0] =	vst v2;
	v2 =	vld [tilespmem:s8+$0x109F0]  }
0x193: {  	[tilespmem:s8+$0x16DB0] =	vst v3;
	v3 =	vld [tilespmem:s8+$0x10A00]  }
0x194: {  	[tilespmem:s8+$0x16DC0] =	vst v4;
	v4 =	vld [tilespmem:s8+$0x10A10]  }
0x195: {  	[tilespmem:s8+$0x16DD0] =	vst v0;
	v0 =	vld [tilespmem:s8+$0x10A20]  }
0x196: {  	[tilespmem:s8+$0x16DE0] =	vst v1;
	v1 =	vld [tilespmem:s8+$0x10A30]  }
0x197: {  	[tilespmem:s8+$0x16DF0] =	vst v2;
	v2 =	vld [tilespmem:s8+$0x10A40]  }
0x198: {  	[tilespmem:s8+$0x16E00] =	vst v3;
	v3 =	vld [tilespmem:s8+$0x10A50]  }
0x199: {  	[tilespmem:s8+$0x16E10] =	vst v4;
	v4 =	vld [tilespmem:s8+$0x10A60]  }
0x19a: {  	[tilespmem:s8+$0x16E20] =	vst v0;
	v0 =	vld [tilespmem:s8+$0x10A70]  }
0x19b: {  	[tilespmem:s8+$0x16E30] =	vst v1;
	v1 =	vld [tilespmem:s8+$0x10A80]  }
0x19c: {  	[tilespmem:s8+$0x16E40] =	vst v2;
	v2 =	vld [tilespmem:s8+$0x10A90]  }
0x19d: {  	[tilespmem:s8+$0x16E50] =	vst v3;
	v3 =	vld [tilespmem:s8+$0x10AA0]  }
0x19e: {  	[tilespmem:s8+$0x16E60] =	vst v4;
	v4 =	vld [tilespmem:s8+$0x10AB0]  }
0x19f: {  	[tilespmem:s8+$0x16E70] =	vst v0;
	v0 =	vld [tilespmem:s8+$0x10AC0]  }
0x1a0: {  	[tilespmem:s8+$0x16E80] =	vst v1;
	v1 =	vld [tilespmem:s8+$0x10AD0]  }
0x1a1: {  	[tilespmem:s8+$0x16E90] =	vst v2;
	v2 =	vld [tilespmem:s8+$0x10AE0]  }
0x1a2: {  	[tilespmem:s8+$0x16EA0] =	vst v3;
	v3 =	vld [tilespmem:s8+$0x10AF0]  }
0x1a3: {  	[tilespmem:s8+$0x16EB0] =	vst v4;
	v4 =	vld [tilespmem:s8+$0x10B00]  }
0x1a4: {  	[tilespmem:s8+$0x16EC0] =	vst v0;
	v0 =	vld [tilespmem:s8+$0x10B10]  }
0x1a5: {  	[tilespmem:s8+$0x16ED0] =	vst v1;
	v1 =	vld [tilespmem:s8+$0x10B20]  }
0x1a6: {  	[tilespmem:s8+$0x16EE0] =	vst v2;
	v2 =	vld [tilespmem:s8+$0x10B30]  }
0x1a7: {  	[tilespmem:s8+$0x16EF0] =	vst v3;
	v3 =	vld [tilespmem:s8+$0x10B40]  }
0x1a8: {  	[tilespmem:s8+$0x16F00] =	vst v4;
	v4 =	vld [tilespmem:s8+$0x10B50]  }
0x1a9: {  	[tilespmem:s8+$0x16F10] =	vst v0;
	v0 =	vld [tilespmem:s8+$0x10B60]  }
0x1aa: {  	[tilespmem:s8+$0x16F20] =	vst v1;
	v1 =	vld [tilespmem:s8+$0x10B70]  }
0x1ab: {  	[tilespmem:s8+$0x16F30] =	vst v2;
	v2 =	vld [tilespmem:s8+$0x10B80]  }
0x1ac: {  	[tilespmem:s8+$0x16F40] =	vst v3;
	v3 =	vld [tilespmem:s8+$0x10B90]  }
0x1ad: {  	[tilespmem:s8+$0x16F50] =	vst v4;
	v4 =	vld [tilespmem:s8+$0x10BA0]  }
0x1ae: {  	[tilespmem:s8+$0x16F60] =	vst v0;
	v0 =	vld [tilespmem:s8+$0x10BB0]  }
0x1af: {  	[tilespmem:s8+$0x16F70] =	vst v1;
	v1 =	vld [tilespmem:s8+$0x10BC0]  }
0x1b0: {  	[tilespmem:s8+$0x16F80] =	vst v2;
	v2 =	vld [tilespmem:s8+$0x10BD0]  }
0x1b1: {  	[tilespmem:s8+$0x16F90] =	vst v3;
	v3 =	vld [tilespmem:s8+$0x10BE0]  }
0x1b2: {  	[tilespmem:s8+$0x16FA0] =	vst v4;
	v4 =	vld [tilespmem:s8+$0x10BF0]  }
0x1b3: {  	[tilespmem:s8+$0x16FB0] =	vst v0;
	v0 =	vld [tilespmem:s8+$0x10C00]  }
0x1b4: {  	[tilespmem:s8+$0x16FC0] =	vst v1;
	v1 =	vld [tilespmem:s8+$0x10C10]  }
0x1b5: {  	[tilespmem:s8+$0x16FD0] =	vst v2;
	v2 =	vld [tilespmem:s8+$0x10C20]  }
0x1b6: {  	[tilespmem:s8+$0x16FE0] =	vst v3;
	v3 =	vld [tilespmem:s8+$0x10C30]  }
0x1b7: {  	[tilespmem:s8+$0x16FF0] =	vst v4  }
0x1b8: {  	s24 =	sadd.s32 s15, s2;
	[tilespmem:s8+$0x17000] =	vst v0  }
0x1b9: {  	s0 =	smul.u32 $0x640, s24;
	[tilespmem:s8+$0x17010] =	vst v1  }
0x1ba: {  	[tilespmem:s8+$0x17020] =	vst v2  }
0x1bb: {  	s0 =	sadd.s32 s4, s0;
	[tilespmem:s8+$0x17030] =	vst v3  }
0x1bc: {  	[hbm4b:s0+s1] =	stream.linear.scatter [tilespmem:s22], [sflag:$0x7], $0x3200, $0x38;
	[tilespmem:$0x1D440] =	vst v63  }
0x1bd: {  	_ =	swait.ge [sflag:s28], $0x320  }
0x1be: {  	[sflag:s28] =	ssyncset.done $0x0  }
0x1bf: {  	[sflag:s28] =	ssyncadd.s32 $0xFFFFFCE0  }
0x1c0: {  	_ =	swait.ge [sflag:s28], $0x320  }
0x1c1: {  	[sflag:s28] =	ssyncset.done $0x0  }
0x1c2: {  	[sflag:s28] =	ssyncadd.s32 $0xFFFFFCE0  }
0x1c3: {  	_ =	swait.ge [sflag:s28], $0x320  }
0x1c4: {  	[sflag:s28] =	ssyncset.done $0x0  }
0x1c5: {  	[sflag:s28] =	ssyncadd.s32 $0xFFFFFCE0  }
0x1c6: {  	_ =	swait.ge [sflag:s28], $0x320  }
0x1c7: {  	[sflag:s28] =	ssyncset.done $0x0  }
0x1c8: {  	[sflag:s28] =	ssyncadd.s32 $0xFFFFFCE0  }
0x1c9: {  	_ =	swait.ge [sflag:s28], $0x320  }
0x1ca: {  	[sflag:s28] =	ssyncset.done $0x0  }
0x1cb: {  	[sflag:s28] =	ssyncadd.s32 $0xFFFFFCE0  }
0x1cc: {  	_ =	swait.ge [sflag:s28], $0x320  }
0x1cd: {  	[sflag:s28] =	ssyncset.done $0x0  }
0x1ce: {  	[sflag:s28] =	ssyncadd.s32 $0xFFFFFCE0  }
0x1cf: {  	_ =	swait.ge [sflag:s28], $0x320  }
0x1d0: {  	[sflag:s28] =	ssyncset.done $0x0  }
0x1d1: {  	[sflag:s28] =	ssyncadd.s32 $0xFFFFFCE0  }
0x1d2: {  	_ =	swait.ge [sflag:s28], $0x320  }
0x1d3: {  	[sflag:s28] =	ssyncset.done $0x0  }
0x1d4: {  	[sflag:s28] =	ssyncadd.s32 $0xFFFFFCE0  }
0x1d5: {  	_ =	swait.ge [sflag:s28], $0x320  }
0x1d6: {  	[sflag:s28] =	ssyncset.done $0x0  }
0x1d7: {  	[sflag:s28] =	ssyncadd.s32 $0xFFFFFCE0  }
0x1d8: {  	_ =	swait.ge [sflag:s28], $0x320  }
0x1d9: {  	[sflag:s28] =	ssyncset.done $0x0  }
0x1da: {  	[sflag:s28] =	ssyncadd.s32 $0xFFFFFCE0  }
0x1db: {  	_ =	swait.ge [sflag:s28], $0x320  }
0x1dc: {  	[sflag:s28] =	ssyncset.done $0x0  }
0x1dd: {  	[sflag:s28] =	ssyncadd.s32 $0xFFFFFCE0  }
0x1de: {  	_ =	swait.ge [sflag:s28], $0x320  }
0x1df: {  	[sflag:s28] =	ssyncset.done $0x0  }
0x1e0: {  	[sflag:s28] =	ssyncadd.s32 $0xFFFFFCE0  }
0x1e1: {  	_ =	swait.ge [sflag:s28], $0x320  }
0x1e2: {  	[sflag:s28] =	ssyncset.done $0x0  }
0x1e3: {  	[sflag:s28] =	ssyncadd.s32 $0xFFFFFCE0  }
0x1e4: {  	_ =	swait.ge [sflag:s28], $0x320  }
0x1e5: {  	[sflag:s28] =	ssyncset.done $0x0  }
0x1e6: {  	[sflag:s28] =	ssyncadd.s32 $0xFFFFFCE0  }
0x1e7: {  	_ =	swait.ge [sflag:s28], $0x320  }
0x1e8: {  	[sflag:s28] =	ssyncset.done $0x0  }
0x1e9: {  	[sflag:s28] =	ssyncadd.s32 $0xFFFFFCE0  }
0x1ea: {  	_ =	swait.ge [sflag:s28], $0x320  }
0x1eb: {  	[sflag:s28] =	ssyncset.done $0x0  }
0x1ec: {  	s0 =	simm.s32 @!p1 $0x8;
	[sflag:s28] =	ssyncadd.s32 $0xFFFFFCE0  }
0x1ed: {  	_ =	swait.ge @!p1 [sflag:s0], $0x3200  }
0x1ee: {  	[sflag:s0] =	ssyncset.done @!p1 $0x0  }
0x1ef: {  	[sflag:s0] =	ssyncadd.s32 @!p1 $0xFFFFCE00;
	s0 =	simm.s32 $0x310  }
0x1f0: {  	v0 =	vld [tilespmem:s0+$0x13E40]  }
0x1f1: {  	v1 =	vld [tilespmem:s0+$0x13B30]  }
0x1f2: {  	v2 =	vld [tilespmem:s0+$0x13B40]  }
0x1f3: {  	v3 =	vld [tilespmem:s0+$0x13B50]  }
0x1f4: {  	v4 =	vld [tilespmem:s0+$0x13B60]  }
0x1f5: {  	v5 =	vld [tilespmem:s0+$0x13B70];
	[tilespmem:s0+$0x1A240] =	vst v0  }
0x1f6: {  	v6 =	vld [tilespmem:s0+$0x13DC0];
	[tilespmem:s0+$0x19F30] =	vst v1  }
0x1f7: {  	v7 =	vld [tilespmem:s0+$0x13DD0];
	[tilespmem:s0+$0x19F40] =	vst v2  }
0x1f8: {  	v8 =	vld [tilespmem:s0+$0x13DE0];
	[tilespmem:s0+$0x19F50] =	vst v3  }
0x1f9: {  	v0 =	vld [tilespmem:s0+$0x13B80];
	[tilespmem:s0+$0x19F60] =	vst v4  }
0x1fa: {  	v1 =	vld [tilespmem:s0+$0x13B90];
	[tilespmem:s0+$0x19F70] =	vst v5  }
0x1fb: {  	v2 =	vld [tilespmem:s0+$0x13BA0];
	[tilespmem:s0+$0x1A1C0] =	vst v6  }
0x1fc: {  	v3 =	vld [tilespmem:s0+$0x13BB0];
	[tilespmem:s0+$0x1A1D0] =	vst v7  }
0x1fd: {  	v4 =	vld [tilespmem:s0+$0x13BC0];
	[tilespmem:s0+$0x1A1E0] =	vst v8  }
0x1fe: {  	v5 =	vld [tilespmem:s0+$0x13DB0];
	[tilespmem:s0+$0x19F80] =	vst v0  }
0x1ff: {  	v0 =	vld [tilespmem:s0+$0x13BD0];
	[tilespmem:s0+$0x19F90] =	vst v1  }
0x200: {  	v1 =	vld [tilespmem:s0+$0x13BE0];
	[tilespmem:s0+$0x19FA0] =	vst v2  }
0x201: {  	v2 =	vld [tilespmem:s0+$0x13BF0];
	[tilespmem:s0+$0x19FB0] =	vst v3  }
0x202: {  	v3 =	vld [tilespmem:s0+$0x13C00];
	[tilespmem:s0+$0x19FC0] =	vst v4  }
0x203: {  	v4 =	vld [tilespmem:s0+$0x13C10];
	[tilespmem:s0+$0x1A1B0] =	vst v5  }
0x204: {  	[tilespmem:s0+$0x19FD0] =	vst v0;
	v0 =	vld [tilespmem:s0+$0x13C20]  }
0x205: {  	[tilespmem:s0+$0x19FE0] =	vst v1;
	v1 =	vld [tilespmem:s0+$0x13C30]  }
0x206: {  	[tilespmem:s0+$0x19FF0] =	vst v2;
	v2 =	vld [tilespmem:s0+$0x13C40]  }
0x207: {  	[tilespmem:s0+$0x1A000] =	vst v3;
	v3 =	vld [tilespmem:s0+$0x13C50]  }
0x208: {  	[tilespmem:s0+$0x1A010] =	vst v4;
	v4 =	vld [tilespmem:s0+$0x13C60]  }
0x209: {  	[tilespmem:s0+$0x1A020] =	vst v0;
	v0 =	vld [tilespmem:s0+$0x13C70]  }
0x20a: {  	[tilespmem:s0+$0x1A030] =	vst v1;
	v1 =	vld [tilespmem:s0+$0x13C80]  }
0x20b: {  	[tilespmem:s0+$0x1A040] =	vst v2;
	v2 =	vld [tilespmem:s0+$0x13C90]  }
0x20c: {  	[tilespmem:s0+$0x1A050] =	vst v3;
	v3 =	vld [tilespmem:s0+$0x13CA0]  }
0x20d: {  	[tilespmem:s0+$0x1A060] =	vst v4;
	v4 =	vld [tilespmem:s0+$0x13CB0]  }
0x20e: {  	[tilespmem:s0+$0x1A070] =	vst v0;
	v0 =	vld [tilespmem:s0+$0x13CC0]  }
0x20f: {  	[tilespmem:s0+$0x1A080] =	vst v1;
	v1 =	vld [tilespmem:s0+$0x13CD0]  }
0x210: {  	[tilespmem:s0+$0x1A090] =	vst v2;
	v2 =	vld [tilespmem:s0+$0x13CE0]  }
0x211: {  	[tilespmem:s0+$0x1A0A0] =	vst v3;
	v3 =	vld [tilespmem:s0+$0x13CF0]  }
0x212: {  	[tilespmem:s0+$0x1A0B0] =	vst v4;
	v4 =	vld [tilespmem:s0+$0x13D00]  }
0x213: {  	[tilespmem:s0+$0x1A0C0] =	vst v0;
	v0 =	vld [tilespmem:s0+$0x13D10]  }
0x214: {  	[tilespmem:s0+$0x1A0D0] =	vst v1;
	v1 =	vld [tilespmem:s0+$0x13D20]  }
0x215: {  	[tilespmem:s0+$0x1A0E0] =	vst v2;
	v2 =	vld [tilespmem:s0+$0x13D30]  }
0x216: {  	[tilespmem:s0+$0x1A0F0] =	vst v3;
	v3 =	vld [tilespmem:s0+$0x13D40]  }
0x217: {  	[tilespmem:s0+$0x1A100] =	vst v4;
	v4 =	vld [tilespmem:s0+$0x13D50]  }
0x218: {  	[tilespmem:s0+$0x1A110] =	vst v0;
	v0 =	vld [tilespmem:s0+$0x13D60]  }
0x219: {  	[tilespmem:s0+$0x1A120] =	vst v1;
	v1 =	vld [tilespmem:s0+$0x13D70]  }
0x21a: {  	[tilespmem:s0+$0x1A130] =	vst v2;
	v2 =	vld [tilespmem:s0+$0x13D80]  }
0x21b: {  	[tilespmem:s0+$0x1A140] =	vst v3;
	v3 =	vld [tilespmem:s0+$0x13D90]  }
0x21c: {  	[tilespmem:s0+$0x1A150] =	vst v4;
	v4 =	vld [tilespmem:s0+$0x13DA0]  }
0x21d: {  	[tilespmem:s0+$0x1A160] =	vst v0;
	v0 =	vld [tilespmem:s0+$0x13DF0]  }
0x21e: {  	[tilespmem:s0+$0x1A170] =	vst v1;
	v1 =	vld [tilespmem:s0+$0x13E00]  }
0x21f: {  	[tilespmem:s0+$0x1A180] =	vst v2;
	v2 =	vld [tilespmem:s0+$0x13E10]  }
0x220: {  	[tilespmem:s0+$0x1A190] =	vst v3;
	v3 =	vld [tilespmem:s0+$0x13E20]  }
0x221: {  	s2 =	simm.s32 $0x2540;
	s8 =	simm.s32 $0x630;
	[tilespmem:s0+$0x1A1A0] =	vst v4;
	v4 =	vld [tilespmem:s0+$0x13E30]  }
.LBB2_26:
0x222: {  	p1 =	sne.s32 s2, $0xC7C0;
	v5 =	vld [tilespmem:s8+$0x13E40];
	[tilespmem:s0+$0x1A1F0] =	vst v0  }
0x223: {  	v0 =	vld [tilespmem:s8+$0x13B30];
	[tilespmem:s0+$0x1A200] =	vst v1  }
0x224: {  	v1 =	vld [tilespmem:s8+$0x13B40];
	[tilespmem:s0+$0x1A210] =	vst v2  }
0x225: {  	v2 =	vld [tilespmem:s8+$0x13B50];
	[tilespmem:s0+$0x1A220] =	vst v3  }
0x226: {  	v3 =	vld [tilespmem:s8+$0x13B60];
	[tilespmem:s0+$0x1A230] =	vst v4;
	s0 =	smov.u32 s8  }
0x227: {  	v4 =	vld [tilespmem:s0+$0x13B70];
	[tilespmem:s0+$0x1A240] =	vst v5  }
0x228: {  	[tilespmem:s0+$0x19F30] =	vst v0;
	v0 =	vld [tilespmem:s0+$0x13B80]  }
0x229: {  	[tilespmem:s0+$0x19F40] =	vst v1;
	v1 =	vld [tilespmem:s0+$0x13B90]  }
0x22a: {  	[tilespmem:s0+$0x19F50] =	vst v2;
	v2 =	vld [tilespmem:s0+$0x13BA0]  }
0x22b: {  	[tilespmem:s0+$0x19F60] =	vst v3;
	v3 =	vld [tilespmem:s0+$0x13BB0]  }
0x22c: {  	[tilespmem:s0+$0x19F70] =	vst v4;
	v4 =	vld [tilespmem:s0+$0x13BC0]  }
0x22d: {  	[tilespmem:s0+$0x19F80] =	vst v0;
	v0 =	vld [tilespmem:s0+$0x13BD0]  }
0x22e: {  	[tilespmem:s0+$0x19F90] =	vst v1;
	v1 =	vld [tilespmem:s0+$0x13BE0]  }
0x22f: {  	[tilespmem:s0+$0x19FA0] =	vst v2;
	v2 =	vld [tilespmem:s0+$0x13BF0]  }
0x230: {  	[tilespmem:s0+$0x19FB0] =	vst v3;
	v3 =	vld [tilespmem:s0+$0x13C00]  }
0x231: {  	[tilespmem:s0+$0x19FC0] =	vst v4;
	v4 =	vld [tilespmem:s0+$0x13C10]  }
0x232: {  	[tilespmem:s0+$0x19FD0] =	vst v0;
	v0 =	vld [tilespmem:s0+$0x13C20]  }
0x233: {  	[tilespmem:s0+$0x19FE0] =	vst v1;
	v1 =	vld [tilespmem:s0+$0x13C30]  }
0x234: {  	[tilespmem:s0+$0x19FF0] =	vst v2;
	v2 =	vld [tilespmem:s0+$0x13C40]  }
0x235: {  	[tilespmem:s0+$0x1A000] =	vst v3;
	v3 =	vld [tilespmem:s0+$0x13C50]  }
0x236: {  	[tilespmem:s0+$0x1A010] =	vst v4;
	v4 =	vld [tilespmem:s0+$0x13C60]  }
0x237: {  	[tilespmem:s0+$0x1A020] =	vst v0;
	v0 =	vld [tilespmem:s0+$0x13C70]  }
0x238: {  	[tilespmem:s0+$0x1A030] =	vst v1;
	v1 =	vld [tilespmem:s0+$0x13C80]  }
0x239: {  	[tilespmem:s0+$0x1A040] =	vst v2;
	v2 =	vld [tilespmem:s0+$0x13C90]  }
0x23a: {  	[tilespmem:s0+$0x1A050] =	vst v3;
	v3 =	vld [tilespmem:s0+$0x13CA0]  }
0x23b: {  	[tilespmem:s0+$0x1A060] =	vst v4;
	v4 =	vld [tilespmem:s0+$0x13CB0]  }
0x23c: {  	[tilespmem:s0+$0x1A070] =	vst v0;
	v0 =	vld [tilespmem:s0+$0x13CC0]  }
0x23d: {  	[tilespmem:s0+$0x1A080] =	vst v1;
	v1 =	vld [tilespmem:s0+$0x13CD0]  }
0x23e: {  	[tilespmem:s0+$0x1A090] =	vst v2;
	v2 =	vld [tilespmem:s0+$0x13CE0]  }
0x23f: {  	[tilespmem:s0+$0x1A0A0] =	vst v3;
	v3 =	vld [tilespmem:s0+$0x13CF0]  }
0x240: {  	[tilespmem:s0+$0x1A0B0] =	vst v4;
	v4 =	vld [tilespmem:s0+$0x13D00]  }
0x241: {  	[tilespmem:s0+$0x1A0C0] =	vst v0;
	v0 =	vld [tilespmem:s0+$0x13D10]  }
0x242: {  	[tilespmem:s0+$0x1A0D0] =	vst v1;
	v1 =	vld [tilespmem:s0+$0x13D20]  }
0x243: {  	[tilespmem:s0+$0x1A0E0] =	vst v2;
	v2 =	vld [tilespmem:s0+$0x13D30]  }
0x244: {  	[tilespmem:s0+$0x1A0F0] =	vst v3;
	v3 =	vld [tilespmem:s0+$0x13D40]  }
0x245: {  	[tilespmem:s0+$0x1A100] =	vst v4;
	v4 =	vld [tilespmem:s0+$0x13D50]  }
0x246: {  	[tilespmem:s0+$0x1A110] =	vst v0;
	v0 =	vld [tilespmem:s0+$0x13D60]  }
0x247: {  	[tilespmem:s0+$0x1A120] =	vst v1;
	v1 =	vld [tilespmem:s0+$0x13D70]  }
0x248: {  	[tilespmem:s0+$0x1A130] =	vst v2;
	v2 =	vld [tilespmem:s0+$0x13D80]  }
0x249: {  	[tilespmem:s0+$0x1A140] =	vst v3;
	v3 =	vld [tilespmem:s0+$0x13D90]  }
0x24a: {  	[tilespmem:s0+$0x1A150] =	vst v4;
	v4 =	vld [tilespmem:s0+$0x13DA0]  }
0x24b: {  	[tilespmem:s0+$0x1A160] =	vst v0;
	v5 =	vld [tilespmem:s0+$0x13DB0]  }
0x24c: {  	[tilespmem:s0+$0x1A170] =	vst v1;
	v6 =	vld [tilespmem:s0+$0x13DC0]  }
0x24d: {  	[tilespmem:s0+$0x1A180] =	vst v2;
	v7 =	vld [tilespmem:s0+$0x13DD0]  }
0x24e: {  	[tilespmem:s0+$0x1A190] =	vst v3;
	v8 =	vld [tilespmem:s0+$0x13DE0]  }
.Ltmp19:
0x24f: {  	[tilespmem:s0+$0x1A1A0] =	vst v4;
	v0 =	vld [tilespmem:s0+$0x13DF0];
	(pc) =	sbr.rel @p1 .LBB2_26-.Ltmp19, $4  }
0x250: {  	[tilespmem:s0+$0x1A1B0] =	vst v5;
	v1 =	vld [tilespmem:s0+$0x13E00]  }
0x251: {  	[tilespmem:s0+$0x1A1C0] =	vst v6;
	v2 =	vld [tilespmem:s0+$0x13E10]  }
0x252: {  	[tilespmem:s0+$0x1A1D0] =	vst v7;
	v3 =	vld [tilespmem:s0+$0x13E20]  }
0x253: {  	s8 =	sshra.s32 s2, $0x2;
	s2 =	sadd.s32 $0xC80, s2;
	[tilespmem:s0+$0x1A1E0] =	vst v8;
	v4 =	vld [tilespmem:s0+$0x13E30]  }
0x254: {  	v5 =	vld [tilespmem:s8+$0x13E40];
	[tilespmem:s0+$0x1A1F0] =	vst v0  }
0x255: {  	v0 =	vld [tilespmem:s8+$0x13B30];
	[tilespmem:s0+$0x1A200] =	vst v1  }
0x256: {  	v1 =	vld [tilespmem:s8+$0x13B40];
	[tilespmem:s0+$0x1A210] =	vst v2  }
0x257: {  	v2 =	vld [tilespmem:s8+$0x13B50];
	[tilespmem:s0+$0x1A220] =	vst v3  }
0x258: {  	v3 =	vld [tilespmem:s8+$0x13B60];
	[tilespmem:s0+$0x1A230] =	vst v4  }
0x259: {  	v4 =	vld [tilespmem:s8+$0x13B70];
	[tilespmem:s8+$0x1A240] =	vst v5  }
0x25a: {  	v20 =	vld [tilespmem:s8+$0x13B80];
	[tilespmem:s8+$0x19F30] =	vst v0  }
0x25b: {  	v21 =	vld [tilespmem:s8+$0x13B90];
	[tilespmem:s8+$0x19F40] =	vst v1  }
0x25c: {  	v22 =	vld [tilespmem:s8+$0x13BA0];
	[tilespmem:s8+$0x19F50] =	vst v2  }
0x25d: {  	v23 =	vld [tilespmem:s8+$0x13BB0];
	[tilespmem:s8+$0x19F60] =	vst v3  }
0x25e: {  	v24 =	vld [tilespmem:s8+$0x13BC0];
	[tilespmem:s8+$0x19F70] =	vst v4  }
0x25f: {  	v25 =	vld [tilespmem:s8+$0x13BD0];
	[tilespmem:s8+$0x19F80] =	vst v20  }
0x260: {  	v26 =	vld [tilespmem:s8+$0x13BE0];
	[tilespmem:s8+$0x19F90] =	vst v21  }
0x261: {  	v27 =	vld [tilespmem:s8+$0x13BF0];
	[tilespmem:s8+$0x19FA0] =	vst v22  }
0x262: {  	v28 =	vld [tilespmem:s8+$0x13C00];
	[tilespmem:s8+$0x19FB0] =	vst v23  }
0x263: {  	v29 =	vld [tilespmem:s8+$0x13C10];
	[tilespmem:s8+$0x19FC0] =	vst v24  }
0x264: {  	v30 =	vld [tilespmem:s8+$0x13C20];
	[tilespmem:s8+$0x19FD0] =	vst v25  }
0x265: {  	v31 =	vld [tilespmem:s8+$0x13C30];
	[tilespmem:s8+$0x19FE0] =	vst v26  }
0x266: {  	v32 =	vld [tilespmem:s8+$0x13C40];
	[tilespmem:s8+$0x19FF0] =	vst v27  }
0x267: {  	v33 =	vld [tilespmem:s8+$0x13C50];
	[tilespmem:s8+$0x1A000] =	vst v28  }
0x268: {  	v34 =	vld [tilespmem:s8+$0x13C60];
	[tilespmem:s8+$0x1A010] =	vst v29  }
0x269: {  	v35 =	vld [tilespmem:s8+$0x13C70];
	[tilespmem:s8+$0x1A020] =	vst v30  }
0x26a: {  	v36 =	vld [tilespmem:s8+$0x13C80];
	[tilespmem:s8+$0x1A030] =	vst v31  }
0x26b: {  	v37 =	vld [tilespmem:s8+$0x13C90];
	[tilespmem:s8+$0x1A040] =	vst v32  }
0x26c: {  	v38 =	vld [tilespmem:s8+$0x13CA0];
	[tilespmem:s8+$0x1A050] =	vst v33  }
0x26d: {  	v39 =	vld [tilespmem:s8+$0x13CB0];
	[tilespmem:s8+$0x1A060] =	vst v34  }
0x26e: {  	v40 =	vld [tilespmem:s8+$0x13CC0];
	[tilespmem:s8+$0x1A070] =	vst v35  }
0x26f: {  	v41 =	vld [tilespmem:s8+$0x13CD0];
	[tilespmem:s8+$0x1A080] =	vst v36  }
0x270: {  	v42 =	vld [tilespmem:s8+$0x13CE0];
	[tilespmem:s8+$0x1A090] =	vst v37  }
0x271: {  	v43 =	vld [tilespmem:s8+$0x13CF0];
	[tilespmem:s8+$0x1A0A0] =	vst v38  }
0x272: {  	v44 =	vld [tilespmem:s8+$0x13D00];
	[tilespmem:s8+$0x1A0B0] =	vst v39  }
0x273: {  	v45 =	vld [tilespmem:s8+$0x13D10];
	[tilespmem:s8+$0x1A0C0] =	vst v40  }
0x274: {  	v46 =	vld [tilespmem:s8+$0x13D20];
	[tilespmem:s8+$0x1A0D0] =	vst v41  }
0x275: {  	v47 =	vld [tilespmem:s8+$0x13D30];
	[tilespmem:s8+$0x1A0E0] =	vst v42  }
0x276: {  	v48 =	vld [tilespmem:s8+$0x13D40];
	[tilespmem:s8+$0x1A0F0] =	vst v43  }
0x277: {  	v49 =	vld [tilespmem:s8+$0x13D50];
	[tilespmem:s8+$0x1A100] =	vst v44  }
0x278: {  	v50 =	vld [tilespmem:s8+$0x13D60];
	[tilespmem:s8+$0x1A110] =	vst v45  }
0x279: {  	v51 =	vld [tilespmem:s8+$0x13D70];
	[tilespmem:s8+$0x1A120] =	vst v46  }
0x27a: {  	v52 =	vld [tilespmem:s8+$0x13D80];
	[tilespmem:s8+$0x1A130] =	vst v47  }
0x27b: {  	v53 =	vld [tilespmem:s8+$0x13D90];
	[tilespmem:s8+$0x1A140] =	vst v48  }
0x27c: {  	v54 =	vld [tilespmem:s8+$0x13DA0];
	[tilespmem:s8+$0x1A150] =	vst v49  }
0x27d: {  	v55 =	vld [tilespmem:s8+$0x13DB0];
	[tilespmem:s8+$0x1A160] =	vst v50  }
0x27e: {  	v56 =	vld [tilespmem:s8+$0x13DC0];
	[tilespmem:s8+$0x1A170] =	vst v51  }
0x27f: {  	v57 =	vld [tilespmem:s8+$0x13DD0];
	[tilespmem:s8+$0x1A180] =	vst v52  }
0x280: {  	v58 =	vld [tilespmem:s8+$0x13DE0];
	[tilespmem:s8+$0x1A190] =	vst v53  }
0x281: {  	v59 =	vld [tilespmem:s8+$0x13DF0];
	[tilespmem:s8+$0x1A1A0] =	vst v54  }
0x282: {  	v60 =	vld [tilespmem:s8+$0x13E00];
	[tilespmem:s8+$0x1A1B0] =	vst v55  }
0x283: {  	v61 =	vld [tilespmem:s8+$0x13E10];
	[tilespmem:s8+$0x1A1C0] =	vst v56  }
0x284: {  	v62 =	vld [tilespmem:s8+$0x13E20];
	[tilespmem:s8+$0x1A1D0] =	vst v57  }
0x285: {  	s31 =	sadd.s32 s15, s31;
	s30 =	sadd.s32 $0x1, s30;
	v63 =	vld [tilespmem:s8+$0x13E30];
	[tilespmem:s8+$0x1A1E0] =	vst v58  }
0x286: {  	p1 =	seq.s32 s30, $0x10;
	s0 =	smul.u32 $0x640, s31;
	[tilespmem:s8+$0x1A1F0] =	vst v59  }
.Ltmp20:
0x287: {  	[tilespmem:s8+$0x1A200] =	vst v60;
	(pc) =	sbr.rel @!p1 .LBB2_23-.Ltmp20, $4  }
.Ltmp21:
0x288: {  	[tilespmem:s8+$0x1A210] =	vst v61;
	(pc) =	sbr.rel @p1 .LBB2_33-.Ltmp21, $4  }
0x289: {  	[tilespmem:s8+$0x1A220] =	vst v62  }
0x28a: {  	s0 =	sadd.s32 s4, s0;
	[tilespmem:s8+$0x1A230] =	vst v63  }
0x28b: {  	[hbm4b:s0+s1] =	stream.linear.scatter [tilespmem:s29], [sflag:$0x8], $0x3200, $0x38;
	[tilespmem:$0x1D440] =	vst v63  }
0x28c: {  	_ = 	snop  }
.LBB2_28:
0x28d: {  	s0 =	smul.u32 $0x1C00, s30;
	_ =	sdelay $0x1  }
0x28e: {  	s0 =	sshra.s32 s0, $0x2  }
0x28f: {  	s8 =	simm.s32 $0x10C40;
	s2 =	sadd.s32 $0x9C40, s0  }
0x290: {  	[tilespmem:s8], [sflag:$0x5] =	stream.indirect.gather [hbm4b:s6+s26], $0x10, s2, s26, $0xb8;
	[tilespmem:$0x1D440] =	vst v63  }
0x291: {  	s24 =	simm.s32 $0x10F60;
	s8 =	sadd.s32 $0x9C78, s0  }
0x292: {  	[tilespmem:s24], [sflag:$0x5] =	stream.indirect.gather [hbm4b:s6+s26], $0x10, s8, s26, $0xb8;
	[tilespmem:$0x1D440] =	vst v63  }
0x293: {  	s8 =	sadd.s32 $0x9CB0, s0;
	s24 =	simm.s32 $0x11280  }
0x294: {  	[tilespmem:s24], [sflag:$0x5] =	stream.indirect.gather [hbm4b:s6+s26], $0x10, s8, s26, $0xb8;
	[tilespmem:$0x1D440] =	vst v63  }
0x295: {  	s8 =	sadd.s32 $0x9CE8, s0;
	s24 =	simm.s32 $0x115A0  }
0x296: {  	[tilespmem:s24], [sflag:$0x5] =	stream.indirect.gather [hbm4b:s6+s26], $0x10, s8, s26, $0xb8;
	[tilespmem:$0x1D440] =	vst v63  }
0x297: {  	s8 =	sadd.s32 $0x9D20, s0;
	s24 =	simm.s32 $0x118C0  }
0x298: {  	[tilespmem:s24], [sflag:$0x5] =	stream.indirect.gather [hbm4b:s6+s26], $0x10, s8, s26, $0xb8;
	[tilespmem:$0x1D440] =	vst v63  }
0x299: {  	s8 =	sadd.s32 $0x9D58, s0;
	s24 =	simm.s32 $0x11BE0  }
0x29a: {  	[tilespmem:s24], [sflag:$0x5] =	stream.indirect.gather [hbm4b:s6+s26], $0x10, s8, s26, $0xb8;
	[tilespmem:$0x1D440] =	vst v63  }
0x29b: {  	s8 =	sadd.s32 $0x9D90, s0;
	s24 =	simm.s32 $0x11F00  }
0x29c: {  	[tilespmem:s24], [sflag:$0x5] =	stream.indirect.gather [hbm4b:s6+s26], $0x10, s8, s26, $0xb8;
	[tilespmem:$0x1D440] =	vst v63  }
0x29d: {  	s8 =	sadd.s32 $0x9DC8, s0;
	s24 =	simm.s32 $0x12220  }
0x29e: {  	[tilespmem:s24], [sflag:$0x5] =	stream.indirect.gather [hbm4b:s6+s26], $0x10, s8, s26, $0xb8;
	[tilespmem:$0x1D440] =	vst v63  }
0x29f: {  	s8 =	sadd.s32 $0x9E00, s0;
	s24 =	simm.s32 $0x12540  }
0x2a0: {  	[tilespmem:s24], [sflag:$0x5] =	stream.indirect.gather [hbm4b:s6+s26], $0x10, s8, s26, $0xb8;
	[tilespmem:$0x1D440] =	vst v63  }
0x2a1: {  	s8 =	sadd.s32 $0x9E38, s0;
	s24 =	simm.s32 $0x12860  }
0x2a2: {  	[tilespmem:s24], [sflag:$0x5] =	stream.indirect.gather [hbm4b:s6+s26], $0x10, s8, s26, $0xb8;
	[tilespmem:$0x1D440] =	vst v63  }
0x2a3: {  	s8 =	sadd.s32 $0x9E70, s0;
	s24 =	simm.s32 $0x12B80  }
0x2a4: {  	[tilespmem:s24], [sflag:$0x5] =	stream.indirect.gather [hbm4b:s6+s26], $0x10, s8, s26, $0xb8;
	[tilespmem:$0x1D440] =	vst v63  }
0x2a5: {  	s8 =	sadd.s32 $0x9EA8, s0;
	s24 =	simm.s32 $0x12EA0  }
0x2a6: {  	[tilespmem:s24], [sflag:$0x5] =	stream.indirect.gather [hbm4b:s6+s26], $0x10, s8, s26, $0xb8;
	[tilespmem:$0x1D440] =	vst v63  }
0x2a7: {  	s8 =	sadd.s32 $0x9EE0, s0;
	s24 =	simm.s32 $0x131C0  }
0x2a8: {  	[tilespmem:s24], [sflag:$0x5] =	stream.indirect.gather [hbm4b:s6+s26], $0x10, s8, s26, $0xb8;
	[tilespmem:$0x1D440] =	vst v63  }
0x2a9: {  	s8 =	sadd.s32 $0x9F18, s0;
	s24 =	simm.s32 $0x134E0  }
0x2aa: {  	[tilespmem:s24], [sflag:$0x5] =	stream.indirect.gather [hbm4b:s6+s26], $0x10, s8, s26, $0xb8;
	[tilespmem:$0x1D440] =	vst v63  }
0x2ab: {  	s31 =	sshllo.u32 s30, $0x1;
	s8 =	sadd.s32 $0x9F50, s0;
	s24 =	simm.s32 $0x13800  }
0x2ac: {  	[tilespmem:s24], [sflag:$0x5] =	stream.indirect.gather [hbm4b:s6+s26], $0x10, s8, s26, $0xb8;
	[tilespmem:$0x1D440] =	vst v63  }
0x2ad: {  	s2 =	smul.u32 $0xE00, s31;
	s0 =	sadd.s32 $0x9F88, s0;
	s24 =	simm.s32 $0x13B20  }
0x2ae: {  	[tilespmem:s24], [sflag:$0x5] =	stream.indirect.gather [hbm4b:s6+s26], $0x10, s0, s26, $0xb8;
	[tilespmem:$0x1D440] =	vst v63  }
0x2af: {  	s0 =	sshra.s32 s2, $0x2  }
0x2b0: {  	s24 =	simm.s32 $0x13E40;
	s2 =	sadd.s32 $0x9C40, s0  }
0x2b1: {  	[tilespmem:s24], [sflag:$0x6] =	stream.indirect.gather [hbm4b:s6+s26], $0x10, s2, s26, $0xb8;
	[tilespmem:$0x1D440] =	vst v63  }
0x2b2: {  	s8 =	sadd.s32 $0x9C78, s0;
	s24 =	simm.s32 $0x14160  }
0x2b3: {  	[tilespmem:s24], [sflag:$0x6] =	stream.indirect.gather [hbm4b:s6+s26], $0x10, s8, s26, $0xb8;
	[tilespmem:$0x1D440] =	vst v63  }
0x2b4: {  	s8 =	sadd.s32 $0x9CB0, s0;
	s24 =	simm.s32 $0x14480  }
0x2b5: {  	[tilespmem:s24], [sflag:$0x6] =	stream.indirect.gather [hbm4b:s6+s26], $0x10, s8, s26, $0xb8;
	[tilespmem:$0x1D440] =	vst v63  }
0x2b6: {  	s8 =	sadd.s32 $0x9CE8, s0;
	s24 =	simm.s32 $0x147A0  }
0x2b7: {  	[tilespmem:s24], [sflag:$0x6] =	stream.indirect.gather [hbm4b:s6+s26], $0x10, s8, s26, $0xb8;
	[tilespmem:$0x1D440] =	vst v63  }
0x2b8: {  	s8 =	sadd.s32 $0x9D20, s0;
	s24 =	simm.s32 $0x14AC0  }
0x2b9: {  	[tilespmem:s24], [sflag:$0x6] =	stream.indirect.gather [hbm4b:s6+s26], $0x10, s8, s26, $0xb8;
	[tilespmem:$0x1D440] =	vst v63  }
0x2ba: {  	s8 =	sadd.s32 $0x9D58, s0;
	s24 =	simm.s32 $0x14DE0  }
0x2bb: {  	[tilespmem:s24], [sflag:$0x6] =	stream.indirect.gather [hbm4b:s6+s26], $0x10, s8, s26, $0xb8;
	[tilespmem:$0x1D440] =	vst v63  }
0x2bc: {  	s8 =	sadd.s32 $0x9D90, s0;
	s24 =	simm.s32 $0x15100  }
0x2bd: {  	[tilespmem:s24], [sflag:$0x6] =	stream.indirect.gather [hbm4b:s6+s26], $0x10, s8, s26, $0xb8;
	[tilespmem:$0x1D440] =	vst v63  }
0x2be: {  	s8 =	sadd.s32 $0x9DC8, s0;
	s24 =	simm.s32 $0x15420  }
0x2bf: {  	[tilespmem:s24], [sflag:$0x6] =	stream.indirect.gather [hbm4b:s6+s26], $0x10, s8, s26, $0xb8;
	[tilespmem:$0x1D440] =	vst v63  }
0x2c0: {  	s8 =	sadd.s32 $0x9E00, s0;
	s24 =	simm.s32 $0x15740  }
0x2c1: {  	[tilespmem:s24], [sflag:$0x6] =	stream.indirect.gather [hbm4b:s6+s26], $0x10, s8, s26, $0xb8;
	[tilespmem:$0x1D440] =	vst v63  }
0x2c2: {  	s8 =	sadd.s32 $0x9E38, s0  }
0x2c3: {  	[tilespmem:s9], [sflag:$0x6] =	stream.indirect.gather [hbm4b:s6+s26], $0x10, s8, s26, $0xb8;
	[tilespmem:$0x1D440] =	vst v63  }
0x2c4: {  	s24 =	sadd.s32 $0x9E70, s0  }
0x2c5: {  	[tilespmem:s13], [sflag:$0x6] =	stream.indirect.gather [hbm4b:s6+s26], $0x10, s24, s26, $0xb8;
	[tilespmem:$0x1D440] =	vst v63  }
0x2c6: {  	s8 =	sadd.s32 $0x9EA8, s0  }
0x2c7: {  	[tilespmem:s16], [sflag:$0x6] =	stream.indirect.gather [hbm4b:s6+s26], $0x10, s8, s26, $0xb8;
	[tilespmem:$0x1D440] =	vst v63  }
0x2c8: {  	s24 =	sadd.s32 $0x9EE0, s0  }
0x2c9: {  	[tilespmem:s23], [sflag:$0x6] =	stream.indirect.gather [hbm4b:s6+s26], $0x10, s24, s26, $0xb8;
	[tilespmem:$0x1D440] =	vst v63  }
0x2ca: {  	s8 =	sadd.s32 $0x9F18, s0  }
0x2cb: {  	[tilespmem:s25], [sflag:$0x6] =	stream.indirect.gather [hbm4b:s6+s26], $0x10, s8, s26, $0xb8;
	[tilespmem:$0x1D440] =	vst v63  }
0x2cc: {  	s24 =	sadd.s32 $0x9F50, s0  }
0x2cd: {  	[tilespmem:s10], [sflag:$0x6] =	stream.indirect.gather [hbm4b:s6+s26], $0x10, s24, s26, $0xb8;
	[tilespmem:$0x1D440] =	vst v63  }
0x2ce: {  	s0 =	sadd.s32 $0x9F88, s0  }
0x2cf: {  	[tilespmem:s17], [sflag:$0x6] =	stream.indirect.gather [hbm4b:s6+s26], $0x10, s0, s26, $0xb8;
	[tilespmem:$0x1D440] =	vst v63  }
0x2d0: {  	_ =	swait.ge [sflag:s19], $0x320  }
0x2d1: {  	[sflag:s19] =	ssyncset.done $0x0  }
0x2d2: {  	[sflag:s19] =	ssyncadd.s32 $0xFFFFFCE0  }
0x2d3: {  	_ =	swait.ge [sflag:s19], $0x320  }
0x2d4: {  	[sflag:s19] =	ssyncset.done $0x0  }
0x2d5: {  	[sflag:s19] =	ssyncadd.s32 $0xFFFFFCE0  }
0x2d6: {  	_ =	swait.ge [sflag:s19], $0x320  }
0x2d7: {  	[sflag:s19] =	ssyncset.done $0x0  }
0x2d8: {  	[sflag:s19] =	ssyncadd.s32 $0xFFFFFCE0  }
0x2d9: {  	_ =	swait.ge [sflag:s19], $0x320  }
0x2da: {  	[sflag:s19] =	ssyncset.done $0x0  }
0x2db: {  	[sflag:s19] =	ssyncadd.s32 $0xFFFFFCE0  }
0x2dc: {  	_ =	swait.ge [sflag:s19], $0x320  }
0x2dd: {  	[sflag:s19] =	ssyncset.done $0x0  }
0x2de: {  	[sflag:s19] =	ssyncadd.s32 $0xFFFFFCE0  }
0x2df: {  	_ =	swait.ge [sflag:s19], $0x320  }
0x2e0: {  	[sflag:s19] =	ssyncset.done $0x0  }
0x2e1: {  	[sflag:s19] =	ssyncadd.s32 $0xFFFFFCE0  }
0x2e2: {  	_ =	swait.ge [sflag:s19], $0x320  }
0x2e3: {  	[sflag:s19] =	ssyncset.done $0x0  }
0x2e4: {  	[sflag:s19] =	ssyncadd.s32 $0xFFFFFCE0  }
0x2e5: {  	_ =	swait.ge [sflag:s19], $0x320  }
0x2e6: {  	[sflag:s19] =	ssyncset.done $0x0  }
0x2e7: {  	[sflag:s19] =	ssyncadd.s32 $0xFFFFFCE0  }
0x2e8: {  	_ =	swait.ge [sflag:s19], $0x320  }
0x2e9: {  	[sflag:s19] =	ssyncset.done $0x0  }
0x2ea: {  	[sflag:s19] =	ssyncadd.s32 $0xFFFFFCE0  }
0x2eb: {  	_ =	swait.ge [sflag:s19], $0x320  }
0x2ec: {  	[sflag:s19] =	ssyncset.done $0x0  }
0x2ed: {  	[sflag:s19] =	ssyncadd.s32 $0xFFFFFCE0  }
0x2ee: {  	_ =	swait.ge [sflag:s19], $0x320  }
0x2ef: {  	[sflag:s19] =	ssyncset.done $0x0  }
0x2f0: {  	[sflag:s19] =	ssyncadd.s32 $0xFFFFFCE0  }
0x2f1: {  	_ =	swait.ge [sflag:s19], $0x320  }
0x2f2: {  	[sflag:s19] =	ssyncset.done $0x0  }
0x2f3: {  	[sflag:s19] =	ssyncadd.s32 $0xFFFFFCE0  }
0x2f4: {  	_ =	swait.ge [sflag:s19], $0x320  }
0x2f5: {  	[sflag:s19] =	ssyncset.done $0x0  }
0x2f6: {  	[sflag:s19] =	ssyncadd.s32 $0xFFFFFCE0  }
0x2f7: {  	_ =	swait.ge [sflag:s19], $0x320  }
0x2f8: {  	[sflag:s19] =	ssyncset.done $0x0  }
0x2f9: {  	[sflag:s19] =	ssyncadd.s32 $0xFFFFFCE0  }
0x2fa: {  	_ =	swait.ge [sflag:s19], $0x320  }
0x2fb: {  	[sflag:s19] =	ssyncset.done $0x0  }
0x2fc: {  	[sflag:s19] =	ssyncadd.s32 $0xFFFFFCE0  }
0x2fd: {  	_ =	swait.ge [sflag:s19], $0x320  }
0x2fe: {  	p1 =	seq.s32 s30, $0x0;
	[sflag:s19] =	ssyncset.done $0x0  }
0x2ff: {  	s0 =	simm.s32 @!p1 $0x7;
	[sflag:s19] =	ssyncadd.s32 $0xFFFFFCE0  }
0x300: {  	_ =	swait.ge @!p1 [sflag:s0], $0x3200  }
0x301: {  	[sflag:s0] =	ssyncset.done @!p1 $0x0  }
0x302: {  	[sflag:s0] =	ssyncadd.s32 @!p1 $0xFFFFCE00;
	s0 =	simm.s32 $0x310  }
0x303: {  	v0 =	vld [tilespmem:s0+$0x10C40]  }
0x304: {  	v1 =	vld [tilespmem:s0+$0x10930]  }
0x305: {  	v2 =	vld [tilespmem:s0+$0x10940]  }
0x306: {  	v3 =	vld [tilespmem:s0+$0x10950]  }
0x307: {  	v4 =	vld [tilespmem:s0+$0x10960]  }
0x308: {  	v5 =	vld [tilespmem:s0+$0x10970];
	[tilespmem:s0+$0x17040] =	vst v0  }
0x309: {  	v6 =	vld [tilespmem:s0+$0x10BC0];
	[tilespmem:s0+$0x16D30] =	vst v1  }
0x30a: {  	v7 =	vld [tilespmem:s0+$0x10BD0];
	[tilespmem:s0+$0x16D40] =	vst v2  }
0x30b: {  	v8 =	vld [tilespmem:s0+$0x10BE0];
	[tilespmem:s0+$0x16D50] =	vst v3  }
0x30c: {  	v0 =	vld [tilespmem:s0+$0x10980];
	[tilespmem:s0+$0x16D60] =	vst v4  }
0x30d: {  	v1 =	vld [tilespmem:s0+$0x10990];
	[tilespmem:s0+$0x16D70] =	vst v5  }
0x30e: {  	v2 =	vld [tilespmem:s0+$0x109A0];
	[tilespmem:s0+$0x16FC0] =	vst v6  }
0x30f: {  	v3 =	vld [tilespmem:s0+$0x109B0];
	[tilespmem:s0+$0x16FD0] =	vst v7  }
0x310: {  	v4 =	vld [tilespmem:s0+$0x109C0];
	[tilespmem:s0+$0x16FE0] =	vst v8  }
0x311: {  	v5 =	vld [tilespmem:s0+$0x10BB0];
	[tilespmem:s0+$0x16D80] =	vst v0  }
0x312: {  	v0 =	vld [tilespmem:s0+$0x109D0];
	[tilespmem:s0+$0x16D90] =	vst v1  }
0x313: {  	v1 =	vld [tilespmem:s0+$0x109E0];
	[tilespmem:s0+$0x16DA0] =	vst v2  }
0x314: {  	v2 =	vld [tilespmem:s0+$0x109F0];
	[tilespmem:s0+$0x16DB0] =	vst v3  }
0x315: {  	v3 =	vld [tilespmem:s0+$0x10A00];
	[tilespmem:s0+$0x16DC0] =	vst v4  }
0x316: {  	v4 =	vld [tilespmem:s0+$0x10A10];
	[tilespmem:s0+$0x16FB0] =	vst v5  }
0x317: {  	[tilespmem:s0+$0x16DD0] =	vst v0;
	v0 =	vld [tilespmem:s0+$0x10A20]  }
0x318: {  	[tilespmem:s0+$0x16DE0] =	vst v1;
	v1 =	vld [tilespmem:s0+$0x10A30]  }
0x319: {  	[tilespmem:s0+$0x16DF0] =	vst v2;
	v2 =	vld [tilespmem:s0+$0x10A40]  }
0x31a: {  	[tilespmem:s0+$0x16E00] =	vst v3;
	v3 =	vld [tilespmem:s0+$0x10A50]  }
0x31b: {  	[tilespmem:s0+$0x16E10] =	vst v4;
	v4 =	vld [tilespmem:s0+$0x10A60]  }
0x31c: {  	[tilespmem:s0+$0x16E20] =	vst v0;
	v0 =	vld [tilespmem:s0+$0x10A70]  }
0x31d: {  	[tilespmem:s0+$0x16E30] =	vst v1;
	v1 =	vld [tilespmem:s0+$0x10A80]  }
0x31e: {  	[tilespmem:s0+$0x16E40] =	vst v2;
	v2 =	vld [tilespmem:s0+$0x10A90]  }
0x31f: {  	[tilespmem:s0+$0x16E50] =	vst v3;
	v3 =	vld [tilespmem:s0+$0x10AA0]  }
0x320: {  	[tilespmem:s0+$0x16E60] =	vst v4;
	v4 =	vld [tilespmem:s0+$0x10AB0]  }
0x321: {  	[tilespmem:s0+$0x16E70] =	vst v0;
	v0 =	vld [tilespmem:s0+$0x10AC0]  }
0x322: {  	[tilespmem:s0+$0x16E80] =	vst v1;
	v1 =	vld [tilespmem:s0+$0x10AD0]  }
0x323: {  	[tilespmem:s0+$0x16E90] =	vst v2;
	v2 =	vld [tilespmem:s0+$0x10AE0]  }
0x324: {  	[tilespmem:s0+$0x16EA0] =	vst v3;
	v3 =	vld [tilespmem:s0+$0x10AF0]  }
0x325: {  	[tilespmem:s0+$0x16EB0] =	vst v4;
	v4 =	vld [tilespmem:s0+$0x10B00]  }
0x326: {  	[tilespmem:s0+$0x16EC0] =	vst v0;
	v0 =	vld [tilespmem:s0+$0x10B10]  }
0x327: {  	[tilespmem:s0+$0x16ED0] =	vst v1;
	v1 =	vld [tilespmem:s0+$0x10B20]  }
0x328: {  	[tilespmem:s0+$0x16EE0] =	vst v2;
	v2 =	vld [tilespmem:s0+$0x10B30]  }
0x329: {  	[tilespmem:s0+$0x16EF0] =	vst v3;
	v3 =	vld [tilespmem:s0+$0x10B40]  }
0x32a: {  	[tilespmem:s0+$0x16F00] =	vst v4;
	v4 =	vld [tilespmem:s0+$0x10B50]  }
0x32b: {  	[tilespmem:s0+$0x16F10] =	vst v0;
	v0 =	vld [tilespmem:s0+$0x10B60]  }
0x32c: {  	[tilespmem:s0+$0x16F20] =	vst v1;
	v1 =	vld [tilespmem:s0+$0x10B70]  }
0x32d: {  	[tilespmem:s0+$0x16F30] =	vst v2;
	v2 =	vld [tilespmem:s0+$0x10B80]  }
0x32e: {  	[tilespmem:s0+$0x16F40] =	vst v3;
	v3 =	vld [tilespmem:s0+$0x10B90]  }
0x32f: {  	[tilespmem:s0+$0x16F50] =	vst v4;
	v4 =	vld [tilespmem:s0+$0x10BA0]  }
0x330: {  	[tilespmem:s0+$0x16F60] =	vst v0;
	v0 =	vld [tilespmem:s0+$0x10BF0]  }
0x331: {  	[tilespmem:s0+$0x16F70] =	vst v1;
	v1 =	vld [tilespmem:s0+$0x10C00]  }
0x332: {  	[tilespmem:s0+$0x16F80] =	vst v2;
	v2 =	vld [tilespmem:s0+$0x10C10]  }
0x333: {  	[tilespmem:s0+$0x16F90] =	vst v3;
	v3 =	vld [tilespmem:s0+$0x10C20]  }
0x334: {  	s2 =	sshll.u32 s30, $0x1;
	s8 =	simm.s32 $0x630;
	s24 =	simm.s32 $0x2540;
	[tilespmem:s0+$0x16FA0] =	vst v4;
	v4 =	vld [tilespmem:s0+$0x10C30]  }
.LBB2_29:
0x335: {  	p2 =	sne.s32 s24, $0xC7C0;
	v5 =	vld [tilespmem:s8+$0x10C40];
	[tilespmem:s0+$0x16FF0] =	vst v0  }
0x336: {  	v0 =	vld [tilespmem:s8+$0x10930];
	[tilespmem:s0+$0x17000] =	vst v1  }
0x337: {  	v1 =	vld [tilespmem:s8+$0x10940];
	[tilespmem:s0+$0x17010] =	vst v2  }
0x338: {  	v2 =	vld [tilespmem:s8+$0x10950];
	[tilespmem:s0+$0x17020] =	vst v3  }
0x339: {  	v3 =	vld [tilespmem:s8+$0x10960];
	[tilespmem:s0+$0x17030] =	vst v4;
	s0 =	smov.u32 s8  }
0x33a: {  	v4 =	vld [tilespmem:s0+$0x10970];
	[tilespmem:s0+$0x17040] =	vst v5  }
0x33b: {  	[tilespmem:s0+$0x16D30] =	vst v0;
	v0 =	vld [tilespmem:s0+$0x10980]  }
0x33c: {  	[tilespmem:s0+$0x16D40] =	vst v1;
	v1 =	vld [tilespmem:s0+$0x10990]  }
0x33d: {  	[tilespmem:s0+$0x16D50] =	vst v2;
	v2 =	vld [tilespmem:s0+$0x109A0]  }
0x33e: {  	[tilespmem:s0+$0x16D60] =	vst v3;
	v3 =	vld [tilespmem:s0+$0x109B0]  }
0x33f: {  	[tilespmem:s0+$0x16D70] =	vst v4;
	v4 =	vld [tilespmem:s0+$0x109C0]  }
0x340: {  	[tilespmem:s0+$0x16D80] =	vst v0;
	v0 =	vld [tilespmem:s0+$0x109D0]  }
0x341: {  	[tilespmem:s0+$0x16D90] =	vst v1;
	v1 =	vld [tilespmem:s0+$0x109E0]  }
0x342: {  	[tilespmem:s0+$0x16DA0] =	vst v2;
	v2 =	vld [tilespmem:s0+$0x109F0]  }
0x343: {  	[tilespmem:s0+$0x16DB0] =	vst v3;
	v3 =	vld [tilespmem:s0+$0x10A00]  }
0x344: {  	[tilespmem:s0+$0x16DC0] =	vst v4;
	v4 =	vld [tilespmem:s0+$0x10A10]  }
0x345: {  	[tilespmem:s0+$0x16DD0] =	vst v0;
	v0 =	vld [tilespmem:s0+$0x10A20]  }
0x346: {  	[tilespmem:s0+$0x16DE0] =	vst v1;
	v1 =	vld [tilespmem:s0+$0x10A30]  }
0x347: {  	[tilespmem:s0+$0x16DF0] =	vst v2;
	v2 =	vld [tilespmem:s0+$0x10A40]  }
0x348: {  	[tilespmem:s0+$0x16E00] =	vst v3;
	v3 =	vld [tilespmem:s0+$0x10A50]  }
0x349: {  	[tilespmem:s0+$0x16E10] =	vst v4;
	v4 =	vld [tilespmem:s0+$0x10A60]  }
0x34a: {  	[tilespmem:s0+$0x16E20] =	vst v0;
	v0 =	vld [tilespmem:s0+$0x10A70]  }
0x34b: {  	[tilespmem:s0+$0x16E30] =	vst v1;
	v1 =	vld [tilespmem:s0+$0x10A80]  }
0x34c: {  	[tilespmem:s0+$0x16E40] =	vst v2;
	v2 =	vld [tilespmem:s0+$0x10A90]  }
0x34d: {  	[tilespmem:s0+$0x16E50] =	vst v3;
	v3 =	vld [tilespmem:s0+$0x10AA0]  }
0x34e: {  	[tilespmem:s0+$0x16E60] =	vst v4;
	v4 =	vld [tilespmem:s0+$0x10AB0]  }
0x34f: {  	[tilespmem:s0+$0x16E70] =	vst v0;
	v0 =	vld [tilespmem:s0+$0x10AC0]  }
0x350: {  	[tilespmem:s0+$0x16E80] =	vst v1;
	v1 =	vld [tilespmem:s0+$0x10AD0]  }
0x351: {  	[tilespmem:s0+$0x16E90] =	vst v2;
	v2 =	vld [tilespmem:s0+$0x10AE0]  }
0x352: {  	[tilespmem:s0+$0x16EA0] =	vst v3;
	v3 =	vld [tilespmem:s0+$0x10AF0]  }
0x353: {  	[tilespmem:s0+$0x16EB0] =	vst v4;
	v4 =	vld [tilespmem:s0+$0x10B00]  }
0x354: {  	[tilespmem:s0+$0x16EC0] =	vst v0;
	v0 =	vld [tilespmem:s0+$0x10B10]  }
0x355: {  	[tilespmem:s0+$0x16ED0] =	vst v1;
	v1 =	vld [tilespmem:s0+$0x10B20]  }
0x356: {  	[tilespmem:s0+$0x16EE0] =	vst v2;
	v2 =	vld [tilespmem:s0+$0x10B30]  }
0x357: {  	[tilespmem:s0+$0x16EF0] =	vst v3;
	v3 =	vld [tilespmem:s0+$0x10B40]  }
0x358: {  	[tilespmem:s0+$0x16F00] =	vst v4;
	v4 =	vld [tilespmem:s0+$0x10B50]  }
0x359: {  	[tilespmem:s0+$0x16F10] =	vst v0;
	v0 =	vld [tilespmem:s0+$0x10B60]  }
0x35a: {  	[tilespmem:s0+$0x16F20] =	vst v1;
	v1 =	vld [tilespmem:s0+$0x10B70]  }
0x35b: {  	[tilespmem:s0+$0x16F30] =	vst v2;
	v2 =	vld [tilespmem:s0+$0x10B80]  }
0x35c: {  	[tilespmem:s0+$0x16F40] =	vst v3;
	v3 =	vld [tilespmem:s0+$0x10B90]  }
0x35d: {  	[tilespmem:s0+$0x16F50] =	vst v4;
	v4 =	vld [tilespmem:s0+$0x10BA0]  }
0x35e: {  	[tilespmem:s0+$0x16F60] =	vst v0;
	v5 =	vld [tilespmem:s0+$0x10BB0]  }
0x35f: {  	[tilespmem:s0+$0x16F70] =	vst v1;
	v6 =	vld [tilespmem:s0+$0x10BC0]  }
0x360: {  	[tilespmem:s0+$0x16F80] =	vst v2;
	v7 =	vld [tilespmem:s0+$0x10BD0]  }
0x361: {  	[tilespmem:s0+$0x16F90] =	vst v3;
	v8 =	vld [tilespmem:s0+$0x10BE0]  }
.Ltmp22:
0x362: {  	[tilespmem:s0+$0x16FA0] =	vst v4;
	v0 =	vld [tilespmem:s0+$0x10BF0];
	(pc) =	sbr.rel @p2 .LBB2_29-.Ltmp22, $4  }
0x363: {  	[tilespmem:s0+$0x16FB0] =	vst v5;
	v1 =	vld [tilespmem:s0+$0x10C00]  }
0x364: {  	[tilespmem:s0+$0x16FC0] =	vst v6;
	v2 =	vld [tilespmem:s0+$0x10C10]  }
0x365: {  	[tilespmem:s0+$0x16FD0] =	vst v7;
	v3 =	vld [tilespmem:s0+$0x10C20]  }
0x366: {  	s8 =	sshra.s32 s24, $0x2;
	s24 =	sadd.s32 $0xC80, s24;
	[tilespmem:s0+$0x16FE0] =	vst v8;
	v4 =	vld [tilespmem:s0+$0x10C30]  }
0x367: {  	v5 =	vld [tilespmem:s8+$0x10C40];
	[tilespmem:s0+$0x16FF0] =	vst v0  }
0x368: {  	v0 =	vld [tilespmem:s8+$0x10930];
	[tilespmem:s0+$0x17000] =	vst v1  }
0x369: {  	v1 =	vld [tilespmem:s8+$0x10940];
	[tilespmem:s0+$0x17010] =	vst v2  }
0x36a: {  	v2 =	vld [tilespmem:s8+$0x10950];
	[tilespmem:s0+$0x17020] =	vst v3  }
0x36b: {  	v3 =	vld [tilespmem:s8+$0x10960];
	[tilespmem:s0+$0x17030] =	vst v4  }
0x36c: {  	v4 =	vld [tilespmem:s8+$0x10970];
	[tilespmem:s8+$0x17040] =	vst v5  }
0x36d: {  	[tilespmem:s8+$0x16D30] =	vst v0;
	v0 =	vld [tilespmem:s8+$0x10980]  }
0x36e: {  	[tilespmem:s8+$0x16D40] =	vst v1;
	v1 =	vld [tilespmem:s8+$0x10990]  }
0x36f: {  	[tilespmem:s8+$0x16D50] =	vst v2;
	v2 =	vld [tilespmem:s8+$0x109A0]  }
0x370: {  	[tilespmem:s8+$0x16D60] =	vst v3;
	v3 =	vld [tilespmem:s8+$0x109B0]  }
0x371: {  	[tilespmem:s8+$0x16D70] =	vst v4;
	v4 =	vld [tilespmem:s8+$0x109C0]  }
0x372: {  	[tilespmem:s8+$0x16D80] =	vst v0;
	v0 =	vld [tilespmem:s8+$0x109D0]  }
0x373: {  	[tilespmem:s8+$0x16D90] =	vst v1;
	v1 =	vld [tilespmem:s8+$0x109E0]  }
0x374: {  	[tilespmem:s8+$0x16DA0] =	vst v2;
	v2 =	vld [tilespmem:s8+$0x109F0]  }
0x375: {  	[tilespmem:s8+$0x16DB0] =	vst v3;
	v3 =	vld [tilespmem:s8+$0x10A00]  }
0x376: {  	[tilespmem:s8+$0x16DC0] =	vst v4;
	v4 =	vld [tilespmem:s8+$0x10A10]  }
0x377: {  	[tilespmem:s8+$0x16DD0] =	vst v0;
	v0 =	vld [tilespmem:s8+$0x10A20]  }
0x378: {  	[tilespmem:s8+$0x16DE0] =	vst v1;
	v1 =	vld [tilespmem:s8+$0x10A30]  }
0x379: {  	[tilespmem:s8+$0x16DF0] =	vst v2;
	v2 =	vld [tilespmem:s8+$0x10A40]  }
0x37a: {  	[tilespmem:s8+$0x16E00] =	vst v3;
	v3 =	vld [tilespmem:s8+$0x10A50]  }
0x37b: {  	[tilespmem:s8+$0x16E10] =	vst v4;
	v4 =	vld [tilespmem:s8+$0x10A60]  }
0x37c: {  	[tilespmem:s8+$0x16E20] =	vst v0;
	v0 =	vld [tilespmem:s8+$0x10A70]  }
0x37d: {  	[tilespmem:s8+$0x16E30] =	vst v1;
	v1 =	vld [tilespmem:s8+$0x10A80]  }
0x37e: {  	[tilespmem:s8+$0x16E40] =	vst v2;
	v2 =	vld [tilespmem:s8+$0x10A90]  }
0x37f: {  	[tilespmem:s8+$0x16E50] =	vst v3;
	v3 =	vld [tilespmem:s8+$0x10AA0]  }
0x380: {  	[tilespmem:s8+$0x16E60] =	vst v4;
	v4 =	vld [tilespmem:s8+$0x10AB0]  }
0x381: {  	[tilespmem:s8+$0x16E70] =	vst v0;
	v0 =	vld [tilespmem:s8+$0x10AC0]  }
0x382: {  	[tilespmem:s8+$0x16E80] =	vst v1;
	v1 =	vld [tilespmem:s8+$0x10AD0]  }
0x383: {  	[tilespmem:s8+$0x16E90] =	vst v2;
	v2 =	vld [tilespmem:s8+$0x10AE0]  }
0x384: {  	[tilespmem:s8+$0x16EA0] =	vst v3;
	v3 =	vld [tilespmem:s8+$0x10AF0]  }
0x385: {  	[tilespmem:s8+$0x16EB0] =	vst v4;
	v4 =	vld [tilespmem:s8+$0x10B00]  }
0x386: {  	[tilespmem:s8+$0x16EC0] =	vst v0;
	v0 =	vld [tilespmem:s8+$0x10B10]  }
0x387: {  	[tilespmem:s8+$0x16ED0] =	vst v1;
	v1 =	vld [tilespmem:s8+$0x10B20]  }
0x388: {  	[tilespmem:s8+$0x16EE0] =	vst v2;
	v2 =	vld [tilespmem:s8+$0x10B30]  }
0x389: {  	[tilespmem:s8+$0x16EF0] =	vst v3;
	v3 =	vld [tilespmem:s8+$0x10B40]  }
0x38a: {  	[tilespmem:s8+$0x16F00] =	vst v4;
	v4 =	vld [tilespmem:s8+$0x10B50]  }
0x38b: {  	[tilespmem:s8+$0x16F10] =	vst v0;
	v0 =	vld [tilespmem:s8+$0x10B60]  }
0x38c: {  	[tilespmem:s8+$0x16F20] =	vst v1;
	v1 =	vld [tilespmem:s8+$0x10B70]  }
0x38d: {  	[tilespmem:s8+$0x16F30] =	vst v2;
	v2 =	vld [tilespmem:s8+$0x10B80]  }
0x38e: {  	[tilespmem:s8+$0x16F40] =	vst v3;
	v3 =	vld [tilespmem:s8+$0x10B90]  }
0x38f: {  	[tilespmem:s8+$0x16F50] =	vst v4;
	v4 =	vld [tilespmem:s8+$0x10BA0]  }
0x390: {  	[tilespmem:s8+$0x16F60] =	vst v0;
	v0 =	vld [tilespmem:s8+$0x10BB0]  }
0x391: {  	[tilespmem:s8+$0x16F70] =	vst v1;
	v1 =	vld [tilespmem:s8+$0x10BC0]  }
0x392: {  	[tilespmem:s8+$0x16F80] =	vst v2;
	v2 =	vld [tilespmem:s8+$0x10BD0]  }
0x393: {  	[tilespmem:s8+$0x16F90] =	vst v3;
	v3 =	vld [tilespmem:s8+$0x10BE0]  }
0x394: {  	[tilespmem:s8+$0x16FA0] =	vst v4;
	v4 =	vld [tilespmem:s8+$0x10BF0]  }
0x395: {  	[tilespmem:s8+$0x16FB0] =	vst v0;
	v0 =	vld [tilespmem:s8+$0x10C00]  }
0x396: {  	[tilespmem:s8+$0x16FC0] =	vst v1;
	v1 =	vld [tilespmem:s8+$0x10C10]  }
0x397: {  	[tilespmem:s8+$0x16FD0] =	vst v2;
	v2 =	vld [tilespmem:s8+$0x10C20]  }
0x398: {  	[tilespmem:s8+$0x16FE0] =	vst v3;
	v3 =	vld [tilespmem:s8+$0x10C30]  }
0x399: {  	[tilespmem:s8+$0x16FF0] =	vst v4  }
0x39a: {  	s24 =	sadd.s32 s14, s2;
	[tilespmem:s8+$0x17000] =	vst v0  }
0x39b: {  	s0 =	smul.u32 $0x640, s24;
	[tilespmem:s8+$0x17010] =	vst v1  }
0x39c: {  	[tilespmem:s8+$0x17020] =	vst v2  }
0x39d: {  	s0 =	sadd.s32 s4, s0;
	[tilespmem:s8+$0x17030] =	vst v3  }
0x39e: {  	[hbm4b:s0+s1] =	stream.linear.scatter [tilespmem:s22], [sflag:$0x7], $0x3200, $0x38;
	[tilespmem:$0x1D440] =	vst v63  }
0x39f: {  	_ =	swait.ge [sflag:s28], $0x320  }
0x3a0: {  	[sflag:s28] =	ssyncset.done $0x0  }
0x3a1: {  	[sflag:s28] =	ssyncadd.s32 $0xFFFFFCE0  }
0x3a2: {  	_ =	swait.ge [sflag:s28], $0x320  }
0x3a3: {  	[sflag:s28] =	ssyncset.done $0x0  }
0x3a4: {  	[sflag:s28] =	ssyncadd.s32 $0xFFFFFCE0  }
0x3a5: {  	_ =	swait.ge [sflag:s28], $0x320  }
0x3a6: {  	[sflag:s28] =	ssyncset.done $0x0  }
0x3a7: {  	[sflag:s28] =	ssyncadd.s32 $0xFFFFFCE0  }
0x3a8: {  	_ =	swait.ge [sflag:s28], $0x320  }
0x3a9: {  	[sflag:s28] =	ssyncset.done $0x0  }
0x3aa: {  	[sflag:s28] =	ssyncadd.s32 $0xFFFFFCE0  }
0x3ab: {  	_ =	swait.ge [sflag:s28], $0x320  }
0x3ac: {  	[sflag:s28] =	ssyncset.done $0x0  }
0x3ad: {  	[sflag:s28] =	ssyncadd.s32 $0xFFFFFCE0  }
0x3ae: {  	_ =	swait.ge [sflag:s28], $0x320  }
0x3af: {  	[sflag:s28] =	ssyncset.done $0x0  }
0x3b0: {  	[sflag:s28] =	ssyncadd.s32 $0xFFFFFCE0  }
0x3b1: {  	_ =	swait.ge [sflag:s28], $0x320  }
0x3b2: {  	[sflag:s28] =	ssyncset.done $0x0  }
0x3b3: {  	[sflag:s28] =	ssyncadd.s32 $0xFFFFFCE0  }
0x3b4: {  	_ =	swait.ge [sflag:s28], $0x320  }
0x3b5: {  	[sflag:s28] =	ssyncset.done $0x0  }
0x3b6: {  	[sflag:s28] =	ssyncadd.s32 $0xFFFFFCE0  }
0x3b7: {  	_ =	swait.ge [sflag:s28], $0x320  }
0x3b8: {  	[sflag:s28] =	ssyncset.done $0x0  }
0x3b9: {  	[sflag:s28] =	ssyncadd.s32 $0xFFFFFCE0  }
0x3ba: {  	_ =	swait.ge [sflag:s28], $0x320  }
0x3bb: {  	[sflag:s28] =	ssyncset.done $0x0  }
0x3bc: {  	[sflag:s28] =	ssyncadd.s32 $0xFFFFFCE0  }
0x3bd: {  	_ =	swait.ge [sflag:s28], $0x320  }
0x3be: {  	[sflag:s28] =	ssyncset.done $0x0  }
0x3bf: {  	[sflag:s28] =	ssyncadd.s32 $0xFFFFFCE0  }
0x3c0: {  	_ =	swait.ge [sflag:s28], $0x320  }
0x3c1: {  	[sflag:s28] =	ssyncset.done $0x0  }
0x3c2: {  	[sflag:s28] =	ssyncadd.s32 $0xFFFFFCE0  }
0x3c3: {  	_ =	swait.ge [sflag:s28], $0x320  }
0x3c4: {  	[sflag:s28] =	ssyncset.done $0x0  }
0x3c5: {  	[sflag:s28] =	ssyncadd.s32 $0xFFFFFCE0  }
0x3c6: {  	_ =	swait.ge [sflag:s28], $0x320  }
0x3c7: {  	[sflag:s28] =	ssyncset.done $0x0  }
0x3c8: {  	[sflag:s28] =	ssyncadd.s32 $0xFFFFFCE0  }
0x3c9: {  	_ =	swait.ge [sflag:s28], $0x320  }
0x3ca: {  	[sflag:s28] =	ssyncset.done $0x0  }
0x3cb: {  	[sflag:s28] =	ssyncadd.s32 $0xFFFFFCE0  }
0x3cc: {  	_ =	swait.ge [sflag:s28], $0x320  }
0x3cd: {  	[sflag:s28] =	ssyncset.done $0x0  }
0x3ce: {  	s0 =	simm.s32 @!p1 $0x8;
	[sflag:s28] =	ssyncadd.s32 $0xFFFFFCE0  }
0x3cf: {  	_ =	swait.ge @!p1 [sflag:s0], $0x3200  }
0x3d0: {  	[sflag:s0] =	ssyncset.done @!p1 $0x0  }
0x3d1: {  	[sflag:s0] =	ssyncadd.s32 @!p1 $0xFFFFCE00;
	s0 =	simm.s32 $0x310  }
0x3d2: {  	v0 =	vld [tilespmem:s0+$0x13E40]  }
0x3d3: {  	v1 =	vld [tilespmem:s0+$0x13B30]  }
0x3d4: {  	v2 =	vld [tilespmem:s0+$0x13B40]  }
0x3d5: {  	v3 =	vld [tilespmem:s0+$0x13B50]  }
0x3d6: {  	v4 =	vld [tilespmem:s0+$0x13B60]  }
0x3d7: {  	v5 =	vld [tilespmem:s0+$0x13B70];
	[tilespmem:s0+$0x1A240] =	vst v0  }
0x3d8: {  	v6 =	vld [tilespmem:s0+$0x13DC0];
	[tilespmem:s0+$0x19F30] =	vst v1  }
0x3d9: {  	v7 =	vld [tilespmem:s0+$0x13DD0];
	[tilespmem:s0+$0x19F40] =	vst v2  }
0x3da: {  	v8 =	vld [tilespmem:s0+$0x13DE0];
	[tilespmem:s0+$0x19F50] =	vst v3  }
0x3db: {  	v0 =	vld [tilespmem:s0+$0x13B80];
	[tilespmem:s0+$0x19F60] =	vst v4  }
0x3dc: {  	v1 =	vld [tilespmem:s0+$0x13B90];
	[tilespmem:s0+$0x19F70] =	vst v5  }
0x3dd: {  	v2 =	vld [tilespmem:s0+$0x13BA0];
	[tilespmem:s0+$0x1A1C0] =	vst v6  }
0x3de: {  	v3 =	vld [tilespmem:s0+$0x13BB0];
	[tilespmem:s0+$0x1A1D0] =	vst v7  }
0x3df: {  	v4 =	vld [tilespmem:s0+$0x13BC0];
	[tilespmem:s0+$0x1A1E0] =	vst v8  }
0x3e0: {  	v5 =	vld [tilespmem:s0+$0x13DB0];
	[tilespmem:s0+$0x19F80] =	vst v0  }
0x3e1: {  	v0 =	vld [tilespmem:s0+$0x13BD0];
	[tilespmem:s0+$0x19F90] =	vst v1  }
0x3e2: {  	v1 =	vld [tilespmem:s0+$0x13BE0];
	[tilespmem:s0+$0x19FA0] =	vst v2  }
0x3e3: {  	v2 =	vld [tilespmem:s0+$0x13BF0];
	[tilespmem:s0+$0x19FB0] =	vst v3  }
0x3e4: {  	v3 =	vld [tilespmem:s0+$0x13C00];
	[tilespmem:s0+$0x19FC0] =	vst v4  }
0x3e5: {  	v4 =	vld [tilespmem:s0+$0x13C10];
	[tilespmem:s0+$0x1A1B0] =	vst v5  }
0x3e6: {  	[tilespmem:s0+$0x19FD0] =	vst v0;
	v0 =	vld [tilespmem:s0+$0x13C20]  }
0x3e7: {  	[tilespmem:s0+$0x19FE0] =	vst v1;
	v1 =	vld [tilespmem:s0+$0x13C30]  }
0x3e8: {  	[tilespmem:s0+$0x19FF0] =	vst v2;
	v2 =	vld [tilespmem:s0+$0x13C40]  }
0x3e9: {  	[tilespmem:s0+$0x1A000] =	vst v3;
	v3 =	vld [tilespmem:s0+$0x13C50]  }
0x3ea: {  	[tilespmem:s0+$0x1A010] =	vst v4;
	v4 =	vld [tilespmem:s0+$0x13C60]  }
0x3eb: {  	[tilespmem:s0+$0x1A020] =	vst v0;
	v0 =	vld [tilespmem:s0+$0x13C70]  }
0x3ec: {  	[tilespmem:s0+$0x1A030] =	vst v1;
	v1 =	vld [tilespmem:s0+$0x13C80]  }
0x3ed: {  	[tilespmem:s0+$0x1A040] =	vst v2;
	v2 =	vld [tilespmem:s0+$0x13C90]  }
0x3ee: {  	[tilespmem:s0+$0x1A050] =	vst v3;
	v3 =	vld [tilespmem:s0+$0x13CA0]  }
0x3ef: {  	[tilespmem:s0+$0x1A060] =	vst v4;
	v4 =	vld [tilespmem:s0+$0x13CB0]  }
0x3f0: {  	[tilespmem:s0+$0x1A070] =	vst v0;
	v0 =	vld [tilespmem:s0+$0x13CC0]  }
0x3f1: {  	[tilespmem:s0+$0x1A080] =	vst v1;
	v1 =	vld [tilespmem:s0+$0x13CD0]  }
0x3f2: {  	[tilespmem:s0+$0x1A090] =	vst v2;
	v2 =	vld [tilespmem:s0+$0x13CE0]  }
0x3f3: {  	[tilespmem:s0+$0x1A0A0] =	vst v3;
	v3 =	vld [tilespmem:s0+$0x13CF0]  }
0x3f4: {  	[tilespmem:s0+$0x1A0B0] =	vst v4;
	v4 =	vld [tilespmem:s0+$0x13D00]  }
0x3f5: {  	[tilespmem:s0+$0x1A0C0] =	vst v0;
	v0 =	vld [tilespmem:s0+$0x13D10]  }
0x3f6: {  	[tilespmem:s0+$0x1A0D0] =	vst v1;
	v1 =	vld [tilespmem:s0+$0x13D20]  }
0x3f7: {  	[tilespmem:s0+$0x1A0E0] =	vst v2;
	v2 =	vld [tilespmem:s0+$0x13D30]  }
0x3f8: {  	[tilespmem:s0+$0x1A0F0] =	vst v3;
	v3 =	vld [tilespmem:s0+$0x13D40]  }
0x3f9: {  	[tilespmem:s0+$0x1A100] =	vst v4;
	v4 =	vld [tilespmem:s0+$0x13D50]  }
0x3fa: {  	[tilespmem:s0+$0x1A110] =	vst v0;
	v0 =	vld [tilespmem:s0+$0x13D60]  }
0x3fb: {  	[tilespmem:s0+$0x1A120] =	vst v1;
	v1 =	vld [tilespmem:s0+$0x13D70]  }
0x3fc: {  	[tilespmem:s0+$0x1A130] =	vst v2;
	v2 =	vld [tilespmem:s0+$0x13D80]  }
0x3fd: {  	[tilespmem:s0+$0x1A140] =	vst v3;
	v3 =	vld [tilespmem:s0+$0x13D90]  }
0x3fe: {  	[tilespmem:s0+$0x1A150] =	vst v4;
	v4 =	vld [tilespmem:s0+$0x13DA0]  }
0x3ff: {  	[tilespmem:s0+$0x1A160] =	vst v0;
	v0 =	vld [tilespmem:s0+$0x13DF0]  }
0x400: {  	[tilespmem:s0+$0x1A170] =	vst v1;
	v1 =	vld [tilespmem:s0+$0x13E00]  }
0x401: {  	[tilespmem:s0+$0x1A180] =	vst v2;
	v2 =	vld [tilespmem:s0+$0x13E10]  }
0x402: {  	[tilespmem:s0+$0x1A190] =	vst v3;
	v3 =	vld [tilespmem:s0+$0x13E20]  }
0x403: {  	s2 =	simm.s32 $0x2540;
	s8 =	simm.s32 $0x630;
	[tilespmem:s0+$0x1A1A0] =	vst v4;
	v4 =	vld [tilespmem:s0+$0x13E30]  }
.LBB2_31:
0x404: {  	p1 =	sne.s32 s2, $0xC7C0;
	v5 =	vld [tilespmem:s8+$0x13E40];
	[tilespmem:s0+$0x1A1F0] =	vst v0  }
0x405: {  	v0 =	vld [tilespmem:s8+$0x13B30];
	[tilespmem:s0+$0x1A200] =	vst v1  }
0x406: {  	v1 =	vld [tilespmem:s8+$0x13B40];
	[tilespmem:s0+$0x1A210] =	vst v2  }
0x407: {  	v2 =	vld [tilespmem:s8+$0x13B50];
	[tilespmem:s0+$0x1A220] =	vst v3  }
0x408: {  	v3 =	vld [tilespmem:s8+$0x13B60];
	[tilespmem:s0+$0x1A230] =	vst v4;
	s0 =	smov.u32 s8  }
0x409: {  	v4 =	vld [tilespmem:s0+$0x13B70];
	[tilespmem:s0+$0x1A240] =	vst v5  }
0x40a: {  	[tilespmem:s0+$0x19F30] =	vst v0;
	v0 =	vld [tilespmem:s0+$0x13B80]  }
0x40b: {  	[tilespmem:s0+$0x19F40] =	vst v1;
	v1 =	vld [tilespmem:s0+$0x13B90]  }
0x40c: {  	[tilespmem:s0+$0x19F50] =	vst v2;
	v2 =	vld [tilespmem:s0+$0x13BA0]  }
0x40d: {  	[tilespmem:s0+$0x19F60] =	vst v3;
	v3 =	vld [tilespmem:s0+$0x13BB0]  }
0x40e: {  	[tilespmem:s0+$0x19F70] =	vst v4;
	v4 =	vld [tilespmem:s0+$0x13BC0]  }
0x40f: {  	[tilespmem:s0+$0x19F80] =	vst v0;
	v0 =	vld [tilespmem:s0+$0x13BD0]  }
0x410: {  	[tilespmem:s0+$0x19F90] =	vst v1;
	v1 =	vld [tilespmem:s0+$0x13BE0]  }
0x411: {  	[tilespmem:s0+$0x19FA0] =	vst v2;
	v2 =	vld [tilespmem:s0+$0x13BF0]  }
0x412: {  	[tilespmem:s0+$0x19FB0] =	vst v3;
	v3 =	vld [tilespmem:s0+$0x13C00]  }
0x413: {  	[tilespmem:s0+$0x19FC0] =	vst v4;
	v4 =	vld [tilespmem:s0+$0x13C10]  }
0x414: {  	[tilespmem:s0+$0x19FD0] =	vst v0;
	v0 =	vld [tilespmem:s0+$0x13C20]  }
0x415: {  	[tilespmem:s0+$0x19FE0] =	vst v1;
	v1 =	vld [tilespmem:s0+$0x13C30]  }
0x416: {  	[tilespmem:s0+$0x19FF0] =	vst v2;
	v2 =	vld [tilespmem:s0+$0x13C40]  }
0x417: {  	[tilespmem:s0+$0x1A000] =	vst v3;
	v3 =	vld [tilespmem:s0+$0x13C50]  }
0x418: {  	[tilespmem:s0+$0x1A010] =	vst v4;
	v4 =	vld [tilespmem:s0+$0x13C60]  }
0x419: {  	[tilespmem:s0+$0x1A020] =	vst v0;
	v0 =	vld [tilespmem:s0+$0x13C70]  }
0x41a: {  	[tilespmem:s0+$0x1A030] =	vst v1;
	v1 =	vld [tilespmem:s0+$0x13C80]  }
0x41b: {  	[tilespmem:s0+$0x1A040] =	vst v2;
	v2 =	vld [tilespmem:s0+$0x13C90]  }
0x41c: {  	[tilespmem:s0+$0x1A050] =	vst v3;
	v3 =	vld [tilespmem:s0+$0x13CA0]  }
0x41d: {  	[tilespmem:s0+$0x1A060] =	vst v4;
	v4 =	vld [tilespmem:s0+$0x13CB0]  }
0x41e: {  	[tilespmem:s0+$0x1A070] =	vst v0;
	v0 =	vld [tilespmem:s0+$0x13CC0]  }
0x41f: {  	[tilespmem:s0+$0x1A080] =	vst v1;
	v1 =	vld [tilespmem:s0+$0x13CD0]  }
0x420: {  	[tilespmem:s0+$0x1A090] =	vst v2;
	v2 =	vld [tilespmem:s0+$0x13CE0]  }
0x421: {  	[tilespmem:s0+$0x1A0A0] =	vst v3;
	v3 =	vld [tilespmem:s0+$0x13CF0]  }
0x422: {  	[tilespmem:s0+$0x1A0B0] =	vst v4;
	v4 =	vld [tilespmem:s0+$0x13D00]  }
0x423: {  	[tilespmem:s0+$0x1A0C0] =	vst v0;
	v0 =	vld [tilespmem:s0+$0x13D10]  }
0x424: {  	[tilespmem:s0+$0x1A0D0] =	vst v1;
	v1 =	vld [tilespmem:s0+$0x13D20]  }
0x425: {  	[tilespmem:s0+$0x1A0E0] =	vst v2;
	v2 =	vld [tilespmem:s0+$0x13D30]  }
0x426: {  	[tilespmem:s0+$0x1A0F0] =	vst v3;
	v3 =	vld [tilespmem:s0+$0x13D40]  }
0x427: {  	[tilespmem:s0+$0x1A100] =	vst v4;
	v4 =	vld [tilespmem:s0+$0x13D50]  }
0x428: {  	[tilespmem:s0+$0x1A110] =	vst v0;
	v0 =	vld [tilespmem:s0+$0x13D60]  }
0x429: {  	[tilespmem:s0+$0x1A120] =	vst v1;
	v1 =	vld [tilespmem:s0+$0x13D70]  }
0x42a: {  	[tilespmem:s0+$0x1A130] =	vst v2;
	v2 =	vld [tilespmem:s0+$0x13D80]  }
0x42b: {  	[tilespmem:s0+$0x1A140] =	vst v3;
	v3 =	vld [tilespmem:s0+$0x13D90]  }
0x42c: {  	[tilespmem:s0+$0x1A150] =	vst v4;
	v4 =	vld [tilespmem:s0+$0x13DA0]  }
0x42d: {  	[tilespmem:s0+$0x1A160] =	vst v0;
	v5 =	vld [tilespmem:s0+$0x13DB0]  }
0x42e: {  	[tilespmem:s0+$0x1A170] =	vst v1;
	v6 =	vld [tilespmem:s0+$0x13DC0]  }
0x42f: {  	[tilespmem:s0+$0x1A180] =	vst v2;
	v7 =	vld [tilespmem:s0+$0x13DD0]  }
0x430: {  	[tilespmem:s0+$0x1A190] =	vst v3;
	v8 =	vld [tilespmem:s0+$0x13DE0]  }
.Ltmp23:
0x431: {  	[tilespmem:s0+$0x1A1A0] =	vst v4;
	v0 =	vld [tilespmem:s0+$0x13DF0];
	(pc) =	sbr.rel @p1 .LBB2_31-.Ltmp23, $4  }
0x432: {  	[tilespmem:s0+$0x1A1B0] =	vst v5;
	v1 =	vld [tilespmem:s0+$0x13E00]  }
0x433: {  	[tilespmem:s0+$0x1A1C0] =	vst v6;
	v2 =	vld [tilespmem:s0+$0x13E10]  }
0x434: {  	[tilespmem:s0+$0x1A1D0] =	vst v7;
	v3 =	vld [tilespmem:s0+$0x13E20]  }
0x435: {  	s8 =	sshra.s32 s2, $0x2;
	s2 =	sadd.s32 $0xC80, s2;
	[tilespmem:s0+$0x1A1E0] =	vst v8;
	v4 =	vld [tilespmem:s0+$0x13E30]  }
0x436: {  	v5 =	vld [tilespmem:s8+$0x13E40];
	[tilespmem:s0+$0x1A1F0] =	vst v0  }
0x437: {  	v0 =	vld [tilespmem:s8+$0x13B30];
	[tilespmem:s0+$0x1A200] =	vst v1  }
0x438: {  	v1 =	vld [tilespmem:s8+$0x13B40];
	[tilespmem:s0+$0x1A210] =	vst v2  }
0x439: {  	v2 =	vld [tilespmem:s8+$0x13B50];
	[tilespmem:s0+$0x1A220] =	vst v3  }
0x43a: {  	v3 =	vld [tilespmem:s8+$0x13B60];
	[tilespmem:s0+$0x1A230] =	vst v4  }
0x43b: {  	v4 =	vld [tilespmem:s8+$0x13B70];
	[tilespmem:s8+$0x1A240] =	vst v5  }
0x43c: {  	v20 =	vld [tilespmem:s8+$0x13B80];
	[tilespmem:s8+$0x19F30] =	vst v0  }
0x43d: {  	v21 =	vld [tilespmem:s8+$0x13B90];
	[tilespmem:s8+$0x19F40] =	vst v1  }
0x43e: {  	v22 =	vld [tilespmem:s8+$0x13BA0];
	[tilespmem:s8+$0x19F50] =	vst v2  }
0x43f: {  	v23 =	vld [tilespmem:s8+$0x13BB0];
	[tilespmem:s8+$0x19F60] =	vst v3  }
0x440: {  	v24 =	vld [tilespmem:s8+$0x13BC0];
	[tilespmem:s8+$0x19F70] =	vst v4  }
0x441: {  	v25 =	vld [tilespmem:s8+$0x13BD0];
	[tilespmem:s8+$0x19F80] =	vst v20  }
0x442: {  	v26 =	vld [tilespmem:s8+$0x13BE0];
	[tilespmem:s8+$0x19F90] =	vst v21  }
0x443: {  	v27 =	vld [tilespmem:s8+$0x13BF0];
	[tilespmem:s8+$0x19FA0] =	vst v22  }
0x444: {  	v28 =	vld [tilespmem:s8+$0x13C00];
	[tilespmem:s8+$0x19FB0] =	vst v23  }
0x445: {  	v29 =	vld [tilespmem:s8+$0x13C10];
	[tilespmem:s8+$0x19FC0] =	vst v24  }
0x446: {  	v30 =	vld [tilespmem:s8+$0x13C20];
	[tilespmem:s8+$0x19FD0] =	vst v25  }
0x447: {  	v31 =	vld [tilespmem:s8+$0x13C30];
	[tilespmem:s8+$0x19FE0] =	vst v26  }
0x448: {  	v32 =	vld [tilespmem:s8+$0x13C40];
	[tilespmem:s8+$0x19FF0] =	vst v27  }
0x449: {  	v33 =	vld [tilespmem:s8+$0x13C50];
	[tilespmem:s8+$0x1A000] =	vst v28  }
0x44a: {  	v34 =	vld [tilespmem:s8+$0x13C60];
	[tilespmem:s8+$0x1A010] =	vst v29  }
0x44b: {  	v35 =	vld [tilespmem:s8+$0x13C70];
	[tilespmem:s8+$0x1A020] =	vst v30  }
0x44c: {  	v36 =	vld [tilespmem:s8+$0x13C80];
	[tilespmem:s8+$0x1A030] =	vst v31  }
0x44d: {  	v37 =	vld [tilespmem:s8+$0x13C90];
	[tilespmem:s8+$0x1A040] =	vst v32  }
0x44e: {  	v38 =	vld [tilespmem:s8+$0x13CA0];
	[tilespmem:s8+$0x1A050] =	vst v33  }
0x44f: {  	v39 =	vld [tilespmem:s8+$0x13CB0];
	[tilespmem:s8+$0x1A060] =	vst v34  }
0x450: {  	v40 =	vld [tilespmem:s8+$0x13CC0];
	[tilespmem:s8+$0x1A070] =	vst v35  }
0x451: {  	v41 =	vld [tilespmem:s8+$0x13CD0];
	[tilespmem:s8+$0x1A080] =	vst v36  }
0x452: {  	v42 =	vld [tilespmem:s8+$0x13CE0];
	[tilespmem:s8+$0x1A090] =	vst v37  }
0x453: {  	v43 =	vld [tilespmem:s8+$0x13CF0];
	[tilespmem:s8+$0x1A0A0] =	vst v38  }
0x454: {  	v44 =	vld [tilespmem:s8+$0x13D00];
	[tilespmem:s8+$0x1A0B0] =	vst v39  }
0x455: {  	v45 =	vld [tilespmem:s8+$0x13D10];
	[tilespmem:s8+$0x1A0C0] =	vst v40  }
0x456: {  	v46 =	vld [tilespmem:s8+$0x13D20];
	[tilespmem:s8+$0x1A0D0] =	vst v41  }
0x457: {  	v47 =	vld [tilespmem:s8+$0x13D30];
	[tilespmem:s8+$0x1A0E0] =	vst v42  }
0x458: {  	v48 =	vld [tilespmem:s8+$0x13D40];
	[tilespmem:s8+$0x1A0F0] =	vst v43  }
0x459: {  	v49 =	vld [tilespmem:s8+$0x13D50];
	[tilespmem:s8+$0x1A100] =	vst v44  }
0x45a: {  	v50 =	vld [tilespmem:s8+$0x13D60];
	[tilespmem:s8+$0x1A110] =	vst v45  }
0x45b: {  	v51 =	vld [tilespmem:s8+$0x13D70];
	[tilespmem:s8+$0x1A120] =	vst v46  }
0x45c: {  	v52 =	vld [tilespmem:s8+$0x13D80];
	[tilespmem:s8+$0x1A130] =	vst v47  }
0x45d: {  	v53 =	vld [tilespmem:s8+$0x13D90];
	[tilespmem:s8+$0x1A140] =	vst v48  }
0x45e: {  	v54 =	vld [tilespmem:s8+$0x13DA0];
	[tilespmem:s8+$0x1A150] =	vst v49  }
0x45f: {  	v55 =	vld [tilespmem:s8+$0x13DB0];
	[tilespmem:s8+$0x1A160] =	vst v50  }
0x460: {  	v56 =	vld [tilespmem:s8+$0x13DC0];
	[tilespmem:s8+$0x1A170] =	vst v51  }
0x461: {  	v57 =	vld [tilespmem:s8+$0x13DD0];
	[tilespmem:s8+$0x1A180] =	vst v52  }
0x462: {  	v58 =	vld [tilespmem:s8+$0x13DE0];
	[tilespmem:s8+$0x1A190] =	vst v53  }
0x463: {  	v59 =	vld [tilespmem:s8+$0x13DF0];
	[tilespmem:s8+$0x1A1A0] =	vst v54  }
0x464: {  	v60 =	vld [tilespmem:s8+$0x13E00];
	[tilespmem:s8+$0x1A1B0] =	vst v55  }
0x465: {  	v61 =	vld [tilespmem:s8+$0x13E10];
	[tilespmem:s8+$0x1A1C0] =	vst v56  }
0x466: {  	v62 =	vld [tilespmem:s8+$0x13E20];
	[tilespmem:s8+$0x1A1D0] =	vst v57  }
0x467: {  	s31 =	sadd.s32 s14, s31;
	s30 =	sadd.s32 $0x1, s30;
	v63 =	vld [tilespmem:s8+$0x13E30];
	[tilespmem:s8+$0x1A1E0] =	vst v58  }
0x468: {  	p1 =	sne.s32 s30, $0x10;
	s0 =	smul.u32 $0x640, s31;
	[tilespmem:s8+$0x1A1F0] =	vst v59  }
.Ltmp24:
0x469: {  	[tilespmem:s8+$0x1A200] =	vst v60;
	(pc) =	sbr.rel @p1 .LBB2_28-.Ltmp24, $4  }
.Ltmp25:
0x46a: {  	[tilespmem:s8+$0x1A210] =	vst v61;
	(pc) =	sbr.rel @!p1 .LBB2_33-.Ltmp25, $4  }
0x46b: {  	[tilespmem:s8+$0x1A220] =	vst v62  }
0x46c: {  	s0 =	sadd.s32 s4, s0;
	[tilespmem:s8+$0x1A230] =	vst v63  }
0x46d: {  	[hbm4b:s0+s1] =	stream.linear.scatter [tilespmem:s29], [sflag:$0x8], $0x3200, $0x38;
	[tilespmem:$0x1D440] =	vst v63  }
0x46e: {  	_ = 	snop  }
.LBB2_34:
0x46f: {  	_ =	sfence.sel $0x180000  }
0x470: {  	[bflag:$0x0] =	sbarrier.arrive $0xFFFF  }
0x471: {  	_ =	strace $0x9000004A  }
0x472: {  	s0 =	stileid.u32;
	[bflag:$0x2] =	sbarrier.arrive $0xFFFF  }
0x473: {  	p0 =	sne.s32 s0, $0x0;
	s0 =	rddreg [dreg:$0x2]  }
0x474: {  	s0 =	sadd.s32 @!p0 $0x100000, s0  }
0x475: {  	[sflag:s0] =	ssyncadd.tile.s32 @!p0 $0x1;
	_ =	shalt  }
.Lfunc_end2:
_tile_overlayer_lowered:
.L_overlay_start_2:
0x476: {  	(tag) =	ssettag $0x2  }
0x477: {  	s0 =	rddreg [dreg:$0x0];
	s2 =	stileid.u32  }
0x478: {  	s1 =	rddreg [dreg:$0x1];
	p0 =	sne.s32 s2, $0x0  }
0x479: {  	s3 =	rddreg [dreg:$0x2];
	[bflag:$0x3] =	sbarrier.arrive $0xFFFF;
	s2 =	simm.s32 @!p0 $0x1C09  }
0x47a: {  	[timem:s3], [sflag:s2] =	dma.local @!p0 [hbm:s0], s1  }
0x47b: {  	s0 =	simm.s32 @!p0 $0x9  }
0x47c: {  	_ =	swait.ge @!p0 [sflag:s0], s1  }
0x47d: {  	s1 =	ssub.s32 @!p0 $0x0, s1;
	[sflag:s0] =	ssyncset.done @!p0 $0x0  }
0x47e: {  	[sflag:s0] =	ssyncadd.s32 @!p0 s1  }
0x47f: {  	[bflag:$0x3] =	sbarrier.arrive $0xFFFF  }
0x480: {  	_ =	shalt  }

// kernel: sparse-core-data-format-call.1.cloned.1.call-start
scs
called_computation.1_lowered:
.L_overlay_start_0:
0x0: {  	s1 =	sld [smem:$0x3FD9]  }
0x1: {  	s2 =	sld [smem:$0x3FFE];
	_ =	sdelay $0x1  }
0x2: {  	s3 =	srdreg.scid  }
0x3: {  	s0 =	sand.u32 $0x1, s3  }
0x4: {  	s17 =	sshll.u32 s0, $0xA;
	s1 =	sadd.s32 s2, s1  }
0x5: {  	s1 =	sadd.s32 s1, s17  }
0x6: {  	[smem:$0x3FC6] =	sst s1  }
0x7: {  	_ = 	snop  }
0x8: {  	(tm) =	ssettm $0x1  }
0x9: {  	s18 =	sld [smem:$0x3FFB];
	_ =	sdelay $0x3  }
0xa: {  	_ =	strace s18  }
0xb: {  	s1 =	sld [smem:$0x3FFC];
	_ =	sdelay $0x3  }
0xc: {  	_ =	strace s1  }
0xd: {  	s1 =	sld [smem:$0x3FFD];
	_ =	sdelay $0x3  }
0xe: {  	_ =	strace s1  }
0xf: {  	_ =	strace $0x8FFFFFFF  }
0x10: {  	s19 =	sld [smem:$0x3FDB];
	_ =	sdelay $0x1  }
0x11: {  	s20 =	simm.s32 $_scs_section_size  }
0x12: {  	s4 =	simm.s32 $_size__tile_overlayer_lowered;
	s5 =	simm.s32 $_tile_overlayer_lowered  }
0x13: {  	s23 =	simm.s32 $0x1BFF;
	s22 =	sshll.u32 s5, $0x1;
	s1 =	sadd.s32 s20, s19  }
0x14: {  	s6 =	simm.s32 $0x0;
	s21 =	sshll.u32 s4, $0x1;
	s4 =	sadd.s32 s22, s1  }
0x15: {  	[timem:s6], [sflag:s23] =	dma.local [hbm:s4], s21  }
0x16: {  	_ =	swait.ge [sflag:s23], s21  }
0x17: {  	s2 =	ssub.s32 $0x0, s21;
	[sflag:s23] =	ssyncset.done $0x0  }
0x18: {  	[sflag:s23] =	ssyncadd.s32 s2;
	_ =	sdelay $0x1  }
0x19: {  	s24 =	simm.s32 $0x1B8B  }
0x1a: {  	_ =	swait.ge [sflag:s24], $0x1  }
0x1b: {  	[sflag:s24] =	ssyncset.done $0x0  }
0x1c: {  	s26 =	simm.s32 $0x1B8E;
	s25 =	sld [smem:$0x3FFE];
	[sflag:s24] =	ssyncadd.s32 $0xFFFFFFFF  }
0x1d: {  	s27 =	simm.s32 $execute0_lowered;
	[smem:$0x3FD2] =	sst s26  }
0x1e: {  	s4 =	sshll.u32 s27, $0x1;
	_ =	strace $0x80000046;
	[dreg:$0x1] =	wrdreg $0xFFFFFFFF  }
0x1f: {  	s28 =	simm.s32 $_size_execute0_lowered;
	s1 =	sadd.s32 s1, s4;
	[dreg:$0x0] =	wrdreg $0x0  }
0x20: {  	s4 =	sshll.u32 s28, $0x1;
	[dreg:$0x2] =	wrdreg s1  }
0x21: {  	[dreg:$0x3] =	wrdreg s4  }
0x22: {  	[dreg:$0x4] =	wrdreg $0xC0  }
0x23: {  	_ =	task [dreg:s6], $0x5FFFF  }
0x24: {  	[dreg:$0x1] =	wrdreg $0xFFFFFFFF  }
0x25: {  	[dreg:$0x0] =	wrdreg $0x60  }
0x26: {  	[dreg:$0x2] =	wrdreg s25  }
0x27: {  	[dreg:$0x3] =	wrdreg $0x9  }
0x28: {  	_ =	task.clear_ibuf [dreg:s6], $0x4FFFF;
	_ =	strace $0x90000046  }
0x29: {  	s29 =	simm.s32 $0x9;
	_ =	strace $0x80000048  }
0x2a: {  	_ =	swait.ge [sflag:s29], $0x1  }
0x2b: {  	[sflag:s29] =	ssyncadd.s32 $0xFFFFFFFF  }
0x2c: {  	_ =	strace $0x90000048  }
0x2d: {  	_ =	sfence  }
0x2e: {  	s30 =	sld [smem:$0x0];
	_ =	sdelay $0x2  }
0x2f: {  	s31 =	sshll.u32 s3, $0xD;
	s3 =	sshrl.u32 s3, $0x2  }
0x30: {  	s2 =	sand.u32 $0x4000, s31;
	s1 =	sadd.s32 s3, s30  }
0x31: {  	s0 =	sor.u32 s2, s0;
	s1 =	sshll.u32 s1, $0x11  }
0x32: {  	s0 =	sor.u32 s1, s0  }
0x33: {  	s0 =	sadd.s32 $0x8F2B, s0  }
0x34: {  	[sflag:s0] =	ssyncadd.remote.s32 $0x1  }
0x35: {  	_ =	sfence.sel $0xFFFF  }
0x36: {  	[dreg:$0x0] =	wrdreg $0xFFFFFFFF;
	(pc) =	sbr.abs _section_cstart, $3  }
0x37: {  	[dreg:$0x1] =	wrdreg $0xFFFFFFFF  }
0x38: {  	_ =	task.clear_ibuf [dreg:s6], $0x2FFFF;
	_ =	strace $0x9FFFFFFF  }
0x39: {  	(tm) =	ssettm $0x7FFFFFFF  }
tec
execute0_lowered:
.L_overlay_start_1:
0x0: {  	(tag) =	ssettag $0x1  }
0x1: {  	s0 =	srdreg.scid  }
0x2: {  	s5 =	rddreg [dreg:$0x0];
	s1 =	stileid.u32;
	s4 =	simm.s32 $0x1  }
0x3: {  	s6 =	simm.s32 $0x2;
	s8 =	simm.s32 $0x0;
	s2 =	sshll.u32 s0, $0x4  }
0x4: {  	s9 =	simm.s32 $0x0;
	s13 =	simm.s32 $0x0;
	s2 =	sand.u32 $0x10, s2  }
.Ltmp0:
0x5: {  	s10 =	simm.s32 $0x0;
	s3 =	sor.u32 s1, s2;
	(pc) =	sbr.rel .LBB1_1-.Ltmp0, $4  }
0x6: {  	s0 =	rddreg [dreg:$0x1];
	_ =	strace $0x80000047;
	s3 =	sshll.u32 s3, $0x4  }
0x7: {  	s12 =	simm.s32 $0x0;
	[sflag:s4] =	ssyncpa.u1 $0x0;
	s7 =	ssub.s32 $0x3D00, s3  }
0x8: {  	s2 =	sadd.s32 $0x1200, s5;
	[sflag:s6] =	ssyncpa.u1 $0x0;
	s6 =	sshrl.u32 s7, $0x9  }
0x9: {  	s5 =	sadd.s32 $0x1E9800, s5;
	s11 =	smov.u32 s3;
	s7 =	sadd.s32 $0x2, s6  }
.LBB1_7:
0xa: {  	s15 =	sshll.u32 s12, $0xF  }
0xb: {  	s15 =	sand.u32 $0x8000, s15  }
0xc: {  	s16 =	sshll.u32 s10, $0x7;
	s15 =	sshrl.u32 s15, $0x1  }
0xd: {  	s16 =	sadd.s32 s5, s16;
	s15 =	sor.u32 $0x8000, s15  }
0xe: {  	[hbm4b:s16+s8] =	stream.linear.scatter [tilespmem:s15], [sflag:$0x2], s14, $0x38;
	[tilespmem:$0x10000] =	vst v63  }
.LBB1_8:
0xf: {  	p0 =	slt.u32 s12, $0x2  }
0x10: {  	p1 =	sgt.s32 @!p0 s13, $0x3CF9  }
0x11: {  	s14 =	smov.u32 s13;
	s15 =	sshra.s32 @!p0 s13, $0x1F;
	p1 =	por !p1, p0  }
0x12: {  	s13 =	sand.u32 @!p0 s15, s13;
	s14 =	simm.s32 @p1 $0x3CF9  }
0x13: {  	s13 =	ssub.s32 @!p0 s14, s13  }
0x14: {  	s13 =	sadd.s32 @!p0 $0xFFFFC307, s13  }
0x15: {  	s14 =	sshll.u32 @!p0 s13, $0xC  }
0x16: {  	p1 =	sgt.s32 @!p0 s13, $0xF;
	s13 =	ssub.s32 @!p0 $0x10000, s14  }
0x17: {  	s15 =	sadd.s32 $0x200, s11;
	p1 =	por !p1, p0;
	s13 =	sshrl.u32 @!p0 s13, $0x2  }
0x18: {  	s13 =	simm.s32 @!p1 $0x0;
	p1 =	sgt.s32 s15, $0x3D08  }
0x19: {  	s15 =	smov.u32 @p1 s3;
	p1 =	sne.s32 s12, s7  }
.Ltmp1:
0x1a: {  	_ = 	snop;
	(pc) =	sbr.rel @!p1 .LBB1_9-.Ltmp1, $4  }
0x1b: {  	s14 =	simm.s32 @!p0 $0x2  }
0x1c: {  	s9 =	sadd.s32 $0x8000, s9;
	_ =	swait.ge @!p0 [sflag:s14], s13;
	s16 =	ssub.s32 @!p0 $0x0, s13  }
0x1d: {  	s13 =	smov.u32 s10;
	s12 =	sadd.s32 $0x1, s12;
	[sflag:s14] =	ssyncset.done @!p0 $0x0  }
0x1e: {  	s10 =	smov.u32 s11;
	s11 =	smov.u32 s15;
	[sflag:s14] =	ssyncadd.s32 @!p0 s16  }
.LBB1_1:
0x1f: {  	p0 =	sgt.u32 s12, s6  }
0x20: {  	p1 =	sgt.s32 @!p0 s11, $0x3CF9  }
0x21: {  	s14 =	smov.u32 s11;
	s15 =	sshra.s32 @!p0 s11, $0x1F;
	p1 =	por !p1, p0  }
0x22: {  	s15 =	sand.u32 @!p0 s15, s11;
	s14 =	simm.s32 @p1 $0x3CF9  }
0x23: {  	s14 =	ssub.s32 @!p0 s14, s15  }
0x24: {  	s14 =	sadd.s32 @!p0 $0xFFFFC307, s14  }
0x25: {  	s16 =	sshll.u32 @!p0 s11, $0x7;
	s17 =	simm.s32 @!p0 $0x0;
	s15 =	sshll.u32 @!p0 s14, $0xC  }
0x26: {  	p1 =	sgt.s32 @!p0 s14, $0xF;
	s14 =	ssub.s32 @!p0 $0x10000, s15;
	s15 =	sxor.u32 @!p0 $0xFFFFFFFF, s12  }
0x27: {  	p1 =	por !p1, p0;
	s14 =	sshrl.u32 @!p0 s14, $0x2;
	s15 =	sshll.u32 @!p0 s15, $0xE  }
0x28: {  	s16 =	sadd.s32 @!p0 s2, s16;
	s14 =	simm.s32 @!p1 $0x0;
	s15 =	sand.u32 @!p0 $0x4000, s15  }
0x29: {  	[tilespmem:s15], [sflag:$0x1] =	stream.linear.gather @!p0 [hbm4b:s16+s17], s14, $0x38;
	[tilespmem:$0x10000] =	vst v63  }
0x2a: {  	p0 =	seq.s32 s12, $0x0  }
0x2b: {  	p1 =	sge.u32 @!p0 s12, s7  }
0x2c: {  	p0 =	por p0, p1  }
.Ltmp2:
0x2d: {  	_ = 	snop;
	(pc) =	sbr.rel @p0 .LBB1_8-.Ltmp2, $1  }
0x2e: {  	_ =	sdelay $0x3  }
0x2f: {  	p0 =	sgt.s32 s10, $0x3CF9;
	s14 =	smov.u32 s10;
	s15 =	sshra.s32 s10, $0x1F  }
0x30: {  	s14 =	simm.s32 @!p0 $0x3CF9;
	s15 =	sand.u32 s15, s10  }
0x31: {  	s14 =	ssub.s32 s14, s15  }
0x32: {  	s16 =	sadd.s32 $0x10, s10;
	s14 =	sadd.s32 $0xFFFFC307, s14  }
0x33: {  	p1 =	slt.s32 s16, $0x3D09;
	s30 =	sshll.u32 s14, $0xC  }
0x34: {  	s16 =	simm.s32 @!p1 $0x3D09;
	s15 =	ssub.s32 $0x10000, s30  }
0x35: {  	p0 =	sgt.s32 s14, $0xF;
	s14 =	sshrl.u32 s15, $0x2;
	s15 =	ssub.s32 s16, s10  }
0x36: {  	s14 =	simm.s32 @p0 $0x0;
	p0 =	slt.s32 s15, $0x1  }
.Ltmp3:
0x37: {  	_ = 	snop;
	(pc) =	sbr.rel @p0 .LBB1_7-.Ltmp3, $4  }
0x38: {  	_ = 	snop  }
0x39: {  	_ =	swait.ge [sflag:s4], s14  }
0x3a: {  	s31 =	ssub.s32 $0x0, s14;
	[sflag:s4] =	ssyncset.done $0x0  }
0x3b: {  	[sflag:s4] =	ssyncadd.s32 s31  }
0x3c: {  	s16 =	sshrl.u32 s9, $0x1  }
0x3d: {  	s17 =	sand.u32 $0x4000, s16  }
0x3e: {  	s18 =	simm.s32 $0x0;
	s16 =	sor.u32 $0x200, s17;
	s17 =	sor.u32 $0x8080, s17  }
.LBB1_4:
0x3f: {  	v0 =	vld [tilespmem:s16+$0xFFFFFE70]  }
0x40: {  	v1 =	vld [tilespmem:s16+$0x70]  }
0x41: {  	v2 =	vld [tilespmem:s16+$0x0]  }
0x42: {  	v3 =	vld [tilespmem:s16+$0xFFFFFE10]  }
0x43: {  	v4 =	vld [tilespmem:s16+$0x10]  }
0x44: {  	v5 =	vld [tilespmem:s16+$0xFFFFFE20]  }
0x45: {  	v7 =	vld [tilespmem:s16+$0x20]  }
0x46: {  	v11 =	vld [tilespmem:s16+$0x30];
	v6 =	vunpack.i.l.s16.s32 v0;
	v8 =	vunpack.i.u.s16.s32 v0;
	v9 =	vunpack.i.u.s16.s32 v1  }
0x47: {  	v10 =	vunpack.i.l.s16.s32 v1;
	v0 =	vunpack.i.u.s16.s32 v2;
	v1 =	vunpack.i.l.s16.s32 v2;
	v2 =	vld [tilespmem:s16+$0xFFFFFE30]  }
0x48: {  	v8 =	vpack.i.b32.b16 v9, v8;
	v9 =	vunpack.i.u.s16.s32 v3;
	v3 =	vunpack.i.l.s16.s32 v3  }
0x49: {  	v12 =	vld [tilespmem:s16+$0xFFFFFE40];
	v6 =	vpack.i.b32.b16 v10, v6;
	[tilespmem:s17+$0x70] =	vst v8;
	v8 =	vunpack.i.u.s16.s32 v4;
	v4 =	vunpack.i.l.s16.s32 v4  }
0x4a: {  	v13 =	vld [tilespmem:s16+$0x40];
	v10 =	vunpack.i.u.s16.s32 v5;
	v5 =	vunpack.i.l.s16.s32 v5;
	[tilespmem:s17+$0xFFFFFFF0] =	vst v6;
	v3 =	vpack.i.b32.b16 v4, v3  }
0x4b: {  	v6 =	vunpack.i.l.s16.s32 v7;
	v4 =	vld [tilespmem:s16+$0xFFFFFE50];
	[tilespmem:s17+$0xFFFFFF90] =	vst v3;
	v3 =	vpack.i.b32.b16 v8, v9;
	v8 =	vunpack.i.u.s16.s32 v7  }
0x4c: {  	v7 =	vunpack.i.l.s16.s32 v11;
	[tilespmem:s17+$0x10] =	vst v3;
	v3 =	vpack.i.b32.b16 v6, v5;
	v9 =	vunpack.i.u.s16.s32 v2;
	v6 =	vld [tilespmem:s16+$0x50]  }
0x4d: {  	v5 =	vunpack.i.l.s16.s32 v2;
	v2 =	vld [tilespmem:s16+$0xFFFFFE60];
	[tilespmem:s17+$0xFFFFFFA0] =	vst v3;
	v3 =	vpack.i.b32.b16 v8, v10;
	v10 =	vunpack.i.u.s16.s32 v11  }
0x4e: {  	s21 =	simm.s32 $0x0;
	v11 =	vpack.i.b32.b16 v7, v5;
	v7 =	vunpack.i.u.s16.s32 v12;
	v8 =	vunpack.i.l.s16.s32 v12;
	[tilespmem:s17+$0x20] =	vst v3;
	v3 =	vld [tilespmem:s16+$0x60]  }
0x4f: {  	s22 =	sadd.s32 $0x80, s16;
	s20 =	smov.u32 s17;
	s19 =	smov.u32 s17;
	v5 =	vld [tilespmem:s16+$0xFFFFFE00];
	[tilespmem:s17+$0xFFFFFFB0] =	vst v11;
	v10 =	vpack.i.b32.b16 v10, v9;
	v9 =	vunpack.i.u.s16.s32 v13;
	v11 =	vunpack.i.l.s16.s32 v13  }
.LBB1_5:
0x50: {  	v12 =	vld [tilespmem:s22+$0xFFFFFE70];
	[tilespmem:s20+$0x30] =	vst v10;
	v8 =	vpack.i.b32.b16 v11, v8;
	v10 =	vunpack.i.u.s16.s32 v4;
	v4 =	vunpack.i.l.s16.s32 v4  }
0x51: {  	s21 =	sadd.s32 $0x2, s21;
	v7 =	vpack.i.b32.b16 v9, v7;
	v11 =	vld [tilespmem:s22+$0x70];
	[tilespmem:s20+$0xFFFFFFC0] =	vst v8;
	v8 =	vunpack.i.u.s16.s32 v6;
	v6 =	vunpack.i.l.s16.s32 v6  }
0x52: {  	p0 =	slt.u32 s21, $0x6;
	v9 =	vld [tilespmem:s22+$0x0];
	[tilespmem:s20+$0x40] =	vst v7;
	v4 =	vpack.i.b32.b16 v6, v4;
	v6 =	vunpack.i.u.s16.s32 v2;
	v2 =	vunpack.i.l.s16.s32 v2  }
0x53: {  	v7 =	vld [tilespmem:s22+$0xFFFFFE10];
	[tilespmem:s20+$0xFFFFFFD0] =	vst v4;
	v4 =	vpack.i.b32.b16 v8, v10;
	v8 =	vunpack.i.u.s16.s32 v3;
	v3 =	vunpack.i.l.s16.s32 v3  }
0x54: {  	v10 =	vld [tilespmem:s22+$0x10];
	v13 =	vunpack.i.u.s16.s32 v5;
	v5 =	vunpack.i.l.s16.s32 v5;
	[tilespmem:s20+$0x50] =	vst v4;
	v2 =	vpack.i.b32.b16 v3, v2  }
0x55: {  	v3 =	vld [tilespmem:s22+$0xFFFFFE20];
	v4 =	vunpack.i.l.s16.s32 v12;
	v1 =	vpack.i.b32.b16 v1, v5;
	v5 =	vpack.i.b32.b16 v0, v13;
	[tilespmem:s20+$0xFFFFFFE0] =	vst v2  }
0x56: {  	v12 =	vunpack.i.u.s16.s32 v12;
	v2 =	vld [tilespmem:s22+$0x20];
	v13 =	vunpack.i.u.s16.s32 v11;
	v11 =	vunpack.i.l.s16.s32 v11;
	[tilespmem:s20+$0xFFFFFF80] =	vst v1  }
0x57: {  	s20 =	sadd.s32 $0x100, s20;
	v0 =	vunpack.i.u.s16.s32 v9;
	v1 =	vunpack.i.l.s16.s32 v9;
	v9 =	vld [tilespmem:s22+$0xFFFFFE30];
	v12 =	vpack.i.b32.b16 v13, v12;
	[tilespmem:s19+$0x0] =	vst v5  }
0x58: {  	v6 =	vpack.i.b32.b16 v8, v6;
	v5 =	vunpack.i.u.s16.s32 v7;
	v7 =	vunpack.i.l.s16.s32 v7;
	v13 =	vld [tilespmem:s22+$0x30];
	[tilespmem:s20+$0x70] =	vst v12  }
0x59: {  	v4 =	vpack.i.b32.b16 v11, v4;
	v8 =	vunpack.i.u.s16.s32 v10;
	v10 =	vunpack.i.l.s16.s32 v10;
	v12 =	vld [tilespmem:s22+$0xFFFFFE40];
	[tilespmem:s19+$0x60] =	vst v6;
	s19 =	smov.u32 s20  }
0x5a: {  	v6 =	vpack.i.b32.b16 v10, v7;
	v7 =	vunpack.i.u.s16.s32 v3;
	v3 =	vunpack.i.l.s16.s32 v3;
	v11 =	vld [tilespmem:s22+$0x40];
	[tilespmem:s20+$0xFFFFFFF0] =	vst v4  }
.Ltmp4:
0x5b: {  	v5 =	vpack.i.b32.b16 v8, v5;
	[tilespmem:s20+$0xFFFFFF90] =	vst v6;
	v8 =	vunpack.i.u.s16.s32 v2;
	v2 =	vunpack.i.l.s16.s32 v2;
	v4 =	vld [tilespmem:s22+$0xFFFFFE50];
	(pc) =	sbr.rel @p0 .LBB1_5-.Ltmp4, $4  }
0x5c: {  	[tilespmem:s20+$0x10] =	vst v5;
	v2 =	vpack.i.b32.b16 v2, v3;
	v10 =	vunpack.i.u.s16.s32 v9;
	v3 =	vunpack.i.l.s16.s32 v9;
	v6 =	vld [tilespmem:s22+$0x50]  }
0x5d: {  	v5 =	vpack.i.b32.b16 v8, v7;
	[tilespmem:s20+$0xFFFFFFA0] =	vst v2;
	v9 =	vunpack.i.u.s16.s32 v13;
	v7 =	vunpack.i.l.s16.s32 v13;
	v2 =	vld [tilespmem:s22+$0xFFFFFE60]  }
0x5e: {  	[tilespmem:s20+$0x20] =	vst v5;
	v13 =	vpack.i.b32.b16 v7, v3;
	v7 =	vunpack.i.u.s16.s32 v12;
	v8 =	vunpack.i.l.s16.s32 v12;
	v3 =	vld [tilespmem:s22+$0x60]  }
0x5f: {  	v10 =	vpack.i.b32.b16 v9, v10;
	v5 =	vld [tilespmem:s22+$0xFFFFFE00];
	[tilespmem:s20+$0xFFFFFFB0] =	vst v13;
	v9 =	vunpack.i.u.s16.s32 v11;
	v11 =	vunpack.i.l.s16.s32 v11;
	s22 =	sadd.s32 $0x80, s22  }
0x60: {  	[tilespmem:s20+$0x30] =	vst v10;
	v8 =	vpack.i.b32.b16 v11, v8  }
0x61: {  	v51 =	vunpack.i.l.s16.s32 v4;
	v7 =	vpack.i.b32.b16 v9, v7;
	[tilespmem:s20+$0xFFFFFFC0] =	vst v8;
	v52 =	vunpack.i.l.s16.s32 v6  }
0x62: {  	v53 =	vunpack.i.u.s16.s32 v4;
	s18 =	sadd.s32 $0x1, s18;
	v54 =	vunpack.i.u.s16.s32 v6;
	[tilespmem:s20+$0x40] =	vst v7;
	v55 =	vpack.i.b32.b16 v52, v51  }
0x63: {  	p0 =	sne.s32 s18, s15;
	v56 =	vunpack.i.l.s16.s32 v2;
	v4 =	vpack.i.b32.b16 v54, v53;
	[tilespmem:s20+$0xFFFFFFD0] =	vst v55;
	v57 =	vunpack.i.l.s16.s32 v3  }
.Ltmp5:
0x64: {  	[tilespmem:s20+$0x50] =	vst v4;
	v58 =	vunpack.i.l.s16.s32 v5;
	v59 =	vpack.i.b32.b16 v57, v56;
	(pc) =	sbr.rel @p0 .LBB1_4-.Ltmp5, $4  }
.Ltmp6:
0x65: {  	v61 =	vunpack.i.u.s16.s32 v2;
	v62 =	vunpack.i.u.s16.s32 v3;
	v1 =	vpack.i.b32.b16 v1, v58;
	[tilespmem:s20+$0xFFFFFFE0] =	vst v59;
	(pc) =	sbr.rel @!p0 .LBB1_7-.Ltmp6, $4  }
0x66: {  	v60 =	vunpack.i.u.s16.s32 v5;
	v63 =	vpack.i.b32.b16 v62, v61;
	[tilespmem:s20+$0xFFFFFF80] =	vst v1  }
0x67: {  	v0 =	vpack.i.b32.b16 v0, v60;
	[tilespmem:s19+$0x60] =	vst v63  }
0x68: {  	s16 =	sadd.s32 $0x400, s16;
	s17 =	sadd.s32 $0x400, s17;
	[tilespmem:s19+$0x0] =	vst v0  }
0x69: {  	_ = 	snop  }
.LBB1_9:
0x6a: {  	_ =	sfence.sel $0x180000  }
0x6b: {  	s2 =	simm.s32 $0x1;
	[bflag:$0x0] =	sbarrier.arrive $0xFFFF  }
0x6c: {  	s31 =	simm.s32 $0x2;
	[sflag:s2] =	ssyncpa.u1 $0x1  }
0x6d: {  	[sflag:s31] =	ssyncpa.u1 $0x1  }
0x6e: {  	p0 =	sne.s32 s1, $0x0;
	_ =	strace $0x90000047  }
0x6f: {  	s0 =	sadd.s32 @!p0 $0x100000, s0;
	[bflag:$0x2] =	sbarrier.arrive $0xFFFF  }
0x70: {  	[sflag:s0] =	ssyncadd.tile.s32 @!p0 $0x1;
	_ =	shalt  }
.Lfunc_end1:
_tile_overlayer_lowered:
.L_overlay_start_2:
0x71: {  	(tag) =	ssettag $0x2  }
0x72: {  	s0 =	rddreg [dreg:$0x0];
	s2 =	stileid.u32  }
0x73: {  	s1 =	rddreg [dreg:$0x1];
	p0 =	sne.s32 s2, $0x0  }
0x74: {  	s3 =	rddreg [dreg:$0x2];
	[bflag:$0x3] =	sbarrier.arrive $0xFFFF;
	s2 =	simm.s32 @!p0 $0x1C01  }
0x75: {  	[timem:s3], [sflag:s2] =	dma.local @!p0 [hbm:s0], s1  }
0x76: {  	s0 =	simm.s32 @!p0 $0x1  }
0x77: {  	_ =	swait.ge @!p0 [sflag:s0], s1  }
0x78: {  	s1 =	ssub.s32 @!p0 $0x0, s1;
	[sflag:s0] =	ssyncset.done @!p0 $0x0  }
0x79: {  	[sflag:s0] =	ssyncadd.s32 @!p0 s1  }
0x7a: {  	[bflag:$0x3] =	sbarrier.arrive $0xFFFF  }
0x7b: {  	_ =	shalt  }

// kernel: sparse-core-data-format-call.cloned.1.call-start
scs
called_computation_lowered:
.L_overlay_start_0:
0x0: {  	s2 =	sld [smem:$0x3FD9]  }
0x1: {  	s3 =	sld [smem:$0x3FFE];
	_ =	sdelay $0x1  }
0x2: {  	s1 =	srdreg.scid  }
0x3: {  	s0 =	sand.u32 $0x1, s1  }
0x4: {  	s18 =	sshll.u32 s0, $0xA;
	s2 =	sadd.s32 s3, s2  }
0x5: {  	s2 =	sadd.s32 s2, s18  }
0x6: {  	[smem:$0x3FC6] =	sst s2  }
0x7: {  	_ = 	snop  }
0x8: {  	s2 =	sld [smem:$0x3FD0];
	(tm) =	ssettm $0x1  }
0x9: {  	s19 =	sld [smem:$0x3FFB];
	_ =	sdelay $0x3  }
0xa: {  	_ =	strace s19  }
0xb: {  	s3 =	sld [smem:$0x3FFC];
	_ =	sdelay $0x3  }
0xc: {  	_ =	strace s3  }
0xd: {  	s3 =	sld [smem:$0x3FFD];
	_ =	sdelay $0x3  }
0xe: {  	_ =	strace s3  }
0xf: {  	_ =	strace $0x8FFFFFFF  }
0x10: {  	s20 =	sld [smem:$0x3FDB];
	_ =	sdelay $0x1  }
0x11: {  	s4 =	simm.s32 $_scs_section_size  }
0x12: {  	s5 =	simm.s32 $_size__tile_overlayer_lowered;
	s6 =	simm.s32 $_tile_overlayer_lowered  }
0x13: {  	s23 =	simm.s32 $0x1BFF;
	s22 =	sshll.u32 s6, $0x1;
	s3 =	sadd.s32 s4, s20  }
0x14: {  	s7 =	simm.s32 $0x0;
	s21 =	sshll.u32 s5, $0x1;
	s5 =	sadd.s32 s22, s3  }
0x15: {  	[timem:s7], [sflag:s23] =	dma.local [hbm:s5], s21  }
0x16: {  	_ =	swait.ge [sflag:s23], s21  }
0x17: {  	s4 =	ssub.s32 $0x0, s21;
	[sflag:s23] =	ssyncset.done $0x0  }
0x18: {  	[sflag:s23] =	ssyncadd.s32 s4;
	_ =	sdelay $0x1  }
0x19: {  	s24 =	simm.s32 $0x1B8B  }
0x1a: {  	_ =	swait.ge [sflag:s24], $0x1  }
0x1b: {  	[sflag:s24] =	ssyncset.done $0x0  }
0x1c: {  	s26 =	simm.s32 $0x1B8E;
	s25 =	sld [smem:$0x3FFE];
	[sflag:s24] =	ssyncadd.s32 $0xFFFFFFFF  }
0x1d: {  	s27 =	simm.s32 $execute0_lowered;
	[smem:$0x3FD2] =	sst s26  }
0x1e: {  	s5 =	sshll.u32 s27, $0x1;
	_ =	strace $0x8000004C;
	[dreg:$0x1] =	wrdreg $0xFFFFFFFF  }
0x1f: {  	s28 =	simm.s32 $_size_execute0_lowered;
	s3 =	sadd.s32 s3, s5;
	[dreg:$0x0] =	wrdreg $0x0  }
0x20: {  	s5 =	sshll.u32 s28, $0x1;
	[dreg:$0x2] =	wrdreg s3  }
0x21: {  	[dreg:$0x3] =	wrdreg s5  }
0x22: {  	[dreg:$0x4] =	wrdreg $0xC0  }
0x23: {  	_ =	task [dreg:s7], $0x5FFFF  }
0x24: {  	[dreg:$0x1] =	wrdreg $0xFFFFFFFF  }
0x25: {  	[dreg:$0x0] =	wrdreg $0x60  }
0x26: {  	[dreg:$0x2] =	wrdreg s25  }
0x27: {  	[dreg:$0x3] =	wrdreg s2  }
0x28: {  	[dreg:$0x4] =	wrdreg $0x9  }
0x29: {  	_ =	task.clear_ibuf [dreg:s7], $0x5FFFF;
	_ =	strace $0x9000004C  }
0x2a: {  	s29 =	simm.s32 $0x9;
	_ =	strace $0x8000004E  }
0x2b: {  	_ =	swait.ge [sflag:s29], $0x1  }
0x2c: {  	[sflag:s29] =	ssyncadd.s32 $0xFFFFFFFF  }
0x2d: {  	_ =	strace $0x9000004E  }
0x2e: {  	_ =	sfence  }
0x2f: {  	s30 =	sld [smem:$0x0];
	_ =	sdelay $0x2  }
0x30: {  	s31 =	sshll.u32 s1, $0xD;
	s1 =	sshrl.u32 s1, $0x2  }
0x31: {  	s3 =	sand.u32 $0x4000, s31;
	s1 =	sadd.s32 s1, s30  }
0x32: {  	s0 =	sor.u32 s3, s0;
	s1 =	sshll.u32 s1, $0x11  }
0x33: {  	s0 =	sor.u32 s1, s0  }
0x34: {  	s0 =	sadd.s32 $0x8F2B, s0  }
0x35: {  	[sflag:s0] =	ssyncadd.remote.s32 $0x1  }
0x36: {  	_ =	sfence.sel $0xFFFF  }
0x37: {  	[dreg:$0x0] =	wrdreg $0xFFFFFFFF;
	(pc) =	sbr.abs _section_cstart, $3  }
0x38: {  	[dreg:$0x1] =	wrdreg $0xFFFFFFFF  }
0x39: {  	_ =	task.clear_ibuf [dreg:s7], $0x2FFFF;
	_ =	strace $0x9FFFFFFF  }
0x3a: {  	(tm) =	ssettm $0x7FFFFFFF  }
0x3b: {  	_ =	shalt  }
tec
execute0_lowered:
.L_overlay_start_1:
0x0: {  	(tag) =	ssettag $0x1  }
0x1: {  	s0 =	srdreg.scid  }
0x2: {  	s1 =	sshll.u32 s0, $0x4  }
0x3: {  	s0 =	stileid.u32;
	s1 =	sand.u32 $0x10, s1  }
0x4: {  	s1 =	sor.u32 s0, s1  }
0x5: {  	s6 =	rddreg [dreg:$0x0];
	s4 =	simm.s32 $0x1;
	s2 =	sshll.u32 s1, $0x7  }
0x6: {  	s7 =	simm.s32 $0x2;
	s13 =	simm.s32 $0x0;
	s1 =	ssub.s32 $0x4000, s2  }
0x7: {  	s8 =	simm.s32 $0x10000;
	s12 =	simm.s32 $0x0;
	s3 =	sand.u32 $0xF80, s1  }
0x8: {  	s9 =	simm.s32 $0x0;
	s5 =	sshrl.u32 s1, $0xC;
	p0 =	sne.s32 s3, $0x0  }
.Ltmp0:
0x9: {  	s1 =	rddreg [dreg:$0x2];
	s4 =	simm.s32 @!p0 $0x0;
	(pc) =	sbr.rel .LBB1_1-.Ltmp0, $4  }
0xa: {  	s11 =	simm.s32 $0x0;
	s3 =	rddreg [dreg:$0x1];
	s5 =	sadd.s32 s4, s5  }
0xb: {  	_ =	strace $0x8000004D;
	s4 =	simm.s32 $0x1;
	s5 =	smul.u32 $0x19, s5  }
0xc: {  	s6 =	sadd.s32 $0x191200, s6;
	s10 =	smov.u32 s2;
	[sflag:s4] =	ssyncpa.u1 $0x0  }
0xd: {  	p0 =	por $0x0, $0x0;
	[sflag:s7] =	ssyncpa.u1 $0x0;
	s7 =	sadd.s32 $0x1, s5  }
.LBB1_4:
0xe: {  	v1 =	vperm.xlane.i2c.b16 v1;
	v0 =	vperm.xlane.i2c.b16 v0;
	s16 =	sshra.s32 s16, $0x2;
	s17 =	sshll.u32 s12, $0x3;
	s18 =	sshll.u32 s12, $0x1  }
0xf: {  	s13 =	sshll.u32 s13, $0xF;
	s30 =	sshrl.u32 s12, $0x1;
	s31 =	sand.u32 $0x7, s12  }
0x10: {  	s15 =	sadd.s32 s16, s15;
	s29 =	sand.u32 $0xF0, s18;
	s17 =	sand.u32 $0x3C00, s17;
	v2 =	vcombine.low v0, v1  }
0x11: {  	s13 =	sadd.s32 s3, s13;
	s16 =	sor.u32 s29, s17;
	v0 =	vcombine.high v0, v1;
	s17 =	sand.u32 $0x7C00, s30  }
0x12: {  	s12 =	sshll.u32 s31, $0x12;
	s13 =	sadd.s32 s17, s13;
	s16 =	sshrl.u32 s16, $0x4;
	[tilespmem:s15+$0x0 ss:$0x81] =	vst.msk $0xffff, v2  }
0x13: {  	s12 =	sor.u32 $0x200, s12;
	s13 =	sadd.s32 s16, s13;
	[tilespmem:s15+$0x810 ss:$0x81] =	vst.msk $0xffff, v0  }
0x14: {  	[hbm4b:s13+s12] =	stream.strided.scatter [tilespmem:s14], [sflag:$0x2], $0x1000, s8, s12, $0x20;
	[tilespmem:$0x4040] =	vst v63  }
.LBB1_5:
0x15: {  	s14 =	sadd.s32 $0x2, s9  }
0x16: {  	s12 =	sadd.s32 $0x1000, s10;
	s16 =	smov.u32 s10;
	p2 =	sgt.s32 s14, $0x31  }
0x17: {  	s16 =	smov.u32 @p2 s12  }
0x18: {  	s14 =	simm.s32 @p2 $0x0;
	p2 =	sgt.s32 s16, $0x3FFF  }
0x19: {  	s16 =	smov.u32 @p2 s2;
	p2 =	sne.s32 s11, s7  }
.Ltmp1:
0x1a: {  	p1 =	slt.u32 s11, $0x2;
	(pc) =	sbr.rel @!p2 .LBB1_6-.Ltmp1, $4  }
0x1b: {  	s15 =	simm.s32 @!p1 $0x2  }
0x1c: {  	s13 =	smov.u32 s9;
	p0 =	por !p0, !p0;
	_ =	swait.ge @!p1 [sflag:s15], $0x1000  }
0x1d: {  	s12 =	smov.u32 s10;
	[sflag:s15] =	ssyncset.done @!p1 $0x0;
	s9 =	smov.u32 s14  }
0x1e: {  	s11 =	sadd.s32 $0x1, s11;
	[sflag:s15] =	ssyncadd.s32 @!p1 $0xFFFFF000;
	s10 =	smov.u32 s16  }
.LBB1_1:
0x1f: {  	p1 =	sge.u32 s11, s5  }
0x20: {  	s14 =	sand.u32 @!p1 $0x1FFFFFE, s9  }
0x21: {  	s15 =	smulhi.u32 @!p1 $0x4924925, s14;
	_ =	sdelay $0x1  }
0x22: {  	s15 =	smul.u32 @!p1 $0x38, s15  }
0x23: {  	s31 =	sadd.s32 $0xFFFFFFFF, s11;
	s16 =	smul.u32 @!p1 $0x1C0, s10  }
0x24: {  	s17 =	simm.s32 @!p1 $0xE00;
	s14 =	ssub.s32 @!p1 s14, s15;
	s15 =	sxor.u32 @!p1 $0xFFFFFFFF, s11  }
0x25: {  	s16 =	sadd.s32 @!p1 s6, s16;
	s14 =	sshll.u32 @!p1 s14, $0x3;
	s15 =	sshll.u32 @!p1 s15, $0xC  }
0x26: {  	s14 =	sadd.s32 @!p1 s14, s16;
	s15 =	sand.u32 @!p1 $0x1000, s15;
	s16 =	simm.s32 @!p1 $0x20  }
0x27: {  	[tilespmem:s15], [sflag:$0x1] =	stream.strided.gather @!p1 [hbm4b:s14+s16], $0x1000, s17, s16, $0x38;
	[tilespmem:$0x4040] =	vst v63  }
0x28: {  	p1 =	sge.u32 s31, s5  }
.Ltmp2:
0x29: {  	_ = 	snop;
	(pc) =	sbr.rel @p1 .LBB1_5-.Ltmp2, $1  }
0x2a: {  	_ =	sdelay $0x3  }
0x2b: {  	s14 =	simm.s32 $0x1  }
0x2c: {  	_ =	swait.ge [sflag:s4], $0x1000;
	s14 =	simm.s32 @!p0 $0x0  }
0x2d: {  	[sflag:s4] =	ssyncset.done $0x0;
	s15 =	smul.u32 $0x4080, s14;
	s14 =	sshll.u32 s14, $0xC  }
0x2e: {  	[sflag:s4] =	ssyncadd.s32 $0xFFFFF000;
	s18 =	sor.u32 $0x10, s14  }
0x2f: {  	v0 =	vld [tilespmem:s18+$0xFFFFFFF0]  }
0x30: {  	s16 =	sand.u32 $0x1, s11;
	v1 =	vld [tilespmem:s18+$0x0]  }
0x31: {  	s16 =	smul.u32 $0x4080, s16  }
0x32: {  	s17 =	simm.s32 $0x4  }
0x33: {  	s31 =	sshrl.u32 s16, $0x2;
	s16 =	simm.s32 $0x0;
	s15 =	sshrl.u32 s15, $0x2  }
0x34: {  	s14 =	sor.u32 $0x2000, s31;
	s18 =	sadd.s32 $0x20, s18;
	s15 =	sor.u32 $0x2000, s15  }
.LBB1_3:
0x35: {  	v2 =	vperm.xlane.i2c.b16 v1;
	v3 =	vperm.xlane.i2c.b16 v0;
	v0 =	vld [tilespmem:s18+$0xFFFFFFF0];
	s19 =	smov.u32 s17;
	p1 =	sne.s32 s17, $0x1FC  }
.Ltmp3:
0x36: {  	v1 =	vld [tilespmem:s18+$0x0];
	(pc) =	sbr.rel @p1 .LBB1_3-.Ltmp3, $4  }
0x37: {  	s17 =	sadd.s32 $0x4, s17;
	s16 =	sshra.s32 s16, $0x2;
	v4 =	vcombine.low v3, v2  }
0x38: {  	s20 =	sadd.s32 s16, s15;
	s16 =	smov.u32 s19;
	v2 =	vcombine.high v3, v2  }
0x39: {  	[tilespmem:s20+$0x0 ss:$0x81] =	vst.msk $0xffff, v4  }
0x3a: {  	s18 =	sadd.s32 $0x20, s18;
	[tilespmem:s20+$0x810 ss:$0x81] =	vst.msk $0xffff, v2  }
.Ltmp4:
0x3b: {  	_ = 	snop;
	(pc) =	sbr.rel .LBB1_4-.Ltmp4, $1  }
0x3c: {  	_ =	sdelay $0x3  }
.LBB1_6:
0x3d: {  	_ =	sfence.sel $0x180000  }
0x3e: {  	s2 =	simm.s32 $0x1;
	[bflag:$0x0] =	sbarrier.arrive $0xFFFF  }
0x3f: {  	s31 =	simm.s32 $0x2;
	[sflag:s2] =	ssyncpa.u1 $0x1  }
0x40: {  	[sflag:s31] =	ssyncpa.u1 $0x1  }
0x41: {  	p0 =	sne.s32 s0, $0x0;
	_ =	strace $0x9000004D  }
0x42: {  	s0 =	sadd.s32 @!p0 $0x100000, s1;
	[bflag:$0x2] =	sbarrier.arrive $0xFFFF  }
0x43: {  	[sflag:s0] =	ssyncadd.tile.s32 @!p0 $0x1;
	_ =	shalt  }
.Lfunc_end1:
_tile_overlayer_lowered:
.L_overlay_start_2:
0x44: {  	(tag) =	ssettag $0x2  }
0x45: {  	s0 =	rddreg [dreg:$0x0];
	s2 =	stileid.u32  }
0x46: {  	s1 =	rddreg [dreg:$0x1];
	p0 =	sne.s32 s2, $0x0  }
0x47: {  	s3 =	rddreg [dreg:$0x2];
	[bflag:$0x3] =	sbarrier.arrive $0xFFFF;
	s2 =	simm.s32 @!p0 $0x1C01  }
0x48: {  	[timem:s3], [sflag:s2] =	dma.local @!p0 [hbm:s0], s1  }
0x49: {  	s0 =	simm.s32 @!p0 $0x1  }
0x4a: {  	_ =	swait.ge @!p0 [sflag:s0], s1  }
0x4b: {  	s1 =	ssub.s32 @!p0 $0x0, s1;
	[sflag:s0] =	ssyncset.done @!p0 $0x0  }
0x4c: {  	[sflag:s0] =	ssyncadd.s32 @!p0 s1  }
0x4d: {  	[bflag:$0x3] =	sbarrier.arrive $0xFFFF  }
0x4e: {  	_ =	shalt  }

</sc_bundles>
